<compile_context>
chip_gen: v7x
topology: tpu7x:2x2x1
jax: 0.10.2.dev20260603
libtpu: 0.0.44.dev20260713+nightly
codegen_flags: <defaults>
</compile_context>

<pallas_src>
import functools

import jax
import jax.numpy as jnp
from jax import lax
from jax.experimental import pallas as pl
from jax.experimental.pallas import tpu as pltpu
from jax.experimental.pallas import tpu_sc as plsc

NC = 2
NS = 16
L = 16
NEG_SLOPE = 0.01
DELTA = 0.5


def _mm_body(nf_ref, w_ref, out_ref):
    out_ref[0] = jnp.dot(nf_ref[...], w_ref[0],
                         preferred_element_type=jnp.float32)


def _project(node_feat, w4, rb):
    n, in_dim = node_feat.shape
    q, _, h = w4.shape
    grid = (q, n // rb)
    return pl.pallas_call(
        _mm_body,
        grid=grid,
        in_specs=[
            pl.BlockSpec((rb, in_dim), lambda i, r: (r, 0)),
            pl.BlockSpec((1, in_dim, h), lambda i, r: (i, 0, 0)),
        ],
        out_specs=pl.BlockSpec((1, rb, h), lambda i, r: (i, r, 0)),
        out_shape=jax.ShapeDtypeStruct((q, n, h), jnp.float32),
    )(node_feat, w4)


def _out_body(nf_ref, ag_ref, wa_ref, wb_ref, out_ref):
    acc = jnp.dot(nf_ref[...], wa_ref[...],
                  preferred_element_type=jnp.float32)
    acc += jnp.dot(ag_ref[0], wb_ref[0], preferred_element_type=jnp.float32)
    acc += jnp.dot(ag_ref[1], wb_ref[1], preferred_element_type=jnp.float32)
    out_ref[...] = jnp.maximum(acc, NEG_SLOPE * acc)


def _node_update(node_feat, aggr2, wa, wb2, rb):
    n, in_dim = node_feat.shape
    h = aggr2.shape[2]
    out_dim = wa.shape[1]
    return pl.pallas_call(
        _out_body,
        grid=(n // rb,),
        in_specs=[
            pl.BlockSpec((rb, in_dim), lambda r: (r, 0)),
            pl.BlockSpec((2, rb, h), lambda r: (0, r, 0)),
            pl.BlockSpec((in_dim, out_dim), lambda r: (0, 0)),
            pl.BlockSpec((2, h, out_dim), lambda r: (0, 0, 0)),
        ],
        out_specs=pl.BlockSpec((rb, out_dim), lambda r: (r, 0)),
        out_shape=jax.ShapeDtypeStruct((n, out_dim), jnp.float32),
    )(node_feat, aggr2, wa, wb2)


def _make_edge_kernel(n, e, h, c_chunk):
    ept = e // NS
    nchunk = ept // c_chunk
    npt = (n // NS) // 8 * 8
    npt_last = n - (NS - 1) * npt
    ngrp = h // L
    mesh = plsc.VectorSubcoreMesh(core_axis_name="c", subcore_axis_name="s",
                                  num_cores=NC, num_subcores=NS)

    @functools.partial(
        pl.kernel,
        out_type=jax.ShapeDtypeStruct((NC, n, h), jnp.float32),
        mesh=mesh,
        scratch_types=[
            pltpu.VMEM((c_chunk,), jnp.int32),
            pltpu.VMEM((c_chunk,), jnp.int32),
            pltpu.VMEM((c_chunk,), jnp.float32),
            pltpu.VMEM((c_chunk, h), jnp.float32),
            pltpu.VMEM((c_chunk, h), jnp.float32),
            pltpu.VMEM((h,), jnp.float32),
            pltpu.VMEM_SHARED((n, h), jnp.float32),
            pltpu.SemaphoreType.DMA,
            pltpu.SemaphoreType.DMA,
        ],
    )
    def edge_kernel(t4, src_h, dst_h, dist_h, wd2, zeros, out,
                    src_v, dst_v, dist_v, pu_v, pv_v, wd_v, acc, sem0, sem1):
        c = lax.axis_index("c")
        s = lax.axis_index("s")

        @pl.when(s < NS - 1)
        def _():
            pltpu.sync_copy(zeros.at[pl.ds(0, npt)],
                            acc.at[pl.ds(s * npt, npt)])

        @pl.when(s == NS - 1)
        def _():
            pltpu.sync_copy(zeros, acc.at[pl.ds((NS - 1) * npt, npt_last)])

        pltpu.sync_copy(wd2.at[c], wd_v)
        plsc.subcore_barrier()
        wd_regs = [wd_v[pl.ds(L * j, L)] for j in range(ngrp)]

        def chunk_body(k, carry):
            base = s * ept + k * c_chunk
            pltpu.sync_copy(src_h.at[pl.ds(base, c_chunk)], src_v)
            pltpu.sync_copy(dst_h.at[pl.ds(base, c_chunk)], dst_v)
            pltpu.sync_copy(dist_h.at[pl.ds(base, c_chunk)], dist_v)
            cp_u = pltpu.async_copy(t4.at[c].at[src_v], pu_v, sem0)
            cp_v = pltpu.async_copy(t4.at[2 + c].at[dst_v], pv_v, sem1)
            cp_u.wait()
            cp_v.wait()

            def group_body(g, inner):
                dist16 = dist_v[pl.ds(g * L, L)]
                fac16 = jnp.where(dist16 < DELTA, 1.0, 0.0)
                for lane in range(L):
                    db = dist16[lane]
                    factor = fac16[lane]
                    ei = g * L + lane
                    for j in range(ngrp):
                        x = (pu_v[ei, pl.ds(L * j, L)]
                             + pv_v[ei, pl.ds(L * j, L)]
                             + db * wd_regs[j])
                        y = jnp.maximum(x, NEG_SLOPE * x)
                        pu_v[ei, pl.ds(L * j, L)] = y * factor
                return inner

            lax.fori_loop(0, c_chunk // L, group_body, 0)
            pltpu.sync_copy(pu_v, acc.at[dst_v], add=True)
            return carry

        lax.fori_loop(0, nchunk, chunk_body, 0)
        plsc.subcore_barrier()

        @pl.when(s < NS - 1)
        def _():
            pltpu.sync_copy(acc.at[pl.ds(s * npt, npt)],
                            out.at[c, pl.ds(s * npt, npt)])

        @pl.when(s == NS - 1)
        def _():
            pltpu.sync_copy(acc.at[pl.ds((NS - 1) * npt, npt_last)],
                            out.at[c, pl.ds((NS - 1) * npt, npt_last)])

    return edge_kernel


def kernel(node_feat, edge_index, dist, W_edge, W_node):
    n, in_dim = node_feat.shape
    e = dist.shape[0]
    out_dim = W_edge.shape[1]
    h = out_dim // 2

    wu = W_edge[:in_dim]
    wd = W_edge[in_dim]
    wv = W_edge[in_dim + 1:]
    w4 = jnp.stack([wu[:, :h], wu[:, h:], wv[:, :h], wv[:, h:]])
    wd2 = wd.reshape(2, h)

    t4 = _project(node_feat, w4, rb=2000)

    src = edge_index[0].astype(jnp.int32)
    dst = edge_index[1].astype(jnp.int32)
    npt_last = n - (NS - 1) * ((n // NS) // 8 * 8)
    zeros = jnp.zeros((npt_last, h), jnp.float32)
    edge_kernel = _make_edge_kernel(n, e, h, c_chunk=80)
    aggr2 = edge_kernel(t4, src, dst, dist, wd2, zeros)

    wa = W_node[:in_dim]
    wb2 = W_node[in_dim:].reshape(2, h, out_dim)
    return _node_update(node_feat, aggr2, wa, wb2, rb=2000)

# --- scband reference (transcript-rebuilt; emitter-appended) ---
"""Pipeline reference for scband-mpnnlayer-17952963297943 (READ-ONLY COPY).

The authoritative reference and input builder live on the scoring server;
editing this copy changes nothing except your own understanding.
"""

import jax, jax.numpy as jnp
import numpy as np

N = 10000
E = 160000
IN_DIM = 256
OUT_DIM = 256
DELTA = 0.5


def setup_inputs(seed: int = 0) -> dict:
    key = jax.random.key(seed)
    k1, k2, k3, k4, k5 = jax.random.split(key, 5)
    node_feat = jax.random.normal(k1, (N, IN_DIM), dtype=jnp.float32)
    edge_index = jax.random.randint(k2, (2, E), 0, N)
    dist = jax.random.uniform(k3, (E,), dtype=jnp.float32)
    # edge_W: Linear(2*in_dim + 1 -> out_dim, bias=False), stored as [in, out]
    W_edge = jax.random.normal(k4, (2 * IN_DIM + 1, OUT_DIM), dtype=jnp.float32) * (1.0 / np.sqrt(2 * IN_DIM + 1))
    # node_W: Linear(out_dim + in_dim -> out_dim, bias=False), stored as [in, out]
    W_node = jax.random.normal(k5, (OUT_DIM + IN_DIM, OUT_DIM), dtype=jnp.float32) * (1.0 / np.sqrt(OUT_DIM + IN_DIM))
    return {"node_feat": node_feat, "edge_index": edge_index, "dist": dist, "W_edge": W_edge, "W_node": W_node}


def reference(node_feat, edge_index, dist, W_edge, W_node):
    src = edge_index[0]
    dst = edge_index[1]
    u = jnp.take(node_feat, src, axis=0)   # edges.src['nf']
    v = jnp.take(node_feat, dst, axis=0)   # edges.dst['nf']
    e_u_v = dist[:, None]
    feature = jnp.concatenate([u, e_u_v, v], axis=-1)          # [E, 2*in+1]
    msg = jax.nn.leaky_relu(feature @ W_edge, negative_slope=0.01)  # edge_W MLP
    edge_mask = (dist < DELTA).astype(msg.dtype)[:, None]
    masked_msg = msg * edge_mask
    # aggr == 'sum': sum messages into destination nodes
    aggr_msg = jax.ops.segment_sum(masked_msg, dst, num_segments=N)  # [N, out]
    h = jnp.concatenate([node_feat, aggr_msg], axis=-1)              # [N, in+out]
    node_feat_p = jax.nn.leaky_relu(h @ W_node, negative_slope=0.01)
    return node_feat_p

if __name__ == "__main__":
    import jax
    _d = setup_inputs()
    print(jax.jit(kernel)(*tuple(_d.values())))

</pallas_src>

<mosaic_0001>
#map = affine_map<(d0, d1) -> (0, 0, 0)>
#map1 = affine_map<(d0, d1) -> (0)>
#map2 = affine_map<(d0, d1) -> (0, 0)>
module attributes {stable_mosaic.version = 14 : i64} {
  func.func @edge_kernel(%arg0: i32, %arg1: i32, %arg2: memref<4x10000x128xf32, #tpu.memory_space<hbm>>, %arg3: memref<160000xi32, #tpu.memory_space<hbm>>, %arg4: memref<160000xi32, #tpu.memory_space<hbm>>, %arg5: memref<160000xf32, #tpu.memory_space<hbm>>, %arg6: memref<2x128xf32, #tpu.memory_space<hbm>>, %arg7: memref<640x128xf32, #tpu.memory_space<hbm>>, %arg8: memref<2x10000x128xf32, #tpu.memory_space<hbm>>, %arg9: memref<80xi32, #tpu.memory_space<vmem>>, %arg10: memref<80xi32, #tpu.memory_space<vmem>>, %arg11: memref<80xf32, #tpu.memory_space<vmem>>, %arg12: memref<80x128xf32, #tpu.memory_space<vmem>>, %arg13: memref<80x128xf32, #tpu.memory_space<vmem>>, %arg14: memref<128xf32, #tpu.memory_space<vmem>>, %arg15: memref<10000x128xf32, #tpu.memory_space<vmem_shared>>, %arg16: memref<!tpu.dma_semaphore, #tpu.memory_space<semaphore_mem>>, %arg17: memref<!tpu.dma_semaphore, #tpu.memory_space<semaphore_mem>>) attributes {dimension_semantics = [#tpu.dimension_semantics<core_parallel>, #tpu.dimension_semantics<subcore_parallel>], iteration_bounds = array<i64: 2, 16>, scalar_prefetch = 0 : i64, scratch_operands = 9 : i64, tpu.core_type = #tpu.core_type<sc_vector_subcore>, window_params = [{transform_indices = #map}, {transform_indices = #map1}, {transform_indices = #map1}, {transform_indices = #map1}, {transform_indices = #map2}, {transform_indices = #map2}, {transform_indices = #map}]} {
    %lt3A = arith.constant 15 : i32
    %lt3A_0 = arith.cmpi slt, %arg1, %lt3A : i32
    %convert_element_type3A = arith.extui %lt3A_0 : i1 to i32
    %cond3A = arith.constant 0 : i32
    %cond3A_1 = arith.cmpi ne, %convert_element_type3A, %cond3A : i32
    scf.if %cond3A_1 {
      %mul3A = arith.constant 624 : i32
      %mul3A_45 = arith.muli %arg1, %mul3A : i32
      "tpu.region"() ({
        %run_scoped3A = tpu.sem_alloc : memref<!tpu.dma_semaphore, #tpu.memory_space<semaphore_mem>>
        %dma_start3A = arith.constant 0 : i32
        %dma_start3A_46 = tpu.memref_slice %arg15[%mul3A_45, %dma_start3A] : memref<10000x128xf32, #tpu.memory_space<vmem_shared>> -> memref<624x128xf32, #tpu.memory_space<vmem_shared>>
        %dma_start3A_47 = arith.constant 0 : i32
        %dma_start3A_48 = arith.constant 0 : i32
        %dma_start3A_49 = tpu.memref_slice %arg7[%dma_start3A_47, %dma_start3A_48] : memref<640x128xf32, #tpu.memory_space<hbm>> -> memref<624x128xf32, #tpu.memory_space<hbm>>
        tpu.enqueue_dma source(%dma_start3A_49 : memref<624x128xf32, #tpu.memory_space<hbm>>) target(%dma_start3A_46 : memref<624x128xf32, #tpu.memory_space<vmem_shared>>) target_semaphore(%run_scoped3A : memref<!tpu.dma_semaphore, #tpu.memory_space<semaphore_mem>>)
        %dma_wait3A = arith.constant 0 : i32
        %dma_wait3A_50 = tpu.memref_slice %arg15[%mul3A_45, %dma_wait3A] : memref<10000x128xf32, #tpu.memory_space<vmem_shared>> -> memref<624x128xf32, #tpu.memory_space<vmem_shared>>
        %dma_wait3A_51 = arith.constant 0 : i32
        %dma_wait3A_52 = arith.constant 0 : i32
        %dma_wait3A_53 = tpu.memref_slice %arg7[%dma_wait3A_51, %dma_wait3A_52] : memref<640x128xf32, #tpu.memory_space<hbm>> -> memref<624x128xf32, #tpu.memory_space<hbm>>
        tpu.wait_dma2 semaphore(%run_scoped3A : memref<!tpu.dma_semaphore, #tpu.memory_space<semaphore_mem>>) src(%dma_wait3A_53 : memref<624x128xf32, #tpu.memory_space<hbm>>) dst(%dma_wait3A_50 : memref<624x128xf32, #tpu.memory_space<vmem_shared>>)
        tpu.yield
      }) : () -> ()
    } else {
    }
    %eq3A = arith.constant 15 : i32
    %eq3A_2 = arith.cmpi eq, %arg1, %eq3A : i32
    %convert_element_type3A_3 = arith.extui %eq3A_2 : i1 to i32
    %cond3A_4 = arith.constant 0 : i32
    %cond3A_5 = arith.cmpi ne, %convert_element_type3A_3, %cond3A_4 : i32
    scf.if %cond3A_5 {
      "tpu.region"() ({
        %run_scoped3A = tpu.sem_alloc : memref<!tpu.dma_semaphore, #tpu.memory_space<semaphore_mem>>
        %dma_start3A = arith.constant 9360 : i32
        %dma_start3A_45 = arith.constant 0 : i32
        %dma_start3A_46 = tpu.memref_slice %arg15[%dma_start3A, %dma_start3A_45] : memref<10000x128xf32, #tpu.memory_space<vmem_shared>> -> memref<640x128xf32, #tpu.memory_space<vmem_shared>>
        tpu.enqueue_dma source(%arg7 : memref<640x128xf32, #tpu.memory_space<hbm>>) target(%dma_start3A_46 : memref<640x128xf32, #tpu.memory_space<vmem_shared>>) target_semaphore(%run_scoped3A : memref<!tpu.dma_semaphore, #tpu.memory_space<semaphore_mem>>)
        %dma_wait3A = arith.constant 9360 : i32
        %dma_wait3A_47 = arith.constant 0 : i32
        %dma_wait3A_48 = tpu.memref_slice %arg15[%dma_wait3A, %dma_wait3A_47] : memref<10000x128xf32, #tpu.memory_space<vmem_shared>> -> memref<640x128xf32, #tpu.memory_space<vmem_shared>>
        tpu.wait_dma2 semaphore(%run_scoped3A : memref<!tpu.dma_semaphore, #tpu.memory_space<semaphore_mem>>) src(%arg7 : memref<640x128xf32, #tpu.memory_space<hbm>>) dst(%dma_wait3A_48 : memref<640x128xf32, #tpu.memory_space<vmem_shared>>)
        tpu.yield
      }) : () -> ()
    } else {
    }
    "tpu.region"() ({
      %run_scoped3A = tpu.sem_alloc : memref<!tpu.dma_semaphore, #tpu.memory_space<semaphore_mem>>
      %dma_start3A = arith.constant 0 : i32
      %dma_start3A_45 = tpu.memref_slice %arg6[%arg0, %dma_start3A] : memref<2x128xf32, #tpu.memory_space<hbm>> -> memref<1x128xf32, #tpu.memory_space<hbm>>
      %dma_start3A_46 = tpu.memref_squeeze %dma_start3A_45 : memref<1x128xf32, #tpu.memory_space<hbm>> -> memref<128xf32, #tpu.memory_space<hbm>>
      %dma_start3A_47 = arith.constant 0 : i32
      %dma_start3A_48 = tpu.memref_slice %arg6[%arg0, %dma_start3A_47] : memref<2x128xf32, #tpu.memory_space<hbm>> -> memref<1x128xf32, #tpu.memory_space<hbm>>
      %dma_start3A_49 = tpu.memref_squeeze %dma_start3A_48 : memref<1x128xf32, #tpu.memory_space<hbm>> -> memref<128xf32, #tpu.memory_space<hbm>>
      tpu.enqueue_dma source(%dma_start3A_49 : memref<128xf32, #tpu.memory_space<hbm>>) target(%arg14 : memref<128xf32, #tpu.memory_space<vmem>>) target_semaphore(%run_scoped3A : memref<!tpu.dma_semaphore, #tpu.memory_space<semaphore_mem>>)
      %dma_wait3A = arith.constant 0 : i32
      %dma_wait3A_50 = tpu.memref_slice %arg6[%arg0, %dma_wait3A] : memref<2x128xf32, #tpu.memory_space<hbm>> -> memref<1x128xf32, #tpu.memory_space<hbm>>
      %dma_wait3A_51 = tpu.memref_squeeze %dma_wait3A_50 : memref<1x128xf32, #tpu.memory_space<hbm>> -> memref<128xf32, #tpu.memory_space<hbm>>
      %dma_wait3A_52 = arith.constant 0 : i32
      %dma_wait3A_53 = tpu.memref_slice %arg6[%arg0, %dma_wait3A_52] : memref<2x128xf32, #tpu.memory_space<hbm>> -> memref<1x128xf32, #tpu.memory_space<hbm>>
      %dma_wait3A_54 = tpu.memref_squeeze %dma_wait3A_53 : memref<1x128xf32, #tpu.memory_space<hbm>> -> memref<128xf32, #tpu.memory_space<hbm>>
      tpu.wait_dma2 semaphore(%run_scoped3A : memref<!tpu.dma_semaphore, #tpu.memory_space<semaphore_mem>>) src(%dma_wait3A_54 : memref<128xf32, #tpu.memory_space<hbm>>) dst(%arg14 : memref<128xf32, #tpu.memory_space<vmem>>)
      tpu.yield
    }) : () -> ()
    %barrier3A = arith.constant 0 : index
    tpu.barrier barrier_id(%barrier3A)
    %get3A = arith.constant 0 : index
    %get3A_6 = tpu.vector_load %arg14[%get3A] {strides = array<i32>} : memref<128xf32, #tpu.memory_space<vmem>>, vector<16xf32>,
    %get3A_7 = vector.shape_cast %get3A_6 : vector<16xf32> to vector<16xf32>
    %get3A_8 = arith.constant 16 : index
    %get3A_9 = tpu.vector_load %arg14[%get3A_8] {strides = array<i32>} : memref<128xf32, #tpu.memory_space<vmem>>, vector<16xf32>,
    %get3A_10 = vector.shape_cast %get3A_9 : vector<16xf32> to vector<16xf32>
    %get3A_11 = arith.constant 32 : index
    %get3A_12 = tpu.vector_load %arg14[%get3A_11] {strides = array<i32>} : memref<128xf32, #tpu.memory_space<vmem>>, vector<16xf32>,
    %get3A_13 = vector.shape_cast %get3A_12 : vector<16xf32> to vector<16xf32>
    %get3A_14 = arith.constant 48 : index
    %get3A_15 = tpu.vector_load %arg14[%get3A_14] {strides = array<i32>} : memref<128xf32, #tpu.memory_space<vmem>>, vector<16xf32>,
    %get3A_16 = vector.shape_cast %get3A_15 : vector<16xf32> to vector<16xf32>
    %get3A_17 = arith.constant 64 : index
    %get3A_18 = tpu.vector_load %arg14[%get3A_17] {strides = array<i32>} : memref<128xf32, #tpu.memory_space<vmem>>, vector<16xf32>,
    %get3A_19 = vector.shape_cast %get3A_18 : vector<16xf32> to vector<16xf32>
    %get3A_20 = arith.constant 80 : index
    %get3A_21 = tpu.vector_load %arg14[%get3A_20] {strides = array<i32>} : memref<128xf32, #tpu.memory_space<vmem>>, vector<16xf32>,
    %get3A_22 = vector.shape_cast %get3A_21 : vector<16xf32> to vector<16xf32>
    %get3A_23 = arith.constant 96 : index
    %get3A_24 = tpu.vector_load %arg14[%get3A_23] {strides = array<i32>} : memref<128xf32, #tpu.memory_space<vmem>>, vector<16xf32>,
    %get3A_25 = vector.shape_cast %get3A_24 : vector<16xf32> to vector<16xf32>
    %get3A_26 = arith.constant 112 : index
    %get3A_27 = tpu.vector_load %arg14[%get3A_26] {strides = array<i32>} : memref<128xf32, #tpu.memory_space<vmem>>, vector<16xf32>,
    %get3A_28 = vector.shape_cast %get3A_27 : vector<16xf32> to vector<16xf32>
    %scan3A = arith.constant 0 : i32
    %scan3A_29 = arith.constant 0 : i32
    %scan3A_30 = arith.constant 125 : i32
    %scan3A_31 = arith.addi %scan3A_29, %scan3A_30 : i32
    %scan3A_32 = arith.constant 1 : i32
    scf.for %scan3A_45 = %scan3A_29 to %scan3A_31 step %scan3A_32  : i32 {
      %mul3A = arith.constant 10000 : i32
      %mul3A_46 = arith.muli %arg1, %mul3A : i32
      %mul3A_47 = arith.constant 80 : i32
      %mul3A_48 = arith.muli %scan3A_45, %mul3A_47 : i32
      %add3A = arith.addi %mul3A_46, %mul3A_48 : i32
      "tpu.region"() ({
        %run_scoped3A = tpu.sem_alloc : memref<!tpu.dma_semaphore, #tpu.memory_space<semaphore_mem>>
        %dma_start3A_83 = tpu.memref_slice %arg3[%add3A] : memref<160000xi32, #tpu.memory_space<hbm>> -> memref<80xi32, #tpu.memory_space<hbm>>
        %dma_start3A_84 = tpu.memref_slice %arg3[%add3A] : memref<160000xi32, #tpu.memory_space<hbm>> -> memref<80xi32, #tpu.memory_space<hbm>>
        tpu.enqueue_dma source(%dma_start3A_84 : memref<80xi32, #tpu.memory_space<hbm>>) target(%arg9 : memref<80xi32, #tpu.memory_space<vmem>>) target_semaphore(%run_scoped3A : memref<!tpu.dma_semaphore, #tpu.memory_space<semaphore_mem>>)
        %dma_wait3A_85 = tpu.memref_slice %arg3[%add3A] : memref<160000xi32, #tpu.memory_space<hbm>> -> memref<80xi32, #tpu.memory_space<hbm>>
        %dma_wait3A_86 = tpu.memref_slice %arg3[%add3A] : memref<160000xi32, #tpu.memory_space<hbm>> -> memref<80xi32, #tpu.memory_space<hbm>>
        tpu.wait_dma2 semaphore(%run_scoped3A : memref<!tpu.dma_semaphore, #tpu.memory_space<semaphore_mem>>) src(%dma_wait3A_86 : memref<80xi32, #tpu.memory_space<hbm>>) dst(%arg9 : memref<80xi32, #tpu.memory_space<vmem>>)
        tpu.yield
      }) : () -> ()
      "tpu.region"() ({
        %run_scoped3A = tpu.sem_alloc : memref<!tpu.dma_semaphore, #tpu.memory_space<semaphore_mem>>
        %dma_start3A_83 = tpu.memref_slice %arg4[%add3A] : memref<160000xi32, #tpu.memory_space<hbm>> -> memref<80xi32, #tpu.memory_space<hbm>>
        %dma_start3A_84 = tpu.memref_slice %arg4[%add3A] : memref<160000xi32, #tpu.memory_space<hbm>> -> memref<80xi32, #tpu.memory_space<hbm>>
        tpu.enqueue_dma source(%dma_start3A_84 : memref<80xi32, #tpu.memory_space<hbm>>) target(%arg10 : memref<80xi32, #tpu.memory_space<vmem>>) target_semaphore(%run_scoped3A : memref<!tpu.dma_semaphore, #tpu.memory_space<semaphore_mem>>)
        %dma_wait3A_85 = tpu.memref_slice %arg4[%add3A] : memref<160000xi32, #tpu.memory_space<hbm>> -> memref<80xi32, #tpu.memory_space<hbm>>
        %dma_wait3A_86 = tpu.memref_slice %arg4[%add3A] : memref<160000xi32, #tpu.memory_space<hbm>> -> memref<80xi32, #tpu.memory_space<hbm>>
        tpu.wait_dma2 semaphore(%run_scoped3A : memref<!tpu.dma_semaphore, #tpu.memory_space<semaphore_mem>>) src(%dma_wait3A_86 : memref<80xi32, #tpu.memory_space<hbm>>) dst(%arg10 : memref<80xi32, #tpu.memory_space<vmem>>)
        tpu.yield
      }) : () -> ()
      "tpu.region"() ({
        %run_scoped3A = tpu.sem_alloc : memref<!tpu.dma_semaphore, #tpu.memory_space<semaphore_mem>>
        %dma_start3A_83 = tpu.memref_slice %arg5[%add3A] : memref<160000xf32, #tpu.memory_space<hbm>> -> memref<80xf32, #tpu.memory_space<hbm>>
        %dma_start3A_84 = tpu.memref_slice %arg5[%add3A] : memref<160000xf32, #tpu.memory_space<hbm>> -> memref<80xf32, #tpu.memory_space<hbm>>
        tpu.enqueue_dma source(%dma_start3A_84 : memref<80xf32, #tpu.memory_space<hbm>>) target(%arg11 : memref<80xf32, #tpu.memory_space<vmem>>) target_semaphore(%run_scoped3A : memref<!tpu.dma_semaphore, #tpu.memory_space<semaphore_mem>>)
        %dma_wait3A_85 = tpu.memref_slice %arg5[%add3A] : memref<160000xf32, #tpu.memory_space<hbm>> -> memref<80xf32, #tpu.memory_space<hbm>>
        %dma_wait3A_86 = tpu.memref_slice %arg5[%add3A] : memref<160000xf32, #tpu.memory_space<hbm>> -> memref<80xf32, #tpu.memory_space<hbm>>
        tpu.wait_dma2 semaphore(%run_scoped3A : memref<!tpu.dma_semaphore, #tpu.memory_space<semaphore_mem>>) src(%dma_wait3A_86 : memref<80xf32, #tpu.memory_space<hbm>>) dst(%arg11 : memref<80xf32, #tpu.memory_space<vmem>>)
        tpu.yield
      }) : () -> ()
      %dma_start3A = arith.constant 0 : i32
      %dma_start3A_49 = arith.constant 0 : i32
      %dma_start3A_50 = tpu.memref_slice %arg2[%arg0, %dma_start3A, %dma_start3A_49] : memref<4x10000x128xf32, #tpu.memory_space<hbm>> -> memref<1x10000x128xf32, #tpu.memory_space<hbm>>
      %dma_start3A_51 = tpu.memref_squeeze %dma_start3A_50 : memref<1x10000x128xf32, #tpu.memory_space<hbm>> -> memref<10000x128xf32, #tpu.memory_space<hbm>>
      %dma_start3A_52 = arith.constant 0 : i32
      %dma_start3A_53 = arith.constant 0 : i32
      %dma_start3A_54 = tpu.memref_slice %dma_start3A_51[%dma_start3A_52, %dma_start3A_53] : memref<10000x128xf32, #tpu.memory_space<hbm>> -> memref<10000x128xf32, #tpu.memory_space<hbm>>
      tpu.enqueue_indirect_dma source(%dma_start3A_54 : memref<10000x128xf32, #tpu.memory_space<hbm>>) target(%arg12 : memref<80x128xf32, #tpu.memory_space<vmem>>) offsets(%arg9 : memref<80xi32, #tpu.memory_space<vmem>>) semaphore(%arg16 : memref<!tpu.dma_semaphore, #tpu.memory_space<semaphore_mem>>)
      %add3A_55 = arith.constant 2 : i32
      %add3A_56 = arith.addi %add3A_55, %arg0 : i32
      %dma_start3A_57 = arith.constant 0 : i32
      %dma_start3A_58 = arith.constant 0 : i32
      %dma_start3A_59 = tpu.memref_slice %arg2[%add3A_56, %dma_start3A_57, %dma_start3A_58] : memref<4x10000x128xf32, #tpu.memory_space<hbm>> -> memref<1x10000x128xf32, #tpu.memory_space<hbm>>
      %dma_start3A_60 = tpu.memref_squeeze %dma_start3A_59 : memref<1x10000x128xf32, #tpu.memory_space<hbm>> -> memref<10000x128xf32, #tpu.memory_space<hbm>>
      %dma_start3A_61 = arith.constant 0 : i32
      %dma_start3A_62 = arith.constant 0 : i32
      %dma_start3A_63 = tpu.memref_slice %dma_start3A_60[%dma_start3A_61, %dma_start3A_62] : memref<10000x128xf32, #tpu.memory_space<hbm>> -> memref<10000x128xf32, #tpu.memory_space<hbm>>
      tpu.enqueue_indirect_dma source(%dma_start3A_63 : memref<10000x128xf32, #tpu.memory_space<hbm>>) target(%arg13 : memref<80x128xf32, #tpu.memory_space<vmem>>) offsets(%arg10 : memref<80xi32, #tpu.memory_space<vmem>>) semaphore(%arg17 : memref<!tpu.dma_semaphore, #tpu.memory_space<semaphore_mem>>)
      %dma_wait3A = arith.constant 0 : i32
      %dma_wait3A_64 = arith.constant 0 : i32
      %dma_wait3A_65 = tpu.memref_slice %arg2[%arg0, %dma_wait3A, %dma_wait3A_64] : memref<4x10000x128xf32, #tpu.memory_space<hbm>> -> memref<1x10000x128xf32, #tpu.memory_space<hbm>>
      %dma_wait3A_66 = tpu.memref_squeeze %dma_wait3A_65 : memref<1x10000x128xf32, #tpu.memory_space<hbm>> -> memref<10000x128xf32, #tpu.memory_space<hbm>>
      %dma_wait3A_67 = arith.constant 0 : i32
      %dma_wait3A_68 = arith.constant 0 : i32
      %dma_wait3A_69 = tpu.memref_slice %dma_wait3A_66[%dma_wait3A_67, %dma_wait3A_68] : memref<10000x128xf32, #tpu.memory_space<hbm>> -> memref<10000x128xf32, #tpu.memory_space<hbm>>
      tpu.wait_indirect_dma semaphore(%arg16 : memref<!tpu.dma_semaphore, #tpu.memory_space<semaphore_mem>>) src(%dma_wait3A_69 : memref<10000x128xf32, #tpu.memory_space<hbm>>) dst(%arg12 : memref<80x128xf32, #tpu.memory_space<vmem>>)
      %dma_wait3A_70 = arith.constant 0 : i32
      %dma_wait3A_71 = arith.constant 0 : i32
      %dma_wait3A_72 = tpu.memref_slice %arg2[%add3A_56, %dma_wait3A_70, %dma_wait3A_71] : memref<4x10000x128xf32, #tpu.memory_space<hbm>> -> memref<1x10000x128xf32, #tpu.memory_space<hbm>>
      %dma_wait3A_73 = tpu.memref_squeeze %dma_wait3A_72 : memref<1x10000x128xf32, #tpu.memory_space<hbm>> -> memref<10000x128xf32, #tpu.memory_space<hbm>>
      %dma_wait3A_74 = arith.constant 0 : i32
      %dma_wait3A_75 = arith.constant 0 : i32
      %dma_wait3A_76 = tpu.memref_slice %dma_wait3A_73[%dma_wait3A_74, %dma_wait3A_75] : memref<10000x128xf32, #tpu.memory_space<hbm>> -> memref<10000x128xf32, #tpu.memory_space<hbm>>
      tpu.wait_indirect_dma semaphore(%arg17 : memref<!tpu.dma_semaphore, #tpu.memory_space<semaphore_mem>>) src(%dma_wait3A_76 : memref<10000x128xf32, #tpu.memory_space<hbm>>) dst(%arg13 : memref<80x128xf32, #tpu.memory_space<vmem>>)
      %scan3A_77 = arith.constant 0 : i32
      %scan3A_78 = arith.constant 0 : i32
      %scan3A_79 = arith.constant 5 : i32
      %scan3A_80 = arith.addi %scan3A_78, %scan3A_79 : i32
      %scan3A_81 = arith.constant 1 : i32
      scf.for %scan3A_83 = %scan3A_78 to %scan3A_80 step %scan3A_81  : i32 {
        %mul3A_84 = arith.constant 16 : i32
        %mul3A_85 = arith.muli %scan3A_83, %mul3A_84 : i32
        %get3A_86 = arith.index_cast %mul3A_85 : i32 to index
        %get3A_87 = tpu.vector_load %arg11[%get3A_86] {strides = array<i32>} : memref<80xf32, #tpu.memory_space<vmem>>, vector<16xf32>,
        %get3A_88 = vector.shape_cast %get3A_87 : vector<16xf32> to vector<16xf32>
        %lt3A_89 = arith.constant 5.000000e-01 : f32
        %lt3A_90 = vector.broadcast %lt3A_89 : f32 to vector<16xf32>
        %lt3A_91 = arith.cmpf olt, %get3A_88, %lt3A_90 : vector<16xf32>
        %jit3A = arith.constant 1.000000e+00 : f32
        %jit3A_92 = arith.constant 0.000000e+00 : f32
        %broadcast_in_dim3A = vector.broadcast %jit3A : f32 to vector<16xf32>
        %broadcast_in_dim3A_93 = vector.broadcast %jit3A_92 : f32 to vector<16xf32>
        %select_n3A = arith.select %lt3A_91, %broadcast_in_dim3A, %broadcast_in_dim3A_93 : vector<16xi1>, vector<16xf32>
        %slice3A = vector.extract_strided_slice %get3A_88 {offsets = [0], sizes = [1], strides = [1]} : vector<16xf32> to vector<1xf32>
        %squeeze3A = vector.extract %slice3A[0] : f32 from vector<1xf32>
        %slice3A_94 = vector.extract_strided_slice %select_n3A {offsets = [0], sizes = [1], strides = [1]} : vector<16xf32> to vector<1xf32>
        %squeeze3A_95 = vector.extract %slice3A_94[0] : f32 from vector<1xf32>
        %mul3A_96 = arith.constant 16 : i32
        %mul3A_97 = arith.muli %scan3A_83, %mul3A_96 : i32
        %add3A_98 = arith.constant 0 : i32
        %add3A_99 = arith.addi %mul3A_97, %add3A_98 : i32
        %get3A_100 = arith.index_cast %add3A_99 : i32 to index
        %get3A_101 = arith.constant 0 : index
        %get3A_102 = tpu.vector_load %arg12[%get3A_100, %get3A_101] {strides = array<i32>} : memref<80x128xf32, #tpu.memory_space<vmem>>, vector<1x16xf32>,
        %get3A_103 = vector.shape_cast %get3A_102 : vector<1x16xf32> to vector<16xf32>
        %get3A_104 = arith.index_cast %add3A_99 : i32 to index
        %get3A_105 = arith.constant 0 : index
        %get3A_106 = tpu.vector_load %arg13[%get3A_104, %get3A_105] {strides = array<i32>} : memref<80x128xf32, #tpu.memory_space<vmem>>, vector<1x16xf32>,
        %get3A_107 = vector.shape_cast %get3A_106 : vector<1x16xf32> to vector<16xf32>
        %add3A_108 = arith.addf %get3A_103, %get3A_107 : vector<16xf32>
        %mul3A_109 = vector.broadcast %squeeze3A : f32 to vector<16xf32>
        %mul3A_110 = arith.mulf %mul3A_109, %get3A_7 : vector<16xf32>
        %add3A_111 = arith.addf %add3A_108, %mul3A_110 : vector<16xf32>
        %mul3A_112 = arith.constant 0.00999999977 : f32
        %mul3A_113 = vector.broadcast %mul3A_112 : f32 to vector<16xf32>
        %mul3A_114 = arith.mulf %mul3A_113, %add3A_111 : vector<16xf32>
        %max3A = arith.maximumf %add3A_111, %mul3A_114 : vector<16xf32>
        %mul3A_115 = vector.broadcast %squeeze3A_95 : f32 to vector<16xf32>
        %mul3A_116 = arith.mulf %max3A, %mul3A_115 : vector<16xf32>
        %swap3A = arith.index_cast %add3A_99 : i32 to index
        %swap3A_117 = arith.constant 0 : index
        %swap3A_118 = tpu.vector_load %arg12[%swap3A, %swap3A_117] {strides = array<i32>} : memref<80x128xf32, #tpu.memory_space<vmem>>, vector<1x16xf32>,
        %swap3A_119 = vector.shape_cast %swap3A_118 : vector<1x16xf32> to vector<16xf32>
        %swap3A_120 = vector.shape_cast %mul3A_116 : vector<16xf32> to vector<1x16xf32>
        tpu.vector_store %arg12[%swap3A, %swap3A_117], %swap3A_120 {strides = array<i32>} : memref<80x128xf32, #tpu.memory_space<vmem>>, vector<1x16xf32>,
        %get3A_121 = arith.index_cast %add3A_99 : i32 to index
        %get3A_122 = arith.constant 16 : index
        %get3A_123 = tpu.vector_load %arg12[%get3A_121, %get3A_122] {strides = array<i32>} : memref<80x128xf32, #tpu.memory_space<vmem>>, vector<1x16xf32>,
        %get3A_124 = vector.shape_cast %get3A_123 : vector<1x16xf32> to vector<16xf32>
        %get3A_125 = arith.index_cast %add3A_99 : i32 to index
        %get3A_126 = arith.constant 16 : index
        %get3A_127 = tpu.vector_load %arg13[%get3A_125, %get3A_126] {strides = array<i32>} : memref<80x128xf32, #tpu.memory_space<vmem>>, vector<1x16xf32>,
        %get3A_128 = vector.shape_cast %get3A_127 : vector<1x16xf32> to vector<16xf32>
        %add3A_129 = arith.addf %get3A_124, %get3A_128 : vector<16xf32>
        %mul3A_130 = vector.broadcast %squeeze3A : f32 to vector<16xf32>
        %mul3A_131 = arith.mulf %mul3A_130, %get3A_10 : vector<16xf32>
        %add3A_132 = arith.addf %add3A_129, %mul3A_131 : vector<16xf32>
        %mul3A_133 = arith.constant 0.00999999977 : f32
        %mul3A_134 = vector.broadcast %mul3A_133 : f32 to vector<16xf32>
        %mul3A_135 = arith.mulf %mul3A_134, %add3A_132 : vector<16xf32>
        %max3A_136 = arith.maximumf %add3A_132, %mul3A_135 : vector<16xf32>
        %mul3A_137 = vector.broadcast %squeeze3A_95 : f32 to vector<16xf32>
        %mul3A_138 = arith.mulf %max3A_136, %mul3A_137 : vector<16xf32>
        %swap3A_139 = arith.index_cast %add3A_99 : i32 to index
        %swap3A_140 = arith.constant 16 : index
        %swap3A_141 = tpu.vector_load %arg12[%swap3A_139, %swap3A_140] {strides = array<i32>} : memref<80x128xf32, #tpu.memory_space<vmem>>, vector<1x16xf32>,
        %swap3A_142 = vector.shape_cast %swap3A_141 : vector<1x16xf32> to vector<16xf32>
        %swap3A_143 = vector.shape_cast %mul3A_138 : vector<16xf32> to vector<1x16xf32>
        tpu.vector_store %arg12[%swap3A_139, %swap3A_140], %swap3A_143 {strides = array<i32>} : memref<80x128xf32, #tpu.memory_space<vmem>>, vector<1x16xf32>,
        %get3A_144 = arith.index_cast %add3A_99 : i32 to index
        %get3A_145 = arith.constant 32 : index
        %get3A_146 = tpu.vector_load %arg12[%get3A_144, %get3A_145] {strides = array<i32>} : memref<80x128xf32, #tpu.memory_space<vmem>>, vector<1x16xf32>,
        %get3A_147 = vector.shape_cast %get3A_146 : vector<1x16xf32> to vector<16xf32>
        %get3A_148 = arith.index_cast %add3A_99 : i32 to index
        %get3A_149 = arith.constant 32 : index
        %get3A_150 = tpu.vector_load %arg13[%get3A_148, %get3A_149] {strides = array<i32>} : memref<80x128xf32, #tpu.memory_space<vmem>>, vector<1x16xf32>,
        %get3A_151 = vector.shape_cast %get3A_150 : vector<1x16xf32> to vector<16xf32>
        %add3A_152 = arith.addf %get3A_147, %get3A_151 : vector<16xf32>
        %mul3A_153 = vector.broadcast %squeeze3A : f32 to vector<16xf32>
        %mul3A_154 = arith.mulf %mul3A_153, %get3A_13 : vector<16xf32>
        %add3A_155 = arith.addf %add3A_152, %mul3A_154 : vector<16xf32>
        %mul3A_156 = arith.constant 0.00999999977 : f32
        %mul3A_157 = vector.broadcast %mul3A_156 : f32 to vector<16xf32>
        %mul3A_158 = arith.mulf %mul3A_157, %add3A_155 : vector<16xf32>
        %max3A_159 = arith.maximumf %add3A_155, %mul3A_158 : vector<16xf32>
        %mul3A_160 = vector.broadcast %squeeze3A_95 : f32 to vector<16xf32>
        %mul3A_161 = arith.mulf %max3A_159, %mul3A_160 : vector<16xf32>
        %swap3A_162 = arith.index_cast %add3A_99 : i32 to index
        %swap3A_163 = arith.constant 32 : index
        %swap3A_164 = tpu.vector_load %arg12[%swap3A_162, %swap3A_163] {strides = array<i32>} : memref<80x128xf32, #tpu.memory_space<vmem>>, vector<1x16xf32>,
        %swap3A_165 = vector.shape_cast %swap3A_164 : vector<1x16xf32> to vector<16xf32>
        %swap3A_166 = vector.shape_cast %mul3A_161 : vector<16xf32> to vector<1x16xf32>
        tpu.vector_store %arg12[%swap3A_162, %swap3A_163], %swap3A_166 {strides = array<i32>} : memref<80x128xf32, #tpu.memory_space<vmem>>, vector<1x16xf32>,
        %get3A_167 = arith.index_cast %add3A_99 : i32 to index
        %get3A_168 = arith.constant 48 : index
        %get3A_169 = tpu.vector_load %arg12[%get3A_167, %get3A_168] {strides = array<i32>} : memref<80x128xf32, #tpu.memory_space<vmem>>, vector<1x16xf32>,
        %get3A_170 = vector.shape_cast %get3A_169 : vector<1x16xf32> to vector<16xf32>
        %get3A_171 = arith.index_cast %add3A_99 : i32 to index
        %get3A_172 = arith.constant 48 : index
        %get3A_173 = tpu.vector_load %arg13[%get3A_171, %get3A_172] {strides = array<i32>} : memref<80x128xf32, #tpu.memory_space<vmem>>, vector<1x16xf32>,
        %get3A_174 = vector.shape_cast %get3A_173 : vector<1x16xf32> to vector<16xf32>
        %add3A_175 = arith.addf %get3A_170, %get3A_174 : vector<16xf32>
        %mul3A_176 = vector.broadcast %squeeze3A : f32 to vector<16xf32>
        %mul3A_177 = arith.mulf %mul3A_176, %get3A_16 : vector<16xf32>
        %add3A_178 = arith.addf %add3A_175, %mul3A_177 : vector<16xf32>
        %mul3A_179 = arith.constant 0.00999999977 : f32
        %mul3A_180 = vector.broadcast %mul3A_179 : f32 to vector<16xf32>
        %mul3A_181 = arith.mulf %mul3A_180, %add3A_178 : vector<16xf32>
        %max3A_182 = arith.maximumf %add3A_178, %mul3A_181 : vector<16xf32>
        %mul3A_183 = vector.broadcast %squeeze3A_95 : f32 to vector<16xf32>
        %mul3A_184 = arith.mulf %max3A_182, %mul3A_183 : vector<16xf32>
        %swap3A_185 = arith.index_cast %add3A_99 : i32 to index
        %swap3A_186 = arith.constant 48 : index
        %swap3A_187 = tpu.vector_load %arg12[%swap3A_185, %swap3A_186] {strides = array<i32>} : memref<80x128xf32, #tpu.memory_space<vmem>>, vector<1x16xf32>,
        %swap3A_188 = vector.shape_cast %swap3A_187 : vector<1x16xf32> to vector<16xf32>
        %swap3A_189 = vector.shape_cast %mul3A_184 : vector<16xf32> to vector<1x16xf32>
        tpu.vector_store %arg12[%swap3A_185, %swap3A_186], %swap3A_189 {strides = array<i32>} : memref<80x128xf32, #tpu.memory_space<vmem>>, vector<1x16xf32>,
        %get3A_190 = arith.index_cast %add3A_99 : i32 to index
        %get3A_191 = arith.constant 64 : index
        %get3A_192 = tpu.vector_load %arg12[%get3A_190, %get3A_191] {strides = array<i32>} : memref<80x128xf32, #tpu.memory_space<vmem>>, vector<1x16xf32>,
        %get3A_193 = vector.shape_cast %get3A_192 : vector<1x16xf32> to vector<16xf32>
        %get3A_194 = arith.index_cast %add3A_99 : i32 to index
        %get3A_195 = arith.constant 64 : index
        %get3A_196 = tpu.vector_load %arg13[%get3A_194, %get3A_195] {strides = array<i32>} : memref<80x128xf32, #tpu.memory_space<vmem>>, vector<1x16xf32>,
        %get3A_197 = vector.shape_cast %get3A_196 : vector<1x16xf32> to vector<16xf32>
        %add3A_198 = arith.addf %get3A_193, %get3A_197 : vector<16xf32>
        %mul3A_199 = vector.broadcast %squeeze3A : f32 to vector<16xf32>
        %mul3A_200 = arith.mulf %mul3A_199, %get3A_19 : vector<16xf32>
        %add3A_201 = arith.addf %add3A_198, %mul3A_200 : vector<16xf32>
        %mul3A_202 = arith.constant 0.00999999977 : f32
        %mul3A_203 = vector.broadcast %mul3A_202 : f32 to vector<16xf32>
        %mul3A_204 = arith.mulf %mul3A_203, %add3A_201 : vector<16xf32>
        %max3A_205 = arith.maximumf %add3A_201, %mul3A_204 : vector<16xf32>
        %mul3A_206 = vector.broadcast %squeeze3A_95 : f32 to vector<16xf32>
        %mul3A_207 = arith.mulf %max3A_205, %mul3A_206 : vector<16xf32>
        %swap3A_208 = arith.index_cast %add3A_99 : i32 to index
        %swap3A_209 = arith.constant 64 : index
        %swap3A_210 = tpu.vector_load %arg12[%swap3A_208, %swap3A_209] {strides = array<i32>} : memref<80x128xf32, #tpu.memory_space<vmem>>, vector<1x16xf32>,
        %swap3A_211 = vector.shape_cast %swap3A_210 : vector<1x16xf32> to vector<16xf32>
        %swap3A_212 = vector.shape_cast %mul3A_207 : vector<16xf32> to vector<1x16xf32>
        tpu.vector_store %arg12[%swap3A_208, %swap3A_209], %swap3A_212 {strides = array<i32>} : memref<80x128xf32, #tpu.memory_space<vmem>>, vector<1x16xf32>,
        %get3A_213 = arith.index_cast %add3A_99 : i32 to index
        %get3A_214 = arith.constant 80 : index
        %get3A_215 = tpu.vector_load %arg12[%get3A_213, %get3A_214] {strides = array<i32>} : memref<80x128xf32, #tpu.memory_space<vmem>>, vector<1x16xf32>,
        %get3A_216 = vector.shape_cast %get3A_215 : vector<1x16xf32> to vector<16xf32>
        %get3A_217 = arith.index_cast %add3A_99 : i32 to index
        %get3A_218 = arith.constant 80 : index
        %get3A_219 = tpu.vector_load %arg13[%get3A_217, %get3A_218] {strides = array<i32>} : memref<80x128xf32, #tpu.memory_space<vmem>>, vector<1x16xf32>,
        %get3A_220 = vector.shape_cast %get3A_219 : vector<1x16xf32> to vector<16xf32>
        %add3A_221 = arith.addf %get3A_216, %get3A_220 : vector<16xf32>
        %mul3A_222 = vector.broadcast %squeeze3A : f32 to vector<16xf32>
        %mul3A_223 = arith.mulf %mul3A_222, %get3A_22 : vector<16xf32>
        %add3A_224 = arith.addf %add3A_221, %mul3A_223 : vector<16xf32>
        %mul3A_225 = arith.constant 0.00999999977 : f32
        %mul3A_226 = vector.broadcast %mul3A_225 : f32 to vector<16xf32>
        %mul3A_227 = arith.mulf %mul3A_226, %add3A_224 : vector<16xf32>
        %max3A_228 = arith.maximumf %add3A_224, %mul3A_227 : vector<16xf32>
        %mul3A_229 = vector.broadcast %squeeze3A_95 : f32 to vector<16xf32>
        %mul3A_230 = arith.mulf %max3A_228, %mul3A_229 : vector<16xf32>
        %swap3A_231 = arith.index_cast %add3A_99 : i32 to index
        %swap3A_232 = arith.constant 80 : index
        %swap3A_233 = tpu.vector_load %arg12[%swap3A_231, %swap3A_232] {strides = array<i32>} : memref<80x128xf32, #tpu.memory_space<vmem>>, vector<1x16xf32>,
        %swap3A_234 = vector.shape_cast %swap3A_233 : vector<1x16xf32> to vector<16xf32>
        %swap3A_235 = vector.shape_cast %mul3A_230 : vector<16xf32> to vector<1x16xf32>
        tpu.vector_store %arg12[%swap3A_231, %swap3A_232], %swap3A_235 {strides = array<i32>} : memref<80x128xf32, #tpu.memory_space<vmem>>, vector<1x16xf32>,
        %get3A_236 = arith.index_cast %add3A_99 : i32 to index
        %get3A_237 = arith.constant 96 : index
        %get3A_238 = tpu.vector_load %arg12[%get3A_236, %get3A_237] {strides = array<i32>} : memref<80x128xf32, #tpu.memory_space<vmem>>, vector<1x16xf32>,
        %get3A_239 = vector.shape_cast %get3A_238 : vector<1x16xf32> to vector<16xf32>
        %get3A_240 = arith.index_cast %add3A_99 : i32 to index
        %get3A_241 = arith.constant 96 : index
        %get3A_242 = tpu.vector_load %arg13[%get3A_240, %get3A_241] {strides = array<i32>} : memref<80x128xf32, #tpu.memory_space<vmem>>, vector<1x16xf32>,
        %get3A_243 = vector.shape_cast %get3A_242 : vector<1x16xf32> to vector<16xf32>
        %add3A_244 = arith.addf %get3A_239, %get3A_243 : vector<16xf32>
        %mul3A_245 = vector.broadcast %squeeze3A : f32 to vector<16xf32>
        %mul3A_246 = arith.mulf %mul3A_245, %get3A_25 : vector<16xf32>
        %add3A_247 = arith.addf %add3A_244, %mul3A_246 : vector<16xf32>
        %mul3A_248 = arith.constant 0.00999999977 : f32
        %mul3A_249 = vector.broadcast %mul3A_248 : f32 to vector<16xf32>
        %mul3A_250 = arith.mulf %mul3A_249, %add3A_247 : vector<16xf32>
        %max3A_251 = arith.maximumf %add3A_247, %mul3A_250 : vector<16xf32>
        %mul3A_252 = vector.broadcast %squeeze3A_95 : f32 to vector<16xf32>
        %mul3A_253 = arith.mulf %max3A_251, %mul3A_252 : vector<16xf32>
        %swap3A_254 = arith.index_cast %add3A_99 : i32 to index
        %swap3A_255 = arith.constant 96 : index
        %swap3A_256 = tpu.vector_load %arg12[%swap3A_254, %swap3A_255] {strides = array<i32>} : memref<80x128xf32, #tpu.memory_space<vmem>>, vector<1x16xf32>,
        %swap3A_257 = vector.shape_cast %swap3A_256 : vector<1x16xf32> to vector<16xf32>
        %swap3A_258 = vector.shape_cast %mul3A_253 : vector<16xf32> to vector<1x16xf32>
        tpu.vector_store %arg12[%swap3A_254, %swap3A_255], %swap3A_258 {strides = array<i32>} : memref<80x128xf32, #tpu.memory_space<vmem>>, vector<1x16xf32>,
        %get3A_259 = arith.index_cast %add3A_99 : i32 to index
        %get3A_260 = arith.constant 112 : index
        %get3A_261 = tpu.vector_load %arg12[%get3A_259, %get3A_260] {strides = array<i32>} : memref<80x128xf32, #tpu.memory_space<vmem>>, vector<1x16xf32>,
        %get3A_262 = vector.shape_cast %get3A_261 : vector<1x16xf32> to vector<16xf32>
        %get3A_263 = arith.index_cast %add3A_99 : i32 to index
        %get3A_264 = arith.constant 112 : index
        %get3A_265 = tpu.vector_load %arg13[%get3A_263, %get3A_264] {strides = array<i32>} : memref<80x128xf32, #tpu.memory_space<vmem>>, vector<1x16xf32>,
        %get3A_266 = vector.shape_cast %get3A_265 : vector<1x16xf32> to vector<16xf32>
        %add3A_267 = arith.addf %get3A_262, %get3A_266 : vector<16xf32>
        %mul3A_268 = vector.broadcast %squeeze3A : f32 to vector<16xf32>
        %mul3A_269 = arith.mulf %mul3A_268, %get3A_28 : vector<16xf32>
        %add3A_270 = arith.addf %add3A_267, %mul3A_269 : vector<16xf32>
        %mul3A_271 = arith.constant 0.00999999977 : f32
        %mul3A_272 = vector.broadcast %mul3A_271 : f32 to vector<16xf32>
        %mul3A_273 = arith.mulf %mul3A_272, %add3A_270 : vector<16xf32>
        %max3A_274 = arith.maximumf %add3A_270, %mul3A_273 : vector<16xf32>
        %mul3A_275 = vector.broadcast %squeeze3A_95 : f32 to vector<16xf32>
        %mul3A_276 = arith.mulf %max3A_274, %mul3A_275 : vector<16xf32>
        %swap3A_277 = arith.index_cast %add3A_99 : i32 to index
        %swap3A_278 = arith.constant 112 : index
        %swap3A_279 = tpu.vector_load %arg12[%swap3A_277, %swap3A_278] {strides = array<i32>} : memref<80x128xf32, #tpu.memory_space<vmem>>, vector<1x16xf32>,
        %swap3A_280 = vector.shape_cast %swap3A_279 : vector<1x16xf32> to vector<16xf32>
        %swap3A_281 = vector.shape_cast %mul3A_276 : vector<16xf32> to vector<1x16xf32>
        tpu.vector_store %arg12[%swap3A_277, %swap3A_278], %swap3A_281 {strides = array<i32>} : memref<80x128xf32, #tpu.memory_space<vmem>>, vector<1x16xf32>,
        %slice3A_282 = vector.extract_strided_slice %get3A_88 {offsets = [1], sizes = [1], strides = [1]} : vector<16xf32> to vector<1xf32>
        %squeeze3A_283 = vector.extract %slice3A_282[0] : f32 from vector<1xf32>
        %slice3A_284 = vector.extract_strided_slice %select_n3A {offsets = [1], sizes = [1], strides = [1]} : vector<16xf32> to vector<1xf32>
        %squeeze3A_285 = vector.extract %slice3A_284[0] : f32 from vector<1xf32>
        %mul3A_286 = arith.constant 16 : i32
        %mul3A_287 = arith.muli %scan3A_83, %mul3A_286 : i32
        %add3A_288 = arith.constant 1 : i32
        %add3A_289 = arith.addi %mul3A_287, %add3A_288 : i32
        %get3A_290 = arith.index_cast %add3A_289 : i32 to index
        %get3A_291 = arith.constant 0 : index
        %get3A_292 = tpu.vector_load %arg12[%get3A_290, %get3A_291] {strides = array<i32>} : memref<80x128xf32, #tpu.memory_space<vmem>>, vector<1x16xf32>,
        %get3A_293 = vector.shape_cast %get3A_292 : vector<1x16xf32> to vector<16xf32>
        %get3A_294 = arith.index_cast %add3A_289 : i32 to index
        %get3A_295 = arith.constant 0 : index
        %get3A_296 = tpu.vector_load %arg13[%get3A_294, %get3A_295] {strides = array<i32>} : memref<80x128xf32, #tpu.memory_space<vmem>>, vector<1x16xf32>,
        %get3A_297 = vector.shape_cast %get3A_296 : vector<1x16xf32> to vector<16xf32>
        %add3A_298 = arith.addf %get3A_293, %get3A_297 : vector<16xf32>
        %mul3A_299 = vector.broadcast %squeeze3A_283 : f32 to vector<16xf32>
        %mul3A_300 = arith.mulf %mul3A_299, %get3A_7 : vector<16xf32>
        %add3A_301 = arith.addf %add3A_298, %mul3A_300 : vector<16xf32>
        %mul3A_302 = arith.constant 0.00999999977 : f32
        %mul3A_303 = vector.broadcast %mul3A_302 : f32 to vector<16xf32>
        %mul3A_304 = arith.mulf %mul3A_303, %add3A_301 : vector<16xf32>
        %max3A_305 = arith.maximumf %add3A_301, %mul3A_304 : vector<16xf32>
        %mul3A_306 = vector.broadcast %squeeze3A_285 : f32 to vector<16xf32>
        %mul3A_307 = arith.mulf %max3A_305, %mul3A_306 : vector<16xf32>
        %swap3A_308 = arith.index_cast %add3A_289 : i32 to index
        %swap3A_309 = arith.constant 0 : index
        %swap3A_310 = tpu.vector_load %arg12[%swap3A_308, %swap3A_309] {strides = array<i32>} : memref<80x128xf32, #tpu.memory_space<vmem>>, vector<1x16xf32>,
        %swap3A_311 = vector.shape_cast %swap3A_310 : vector<1x16xf32> to vector<16xf32>
        %swap3A_312 = vector.shape_cast %mul3A_307 : vector<16xf32> to vector<1x16xf32>
        tpu.vector_store %arg12[%swap3A_308, %swap3A_309], %swap3A_312 {strides = array<i32>} : memref<80x128xf32, #tpu.memory_space<vmem>>, vector<1x16xf32>,
        %get3A_313 = arith.index_cast %add3A_289 : i32 to index
        %get3A_314 = arith.constant 16 : index
        %get3A_315 = tpu.vector_load %arg12[%get3A_313, %get3A_314] {strides = array<i32>} : memref<80x128xf32, #tpu.memory_space<vmem>>, vector<1x16xf32>,
        %get3A_316 = vector.shape_cast %get3A_315 : vector<1x16xf32> to vector<16xf32>
        %get3A_317 = arith.index_cast %add3A_289 : i32 to index
        %get3A_318 = arith.constant 16 : index
        %get3A_319 = tpu.vector_load %arg13[%get3A_317, %get3A_318] {strides = array<i32>} : memref<80x128xf32, #tpu.memory_space<vmem>>, vector<1x16xf32>,
        %get3A_320 = vector.shape_cast %get3A_319 : vector<1x16xf32> to vector<16xf32>
        %add3A_321 = arith.addf %get3A_316, %get3A_320 : vector<16xf32>
        %mul3A_322 = vector.broadcast %squeeze3A_283 : f32 to vector<16xf32>
        %mul3A_323 = arith.mulf %mul3A_322, %get3A_10 : vector<16xf32>
        %add3A_324 = arith.addf %add3A_321, %mul3A_323 : vector<16xf32>
        %mul3A_325 = arith.constant 0.00999999977 : f32
        %mul3A_326 = vector.broadcast %mul3A_325 : f32 to vector<16xf32>
        %mul3A_327 = arith.mulf %mul3A_326, %add3A_324 : vector<16xf32>
        %max3A_328 = arith.maximumf %add3A_324, %mul3A_327 : vector<16xf32>
        %mul3A_329 = vector.broadcast %squeeze3A_285 : f32 to vector<16xf32>
        %mul3A_330 = arith.mulf %max3A_328, %mul3A_329 : vector<16xf32>
        %swap3A_331 = arith.index_cast %add3A_289 : i32 to index
        %swap3A_332 = arith.constant 16 : index
        %swap3A_333 = tpu.vector_load %arg12[%swap3A_331, %swap3A_332] {strides = array<i32>} : memref<80x128xf32, #tpu.memory_space<vmem>>, vector<1x16xf32>,
        %swap3A_334 = vector.shape_cast %swap3A_333 : vector<1x16xf32> to vector<16xf32>
        %swap3A_335 = vector.shape_cast %mul3A_330 : vector<16xf32> to vector<1x16xf32>
        tpu.vector_store %arg12[%swap3A_331, %swap3A_332], %swap3A_335 {strides = array<i32>} : memref<80x128xf32, #tpu.memory_space<vmem>>, vector<1x16xf32>,
        %get3A_336 = arith.index_cast %add3A_289 : i32 to index
        %get3A_337 = arith.constant 32 : index
        %get3A_338 = tpu.vector_load %arg12[%get3A_336, %get3A_337] {strides = array<i32>} : memref<80x128xf32, #tpu.memory_space<vmem>>, vector<1x16xf32>,
        %get3A_339 = vector.shape_cast %get3A_338 : vector<1x16xf32> to vector<16xf32>
        %get3A_340 = arith.index_cast %add3A_289 : i32 to index
        %get3A_341 = arith.constant 32 : index
        %get3A_342 = tpu.vector_load %arg13[%get3A_340, %get3A_341] {strides = array<i32>} : memref<80x128xf32, #tpu.memory_space<vmem>>, vector<1x16xf32>,
        %get3A_343 = vector.shape_cast %get3A_342 : vector<1x16xf32> to vector<16xf32>
        %add3A_344 = arith.addf %get3A_339, %get3A_343 : vector<16xf32>
        %mul3A_345 = vector.broadcast %squeeze3A_283 : f32 to vector<16xf32>
        %mul3A_346 = arith.mulf %mul3A_345, %get3A_13 : vector<16xf32>
        %add3A_347 = arith.addf %add3A_344, %mul3A_346 : vector<16xf32>
        %mul3A_348 = arith.constant 0.00999999977 : f32
        %mul3A_349 = vector.broadcast %mul3A_348 : f32 to vector<16xf32>
        %mul3A_350 = arith.mulf %mul3A_349, %add3A_347 : vector<16xf32>
        %max3A_351 = arith.maximumf %add3A_347, %mul3A_350 : vector<16xf32>
        %mul3A_352 = vector.broadcast %squeeze3A_285 : f32 to vector<16xf32>
        %mul3A_353 = arith.mulf %max3A_351, %mul3A_352 : vector<16xf32>
        %swap3A_354 = arith.index_cast %add3A_289 : i32 to index
        %swap3A_355 = arith.constant 32 : index
        %swap3A_356 = tpu.vector_load %arg12[%swap3A_354, %swap3A_355] {strides = array<i32>} : memref<80x128xf32, #tpu.memory_space<vmem>>, vector<1x16xf32>,
        %swap3A_357 = vector.shape_cast %swap3A_356 : vector<1x16xf32> to vector<16xf32>
        %swap3A_358 = vector.shape_cast %mul3A_353 : vector<16xf32> to vector<1x16xf32>
        tpu.vector_store %arg12[%swap3A_354, %swap3A_355], %swap3A_358 {strides = array<i32>} : memref<80x128xf32, #tpu.memory_space<vmem>>, vector<1x16xf32>,
        %get3A_359 = arith.index_cast %add3A_289 : i32 to index
        %get3A_360 = arith.constant 48 : index
        %get3A_361 = tpu.vector_load %arg12[%get3A_359, %get3A_360] {strides = array<i32>} : memref<80x128xf32, #tpu.memory_space<vmem>>, vector<1x16xf32>,
        %get3A_362 = vector.shape_cast %get3A_361 : vector<1x16xf32> to vector<16xf32>
        %get3A_363 = arith.index_cast %add3A_289 : i32 to index
        %get3A_364 = arith.constant 48 : index
        %get3A_365 = tpu.vector_load %arg13[%get3A_363, %get3A_364] {strides = array<i32>} : memref<80x128xf32, #tpu.memory_space<vmem>>, vector<1x16xf32>,
        %get3A_366 = vector.shape_cast %get3A_365 : vector<1x16xf32> to vector<16xf32>
        %add3A_367 = arith.addf %get3A_362, %get3A_366 : vector<16xf32>
        %mul3A_368 = vector.broadcast %squeeze3A_283 : f32 to vector<16xf32>
        %mul3A_369 = arith.mulf %mul3A_368, %get3A_16 : vector<16xf32>
        %add3A_370 = arith.addf %add3A_367, %mul3A_369 : vector<16xf32>
        %mul3A_371 = arith.constant 0.00999999977 : f32
        %mul3A_372 = vector.broadcast %mul3A_371 : f32 to vector<16xf32>
        %mul3A_373 = arith.mulf %mul3A_372, %add3A_370 : vector<16xf32>
        %max3A_374 = arith.maximumf %add3A_370, %mul3A_373 : vector<16xf32>
        %mul3A_375 = vector.broadcast %squeeze3A_285 : f32 to vector<16xf32>
        %mul3A_376 = arith.mulf %max3A_374, %mul3A_375 : vector<16xf32>
        %swap3A_377 = arith.index_cast %add3A_289 : i32 to index
        %swap3A_378 = arith.constant 48 : index
        %swap3A_379 = tpu.vector_load %arg12[%swap3A_377, %swap3A_378] {strides = array<i32>} : memref<80x128xf32, #tpu.memory_space<vmem>>, vector<1x16xf32>,
        %swap3A_380 = vector.shape_cast %swap3A_379 : vector<1x16xf32> to vector<16xf32>
        %swap3A_381 = vector.shape_cast %mul3A_376 : vector<16xf32> to vector<1x16xf32>
        tpu.vector_store %arg12[%swap3A_377, %swap3A_378], %swap3A_381 {strides = array<i32>} : memref<80x128xf32, #tpu.memory_space<vmem>>, vector<1x16xf32>,
        %get3A_382 = arith.index_cast %add3A_289 : i32 to index
        %get3A_383 = arith.constant 64 : index
        %get3A_384 = tpu.vector_load %arg12[%get3A_382, %get3A_383] {strides = array<i32>} : memref<80x128xf32, #tpu.memory_space<vmem>>, vector<1x16xf32>,
        %get3A_385 = vector.shape_cast %get3A_384 : vector<1x16xf32> to vector<16xf32>
        %get3A_386 = arith.index_cast %add3A_289 : i32 to index
        %get3A_387 = arith.constant 64 : index
        %get3A_388 = tpu.vector_load %arg13[%get3A_386, %get3A_387] {strides = array<i32>} : memref<80x128xf32, #tpu.memory_space<vmem>>, vector<1x16xf32>,
        %get3A_389 = vector.shape_cast %get3A_388 : vector<1x16xf32> to vector<16xf32>
        %add3A_390 = arith.addf %get3A_385, %get3A_389 : vector<16xf32>
        %mul3A_391 = vector.broadcast %squeeze3A_283 : f32 to vector<16xf32>
        %mul3A_392 = arith.mulf %mul3A_391, %get3A_19 : vector<16xf32>
        %add3A_393 = arith.addf %add3A_390, %mul3A_392 : vector<16xf32>
        %mul3A_394 = arith.constant 0.00999999977 : f32
        %mul3A_395 = vector.broadcast %mul3A_394 : f32 to vector<16xf32>
        %mul3A_396 = arith.mulf %mul3A_395, %add3A_393 : vector<16xf32>
        %max3A_397 = arith.maximumf %add3A_393, %mul3A_396 : vector<16xf32>
        %mul3A_398 = vector.broadcast %squeeze3A_285 : f32 to vector<16xf32>
        %mul3A_399 = arith.mulf %max3A_397, %mul3A_398 : vector<16xf32>
        %swap3A_400 = arith.index_cast %add3A_289 : i32 to index
        %swap3A_401 = arith.constant 64 : index
        %swap3A_402 = tpu.vector_load %arg12[%swap3A_400, %swap3A_401] {strides = array<i32>} : memref<80x128xf32, #tpu.memory_space<vmem>>, vector<1x16xf32>,
        %swap3A_403 = vector.shape_cast %swap3A_402 : vector<1x16xf32> to vector<16xf32>
        %swap3A_404 = vector.shape_cast %mul3A_399 : vector<16xf32> to vector<1x16xf32>
        tpu.vector_store %arg12[%swap3A_400, %swap3A_401], %swap3A_404 {strides = array<i32>} : memref<80x128xf32, #tpu.memory_space<vmem>>, vector<1x16xf32>,
        %get3A_405 = arith.index_cast %add3A_289 : i32 to index
        %get3A_406 = arith.constant 80 : index
        %get3A_407 = tpu.vector_load %arg12[%get3A_405, %get3A_406] {strides = array<i32>} : memref<80x128xf32, #tpu.memory_space<vmem>>, vector<1x16xf32>,
        %get3A_408 = vector.shape_cast %get3A_407 : vector<1x16xf32> to vector<16xf32>
        %get3A_409 = arith.index_cast %add3A_289 : i32 to index
        %get3A_410 = arith.constant 80 : index
        %get3A_411 = tpu.vector_load %arg13[%get3A_409, %get3A_410] {strides = array<i32>} : memref<80x128xf32, #tpu.memory_space<vmem>>, vector<1x16xf32>,
        %get3A_412 = vector.shape_cast %get3A_411 : vector<1x16xf32> to vector<16xf32>
        %add3A_413 = arith.addf %get3A_408, %get3A_412 : vector<16xf32>
        %mul3A_414 = vector.broadcast %squeeze3A_283 : f32 to vector<16xf32>
        %mul3A_415 = arith.mulf %mul3A_414, %get3A_22 : vector<16xf32>
        %add3A_416 = arith.addf %add3A_413, %mul3A_415 : vector<16xf32>
        %mul3A_417 = arith.constant 0.00999999977 : f32
        %mul3A_418 = vector.broadcast %mul3A_417 : f32 to vector<16xf32>
        %mul3A_419 = arith.mulf %mul3A_418, %add3A_416 : vector<16xf32>
        %max3A_420 = arith.maximumf %add3A_416, %mul3A_419 : vector<16xf32>
        %mul3A_421 = vector.broadcast %squeeze3A_285 : f32 to vector<16xf32>
        %mul3A_422 = arith.mulf %max3A_420, %mul3A_421 : vector<16xf32>
        %swap3A_423 = arith.index_cast %add3A_289 : i32 to index
        %swap3A_424 = arith.constant 80 : index
        %swap3A_425 = tpu.vector_load %arg12[%swap3A_423, %swap3A_424] {strides = array<i32>} : memref<80x128xf32, #tpu.memory_space<vmem>>, vector<1x16xf32>,
        %swap3A_426 = vector.shape_cast %swap3A_425 : vector<1x16xf32> to vector<16xf32>
        %swap3A_427 = vector.shape_cast %mul3A_422 : vector<16xf32> to vector<1x16xf32>
        tpu.vector_store %arg12[%swap3A_423, %swap3A_424], %swap3A_427 {strides = array<i32>} : memref<80x128xf32, #tpu.memory_space<vmem>>, vector<1x16xf32>,
        %get3A_428 = arith.index_cast %add3A_289 : i32 to index
        %get3A_429 = arith.constant 96 : index
        %get3A_430 = tpu.vector_load %arg12[%get3A_428, %get3A_429] {strides = array<i32>} : memref<80x128xf32, #tpu.memory_space<vmem>>, vector<1x16xf32>,
        %get3A_431 = vector.shape_cast %get3A_430 : vector<1x16xf32> to vector<16xf32>
        %get3A_432 = arith.index_cast %add3A_289 : i32 to index
        %get3A_433 = arith.constant 96 : index
        %get3A_434 = tpu.vector_load %arg13[%get3A_432, %get3A_433] {strides = array<i32>} : memref<80x128xf32, #tpu.memory_space<vmem>>, vector<1x16xf32>,
        %get3A_435 = vector.shape_cast %get3A_434 : vector<1x16xf32> to vector<16xf32>
        %add3A_436 = arith.addf %get3A_431, %get3A_435 : vector<16xf32>
        %mul3A_437 = vector.broadcast %squeeze3A_283 : f32 to vector<16xf32>
        %mul3A_438 = arith.mulf %mul3A_437, %get3A_25 : vector<16xf32>
        %add3A_439 = arith.addf %add3A_436, %mul3A_438 : vector<16xf32>
        %mul3A_440 = arith.constant 0.00999999977 : f32
        %mul3A_441 = vector.broadcast %mul3A_440 : f32 to vector<16xf32>
        %mul3A_442 = arith.mulf %mul3A_441, %add3A_439 : vector<16xf32>
        %max3A_443 = arith.maximumf %add3A_439, %mul3A_442 : vector<16xf32>
        %mul3A_444 = vector.broadcast %squeeze3A_285 : f32 to vector<16xf32>
        %mul3A_445 = arith.mulf %max3A_443, %mul3A_444 : vector<16xf32>
        %swap3A_446 = arith.index_cast %add3A_289 : i32 to index
        %swap3A_447 = arith.constant 96 : index
        %swap3A_448 = tpu.vector_load %arg12[%swap3A_446, %swap3A_447] {strides = array<i32>} : memref<80x128xf32, #tpu.memory_space<vmem>>, vector<1x16xf32>,
        %swap3A_449 = vector.shape_cast %swap3A_448 : vector<1x16xf32> to vector<16xf32>
        %swap3A_450 = vector.shape_cast %mul3A_445 : vector<16xf32> to vector<1x16xf32>
        tpu.vector_store %arg12[%swap3A_446, %swap3A_447], %swap3A_450 {strides = array<i32>} : memref<80x128xf32, #tpu.memory_space<vmem>>, vector<1x16xf32>,
        %get3A_451 = arith.index_cast %add3A_289 : i32 to index
        %get3A_452 = arith.constant 112 : index
        %get3A_453 = tpu.vector_load %arg12[%get3A_451, %get3A_452] {strides = array<i32>} : memref<80x128xf32, #tpu.memory_space<vmem>>, vector<1x16xf32>,
        %get3A_454 = vector.shape_cast %get3A_453 : vector<1x16xf32> to vector<16xf32>
        %get3A_455 = arith.index_cast %add3A_289 : i32 to index
        %get3A_456 = arith.constant 112 : index
        %get3A_457 = tpu.vector_load %arg13[%get3A_455, %get3A_456] {strides = array<i32>} : memref<80x128xf32, #tpu.memory_space<vmem>>, vector<1x16xf32>,
        %get3A_458 = vector.shape_cast %get3A_457 : vector<1x16xf32> to vector<16xf32>
        %add3A_459 = arith.addf %get3A_454, %get3A_458 : vector<16xf32>
        %mul3A_460 = vector.broadcast %squeeze3A_283 : f32 to vector<16xf32>
        %mul3A_461 = arith.mulf %mul3A_460, %get3A_28 : vector<16xf32>
        %add3A_462 = arith.addf %add3A_459, %mul3A_461 : vector<16xf32>
        %mul3A_463 = arith.constant 0.00999999977 : f32
        %mul3A_464 = vector.broadcast %mul3A_463 : f32 to vector<16xf32>
        %mul3A_465 = arith.mulf %mul3A_464, %add3A_462 : vector<16xf32>
        %max3A_466 = arith.maximumf %add3A_462, %mul3A_465 : vector<16xf32>
        %mul3A_467 = vector.broadcast %squeeze3A_285 : f32 to vector<16xf32>
        %mul3A_468 = arith.mulf %max3A_466, %mul3A_467 : vector<16xf32>
        %swap3A_469 = arith.index_cast %add3A_289 : i32 to index
        %swap3A_470 = arith.constant 112 : index
        %swap3A_471 = tpu.vector_load %arg12[%swap3A_469, %swap3A_470] {strides = array<i32>} : memref<80x128xf32, #tpu.memory_space<vmem>>, vector<1x16xf32>,
        %swap3A_472 = vector.shape_cast %swap3A_471 : vector<1x16xf32> to vector<16xf32>
        %swap3A_473 = vector.shape_cast %mul3A_468 : vector<16xf32> to vector<1x16xf32>
        tpu.vector_store %arg12[%swap3A_469, %swap3A_470], %swap3A_473 {strides = array<i32>} : memref<80x128xf32, #tpu.memory_space<vmem>>, vector<1x16xf32>,
        %slice3A_474 = vector.extract_strided_slice %get3A_88 {offsets = [2], sizes = [1], strides = [1]} : vector<16xf32> to vector<1xf32>
        %squeeze3A_475 = vector.extract %slice3A_474[0] : f32 from vector<1xf32>
        %slice3A_476 = vector.extract_strided_slice %select_n3A {offsets = [2], sizes = [1], strides = [1]} : vector<16xf32> to vector<1xf32>
        %squeeze3A_477 = vector.extract %slice3A_476[0] : f32 from vector<1xf32>
        %mul3A_478 = arith.constant 16 : i32
        %mul3A_479 = arith.muli %scan3A_83, %mul3A_478 : i32
        %add3A_480 = arith.constant 2 : i32
        %add3A_481 = arith.addi %mul3A_479, %add3A_480 : i32
        %get3A_482 = arith.index_cast %add3A_481 : i32 to index
        %get3A_483 = arith.constant 0 : index
        %get3A_484 = tpu.vector_load %arg12[%get3A_482, %get3A_483] {strides = array<i32>} : memref<80x128xf32, #tpu.memory_space<vmem>>, vector<1x16xf32>,
        %get3A_485 = vector.shape_cast %get3A_484 : vector<1x16xf32> to vector<16xf32>
        %get3A_486 = arith.index_cast %add3A_481 : i32 to index
        %get3A_487 = arith.constant 0 : index
        %get3A_488 = tpu.vector_load %arg13[%get3A_486, %get3A_487] {strides = array<i32>} : memref<80x128xf32, #tpu.memory_space<vmem>>, vector<1x16xf32>,
        %get3A_489 = vector.shape_cast %get3A_488 : vector<1x16xf32> to vector<16xf32>
        %add3A_490 = arith.addf %get3A_485, %get3A_489 : vector<16xf32>
        %mul3A_491 = vector.broadcast %squeeze3A_475 : f32 to vector<16xf32>
        %mul3A_492 = arith.mulf %mul3A_491, %get3A_7 : vector<16xf32>
        %add3A_493 = arith.addf %add3A_490, %mul3A_492 : vector<16xf32>
        %mul3A_494 = arith.constant 0.00999999977 : f32
        %mul3A_495 = vector.broadcast %mul3A_494 : f32 to vector<16xf32>
        %mul3A_496 = arith.mulf %mul3A_495, %add3A_493 : vector<16xf32>
        %max3A_497 = arith.maximumf %add3A_493, %mul3A_496 : vector<16xf32>
        %mul3A_498 = vector.broadcast %squeeze3A_477 : f32 to vector<16xf32>
        %mul3A_499 = arith.mulf %max3A_497, %mul3A_498 : vector<16xf32>
        %swap3A_500 = arith.index_cast %add3A_481 : i32 to index
        %swap3A_501 = arith.constant 0 : index
        %swap3A_502 = tpu.vector_load %arg12[%swap3A_500, %swap3A_501] {strides = array<i32>} : memref<80x128xf32, #tpu.memory_space<vmem>>, vector<1x16xf32>,
        %swap3A_503 = vector.shape_cast %swap3A_502 : vector<1x16xf32> to vector<16xf32>
        %swap3A_504 = vector.shape_cast %mul3A_499 : vector<16xf32> to vector<1x16xf32>
        tpu.vector_store %arg12[%swap3A_500, %swap3A_501], %swap3A_504 {strides = array<i32>} : memref<80x128xf32, #tpu.memory_space<vmem>>, vector<1x16xf32>,
        %get3A_505 = arith.index_cast %add3A_481 : i32 to index
        %get3A_506 = arith.constant 16 : index
        %get3A_507 = tpu.vector_load %arg12[%get3A_505, %get3A_506] {strides = array<i32>} : memref<80x128xf32, #tpu.memory_space<vmem>>, vector<1x16xf32>,
        %get3A_508 = vector.shape_cast %get3A_507 : vector<1x16xf32> to vector<16xf32>
        %get3A_509 = arith.index_cast %add3A_481 : i32 to index
        %get3A_510 = arith.constant 16 : index
        %get3A_511 = tpu.vector_load %arg13[%get3A_509, %get3A_510] {strides = array<i32>} : memref<80x128xf32, #tpu.memory_space<vmem>>, vector<1x16xf32>,
        %get3A_512 = vector.shape_cast %get3A_511 : vector<1x16xf32> to vector<16xf32>
        %add3A_513 = arith.addf %get3A_508, %get3A_512 : vector<16xf32>
        %mul3A_514 = vector.broadcast %squeeze3A_475 : f32 to vector<16xf32>
        %mul3A_515 = arith.mulf %mul3A_514, %get3A_10 : vector<16xf32>
        %add3A_516 = arith.addf %add3A_513, %mul3A_515 : vector<16xf32>
        %mul3A_517 = arith.constant 0.00999999977 : f32
        %mul3A_518 = vector.broadcast %mul3A_517 : f32 to vector<16xf32>
        %mul3A_519 = arith.mulf %mul3A_518, %add3A_516 : vector<16xf32>
        %max3A_520 = arith.maximumf %add3A_516, %mul3A_519 : vector<16xf32>
        %mul3A_521 = vector.broadcast %squeeze3A_477 : f32 to vector<16xf32>
        %mul3A_522 = arith.mulf %max3A_520, %mul3A_521 : vector<16xf32>
        %swap3A_523 = arith.index_cast %add3A_481 : i32 to index
        %swap3A_524 = arith.constant 16 : index
        %swap3A_525 = tpu.vector_load %arg12[%swap3A_523, %swap3A_524] {strides = array<i32>} : memref<80x128xf32, #tpu.memory_space<vmem>>, vector<1x16xf32>,
        %swap3A_526 = vector.shape_cast %swap3A_525 : vector<1x16xf32> to vector<16xf32>
        %swap3A_527 = vector.shape_cast %mul3A_522 : vector<16xf32> to vector<1x16xf32>
        tpu.vector_store %arg12[%swap3A_523, %swap3A_524], %swap3A_527 {strides = array<i32>} : memref<80x128xf32, #tpu.memory_space<vmem>>, vector<1x16xf32>,
        %get3A_528 = arith.index_cast %add3A_481 : i32 to index
        %get3A_529 = arith.constant 32 : index
        %get3A_530 = tpu.vector_load %arg12[%get3A_528, %get3A_529] {strides = array<i32>} : memref<80x128xf32, #tpu.memory_space<vmem>>, vector<1x16xf32>,
        %get3A_531 = vector.shape_cast %get3A_530 : vector<1x16xf32> to vector<16xf32>
        %get3A_532 = arith.index_cast %add3A_481 : i32 to index
        %get3A_533 = arith.constant 32 : index
        %get3A_534 = tpu.vector_load %arg13[%get3A_532, %get3A_533] {strides = array<i32>} : memref<80x128xf32, #tpu.memory_space<vmem>>, vector<1x16xf32>,
        %get3A_535 = vector.shape_cast %get3A_534 : vector<1x16xf32> to vector<16xf32>
        %add3A_536 = arith.addf %get3A_531, %get3A_535 : vector<16xf32>
        %mul3A_537 = vector.broadcast %squeeze3A_475 : f32 to vector<16xf32>
        %mul3A_538 = arith.mulf %mul3A_537, %get3A_13 : vector<16xf32>
        %add3A_539 = arith.addf %add3A_536, %mul3A_538 : vector<16xf32>
        %mul3A_540 = arith.constant 0.00999999977 : f32
        %mul3A_541 = vector.broadcast %mul3A_540 : f32 to vector<16xf32>
        %mul3A_542 = arith.mulf %mul3A_541, %add3A_539 : vector<16xf32>
        %max3A_543 = arith.maximumf %add3A_539, %mul3A_542 : vector<16xf32>
        %mul3A_544 = vector.broadcast %squeeze3A_477 : f32 to vector<16xf32>
        %mul3A_545 = arith.mulf %max3A_543, %mul3A_544 : vector<16xf32>
        %swap3A_546 = arith.index_cast %add3A_481 : i32 to index
        %swap3A_547 = arith.constant 32 : index
        %swap3A_548 = tpu.vector_load %arg12[%swap3A_546, %swap3A_547] {strides = array<i32>} : memref<80x128xf32, #tpu.memory_space<vmem>>, vector<1x16xf32>,
        %swap3A_549 = vector.shape_cast %swap3A_548 : vector<1x16xf32> to vector<16xf32>
        %swap3A_550 = vector.shape_cast %mul3A_545 : vector<16xf32> to vector<1x16xf32>
        tpu.vector_store %arg12[%swap3A_546, %swap3A_547], %swap3A_550 {strides = array<i32>} : memref<80x128xf32, #tpu.memory_space<vmem>>, vector<1x16xf32>,
        %get3A_551 = arith.index_cast %add3A_481 : i32 to index
        %get3A_552 = arith.constant 48 : index
        %get3A_553 = tpu.vector_load %arg12[%get3A_551, %get3A_552] {strides = array<i32>} : memref<80x128xf32, #tpu.memory_space<vmem>>, vector<1x16xf32>,
        %get3A_554 = vector.shape_cast %get3A_553 : vector<1x16xf32> to vector<16xf32>
        %get3A_555 = arith.index_cast %add3A_481 : i32 to index
        %get3A_556 = arith.constant 48 : index
        %get3A_557 = tpu.vector_load %arg13[%get3A_555, %get3A_556] {strides = array<i32>} : memref<80x128xf32, #tpu.memory_space<vmem>>, vector<1x16xf32>,
        %get3A_558 = vector.shape_cast %get3A_557 : vector<1x16xf32> to vector<16xf32>
        %add3A_559 = arith.addf %get3A_554, %get3A_558 : vector<16xf32>
        %mul3A_560 = vector.broadcast %squeeze3A_475 : f32 to vector<16xf32>
        %mul3A_561 = arith.mulf %mul3A_560, %get3A_16 : vector<16xf32>
        %add3A_562 = arith.addf %add3A_559, %mul3A_561 : vector<16xf32>
        %mul3A_563 = arith.constant 0.00999999977 : f32
        %mul3A_564 = vector.broadcast %mul3A_563 : f32 to vector<16xf32>
        %mul3A_565 = arith.mulf %mul3A_564, %add3A_562 : vector<16xf32>
        %max3A_566 = arith.maximumf %add3A_562, %mul3A_565 : vector<16xf32>
        %mul3A_567 = vector.broadcast %squeeze3A_477 : f32 to vector<16xf32>
        %mul3A_568 = arith.mulf %max3A_566, %mul3A_567 : vector<16xf32>
        %swap3A_569 = arith.index_cast %add3A_481 : i32 to index
        %swap3A_570 = arith.constant 48 : index
        %swap3A_571 = tpu.vector_load %arg12[%swap3A_569, %swap3A_570] {strides = array<i32>} : memref<80x128xf32, #tpu.memory_space<vmem>>, vector<1x16xf32>,
        %swap3A_572 = vector.shape_cast %swap3A_571 : vector<1x16xf32> to vector<16xf32>
        %swap3A_573 = vector.shape_cast %mul3A_568 : vector<16xf32> to vector<1x16xf32>
        tpu.vector_store %arg12[%swap3A_569, %swap3A_570], %swap3A_573 {strides = array<i32>} : memref<80x128xf32, #tpu.memory_space<vmem>>, vector<1x16xf32>,
        %get3A_574 = arith.index_cast %add3A_481 : i32 to index
        %get3A_575 = arith.constant 64 : index
        %get3A_576 = tpu.vector_load %arg12[%get3A_574, %get3A_575] {strides = array<i32>} : memref<80x128xf32, #tpu.memory_space<vmem>>, vector<1x16xf32>,
        %get3A_577 = vector.shape_cast %get3A_576 : vector<1x16xf32> to vector<16xf32>
        %get3A_578 = arith.index_cast %add3A_481 : i32 to index
        %get3A_579 = arith.constant 64 : index
        %get3A_580 = tpu.vector_load %arg13[%get3A_578, %get3A_579] {strides = array<i32>} : memref<80x128xf32, #tpu.memory_space<vmem>>, vector<1x16xf32>,
        %get3A_581 = vector.shape_cast %get3A_580 : vector<1x16xf32> to vector<16xf32>
        %add3A_582 = arith.addf %get3A_577, %get3A_581 : vector<16xf32>
        %mul3A_583 = vector.broadcast %squeeze3A_475 : f32 to vector<16xf32>
        %mul3A_584 = arith.mulf %mul3A_583, %get3A_19 : vector<16xf32>
        %add3A_585 = arith.addf %add3A_582, %mul3A_584 : vector<16xf32>
        %mul3A_586 = arith.constant 0.00999999977 : f32
        %mul3A_587 = vector.broadcast %mul3A_586 : f32 to vector<16xf32>
        %mul3A_588 = arith.mulf %mul3A_587, %add3A_585 : vector<16xf32>
        %max3A_589 = arith.maximumf %add3A_585, %mul3A_588 : vector<16xf32>
        %mul3A_590 = vector.broadcast %squeeze3A_477 : f32 to vector<16xf32>
        %mul3A_591 = arith.mulf %max3A_589, %mul3A_590 : vector<16xf32>
        %swap3A_592 = arith.index_cast %add3A_481 : i32 to index
        %swap3A_593 = arith.constant 64 : index
        %swap3A_594 = tpu.vector_load %arg12[%swap3A_592, %swap3A_593] {strides = array<i32>} : memref<80x128xf32, #tpu.memory_space<vmem>>, vector<1x16xf32>,
        %swap3A_595 = vector.shape_cast %swap3A_594 : vector<1x16xf32> to vector<16xf32>
        %swap3A_596 = vector.shape_cast %mul3A_591 : vector<16xf32> to vector<1x16xf32>
        tpu.vector_store %arg12[%swap3A_592, %swap3A_593], %swap3A_596 {strides = array<i32>} : memref<80x128xf32, #tpu.memory_space<vmem>>, vector<1x16xf32>,
        %get3A_597 = arith.index_cast %add3A_481 : i32 to index
        %get3A_598 = arith.constant 80 : index
        %get3A_599 = tpu.vector_load %arg12[%get3A_597, %get3A_598] {strides = array<i32>} : memref<80x128xf32, #tpu.memory_space<vmem>>, vector<1x16xf32>,
        %get3A_600 = vector.shape_cast %get3A_599 : vector<1x16xf32> to vector<16xf32>
        %get3A_601 = arith.index_cast %add3A_481 : i32 to index
        %get3A_602 = arith.constant 80 : index
        %get3A_603 = tpu.vector_load %arg13[%get3A_601, %get3A_602] {strides = array<i32>} : memref<80x128xf32, #tpu.memory_space<vmem>>, vector<1x16xf32>,
        %get3A_604 = vector.shape_cast %get3A_603 : vector<1x16xf32> to vector<16xf32>
        %add3A_605 = arith.addf %get3A_600, %get3A_604 : vector<16xf32>
        %mul3A_606 = vector.broadcast %squeeze3A_475 : f32 to vector<16xf32>
        %mul3A_607 = arith.mulf %mul3A_606, %get3A_22 : vector<16xf32>
        %add3A_608 = arith.addf %add3A_605, %mul3A_607 : vector<16xf32>
        %mul3A_609 = arith.constant 0.00999999977 : f32
        %mul3A_610 = vector.broadcast %mul3A_609 : f32 to vector<16xf32>
        %mul3A_611 = arith.mulf %mul3A_610, %add3A_608 : vector<16xf32>
        %max3A_612 = arith.maximumf %add3A_608, %mul3A_611 : vector<16xf32>
        %mul3A_613 = vector.broadcast %squeeze3A_477 : f32 to vector<16xf32>
        %mul3A_614 = arith.mulf %max3A_612, %mul3A_613 : vector<16xf32>
        %swap3A_615 = arith.index_cast %add3A_481 : i32 to index
        %swap3A_616 = arith.constant 80 : index
        %swap3A_617 = tpu.vector_load %arg12[%swap3A_615, %swap3A_616] {strides = array<i32>} : memref<80x128xf32, #tpu.memory_space<vmem>>, vector<1x16xf32>,
        %swap3A_618 = vector.shape_cast %swap3A_617 : vector<1x16xf32> to vector<16xf32>
        %swap3A_619 = vector.shape_cast %mul3A_614 : vector<16xf32> to vector<1x16xf32>
        tpu.vector_store %arg12[%swap3A_615, %swap3A_616], %swap3A_619 {strides = array<i32>} : memref<80x128xf32, #tpu.memory_space<vmem>>, vector<1x16xf32>,
        %get3A_620 = arith.index_cast %add3A_481 : i32 to index
        %get3A_621 = arith.constant 96 : index
        %get3A_622 = tpu.vector_load %arg12[%get3A_620, %get3A_621] {strides = array<i32>} : memref<80x128xf32, #tpu.memory_space<vmem>>, vector<1x16xf32>,
        %get3A_623 = vector.shape_cast %get3A_622 : vector<1x16xf32> to vector<16xf32>
        %get3A_624 = arith.index_cast %add3A_481 : i32 to index
        %get3A_625 = arith.constant 96 : index
        %get3A_626 = tpu.vector_load %arg13[%get3A_624, %get3A_625] {strides = array<i32>} : memref<80x128xf32, #tpu.memory_space<vmem>>, vector<1x16xf32>,
        %get3A_627 = vector.shape_cast %get3A_626 : vector<1x16xf32> to vector<16xf32>
        %add3A_628 = arith.addf %get3A_623, %get3A_627 : vector<16xf32>
        %mul3A_629 = vector.broadcast %squeeze3A_475 : f32 to vector<16xf32>
        %mul3A_630 = arith.mulf %mul3A_629, %get3A_25 : vector<16xf32>
        %add3A_631 = arith.addf %add3A_628, %mul3A_630 : vector<16xf32>
        %mul3A_632 = arith.constant 0.00999999977 : f32
        %mul3A_633 = vector.broadcast %mul3A_632 : f32 to vector<16xf32>
        %mul3A_634 = arith.mulf %mul3A_633, %add3A_631 : vector<16xf32>
        %max3A_635 = arith.maximumf %add3A_631, %mul3A_634 : vector<16xf32>
        %mul3A_636 = vector.broadcast %squeeze3A_477 : f32 to vector<16xf32>
        %mul3A_637 = arith.mulf %max3A_635, %mul3A_636 : vector<16xf32>
        %swap3A_638 = arith.index_cast %add3A_481 : i32 to index
        %swap3A_639 = arith.constant 96 : index
        %swap3A_640 = tpu.vector_load %arg12[%swap3A_638, %swap3A_639] {strides = array<i32>} : memref<80x128xf32, #tpu.memory_space<vmem>>, vector<1x16xf32>,
        %swap3A_641 = vector.shape_cast %swap3A_640 : vector<1x16xf32> to vector<16xf32>
        %swap3A_642 = vector.shape_cast %mul3A_637 : vector<16xf32> to vector<1x16xf32>
        tpu.vector_store %arg12[%swap3A_638, %swap3A_639], %swap3A_642 {strides = array<i32>} : memref<80x128xf32, #tpu.memory_space<vmem>>, vector<1x16xf32>,
        %get3A_643 = arith.index_cast %add3A_481 : i32 to index
        %get3A_644 = arith.constant 112 : index
        %get3A_645 = tpu.vector_load %arg12[%get3A_643, %get3A_644] {strides = array<i32>} : memref<80x128xf32, #tpu.memory_space<vmem>>, vector<1x16xf32>,
        %get3A_646 = vector.shape_cast %get3A_645 : vector<1x16xf32> to vector<16xf32>
        %get3A_647 = arith.index_cast %add3A_481 : i32 to index
        %get3A_648 = arith.constant 112 : index
        %get3A_649 = tpu.vector_load %arg13[%get3A_647, %get3A_648] {strides = array<i32>} : memref<80x128xf32, #tpu.memory_space<vmem>>, vector<1x16xf32>,
        %get3A_650 = vector.shape_cast %get3A_649 : vector<1x16xf32> to vector<16xf32>
        %add3A_651 = arith.addf %get3A_646, %get3A_650 : vector<16xf32>
        %mul3A_652 = vector.broadcast %squeeze3A_475 : f32 to vector<16xf32>
        %mul3A_653 = arith.mulf %mul3A_652, %get3A_28 : vector<16xf32>
        %add3A_654 = arith.addf %add3A_651, %mul3A_653 : vector<16xf32>
        %mul3A_655 = arith.constant 0.00999999977 : f32
        %mul3A_656 = vector.broadcast %mul3A_655 : f32 to vector<16xf32>
        %mul3A_657 = arith.mulf %mul3A_656, %add3A_654 : vector<16xf32>
        %max3A_658 = arith.maximumf %add3A_654, %mul3A_657 : vector<16xf32>
        %mul3A_659 = vector.broadcast %squeeze3A_477 : f32 to vector<16xf32>
        %mul3A_660 = arith.mulf %max3A_658, %mul3A_659 : vector<16xf32>
        %swap3A_661 = arith.index_cast %add3A_481 : i32 to index
        %swap3A_662 = arith.constant 112 : index
        %swap3A_663 = tpu.vector_load %arg12[%swap3A_661, %swap3A_662] {strides = array<i32>} : memref<80x128xf32, #tpu.memory_space<vmem>>, vector<1x16xf32>,
        %swap3A_664 = vector.shape_cast %swap3A_663 : vector<1x16xf32> to vector<16xf32>
        %swap3A_665 = vector.shape_cast %mul3A_660 : vector<16xf32> to vector<1x16xf32>
        tpu.vector_store %arg12[%swap3A_661, %swap3A_662], %swap3A_665 {strides = array<i32>} : memref<80x128xf32, #tpu.memory_space<vmem>>, vector<1x16xf32>,
        %slice3A_666 = vector.extract_strided_slice %get3A_88 {offsets = [3], sizes = [1], strides = [1]} : vector<16xf32> to vector<1xf32>
        %squeeze3A_667 = vector.extract %slice3A_666[0] : f32 from vector<1xf32>
        %slice3A_668 = vector.extract_strided_slice %select_n3A {offsets = [3], sizes = [1], strides = [1]} : vector<16xf32> to vector<1xf32>
        %squeeze3A_669 = vector.extract %slice3A_668[0] : f32 from vector<1xf32>
        %mul3A_670 = arith.constant 16 : i32
        %mul3A_671 = arith.muli %scan3A_83, %mul3A_670 : i32
        %add3A_672 = arith.constant 3 : i32
        %add3A_673 = arith.addi %mul3A_671, %add3A_672 : i32
        %get3A_674 = arith.index_cast %add3A_673 : i32 to index
        %get3A_675 = arith.constant 0 : index
        %get3A_676 = tpu.vector_load %arg12[%get3A_674, %get3A_675] {strides = array<i32>} : memref<80x128xf32, #tpu.memory_space<vmem>>, vector<1x16xf32>,
        %get3A_677 = vector.shape_cast %get3A_676 : vector<1x16xf32> to vector<16xf32>
        %get3A_678 = arith.index_cast %add3A_673 : i32 to index
        %get3A_679 = arith.constant 0 : index
        %get3A_680 = tpu.vector_load %arg13[%get3A_678, %get3A_679] {strides = array<i32>} : memref<80x128xf32, #tpu.memory_space<vmem>>, vector<1x16xf32>,
        %get3A_681 = vector.shape_cast %get3A_680 : vector<1x16xf32> to vector<16xf32>
        %add3A_682 = arith.addf %get3A_677, %get3A_681 : vector<16xf32>
        %mul3A_683 = vector.broadcast %squeeze3A_667 : f32 to vector<16xf32>
        %mul3A_684 = arith.mulf %mul3A_683, %get3A_7 : vector<16xf32>
        %add3A_685 = arith.addf %add3A_682, %mul3A_684 : vector<16xf32>
        %mul3A_686 = arith.constant 0.00999999977 : f32
        %mul3A_687 = vector.broadcast %mul3A_686 : f32 to vector<16xf32>
        %mul3A_688 = arith.mulf %mul3A_687, %add3A_685 : vector<16xf32>
        %max3A_689 = arith.maximumf %add3A_685, %mul3A_688 : vector<16xf32>
        %mul3A_690 = vector.broadcast %squeeze3A_669 : f32 to vector<16xf32>
        %mul3A_691 = arith.mulf %max3A_689, %mul3A_690 : vector<16xf32>
        %swap3A_692 = arith.index_cast %add3A_673 : i32 to index
        %swap3A_693 = arith.constant 0 : index
        %swap3A_694 = tpu.vector_load %arg12[%swap3A_692, %swap3A_693] {strides = array<i32>} : memref<80x128xf32, #tpu.memory_space<vmem>>, vector<1x16xf32>,
        %swap3A_695 = vector.shape_cast %swap3A_694 : vector<1x16xf32> to vector<16xf32>
        %swap3A_696 = vector.shape_cast %mul3A_691 : vector<16xf32> to vector<1x16xf32>
        tpu.vector_store %arg12[%swap3A_692, %swap3A_693], %swap3A_696 {strides = array<i32>} : memref<80x128xf32, #tpu.memory_space<vmem>>, vector<1x16xf32>,
        %get3A_697 = arith.index_cast %add3A_673 : i32 to index
        %get3A_698 = arith.constant 16 : index
        %get3A_699 = tpu.vector_load %arg12[%get3A_697, %get3A_698] {strides = array<i32>} : memref<80x128xf32, #tpu.memory_space<vmem>>, vector<1x16xf32>,
        %get3A_700 = vector.shape_cast %get3A_699 : vector<1x16xf32> to vector<16xf32>
        %get3A_701 = arith.index_cast %add3A_673 : i32 to index
        %get3A_702 = arith.constant 16 : index
        %get3A_703 = tpu.vector_load %arg13[%get3A_701, %get3A_702] {strides = array<i32>} : memref<80x128xf32, #tpu.memory_space<vmem>>, vector<1x16xf32>,
        %get3A_704 = vector.shape_cast %get3A_703 : vector<1x16xf32> to vector<16xf32>
        %add3A_705 = arith.addf %get3A_700, %get3A_704 : vector<16xf32>
        %mul3A_706 = vector.broadcast %squeeze3A_667 : f32 to vector<16xf32>
        %mul3A_707 = arith.mulf %mul3A_706, %get3A_10 : vector<16xf32>
        %add3A_708 = arith.addf %add3A_705, %mul3A_707 : vector<16xf32>
        %mul3A_709 = arith.constant 0.00999999977 : f32
        %mul3A_710 = vector.broadcast %mul3A_709 : f32 to vector<16xf32>
        %mul3A_711 = arith.mulf %mul3A_710, %add3A_708 : vector<16xf32>
        %max3A_712 = arith.maximumf %add3A_708, %mul3A_711 : vector<16xf32>
        %mul3A_713 = vector.broadcast %squeeze3A_669 : f32 to vector<16xf32>
        %mul3A_714 = arith.mulf %max3A_712, %mul3A_713 : vector<16xf32>
        %swap3A_715 = arith.index_cast %add3A_673 : i32 to index
        %swap3A_716 = arith.constant 16 : index
        %swap3A_717 = tpu.vector_load %arg12[%swap3A_715, %swap3A_716] {strides = array<i32>} : memref<80x128xf32, #tpu.memory_space<vmem>>, vector<1x16xf32>,
        %swap3A_718 = vector.shape_cast %swap3A_717 : vector<1x16xf32> to vector<16xf32>
        %swap3A_719 = vector.shape_cast %mul3A_714 : vector<16xf32> to vector<1x16xf32>
        tpu.vector_store %arg12[%swap3A_715, %swap3A_716], %swap3A_719 {strides = array<i32>} : memref<80x128xf32, #tpu.memory_space<vmem>>, vector<1x16xf32>,
        %get3A_720 = arith.index_cast %add3A_673 : i32 to index
        %get3A_721 = arith.constant 32 : index
        %get3A_722 = tpu.vector_load %arg12[%get3A_720, %get3A_721] {strides = array<i32>} : memref<80x128xf32, #tpu.memory_space<vmem>>, vector<1x16xf32>,
        %get3A_723 = vector.shape_cast %get3A_722 : vector<1x16xf32> to vector<16xf32>
        %get3A_724 = arith.index_cast %add3A_673 : i32 to index
        %get3A_725 = arith.constant 32 : index
        %get3A_726 = tpu.vector_load %arg13[%get3A_724, %get3A_725] {strides = array<i32>} : memref<80x128xf32, #tpu.memory_space<vmem>>, vector<1x16xf32>,
        %get3A_727 = vector.shape_cast %get3A_726 : vector<1x16xf32> to vector<16xf32>
        %add3A_728 = arith.addf %get3A_723, %get3A_727 : vector<16xf32>
        %mul3A_729 = vector.broadcast %squeeze3A_667 : f32 to vector<16xf32>
        %mul3A_730 = arith.mulf %mul3A_729, %get3A_13 : vector<16xf32>
        %add3A_731 = arith.addf %add3A_728, %mul3A_730 : vector<16xf32>
        %mul3A_732 = arith.constant 0.00999999977 : f32
        %mul3A_733 = vector.broadcast %mul3A_732 : f32 to vector<16xf32>
        %mul3A_734 = arith.mulf %mul3A_733, %add3A_731 : vector<16xf32>
        %max3A_735 = arith.maximumf %add3A_731, %mul3A_734 : vector<16xf32>
        %mul3A_736 = vector.broadcast %squeeze3A_669 : f32 to vector<16xf32>
        %mul3A_737 = arith.mulf %max3A_735, %mul3A_736 : vector<16xf32>
        %swap3A_738 = arith.index_cast %add3A_673 : i32 to index
        %swap3A_739 = arith.constant 32 : index
        %swap3A_740 = tpu.vector_load %arg12[%swap3A_738, %swap3A_739] {strides = array<i32>} : memref<80x128xf32, #tpu.memory_space<vmem>>, vector<1x16xf32>,
        %swap3A_741 = vector.shape_cast %swap3A_740 : vector<1x16xf32> to vector<16xf32>
        %swap3A_742 = vector.shape_cast %mul3A_737 : vector<16xf32> to vector<1x16xf32>
        tpu.vector_store %arg12[%swap3A_738, %swap3A_739], %swap3A_742 {strides = array<i32>} : memref<80x128xf32, #tpu.memory_space<vmem>>, vector<1x16xf32>,
        %get3A_743 = arith.index_cast %add3A_673 : i32 to index
        %get3A_744 = arith.constant 48 : index
        %get3A_745 = tpu.vector_load %arg12[%get3A_743, %get3A_744] {strides = array<i32>} : memref<80x128xf32, #tpu.memory_space<vmem>>, vector<1x16xf32>,
        %get3A_746 = vector.shape_cast %get3A_745 : vector<1x16xf32> to vector<16xf32>
        %get3A_747 = arith.index_cast %add3A_673 : i32 to index
        %get3A_748 = arith.constant 48 : index
        %get3A_749 = tpu.vector_load %arg13[%get3A_747, %get3A_748] {strides = array<i32>} : memref<80x128xf32, #tpu.memory_space<vmem>>, vector<1x16xf32>,
        %get3A_750 = vector.shape_cast %get3A_749 : vector<1x16xf32> to vector<16xf32>
        %add3A_751 = arith.addf %get3A_746, %get3A_750 : vector<16xf32>
        %mul3A_752 = vector.broadcast %squeeze3A_667 : f32 to vector<16xf32>
        %mul3A_753 = arith.mulf %mul3A_752, %get3A_16 : vector<16xf32>
        %add3A_754 = arith.addf %add3A_751, %mul3A_753 : vector<16xf32>
        %mul3A_755 = arith.constant 0.00999999977 : f32
        %mul3A_756 = vector.broadcast %mul3A_755 : f32 to vector<16xf32>
        %mul3A_757 = arith.mulf %mul3A_756, %add3A_754 : vector<16xf32>
        %max3A_758 = arith.maximumf %add3A_754, %mul3A_757 : vector<16xf32>
        %mul3A_759 = vector.broadcast %squeeze3A_669 : f32 to vector<16xf32>
        %mul3A_760 = arith.mulf %max3A_758, %mul3A_759 : vector<16xf32>
        %swap3A_761 = arith.index_cast %add3A_673 : i32 to index
        %swap3A_762 = arith.constant 48 : index
        %swap3A_763 = tpu.vector_load %arg12[%swap3A_761, %swap3A_762] {strides = array<i32>} : memref<80x128xf32, #tpu.memory_space<vmem>>, vector<1x16xf32>,
        %swap3A_764 = vector.shape_cast %swap3A_763 : vector<1x16xf32> to vector<16xf32>
        %swap3A_765 = vector.shape_cast %mul3A_760 : vector<16xf32> to vector<1x16xf32>
        tpu.vector_store %arg12[%swap3A_761, %swap3A_762], %swap3A_765 {strides = array<i32>} : memref<80x128xf32, #tpu.memory_space<vmem>>, vector<1x16xf32>,
        %get3A_766 = arith.index_cast %add3A_673 : i32 to index
        %get3A_767 = arith.constant 64 : index
        %get3A_768 = tpu.vector_load %arg12[%get3A_766, %get3A_767] {strides = array<i32>} : memref<80x128xf32, #tpu.memory_space<vmem>>, vector<1x16xf32>,
        %get3A_769 = vector.shape_cast %get3A_768 : vector<1x16xf32> to vector<16xf32>
        %get3A_770 = arith.index_cast %add3A_673 : i32 to index
        %get3A_771 = arith.constant 64 : index
        %get3A_772 = tpu.vector_load %arg13[%get3A_770, %get3A_771] {strides = array<i32>} : memref<80x128xf32, #tpu.memory_space<vmem>>, vector<1x16xf32>,
        %get3A_773 = vector.shape_cast %get3A_772 : vector<1x16xf32> to vector<16xf32>
        %add3A_774 = arith.addf %get3A_769, %get3A_773 : vector<16xf32>
        %mul3A_775 = vector.broadcast %squeeze3A_667 : f32 to vector<16xf32>
        %mul3A_776 = arith.mulf %mul3A_775, %get3A_19 : vector<16xf32>
        %add3A_777 = arith.addf %add3A_774, %mul3A_776 : vector<16xf32>
        %mul3A_778 = arith.constant 0.00999999977 : f32
        %mul3A_779 = vector.broadcast %mul3A_778 : f32 to vector<16xf32>
        %mul3A_780 = arith.mulf %mul3A_779, %add3A_777 : vector<16xf32>
        %max3A_781 = arith.maximumf %add3A_777, %mul3A_780 : vector<16xf32>
        %mul3A_782 = vector.broadcast %squeeze3A_669 : f32 to vector<16xf32>
        %mul3A_783 = arith.mulf %max3A_781, %mul3A_782 : vector<16xf32>
        %swap3A_784 = arith.index_cast %add3A_673 : i32 to index
        %swap3A_785 = arith.constant 64 : index
        %swap3A_786 = tpu.vector_load %arg12[%swap3A_784, %swap3A_785] {strides = array<i32>} : memref<80x128xf32, #tpu.memory_space<vmem>>, vector<1x16xf32>,
        %swap3A_787 = vector.shape_cast %swap3A_786 : vector<1x16xf32> to vector<16xf32>
        %swap3A_788 = vector.shape_cast %mul3A_783 : vector<16xf32> to vector<1x16xf32>
        tpu.vector_store %arg12[%swap3A_784, %swap3A_785], %swap3A_788 {strides = array<i32>} : memref<80x128xf32, #tpu.memory_space<vmem>>, vector<1x16xf32>,
        %get3A_789 = arith.index_cast %add3A_673 : i32 to index
        %get3A_790 = arith.constant 80 : index
        %get3A_791 = tpu.vector_load %arg12[%get3A_789, %get3A_790] {strides = array<i32>} : memref<80x128xf32, #tpu.memory_space<vmem>>, vector<1x16xf32>,
        %get3A_792 = vector.shape_cast %get3A_791 : vector<1x16xf32> to vector<16xf32>
        %get3A_793 = arith.index_cast %add3A_673 : i32 to index
        %get3A_794 = arith.constant 80 : index
        %get3A_795 = tpu.vector_load %arg13[%get3A_793, %get3A_794] {strides = array<i32>} : memref<80x128xf32, #tpu.memory_space<vmem>>, vector<1x16xf32>,
        %get3A_796 = vector.shape_cast %get3A_795 : vector<1x16xf32> to vector<16xf32>
        %add3A_797 = arith.addf %get3A_792, %get3A_796 : vector<16xf32>
        %mul3A_798 = vector.broadcast %squeeze3A_667 : f32 to vector<16xf32>
        %mul3A_799 = arith.mulf %mul3A_798, %get3A_22 : vector<16xf32>
        %add3A_800 = arith.addf %add3A_797, %mul3A_799 : vector<16xf32>
        %mul3A_801 = arith.constant 0.00999999977 : f32
        %mul3A_802 = vector.broadcast %mul3A_801 : f32 to vector<16xf32>
        %mul3A_803 = arith.mulf %mul3A_802, %add3A_800 : vector<16xf32>
        %max3A_804 = arith.maximumf %add3A_800, %mul3A_803 : vector<16xf32>
        %mul3A_805 = vector.broadcast %squeeze3A_669 : f32 to vector<16xf32>
        %mul3A_806 = arith.mulf %max3A_804, %mul3A_805 : vector<16xf32>
        %swap3A_807 = arith.index_cast %add3A_673 : i32 to index
        %swap3A_808 = arith.constant 80 : index
        %swap3A_809 = tpu.vector_load %arg12[%swap3A_807, %swap3A_808] {strides = array<i32>} : memref<80x128xf32, #tpu.memory_space<vmem>>, vector<1x16xf32>,
        %swap3A_810 = vector.shape_cast %swap3A_809 : vector<1x16xf32> to vector<16xf32>
        %swap3A_811 = vector.shape_cast %mul3A_806 : vector<16xf32> to vector<1x16xf32>
        tpu.vector_store %arg12[%swap3A_807, %swap3A_808], %swap3A_811 {strides = array<i32>} : memref<80x128xf32, #tpu.memory_space<vmem>>, vector<1x16xf32>,
        %get3A_812 = arith.index_cast %add3A_673 : i32 to index
        %get3A_813 = arith.constant 96 : index
        %get3A_814 = tpu.vector_load %arg12[%get3A_812, %get3A_813] {strides = array<i32>} : memref<80x128xf32, #tpu.memory_space<vmem>>, vector<1x16xf32>,
        %get3A_815 = vector.shape_cast %get3A_814 : vector<1x16xf32> to vector<16xf32>
        %get3A_816 = arith.index_cast %add3A_673 : i32 to index
        %get3A_817 = arith.constant 96 : index
        %get3A_818 = tpu.vector_load %arg13[%get3A_816, %get3A_817] {strides = array<i32>} : memref<80x128xf32, #tpu.memory_space<vmem>>, vector<1x16xf32>,
        %get3A_819 = vector.shape_cast %get3A_818 : vector<1x16xf32> to vector<16xf32>
        %add3A_820 = arith.addf %get3A_815, %get3A_819 : vector<16xf32>
        %mul3A_821 = vector.broadcast %squeeze3A_667 : f32 to vector<16xf32>
        %mul3A_822 = arith.mulf %mul3A_821, %get3A_25 : vector<16xf32>
        %add3A_823 = arith.addf %add3A_820, %mul3A_822 : vector<16xf32>
        %mul3A_824 = arith.constant 0.00999999977 : f32
        %mul3A_825 = vector.broadcast %mul3A_824 : f32 to vector<16xf32>
        %mul3A_826 = arith.mulf %mul3A_825, %add3A_823 : vector<16xf32>
        %max3A_827 = arith.maximumf %add3A_823, %mul3A_826 : vector<16xf32>
        %mul3A_828 = vector.broadcast %squeeze3A_669 : f32 to vector<16xf32>
        %mul3A_829 = arith.mulf %max3A_827, %mul3A_828 : vector<16xf32>
        %swap3A_830 = arith.index_cast %add3A_673 : i32 to index
        %swap3A_831 = arith.constant 96 : index
        %swap3A_832 = tpu.vector_load %arg12[%swap3A_830, %swap3A_831] {strides = array<i32>} : memref<80x128xf32, #tpu.memory_space<vmem>>, vector<1x16xf32>,
        %swap3A_833 = vector.shape_cast %swap3A_832 : vector<1x16xf32> to vector<16xf32>
        %swap3A_834 = vector.shape_cast %mul3A_829 : vector<16xf32> to vector<1x16xf32>
        tpu.vector_store %arg12[%swap3A_830, %swap3A_831], %swap3A_834 {strides = array<i32>} : memref<80x128xf32, #tpu.memory_space<vmem>>, vector<1x16xf32>,
        %get3A_835 = arith.index_cast %add3A_673 : i32 to index
        %get3A_836 = arith.constant 112 : index
        %get3A_837 = tpu.vector_load %arg12[%get3A_835, %get3A_836] {strides = array<i32>} : memref<80x128xf32, #tpu.memory_space<vmem>>, vector<1x16xf32>,
        %get3A_838 = vector.shape_cast %get3A_837 : vector<1x16xf32> to vector<16xf32>
        %get3A_839 = arith.index_cast %add3A_673 : i32 to index
        %get3A_840 = arith.constant 112 : index
        %get3A_841 = tpu.vector_load %arg13[%get3A_839, %get3A_840] {strides = array<i32>} : memref<80x128xf32, #tpu.memory_space<vmem>>, vector<1x16xf32>,
        %get3A_842 = vector.shape_cast %get3A_841 : vector<1x16xf32> to vector<16xf32>
        %add3A_843 = arith.addf %get3A_838, %get3A_842 : vector<16xf32>
        %mul3A_844 = vector.broadcast %squeeze3A_667 : f32 to vector<16xf32>
        %mul3A_845 = arith.mulf %mul3A_844, %get3A_28 : vector<16xf32>
        %add3A_846 = arith.addf %add3A_843, %mul3A_845 : vector<16xf32>
        %mul3A_847 = arith.constant 0.00999999977 : f32
        %mul3A_848 = vector.broadcast %mul3A_847 : f32 to vector<16xf32>
        %mul3A_849 = arith.mulf %mul3A_848, %add3A_846 : vector<16xf32>
        %max3A_850 = arith.maximumf %add3A_846, %mul3A_849 : vector<16xf32>
        %mul3A_851 = vector.broadcast %squeeze3A_669 : f32 to vector<16xf32>
        %mul3A_852 = arith.mulf %max3A_850, %mul3A_851 : vector<16xf32>
        %swap3A_853 = arith.index_cast %add3A_673 : i32 to index
        %swap3A_854 = arith.constant 112 : index
        %swap3A_855 = tpu.vector_load %arg12[%swap3A_853, %swap3A_854] {strides = array<i32>} : memref<80x128xf32, #tpu.memory_space<vmem>>, vector<1x16xf32>,
        %swap3A_856 = vector.shape_cast %swap3A_855 : vector<1x16xf32> to vector<16xf32>
        %swap3A_857 = vector.shape_cast %mul3A_852 : vector<16xf32> to vector<1x16xf32>
        tpu.vector_store %arg12[%swap3A_853, %swap3A_854], %swap3A_857 {strides = array<i32>} : memref<80x128xf32, #tpu.memory_space<vmem>>, vector<1x16xf32>,
        %slice3A_858 = vector.extract_strided_slice %get3A_88 {offsets = [4], sizes = [1], strides = [1]} : vector<16xf32> to vector<1xf32>
        %squeeze3A_859 = vector.extract %slice3A_858[0] : f32 from vector<1xf32>
        %slice3A_860 = vector.extract_strided_slice %select_n3A {offsets = [4], sizes = [1], strides = [1]} : vector<16xf32> to vector<1xf32>
        %squeeze3A_861 = vector.extract %slice3A_860[0] : f32 from vector<1xf32>
        %mul3A_862 = arith.constant 16 : i32
        %mul3A_863 = arith.muli %scan3A_83, %mul3A_862 : i32
        %add3A_864 = arith.constant 4 : i32
        %add3A_865 = arith.addi %mul3A_863, %add3A_864 : i32
        %get3A_866 = arith.index_cast %add3A_865 : i32 to index
        %get3A_867 = arith.constant 0 : index
        %get3A_868 = tpu.vector_load %arg12[%get3A_866, %get3A_867] {strides = array<i32>} : memref<80x128xf32, #tpu.memory_space<vmem>>, vector<1x16xf32>,
        %get3A_869 = vector.shape_cast %get3A_868 : vector<1x16xf32> to vector<16xf32>
        %get3A_870 = arith.index_cast %add3A_865 : i32 to index
        %get3A_871 = arith.constant 0 : index
        %get3A_872 = tpu.vector_load %arg13[%get3A_870, %get3A_871] {strides = array<i32>} : memref<80x128xf32, #tpu.memory_space<vmem>>, vector<1x16xf32>,
        %get3A_873 = vector.shape_cast %get3A_872 : vector<1x16xf32> to vector<16xf32>
        %add3A_874 = arith.addf %get3A_869, %get3A_873 : vector<16xf32>
        %mul3A_875 = vector.broadcast %squeeze3A_859 : f32 to vector<16xf32>
        %mul3A_876 = arith.mulf %mul3A_875, %get3A_7 : vector<16xf32>
        %add3A_877 = arith.addf %add3A_874, %mul3A_876 : vector<16xf32>
        %mul3A_878 = arith.constant 0.00999999977 : f32
        %mul3A_879 = vector.broadcast %mul3A_878 : f32 to vector<16xf32>
        %mul3A_880 = arith.mulf %mul3A_879, %add3A_877 : vector<16xf32>
        %max3A_881 = arith.maximumf %add3A_877, %mul3A_880 : vector<16xf32>
        %mul3A_882 = vector.broadcast %squeeze3A_861 : f32 to vector<16xf32>
        %mul3A_883 = arith.mulf %max3A_881, %mul3A_882 : vector<16xf32>
        %swap3A_884 = arith.index_cast %add3A_865 : i32 to index
        %swap3A_885 = arith.constant 0 : index
        %swap3A_886 = tpu.vector_load %arg12[%swap3A_884, %swap3A_885] {strides = array<i32>} : memref<80x128xf32, #tpu.memory_space<vmem>>, vector<1x16xf32>,
        %swap3A_887 = vector.shape_cast %swap3A_886 : vector<1x16xf32> to vector<16xf32>
        %swap3A_888 = vector.shape_cast %mul3A_883 : vector<16xf32> to vector<1x16xf32>
        tpu.vector_store %arg12[%swap3A_884, %swap3A_885], %swap3A_888 {strides = array<i32>} : memref<80x128xf32, #tpu.memory_space<vmem>>, vector<1x16xf32>,
        %get3A_889 = arith.index_cast %add3A_865 : i32 to index
        %get3A_890 = arith.constant 16 : index
        %get3A_891 = tpu.vector_load %arg12[%get3A_889, %get3A_890] {strides = array<i32>} : memref<80x128xf32, #tpu.memory_space<vmem>>, vector<1x16xf32>,
        %get3A_892 = vector.shape_cast %get3A_891 : vector<1x16xf32> to vector<16xf32>
        %get3A_893 = arith.index_cast %add3A_865 : i32 to index
        %get3A_894 = arith.constant 16 : index
        %get3A_895 = tpu.vector_load %arg13[%get3A_893, %get3A_894] {strides = array<i32>} : memref<80x128xf32, #tpu.memory_space<vmem>>, vector<1x16xf32>,
        %get3A_896 = vector.shape_cast %get3A_895 : vector<1x16xf32> to vector<16xf32>
        %add3A_897 = arith.addf %get3A_892, %get3A_896 : vector<16xf32>
        %mul3A_898 = vector.broadcast %squeeze3A_859 : f32 to vector<16xf32>
        %mul3A_899 = arith.mulf %mul3A_898, %get3A_10 : vector<16xf32>
        %add3A_900 = arith.addf %add3A_897, %mul3A_899 : vector<16xf32>
        %mul3A_901 = arith.constant 0.00999999977 : f32
        %mul3A_902 = vector.broadcast %mul3A_901 : f32 to vector<16xf32>
        %mul3A_903 = arith.mulf %mul3A_902, %add3A_900 : vector<16xf32>
        %max3A_904 = arith.maximumf %add3A_900, %mul3A_903 : vector<16xf32>
        %mul3A_905 = vector.broadcast %squeeze3A_861 : f32 to vector<16xf32>
        %mul3A_906 = arith.mulf %max3A_904, %mul3A_905 : vector<16xf32>
        %swap3A_907 = arith.index_cast %add3A_865 : i32 to index
        %swap3A_908 = arith.constant 16 : index
        %swap3A_909 = tpu.vector_load %arg12[%swap3A_907, %swap3A_908] {strides = array<i32>} : memref<80x128xf32, #tpu.memory_space<vmem>>, vector<1x16xf32>,
        %swap3A_910 = vector.shape_cast %swap3A_909 : vector<1x16xf32> to vector<16xf32>
        %swap3A_911 = vector.shape_cast %mul3A_906 : vector<16xf32> to vector<1x16xf32>
        tpu.vector_store %arg12[%swap3A_907, %swap3A_908], %swap3A_911 {strides = array<i32>} : memref<80x128xf32, #tpu.memory_space<vmem>>, vector<1x16xf32>,
        %get3A_912 = arith.index_cast %add3A_865 : i32 to index
        %get3A_913 = arith.constant 32 : index
        %get3A_914 = tpu.vector_load %arg12[%get3A_912, %get3A_913] {strides = array<i32>} : memref<80x128xf32, #tpu.memory_space<vmem>>, vector<1x16xf32>,
        %get3A_915 = vector.shape_cast %get3A_914 : vector<1x16xf32> to vector<16xf32>
        %get3A_916 = arith.index_cast %add3A_865 : i32 to index
        %get3A_917 = arith.constant 32 : index
        %get3A_918 = tpu.vector_load %arg13[%get3A_916, %get3A_917] {strides = array<i32>} : memref<80x128xf32, #tpu.memory_space<vmem>>, vector<1x16xf32>,
        %get3A_919 = vector.shape_cast %get3A_918 : vector<1x16xf32> to vector<16xf32>
        %add3A_920 = arith.addf %get3A_915, %get3A_919 : vector<16xf32>
        %mul3A_921 = vector.broadcast %squeeze3A_859 : f32 to vector<16xf32>
        %mul3A_922 = arith.mulf %mul3A_921, %get3A_13 : vector<16xf32>
        %add3A_923 = arith.addf %add3A_920, %mul3A_922 : vector<16xf32>
        %mul3A_924 = arith.constant 0.00999999977 : f32
        %mul3A_925 = vector.broadcast %mul3A_924 : f32 to vector<16xf32>
        %mul3A_926 = arith.mulf %mul3A_925, %add3A_923 : vector<16xf32>
        %max3A_927 = arith.maximumf %add3A_923, %mul3A_926 : vector<16xf32>
        %mul3A_928 = vector.broadcast %squeeze3A_861 : f32 to vector<16xf32>
        %mul3A_929 = arith.mulf %max3A_927, %mul3A_928 : vector<16xf32>
        %swap3A_930 = arith.index_cast %add3A_865 : i32 to index
        %swap3A_931 = arith.constant 32 : index
        %swap3A_932 = tpu.vector_load %arg12[%swap3A_930, %swap3A_931] {strides = array<i32>} : memref<80x128xf32, #tpu.memory_space<vmem>>, vector<1x16xf32>,
        %swap3A_933 = vector.shape_cast %swap3A_932 : vector<1x16xf32> to vector<16xf32>
        %swap3A_934 = vector.shape_cast %mul3A_929 : vector<16xf32> to vector<1x16xf32>
        tpu.vector_store %arg12[%swap3A_930, %swap3A_931], %swap3A_934 {strides = array<i32>} : memref<80x128xf32, #tpu.memory_space<vmem>>, vector<1x16xf32>,
        %get3A_935 = arith.index_cast %add3A_865 : i32 to index
        %get3A_936 = arith.constant 48 : index
        %get3A_937 = tpu.vector_load %arg12[%get3A_935, %get3A_936] {strides = array<i32>} : memref<80x128xf32, #tpu.memory_space<vmem>>, vector<1x16xf32>,
        %get3A_938 = vector.shape_cast %get3A_937 : vector<1x16xf32> to vector<16xf32>
        %get3A_939 = arith.index_cast %add3A_865 : i32 to index
        %get3A_940 = arith.constant 48 : index
        %get3A_941 = tpu.vector_load %arg13[%get3A_939, %get3A_940] {strides = array<i32>} : memref<80x128xf32, #tpu.memory_space<vmem>>, vector<1x16xf32>,
        %get3A_942 = vector.shape_cast %get3A_941 : vector<1x16xf32> to vector<16xf32>
        %add3A_943 = arith.addf %get3A_938, %get3A_942 : vector<16xf32>
        %mul3A_944 = vector.broadcast %squeeze3A_859 : f32 to vector<16xf32>
        %mul3A_945 = arith.mulf %mul3A_944, %get3A_16 : vector<16xf32>
        %add3A_946 = arith.addf %add3A_943, %mul3A_945 : vector<16xf32>
        %mul3A_947 = arith.constant 0.00999999977 : f32
        %mul3A_948 = vector.broadcast %mul3A_947 : f32 to vector<16xf32>
        %mul3A_949 = arith.mulf %mul3A_948, %add3A_946 : vector<16xf32>
        %max3A_950 = arith.maximumf %add3A_946, %mul3A_949 : vector<16xf32>
        %mul3A_951 = vector.broadcast %squeeze3A_861 : f32 to vector<16xf32>
        %mul3A_952 = arith.mulf %max3A_950, %mul3A_951 : vector<16xf32>
        %swap3A_953 = arith.index_cast %add3A_865 : i32 to index
        %swap3A_954 = arith.constant 48 : index
        %swap3A_955 = tpu.vector_load %arg12[%swap3A_953, %swap3A_954] {strides = array<i32>} : memref<80x128xf32, #tpu.memory_space<vmem>>, vector<1x16xf32>,
        %swap3A_956 = vector.shape_cast %swap3A_955 : vector<1x16xf32> to vector<16xf32>
        %swap3A_957 = vector.shape_cast %mul3A_952 : vector<16xf32> to vector<1x16xf32>
        tpu.vector_store %arg12[%swap3A_953, %swap3A_954], %swap3A_957 {strides = array<i32>} : memref<80x128xf32, #tpu.memory_space<vmem>>, vector<1x16xf32>,
        %get3A_958 = arith.index_cast %add3A_865 : i32 to index
        %get3A_959 = arith.constant 64 : index
        %get3A_960 = tpu.vector_load %arg12[%get3A_958, %get3A_959] {strides = array<i32>} : memref<80x128xf32, #tpu.memory_space<vmem>>, vector<1x16xf32>,
        %get3A_961 = vector.shape_cast %get3A_960 : vector<1x16xf32> to vector<16xf32>
        %get3A_962 = arith.index_cast %add3A_865 : i32 to index
        %get3A_963 = arith.constant 64 : index
        %get3A_964 = tpu.vector_load %arg13[%get3A_962, %get3A_963] {strides = array<i32>} : memref<80x128xf32, #tpu.memory_space<vmem>>, vector<1x16xf32>,
        %get3A_965 = vector.shape_cast %get3A_964 : vector<1x16xf32> to vector<16xf32>
        %add3A_966 = arith.addf %get3A_961, %get3A_965 : vector<16xf32>
        %mul3A_967 = vector.broadcast %squeeze3A_859 : f32 to vector<16xf32>
        %mul3A_968 = arith.mulf %mul3A_967, %get3A_19 : vector<16xf32>
        %add3A_969 = arith.addf %add3A_966, %mul3A_968 : vector<16xf32>
        %mul3A_970 = arith.constant 0.00999999977 : f32
        %mul3A_971 = vector.broadcast %mul3A_970 : f32 to vector<16xf32>
        %mul3A_972 = arith.mulf %mul3A_971, %add3A_969 : vector<16xf32>
        %max3A_973 = arith.maximumf %add3A_969, %mul3A_972 : vector<16xf32>
        %mul3A_974 = vector.broadcast %squeeze3A_861 : f32 to vector<16xf32>
        %mul3A_975 = arith.mulf %max3A_973, %mul3A_974 : vector<16xf32>
        %swap3A_976 = arith.index_cast %add3A_865 : i32 to index
        %swap3A_977 = arith.constant 64 : index
        %swap3A_978 = tpu.vector_load %arg12[%swap3A_976, %swap3A_977] {strides = array<i32>} : memref<80x128xf32, #tpu.memory_space<vmem>>, vector<1x16xf32>,
        %swap3A_979 = vector.shape_cast %swap3A_978 : vector<1x16xf32> to vector<16xf32>
        %swap3A_980 = vector.shape_cast %mul3A_975 : vector<16xf32> to vector<1x16xf32>
        tpu.vector_store %arg12[%swap3A_976, %swap3A_977], %swap3A_980 {strides = array<i32>} : memref<80x128xf32, #tpu.memory_space<vmem>>, vector<1x16xf32>,
        %get3A_981 = arith.index_cast %add3A_865 : i32 to index
        %get3A_982 = arith.constant 80 : index
        %get3A_983 = tpu.vector_load %arg12[%get3A_981, %get3A_982] {strides = array<i32>} : memref<80x128xf32, #tpu.memory_space<vmem>>, vector<1x16xf32>,
        %get3A_984 = vector.shape_cast %get3A_983 : vector<1x16xf32> to vector<16xf32>
        %get3A_985 = arith.index_cast %add3A_865 : i32 to index
        %get3A_986 = arith.constant 80 : index
        %get3A_987 = tpu.vector_load %arg13[%get3A_985, %get3A_986] {strides = array<i32>} : memref<80x128xf32, #tpu.memory_space<vmem>>, vector<1x16xf32>,
        %get3A_988 = vector.shape_cast %get3A_987 : vector<1x16xf32> to vector<16xf32>
        %add3A_989 = arith.addf %get3A_984, %get3A_988 : vector<16xf32>
        %mul3A_990 = vector.broadcast %squeeze3A_859 : f32 to vector<16xf32>
        %mul3A_991 = arith.mulf %mul3A_990, %get3A_22 : vector<16xf32>
        %add3A_992 = arith.addf %add3A_989, %mul3A_991 : vector<16xf32>
        %mul3A_993 = arith.constant 0.00999999977 : f32
        %mul3A_994 = vector.broadcast %mul3A_993 : f32 to vector<16xf32>
        %mul3A_995 = arith.mulf %mul3A_994, %add3A_992 : vector<16xf32>
        %max3A_996 = arith.maximumf %add3A_992, %mul3A_995 : vector<16xf32>
        %mul3A_997 = vector.broadcast %squeeze3A_861 : f32 to vector<16xf32>
        %mul3A_998 = arith.mulf %max3A_996, %mul3A_997 : vector<16xf32>
        %swap3A_999 = arith.index_cast %add3A_865 : i32 to index
        %swap3A_1000 = arith.constant 80 : index
        %swap3A_1001 = tpu.vector_load %arg12[%swap3A_999, %swap3A_1000] {strides = array<i32>} : memref<80x128xf32, #tpu.memory_space<vmem>>, vector<1x16xf32>,
        %swap3A_1002 = vector.shape_cast %swap3A_1001 : vector<1x16xf32> to vector<16xf32>
        %swap3A_1003 = vector.shape_cast %mul3A_998 : vector<16xf32> to vector<1x16xf32>
        tpu.vector_store %arg12[%swap3A_999, %swap3A_1000], %swap3A_1003 {strides = array<i32>} : memref<80x128xf32, #tpu.memory_space<vmem>>, vector<1x16xf32>,
        %get3A_1004 = arith.index_cast %add3A_865 : i32 to index
        %get3A_1005 = arith.constant 96 : index
        %get3A_1006 = tpu.vector_load %arg12[%get3A_1004, %get3A_1005] {strides = array<i32>} : memref<80x128xf32, #tpu.memory_space<vmem>>, vector<1x16xf32>,
        %get3A_1007 = vector.shape_cast %get3A_1006 : vector<1x16xf32> to vector<16xf32>
        %get3A_1008 = arith.index_cast %add3A_865 : i32 to index
        %get3A_1009 = arith.constant 96 : index
        %get3A_1010 = tpu.vector_load %arg13[%get3A_1008, %get3A_1009] {strides = array<i32>} : memref<80x128xf32, #tpu.memory_space<vmem>>, vector<1x16xf32>,
        %get3A_1011 = vector.shape_cast %get3A_1010 : vector<1x16xf32> to vector<16xf32>
        %add3A_1012 = arith.addf %get3A_1007, %get3A_1011 : vector<16xf32>
        %mul3A_1013 = vector.broadcast %squeeze3A_859 : f32 to vector<16xf32>
        %mul3A_1014 = arith.mulf %mul3A_1013, %get3A_25 : vector<16xf32>
        %add3A_1015 = arith.addf %add3A_1012, %mul3A_1014 : vector<16xf32>
        %mul3A_1016 = arith.constant 0.00999999977 : f32
        %mul3A_1017 = vector.broadcast %mul3A_1016 : f32 to vector<16xf32>
        %mul3A_1018 = arith.mulf %mul3A_1017, %add3A_1015 : vector<16xf32>
        %max3A_1019 = arith.maximumf %add3A_1015, %mul3A_1018 : vector<16xf32>
        %mul3A_1020 = vector.broadcast %squeeze3A_861 : f32 to vector<16xf32>
        %mul3A_1021 = arith.mulf %max3A_1019, %mul3A_1020 : vector<16xf32>
        %swap3A_1022 = arith.index_cast %add3A_865 : i32 to index
        %swap3A_1023 = arith.constant 96 : index
        %swap3A_1024 = tpu.vector_load %arg12[%swap3A_1022, %swap3A_1023] {strides = array<i32>} : memref<80x128xf32, #tpu.memory_space<vmem>>, vector<1x16xf32>,
        %swap3A_1025 = vector.shape_cast %swap3A_1024 : vector<1x16xf32> to vector<16xf32>
        %swap3A_1026 = vector.shape_cast %mul3A_1021 : vector<16xf32> to vector<1x16xf32>
        tpu.vector_store %arg12[%swap3A_1022, %swap3A_1023], %swap3A_1026 {strides = array<i32>} : memref<80x128xf32, #tpu.memory_space<vmem>>, vector<1x16xf32>,
        %get3A_1027 = arith.index_cast %add3A_865 : i32 to index
        %get3A_1028 = arith.constant 112 : index
        %get3A_1029 = tpu.vector_load %arg12[%get3A_1027, %get3A_1028] {strides = array<i32>} : memref<80x128xf32, #tpu.memory_space<vmem>>, vector<1x16xf32>,
        %get3A_1030 = vector.shape_cast %get3A_1029 : vector<1x16xf32> to vector<16xf32>
        %get3A_1031 = arith.index_cast %add3A_865 : i32 to index
        %get3A_1032 = arith.constant 112 : index
        %get3A_1033 = tpu.vector_load %arg13[%get3A_1031, %get3A_1032] {strides = array<i32>} : memref<80x128xf32, #tpu.memory_space<vmem>>, vector<1x16xf32>,
        %get3A_1034 = vector.shape_cast %get3A_1033 : vector<1x16xf32> to vector<16xf32>
        %add3A_1035 = arith.addf %get3A_1030, %get3A_1034 : vector<16xf32>
        %mul3A_1036 = vector.broadcast %squeeze3A_859 : f32 to vector<16xf32>
        %mul3A_1037 = arith.mulf %mul3A_1036, %get3A_28 : vector<16xf32>
        %add3A_1038 = arith.addf %add3A_1035, %mul3A_1037 : vector<16xf32>
        %mul3A_1039 = arith.constant 0.00999999977 : f32
        %mul3A_1040 = vector.broadcast %mul3A_1039 : f32 to vector<16xf32>
        %mul3A_1041 = arith.mulf %mul3A_1040, %add3A_1038 : vector<16xf32>
        %max3A_1042 = arith.maximumf %add3A_1038, %mul3A_1041 : vector<16xf32>
        %mul3A_1043 = vector.broadcast %squeeze3A_861 : f32 to vector<16xf32>
        %mul3A_1044 = arith.mulf %max3A_1042, %mul3A_1043 : vector<16xf32>
        %swap3A_1045 = arith.index_cast %add3A_865 : i32 to index
        %swap3A_1046 = arith.constant 112 : index
        %swap3A_1047 = tpu.vector_load %arg12[%swap3A_1045, %swap3A_1046] {strides = array<i32>} : memref<80x128xf32, #tpu.memory_space<vmem>>, vector<1x16xf32>,
        %swap3A_1048 = vector.shape_cast %swap3A_1047 : vector<1x16xf32> to vector<16xf32>
        %swap3A_1049 = vector.shape_cast %mul3A_1044 : vector<16xf32> to vector<1x16xf32>
        tpu.vector_store %arg12[%swap3A_1045, %swap3A_1046], %swap3A_1049 {strides = array<i32>} : memref<80x128xf32, #tpu.memory_space<vmem>>, vector<1x16xf32>,
        %slice3A_1050 = vector.extract_strided_slice %get3A_88 {offsets = [5], sizes = [1], strides = [1]} : vector<16xf32> to vector<1xf32>
        %squeeze3A_1051 = vector.extract %slice3A_1050[0] : f32 from vector<1xf32>
        %slice3A_1052 = vector.extract_strided_slice %select_n3A {offsets = [5], sizes = [1], strides = [1]} : vector<16xf32> to vector<1xf32>
        %squeeze3A_1053 = vector.extract %slice3A_1052[0] : f32 from vector<1xf32>
        %mul3A_1054 = arith.constant 16 : i32
        %mul3A_1055 = arith.muli %scan3A_83, %mul3A_1054 : i32
        %add3A_1056 = arith.constant 5 : i32
        %add3A_1057 = arith.addi %mul3A_1055, %add3A_1056 : i32
        %get3A_1058 = arith.index_cast %add3A_1057 : i32 to index
        %get3A_1059 = arith.constant 0 : index
        %get3A_1060 = tpu.vector_load %arg12[%get3A_1058, %get3A_1059] {strides = array<i32>} : memref<80x128xf32, #tpu.memory_space<vmem>>, vector<1x16xf32>,
        %get3A_1061 = vector.shape_cast %get3A_1060 : vector<1x16xf32> to vector<16xf32>
        %get3A_1062 = arith.index_cast %add3A_1057 : i32 to index
        %get3A_1063 = arith.constant 0 : index
        %get3A_1064 = tpu.vector_load %arg13[%get3A_1062, %get3A_1063] {strides = array<i32>} : memref<80x128xf32, #tpu.memory_space<vmem>>, vector<1x16xf32>,
        %get3A_1065 = vector.shape_cast %get3A_1064 : vector<1x16xf32> to vector<16xf32>
        %add3A_1066 = arith.addf %get3A_1061, %get3A_1065 : vector<16xf32>
        %mul3A_1067 = vector.broadcast %squeeze3A_1051 : f32 to vector<16xf32>
        %mul3A_1068 = arith.mulf %mul3A_1067, %get3A_7 : vector<16xf32>
        %add3A_1069 = arith.addf %add3A_1066, %mul3A_1068 : vector<16xf32>
        %mul3A_1070 = arith.constant 0.00999999977 : f32
        %mul3A_1071 = vector.broadcast %mul3A_1070 : f32 to vector<16xf32>
        %mul3A_1072 = arith.mulf %mul3A_1071, %add3A_1069 : vector<16xf32>
        %max3A_1073 = arith.maximumf %add3A_1069, %mul3A_1072 : vector<16xf32>
        %mul3A_1074 = vector.broadcast %squeeze3A_1053 : f32 to vector<16xf32>
        %mul3A_1075 = arith.mulf %max3A_1073, %mul3A_1074 : vector<16xf32>
        %swap3A_1076 = arith.index_cast %add3A_1057 : i32 to index
        %swap3A_1077 = arith.constant 0 : index
        %swap3A_1078 = tpu.vector_load %arg12[%swap3A_1076, %swap3A_1077] {strides = array<i32>} : memref<80x128xf32, #tpu.memory_space<vmem>>, vector<1x16xf32>,
        %swap3A_1079 = vector.shape_cast %swap3A_1078 : vector<1x16xf32> to vector<16xf32>
        %swap3A_1080 = vector.shape_cast %mul3A_1075 : vector<16xf32> to vector<1x16xf32>
        tpu.vector_store %arg12[%swap3A_1076, %swap3A_1077], %swap3A_1080 {strides = array<i32>} : memref<80x128xf32, #tpu.memory_space<vmem>>, vector<1x16xf32>,
        %get3A_1081 = arith.index_cast %add3A_1057 : i32 to index
        %get3A_1082 = arith.constant 16 : index
        %get3A_1083 = tpu.vector_load %arg12[%get3A_1081, %get3A_1082] {strides = array<i32>} : memref<80x128xf32, #tpu.memory_space<vmem>>, vector<1x16xf32>,
        %get3A_1084 = vector.shape_cast %get3A_1083 : vector<1x16xf32> to vector<16xf32>
        %get3A_1085 = arith.index_cast %add3A_1057 : i32 to index
        %get3A_1086 = arith.constant 16 : index
        %get3A_1087 = tpu.vector_load %arg13[%get3A_1085, %get3A_1086] {strides = array<i32>} : memref<80x128xf32, #tpu.memory_space<vmem>>, vector<1x16xf32>,
        %get3A_1088 = vector.shape_cast %get3A_1087 : vector<1x16xf32> to vector<16xf32>
        %add3A_1089 = arith.addf %get3A_1084, %get3A_1088 : vector<16xf32>
        %mul3A_1090 = vector.broadcast %squeeze3A_1051 : f32 to vector<16xf32>
        %mul3A_1091 = arith.mulf %mul3A_1090, %get3A_10 : vector<16xf32>
        %add3A_1092 = arith.addf %add3A_1089, %mul3A_1091 : vector<16xf32>
        %mul3A_1093 = arith.constant 0.00999999977 : f32
        %mul3A_1094 = vector.broadcast %mul3A_1093 : f32 to vector<16xf32>
        %mul3A_1095 = arith.mulf %mul3A_1094, %add3A_1092 : vector<16xf32>
        %max3A_1096 = arith.maximumf %add3A_1092, %mul3A_1095 : vector<16xf32>
        %mul3A_1097 = vector.broadcast %squeeze3A_1053 : f32 to vector<16xf32>
        %mul3A_1098 = arith.mulf %max3A_1096, %mul3A_1097 : vector<16xf32>
        %swap3A_1099 = arith.index_cast %add3A_1057 : i32 to index
        %swap3A_1100 = arith.constant 16 : index
        %swap3A_1101 = tpu.vector_load %arg12[%swap3A_1099, %swap3A_1100] {strides = array<i32>} : memref<80x128xf32, #tpu.memory_space<vmem>>, vector<1x16xf32>,
        %swap3A_1102 = vector.shape_cast %swap3A_1101 : vector<1x16xf32> to vector<16xf32>
        %swap3A_1103 = vector.shape_cast %mul3A_1098 : vector<16xf32> to vector<1x16xf32>
        tpu.vector_store %arg12[%swap3A_1099, %swap3A_1100], %swap3A_1103 {strides = array<i32>} : memref<80x128xf32, #tpu.memory_space<vmem>>, vector<1x16xf32>,
        %get3A_1104 = arith.index_cast %add3A_1057 : i32 to index
        %get3A_1105 = arith.constant 32 : index
        %get3A_1106 = tpu.vector_load %arg12[%get3A_1104, %get3A_1105] {strides = array<i32>} : memref<80x128xf32, #tpu.memory_space<vmem>>, vector<1x16xf32>,
        %get3A_1107 = vector.shape_cast %get3A_1106 : vector<1x16xf32> to vector<16xf32>
        %get3A_1108 = arith.index_cast %add3A_1057 : i32 to index
        %get3A_1109 = arith.constant 32 : index
        %get3A_1110 = tpu.vector_load %arg13[%get3A_1108, %get3A_1109] {strides = array<i32>} : memref<80x128xf32, #tpu.memory_space<vmem>>, vector<1x16xf32>,
        %get3A_1111 = vector.shape_cast %get3A_1110 : vector<1x16xf32> to vector<16xf32>
        %add3A_1112 = arith.addf %get3A_1107, %get3A_1111 : vector<16xf32>
        %mul3A_1113 = vector.broadcast %squeeze3A_1051 : f32 to vector<16xf32>
        %mul3A_1114 = arith.mulf %mul3A_1113, %get3A_13 : vector<16xf32>
        %add3A_1115 = arith.addf %add3A_1112, %mul3A_1114 : vector<16xf32>
        %mul3A_1116 = arith.constant 0.00999999977 : f32
        %mul3A_1117 = vector.broadcast %mul3A_1116 : f32 to vector<16xf32>
        %mul3A_1118 = arith.mulf %mul3A_1117, %add3A_1115 : vector<16xf32>
        %max3A_1119 = arith.maximumf %add3A_1115, %mul3A_1118 : vector<16xf32>
        %mul3A_1120 = vector.broadcast %squeeze3A_1053 : f32 to vector<16xf32>
        %mul3A_1121 = arith.mulf %max3A_1119, %mul3A_1120 : vector<16xf32>
        %swap3A_1122 = arith.index_cast %add3A_1057 : i32 to index
        %swap3A_1123 = arith.constant 32 : index
        %swap3A_1124 = tpu.vector_load %arg12[%swap3A_1122, %swap3A_1123] {strides = array<i32>} : memref<80x128xf32, #tpu.memory_space<vmem>>, vector<1x16xf32>,
        %swap3A_1125 = vector.shape_cast %swap3A_1124 : vector<1x16xf32> to vector<16xf32>
        %swap3A_1126 = vector.shape_cast %mul3A_1121 : vector<16xf32> to vector<1x16xf32>
        tpu.vector_store %arg12[%swap3A_1122, %swap3A_1123], %swap3A_1126 {strides = array<i32>} : memref<80x128xf32, #tpu.memory_space<vmem>>, vector<1x16xf32>,
        %get3A_1127 = arith.index_cast %add3A_1057 : i32 to index
        %get3A_1128 = arith.constant 48 : index
        %get3A_1129 = tpu.vector_load %arg12[%get3A_1127, %get3A_1128] {strides = array<i32>} : memref<80x128xf32, #tpu.memory_space<vmem>>, vector<1x16xf32>,
        %get3A_1130 = vector.shape_cast %get3A_1129 : vector<1x16xf32> to vector<16xf32>
        %get3A_1131 = arith.index_cast %add3A_1057 : i32 to index
        %get3A_1132 = arith.constant 48 : index
        %get3A_1133 = tpu.vector_load %arg13[%get3A_1131, %get3A_1132] {strides = array<i32>} : memref<80x128xf32, #tpu.memory_space<vmem>>, vector<1x16xf32>,
        %get3A_1134 = vector.shape_cast %get3A_1133 : vector<1x16xf32> to vector<16xf32>
        %add3A_1135 = arith.addf %get3A_1130, %get3A_1134 : vector<16xf32>
        %mul3A_1136 = vector.broadcast %squeeze3A_1051 : f32 to vector<16xf32>
        %mul3A_1137 = arith.mulf %mul3A_1136, %get3A_16 : vector<16xf32>
        %add3A_1138 = arith.addf %add3A_1135, %mul3A_1137 : vector<16xf32>
        %mul3A_1139 = arith.constant 0.00999999977 : f32
        %mul3A_1140 = vector.broadcast %mul3A_1139 : f32 to vector<16xf32>
        %mul3A_1141 = arith.mulf %mul3A_1140, %add3A_1138 : vector<16xf32>
        %max3A_1142 = arith.maximumf %add3A_1138, %mul3A_1141 : vector<16xf32>
        %mul3A_1143 = vector.broadcast %squeeze3A_1053 : f32 to vector<16xf32>
        %mul3A_1144 = arith.mulf %max3A_1142, %mul3A_1143 : vector<16xf32>
        %swap3A_1145 = arith.index_cast %add3A_1057 : i32 to index
        %swap3A_1146 = arith.constant 48 : index
        %swap3A_1147 = tpu.vector_load %arg12[%swap3A_1145, %swap3A_1146] {strides = array<i32>} : memref<80x128xf32, #tpu.memory_space<vmem>>, vector<1x16xf32>,
        %swap3A_1148 = vector.shape_cast %swap3A_1147 : vector<1x16xf32> to vector<16xf32>
        %swap3A_1149 = vector.shape_cast %mul3A_1144 : vector<16xf32> to vector<1x16xf32>
        tpu.vector_store %arg12[%swap3A_1145, %swap3A_1146], %swap3A_1149 {strides = array<i32>} : memref<80x128xf32, #tpu.memory_space<vmem>>, vector<1x16xf32>,
        %get3A_1150 = arith.index_cast %add3A_1057 : i32 to index
        %get3A_1151 = arith.constant 64 : index
        %get3A_1152 = tpu.vector_load %arg12[%get3A_1150, %get3A_1151] {strides = array<i32>} : memref<80x128xf32, #tpu.memory_space<vmem>>, vector<1x16xf32>,
        %get3A_1153 = vector.shape_cast %get3A_1152 : vector<1x16xf32> to vector<16xf32>
        %get3A_1154 = arith.index_cast %add3A_1057 : i32 to index
        %get3A_1155 = arith.constant 64 : index
        %get3A_1156 = tpu.vector_load %arg13[%get3A_1154, %get3A_1155] {strides = array<i32>} : memref<80x128xf32, #tpu.memory_space<vmem>>, vector<1x16xf32>,
        %get3A_1157 = vector.shape_cast %get3A_1156 : vector<1x16xf32> to vector<16xf32>
        %add3A_1158 = arith.addf %get3A_1153, %get3A_1157 : vector<16xf32>
        %mul3A_1159 = vector.broadcast %squeeze3A_1051 : f32 to vector<16xf32>
        %mul3A_1160 = arith.mulf %mul3A_1159, %get3A_19 : vector<16xf32>
        %add3A_1161 = arith.addf %add3A_1158, %mul3A_1160 : vector<16xf32>
        %mul3A_1162 = arith.constant 0.00999999977 : f32
        %mul3A_1163 = vector.broadcast %mul3A_1162 : f32 to vector<16xf32>
        %mul3A_1164 = arith.mulf %mul3A_1163, %add3A_1161 : vector<16xf32>
        %max3A_1165 = arith.maximumf %add3A_1161, %mul3A_1164 : vector<16xf32>
        %mul3A_1166 = vector.broadcast %squeeze3A_1053 : f32 to vector<16xf32>
        %mul3A_1167 = arith.mulf %max3A_1165, %mul3A_1166 : vector<16xf32>
        %swap3A_1168 = arith.index_cast %add3A_1057 : i32 to index
        %swap3A_1169 = arith.constant 64 : index
        %swap3A_1170 = tpu.vector_load %arg12[%swap3A_1168, %swap3A_1169] {strides = array<i32>} : memref<80x128xf32, #tpu.memory_space<vmem>>, vector<1x16xf32>,
        %swap3A_1171 = vector.shape_cast %swap3A_1170 : vector<1x16xf32> to vector<16xf32>
        %swap3A_1172 = vector.shape_cast %mul3A_1167 : vector<16xf32> to vector<1x16xf32>
        tpu.vector_store %arg12[%swap3A_1168, %swap3A_1169], %swap3A_1172 {strides = array<i32>} : memref<80x128xf32, #tpu.memory_space<vmem>>, vector<1x16xf32>,
        %get3A_1173 = arith.index_cast %add3A_1057 : i32 to index
        %get3A_1174 = arith.constant 80 : index
        %get3A_1175 = tpu.vector_load %arg12[%get3A_1173, %get3A_1174] {strides = array<i32>} : memref<80x128xf32, #tpu.memory_space<vmem>>, vector<1x16xf32>,
        %get3A_1176 = vector.shape_cast %get3A_1175 : vector<1x16xf32> to vector<16xf32>
        %get3A_1177 = arith.index_cast %add3A_1057 : i32 to index
        %get3A_1178 = arith.constant 80 : index
        %get3A_1179 = tpu.vector_load %arg13[%get3A_1177, %get3A_1178] {strides = array<i32>} : memref<80x128xf32, #tpu.memory_space<vmem>>, vector<1x16xf32>,
        %get3A_1180 = vector.shape_cast %get3A_1179 : vector<1x16xf32> to vector<16xf32>
        %add3A_1181 = arith.addf %get3A_1176, %get3A_1180 : vector<16xf32>
        %mul3A_1182 = vector.broadcast %squeeze3A_1051 : f32 to vector<16xf32>
        %mul3A_1183 = arith.mulf %mul3A_1182, %get3A_22 : vector<16xf32>
        %add3A_1184 = arith.addf %add3A_1181, %mul3A_1183 : vector<16xf32>
        %mul3A_1185 = arith.constant 0.00999999977 : f32
        %mul3A_1186 = vector.broadcast %mul3A_1185 : f32 to vector<16xf32>
        %mul3A_1187 = arith.mulf %mul3A_1186, %add3A_1184 : vector<16xf32>
        %max3A_1188 = arith.maximumf %add3A_1184, %mul3A_1187 : vector<16xf32>
        %mul3A_1189 = vector.broadcast %squeeze3A_1053 : f32 to vector<16xf32>
        %mul3A_1190 = arith.mulf %max3A_1188, %mul3A_1189 : vector<16xf32>
        %swap3A_1191 = arith.index_cast %add3A_1057 : i32 to index
        %swap3A_1192 = arith.constant 80 : index
        %swap3A_1193 = tpu.vector_load %arg12[%swap3A_1191, %swap3A_1192] {strides = array<i32>} : memref<80x128xf32, #tpu.memory_space<vmem>>, vector<1x16xf32>,
        %swap3A_1194 = vector.shape_cast %swap3A_1193 : vector<1x16xf32> to vector<16xf32>
        %swap3A_1195 = vector.shape_cast %mul3A_1190 : vector<16xf32> to vector<1x16xf32>
        tpu.vector_store %arg12[%swap3A_1191, %swap3A_1192], %swap3A_1195 {strides = array<i32>} : memref<80x128xf32, #tpu.memory_space<vmem>>, vector<1x16xf32>,
        %get3A_1196 = arith.index_cast %add3A_1057 : i32 to index
        %get3A_1197 = arith.constant 96 : index
        %get3A_1198 = tpu.vector_load %arg12[%get3A_1196, %get3A_1197] {strides = array<i32>} : memref<80x128xf32, #tpu.memory_space<vmem>>, vector<1x16xf32>,
        %get3A_1199 = vector.shape_cast %get3A_1198 : vector<1x16xf32> to vector<16xf32>
        %get3A_1200 = arith.index_cast %add3A_1057 : i32 to index
        %get3A_1201 = arith.constant 96 : index
        %get3A_1202 = tpu.vector_load %arg13[%get3A_1200, %get3A_1201] {strides = array<i32>} : memref<80x128xf32, #tpu.memory_space<vmem>>, vector<1x16xf32>,
        %get3A_1203 = vector.shape_cast %get3A_1202 : vector<1x16xf32> to vector<16xf32>
        %add3A_1204 = arith.addf %get3A_1199, %get3A_1203 : vector<16xf32>
        %mul3A_1205 = vector.broadcast %squeeze3A_1051 : f32 to vector<16xf32>
        %mul3A_1206 = arith.mulf %mul3A_1205, %get3A_25 : vector<16xf32>
        %add3A_1207 = arith.addf %add3A_1204, %mul3A_1206 : vector<16xf32>
        %mul3A_1208 = arith.constant 0.00999999977 : f32
        %mul3A_1209 = vector.broadcast %mul3A_1208 : f32 to vector<16xf32>
        %mul3A_1210 = arith.mulf %mul3A_1209, %add3A_1207 : vector<16xf32>
        %max3A_1211 = arith.maximumf %add3A_1207, %mul3A_1210 : vector<16xf32>
        %mul3A_1212 = vector.broadcast %squeeze3A_1053 : f32 to vector<16xf32>
        %mul3A_1213 = arith.mulf %max3A_1211, %mul3A_1212 : vector<16xf32>
        %swap3A_1214 = arith.index_cast %add3A_1057 : i32 to index
        %swap3A_1215 = arith.constant 96 : index
        %swap3A_1216 = tpu.vector_load %arg12[%swap3A_1214, %swap3A_1215] {strides = array<i32>} : memref<80x128xf32, #tpu.memory_space<vmem>>, vector<1x16xf32>,
        %swap3A_1217 = vector.shape_cast %swap3A_1216 : vector<1x16xf32> to vector<16xf32>
        %swap3A_1218 = vector.shape_cast %mul3A_1213 : vector<16xf32> to vector<1x16xf32>
        tpu.vector_store %arg12[%swap3A_1214, %swap3A_1215], %swap3A_1218 {strides = array<i32>} : memref<80x128xf32, #tpu.memory_space<vmem>>, vector<1x16xf32>,
        %get3A_1219 = arith.index_cast %add3A_1057 : i32 to index
        %get3A_1220 = arith.constant 112 : index
        %get3A_1221 = tpu.vector_load %arg12[%get3A_1219, %get3A_1220] {strides = array<i32>} : memref<80x128xf32, #tpu.memory_space<vmem>>, vector<1x16xf32>,
        %get3A_1222 = vector.shape_cast %get3A_1221 : vector<1x16xf32> to vector<16xf32>
        %get3A_1223 = arith.index_cast %add3A_1057 : i32 to index
        %get3A_1224 = arith.constant 112 : index
        %get3A_1225 = tpu.vector_load %arg13[%get3A_1223, %get3A_1224] {strides = array<i32>} : memref<80x128xf32, #tpu.memory_space<vmem>>, vector<1x16xf32>,
        %get3A_1226 = vector.shape_cast %get3A_1225 : vector<1x16xf32> to vector<16xf32>
        %add3A_1227 = arith.addf %get3A_1222, %get3A_1226 : vector<16xf32>
        %mul3A_1228 = vector.broadcast %squeeze3A_1051 : f32 to vector<16xf32>
        %mul3A_1229 = arith.mulf %mul3A_1228, %get3A_28 : vector<16xf32>
        %add3A_1230 = arith.addf %add3A_1227, %mul3A_1229 : vector<16xf32>
        %mul3A_1231 = arith.constant 0.00999999977 : f32
        %mul3A_1232 = vector.broadcast %mul3A_1231 : f32 to vector<16xf32>
        %mul3A_1233 = arith.mulf %mul3A_1232, %add3A_1230 : vector<16xf32>
        %max3A_1234 = arith.maximumf %add3A_1230, %mul3A_1233 : vector<16xf32>
        %mul3A_1235 = vector.broadcast %squeeze3A_1053 : f32 to vector<16xf32>
        %mul3A_1236 = arith.mulf %max3A_1234, %mul3A_1235 : vector<16xf32>
        %swap3A_1237 = arith.index_cast %add3A_1057 : i32 to index
        %swap3A_1238 = arith.constant 112 : index
        %swap3A_1239 = tpu.vector_load %arg12[%swap3A_1237, %swap3A_1238] {strides = array<i32>} : memref<80x128xf32, #tpu.memory_space<vmem>>, vector<1x16xf32>,
        %swap3A_1240 = vector.shape_cast %swap3A_1239 : vector<1x16xf32> to vector<16xf32>
        %swap3A_1241 = vector.shape_cast %mul3A_1236 : vector<16xf32> to vector<1x16xf32>
        tpu.vector_store %arg12[%swap3A_1237, %swap3A_1238], %swap3A_1241 {strides = array<i32>} : memref<80x128xf32, #tpu.memory_space<vmem>>, vector<1x16xf32>,
        %slice3A_1242 = vector.extract_strided_slice %get3A_88 {offsets = [6], sizes = [1], strides = [1]} : vector<16xf32> to vector<1xf32>
        %squeeze3A_1243 = vector.extract %slice3A_1242[0] : f32 from vector<1xf32>
        %slice3A_1244 = vector.extract_strided_slice %select_n3A {offsets = [6], sizes = [1], strides = [1]} : vector<16xf32> to vector<1xf32>
        %squeeze3A_1245 = vector.extract %slice3A_1244[0] : f32 from vector<1xf32>
        %mul3A_1246 = arith.constant 16 : i32
        %mul3A_1247 = arith.muli %scan3A_83, %mul3A_1246 : i32
        %add3A_1248 = arith.constant 6 : i32
        %add3A_1249 = arith.addi %mul3A_1247, %add3A_1248 : i32
        %get3A_1250 = arith.index_cast %add3A_1249 : i32 to index
        %get3A_1251 = arith.constant 0 : index
        %get3A_1252 = tpu.vector_load %arg12[%get3A_1250, %get3A_1251] {strides = array<i32>} : memref<80x128xf32, #tpu.memory_space<vmem>>, vector<1x16xf32>,
        %get3A_1253 = vector.shape_cast %get3A_1252 : vector<1x16xf32> to vector<16xf32>
        %get3A_1254 = arith.index_cast %add3A_1249 : i32 to index
        %get3A_1255 = arith.constant 0 : index
        %get3A_1256 = tpu.vector_load %arg13[%get3A_1254, %get3A_1255] {strides = array<i32>} : memref<80x128xf32, #tpu.memory_space<vmem>>, vector<1x16xf32>,
        %get3A_1257 = vector.shape_cast %get3A_1256 : vector<1x16xf32> to vector<16xf32>
        %add3A_1258 = arith.addf %get3A_1253, %get3A_1257 : vector<16xf32>
        %mul3A_1259 = vector.broadcast %squeeze3A_1243 : f32 to vector<16xf32>
        %mul3A_1260 = arith.mulf %mul3A_1259, %get3A_7 : vector<16xf32>
        %add3A_1261 = arith.addf %add3A_1258, %mul3A_1260 : vector<16xf32>
        %mul3A_1262 = arith.constant 0.00999999977 : f32
        %mul3A_1263 = vector.broadcast %mul3A_1262 : f32 to vector<16xf32>
        %mul3A_1264 = arith.mulf %mul3A_1263, %add3A_1261 : vector<16xf32>
        %max3A_1265 = arith.maximumf %add3A_1261, %mul3A_1264 : vector<16xf32>
        %mul3A_1266 = vector.broadcast %squeeze3A_1245 : f32 to vector<16xf32>
        %mul3A_1267 = arith.mulf %max3A_1265, %mul3A_1266 : vector<16xf32>
        %swap3A_1268 = arith.index_cast %add3A_1249 : i32 to index
        %swap3A_1269 = arith.constant 0 : index
        %swap3A_1270 = tpu.vector_load %arg12[%swap3A_1268, %swap3A_1269] {strides = array<i32>} : memref<80x128xf32, #tpu.memory_space<vmem>>, vector<1x16xf32>,
        %swap3A_1271 = vector.shape_cast %swap3A_1270 : vector<1x16xf32> to vector<16xf32>
        %swap3A_1272 = vector.shape_cast %mul3A_1267 : vector<16xf32> to vector<1x16xf32>
        tpu.vector_store %arg12[%swap3A_1268, %swap3A_1269], %swap3A_1272 {strides = array<i32>} : memref<80x128xf32, #tpu.memory_space<vmem>>, vector<1x16xf32>,
        %get3A_1273 = arith.index_cast %add3A_1249 : i32 to index
        %get3A_1274 = arith.constant 16 : index
        %get3A_1275 = tpu.vector_load %arg12[%get3A_1273, %get3A_1274] {strides = array<i32>} : memref<80x128xf32, #tpu.memory_space<vmem>>, vector<1x16xf32>,
        %get3A_1276 = vector.shape_cast %get3A_1275 : vector<1x16xf32> to vector<16xf32>
        %get3A_1277 = arith.index_cast %add3A_1249 : i32 to index
        %get3A_1278 = arith.constant 16 : index
        %get3A_1279 = tpu.vector_load %arg13[%get3A_1277, %get3A_1278] {strides = array<i32>} : memref<80x128xf32, #tpu.memory_space<vmem>>, vector<1x16xf32>,
        %get3A_1280 = vector.shape_cast %get3A_1279 : vector<1x16xf32> to vector<16xf32>
        %add3A_1281 = arith.addf %get3A_1276, %get3A_1280 : vector<16xf32>
        %mul3A_1282 = vector.broadcast %squeeze3A_1243 : f32 to vector<16xf32>
        %mul3A_1283 = arith.mulf %mul3A_1282, %get3A_10 : vector<16xf32>
        %add3A_1284 = arith.addf %add3A_1281, %mul3A_1283 : vector<16xf32>
        %mul3A_1285 = arith.constant 0.00999999977 : f32
        %mul3A_1286 = vector.broadcast %mul3A_1285 : f32 to vector<16xf32>
        %mul3A_1287 = arith.mulf %mul3A_1286, %add3A_1284 : vector<16xf32>
        %max3A_1288 = arith.maximumf %add3A_1284, %mul3A_1287 : vector<16xf32>
        %mul3A_1289 = vector.broadcast %squeeze3A_1245 : f32 to vector<16xf32>
        %mul3A_1290 = arith.mulf %max3A_1288, %mul3A_1289 : vector<16xf32>
        %swap3A_1291 = arith.index_cast %add3A_1249 : i32 to index
        %swap3A_1292 = arith.constant 16 : index
        %swap3A_1293 = tpu.vector_load %arg12[%swap3A_1291, %swap3A_1292] {strides = array<i32>} : memref<80x128xf32, #tpu.memory_space<vmem>>, vector<1x16xf32>,
        %swap3A_1294 = vector.shape_cast %swap3A_1293 : vector<1x16xf32> to vector<16xf32>
        %swap3A_1295 = vector.shape_cast %mul3A_1290 : vector<16xf32> to vector<1x16xf32>
        tpu.vector_store %arg12[%swap3A_1291, %swap3A_1292], %swap3A_1295 {strides = array<i32>} : memref<80x128xf32, #tpu.memory_space<vmem>>, vector<1x16xf32>,
        %get3A_1296 = arith.index_cast %add3A_1249 : i32 to index
        %get3A_1297 = arith.constant 32 : index
        %get3A_1298 = tpu.vector_load %arg12[%get3A_1296, %get3A_1297] {strides = array<i32>} : memref<80x128xf32, #tpu.memory_space<vmem>>, vector<1x16xf32>,
        %get3A_1299 = vector.shape_cast %get3A_1298 : vector<1x16xf32> to vector<16xf32>
        %get3A_1300 = arith.index_cast %add3A_1249 : i32 to index
        %get3A_1301 = arith.constant 32 : index
        %get3A_1302 = tpu.vector_load %arg13[%get3A_1300, %get3A_1301] {strides = array<i32>} : memref<80x128xf32, #tpu.memory_space<vmem>>, vector<1x16xf32>,
        %get3A_1303 = vector.shape_cast %get3A_1302 : vector<1x16xf32> to vector<16xf32>
        %add3A_1304 = arith.addf %get3A_1299, %get3A_1303 : vector<16xf32>
        %mul3A_1305 = vector.broadcast %squeeze3A_1243 : f32 to vector<16xf32>
        %mul3A_1306 = arith.mulf %mul3A_1305, %get3A_13 : vector<16xf32>
        %add3A_1307 = arith.addf %add3A_1304, %mul3A_1306 : vector<16xf32>
        %mul3A_1308 = arith.constant 0.00999999977 : f32
        %mul3A_1309 = vector.broadcast %mul3A_1308 : f32 to vector<16xf32>
        %mul3A_1310 = arith.mulf %mul3A_1309, %add3A_1307 : vector<16xf32>
        %max3A_1311 = arith.maximumf %add3A_1307, %mul3A_1310 : vector<16xf32>
        %mul3A_1312 = vector.broadcast %squeeze3A_1245 : f32 to vector<16xf32>
        %mul3A_1313 = arith.mulf %max3A_1311, %mul3A_1312 : vector<16xf32>
        %swap3A_1314 = arith.index_cast %add3A_1249 : i32 to index
        %swap3A_1315 = arith.constant 32 : index
        %swap3A_1316 = tpu.vector_load %arg12[%swap3A_1314, %swap3A_1315] {strides = array<i32>} : memref<80x128xf32, #tpu.memory_space<vmem>>, vector<1x16xf32>,
        %swap3A_1317 = vector.shape_cast %swap3A_1316 : vector<1x16xf32> to vector<16xf32>
        %swap3A_1318 = vector.shape_cast %mul3A_1313 : vector<16xf32> to vector<1x16xf32>
        tpu.vector_store %arg12[%swap3A_1314, %swap3A_1315], %swap3A_1318 {strides = array<i32>} : memref<80x128xf32, #tpu.memory_space<vmem>>, vector<1x16xf32>,
        %get3A_1319 = arith.index_cast %add3A_1249 : i32 to index
        %get3A_1320 = arith.constant 48 : index
        %get3A_1321 = tpu.vector_load %arg12[%get3A_1319, %get3A_1320] {strides = array<i32>} : memref<80x128xf32, #tpu.memory_space<vmem>>, vector<1x16xf32>,
        %get3A_1322 = vector.shape_cast %get3A_1321 : vector<1x16xf32> to vector<16xf32>
        %get3A_1323 = arith.index_cast %add3A_1249 : i32 to index
        %get3A_1324 = arith.constant 48 : index
        %get3A_1325 = tpu.vector_load %arg13[%get3A_1323, %get3A_1324] {strides = array<i32>} : memref<80x128xf32, #tpu.memory_space<vmem>>, vector<1x16xf32>,
        %get3A_1326 = vector.shape_cast %get3A_1325 : vector<1x16xf32> to vector<16xf32>
        %add3A_1327 = arith.addf %get3A_1322, %get3A_1326 : vector<16xf32>
        %mul3A_1328 = vector.broadcast %squeeze3A_1243 : f32 to vector<16xf32>
        %mul3A_1329 = arith.mulf %mul3A_1328, %get3A_16 : vector<16xf32>
        %add3A_1330 = arith.addf %add3A_1327, %mul3A_1329 : vector<16xf32>
        %mul3A_1331 = arith.constant 0.00999999977 : f32
        %mul3A_1332 = vector.broadcast %mul3A_1331 : f32 to vector<16xf32>
        %mul3A_1333 = arith.mulf %mul3A_1332, %add3A_1330 : vector<16xf32>
        %max3A_1334 = arith.maximumf %add3A_1330, %mul3A_1333 : vector<16xf32>
        %mul3A_1335 = vector.broadcast %squeeze3A_1245 : f32 to vector<16xf32>
        %mul3A_1336 = arith.mulf %max3A_1334, %mul3A_1335 : vector<16xf32>
        %swap3A_1337 = arith.index_cast %add3A_1249 : i32 to index
        %swap3A_1338 = arith.constant 48 : index
        %swap3A_1339 = tpu.vector_load %arg12[%swap3A_1337, %swap3A_1338] {strides = array<i32>} : memref<80x128xf32, #tpu.memory_space<vmem>>, vector<1x16xf32>,
        %swap3A_1340 = vector.shape_cast %swap3A_1339 : vector<1x16xf32> to vector<16xf32>
        %swap3A_1341 = vector.shape_cast %mul3A_1336 : vector<16xf32> to vector<1x16xf32>
        tpu.vector_store %arg12[%swap3A_1337, %swap3A_1338], %swap3A_1341 {strides = array<i32>} : memref<80x128xf32, #tpu.memory_space<vmem>>, vector<1x16xf32>,
        %get3A_1342 = arith.index_cast %add3A_1249 : i32 to index
        %get3A_1343 = arith.constant 64 : index
        %get3A_1344 = tpu.vector_load %arg12[%get3A_1342, %get3A_1343] {strides = array<i32>} : memref<80x128xf32, #tpu.memory_space<vmem>>, vector<1x16xf32>,
        %get3A_1345 = vector.shape_cast %get3A_1344 : vector<1x16xf32> to vector<16xf32>
        %get3A_1346 = arith.index_cast %add3A_1249 : i32 to index
        %get3A_1347 = arith.constant 64 : index
        %get3A_1348 = tpu.vector_load %arg13[%get3A_1346, %get3A_1347] {strides = array<i32>} : memref<80x128xf32, #tpu.memory_space<vmem>>, vector<1x16xf32>,
        %get3A_1349 = vector.shape_cast %get3A_1348 : vector<1x16xf32> to vector<16xf32>
        %add3A_1350 = arith.addf %get3A_1345, %get3A_1349 : vector<16xf32>
        %mul3A_1351 = vector.broadcast %squeeze3A_1243 : f32 to vector<16xf32>
        %mul3A_1352 = arith.mulf %mul3A_1351, %get3A_19 : vector<16xf32>
        %add3A_1353 = arith.addf %add3A_1350, %mul3A_1352 : vector<16xf32>
        %mul3A_1354 = arith.constant 0.00999999977 : f32
        %mul3A_1355 = vector.broadcast %mul3A_1354 : f32 to vector<16xf32>
        %mul3A_1356 = arith.mulf %mul3A_1355, %add3A_1353 : vector<16xf32>
        %max3A_1357 = arith.maximumf %add3A_1353, %mul3A_1356 : vector<16xf32>
        %mul3A_1358 = vector.broadcast %squeeze3A_1245 : f32 to vector<16xf32>
        %mul3A_1359 = arith.mulf %max3A_1357, %mul3A_1358 : vector<16xf32>
        %swap3A_1360 = arith.index_cast %add3A_1249 : i32 to index
        %swap3A_1361 = arith.constant 64 : index
        %swap3A_1362 = tpu.vector_load %arg12[%swap3A_1360, %swap3A_1361] {strides = array<i32>} : memref<80x128xf32, #tpu.memory_space<vmem>>, vector<1x16xf32>,
        %swap3A_1363 = vector.shape_cast %swap3A_1362 : vector<1x16xf32> to vector<16xf32>
        %swap3A_1364 = vector.shape_cast %mul3A_1359 : vector<16xf32> to vector<1x16xf32>
        tpu.vector_store %arg12[%swap3A_1360, %swap3A_1361], %swap3A_1364 {strides = array<i32>} : memref<80x128xf32, #tpu.memory_space<vmem>>, vector<1x16xf32>,
        %get3A_1365 = arith.index_cast %add3A_1249 : i32 to index
        %get3A_1366 = arith.constant 80 : index
        %get3A_1367 = tpu.vector_load %arg12[%get3A_1365, %get3A_1366] {strides = array<i32>} : memref<80x128xf32, #tpu.memory_space<vmem>>, vector<1x16xf32>,
        %get3A_1368 = vector.shape_cast %get3A_1367 : vector<1x16xf32> to vector<16xf32>
        %get3A_1369 = arith.index_cast %add3A_1249 : i32 to index
        %get3A_1370 = arith.constant 80 : index
        %get3A_1371 = tpu.vector_load %arg13[%get3A_1369, %get3A_1370] {strides = array<i32>} : memref<80x128xf32, #tpu.memory_space<vmem>>, vector<1x16xf32>,
        %get3A_1372 = vector.shape_cast %get3A_1371 : vector<1x16xf32> to vector<16xf32>
        %add3A_1373 = arith.addf %get3A_1368, %get3A_1372 : vector<16xf32>
        %mul3A_1374 = vector.broadcast %squeeze3A_1243 : f32 to vector<16xf32>
        %mul3A_1375 = arith.mulf %mul3A_1374, %get3A_22 : vector<16xf32>
        %add3A_1376 = arith.addf %add3A_1373, %mul3A_1375 : vector<16xf32>
        %mul3A_1377 = arith.constant 0.00999999977 : f32
        %mul3A_1378 = vector.broadcast %mul3A_1377 : f32 to vector<16xf32>
        %mul3A_1379 = arith.mulf %mul3A_1378, %add3A_1376 : vector<16xf32>
        %max3A_1380 = arith.maximumf %add3A_1376, %mul3A_1379 : vector<16xf32>
        %mul3A_1381 = vector.broadcast %squeeze3A_1245 : f32 to vector<16xf32>
        %mul3A_1382 = arith.mulf %max3A_1380, %mul3A_1381 : vector<16xf32>
        %swap3A_1383 = arith.index_cast %add3A_1249 : i32 to index
        %swap3A_1384 = arith.constant 80 : index
        %swap3A_1385 = tpu.vector_load %arg12[%swap3A_1383, %swap3A_1384] {strides = array<i32>} : memref<80x128xf32, #tpu.memory_space<vmem>>, vector<1x16xf32>,
        %swap3A_1386 = vector.shape_cast %swap3A_1385 : vector<1x16xf32> to vector<16xf32>
        %swap3A_1387 = vector.shape_cast %mul3A_1382 : vector<16xf32> to vector<1x16xf32>
        tpu.vector_store %arg12[%swap3A_1383, %swap3A_1384], %swap3A_1387 {strides = array<i32>} : memref<80x128xf32, #tpu.memory_space<vmem>>, vector<1x16xf32>,
        %get3A_1388 = arith.index_cast %add3A_1249 : i32 to index
        %get3A_1389 = arith.constant 96 : index
        %get3A_1390 = tpu.vector_load %arg12[%get3A_1388, %get3A_1389] {strides = array<i32>} : memref<80x128xf32, #tpu.memory_space<vmem>>, vector<1x16xf32>,
        %get3A_1391 = vector.shape_cast %get3A_1390 : vector<1x16xf32> to vector<16xf32>
        %get3A_1392 = arith.index_cast %add3A_1249 : i32 to index
        %get3A_1393 = arith.constant 96 : index
        %get3A_1394 = tpu.vector_load %arg13[%get3A_1392, %get3A_1393] {strides = array<i32>} : memref<80x128xf32, #tpu.memory_space<vmem>>, vector<1x16xf32>,
        %get3A_1395 = vector.shape_cast %get3A_1394 : vector<1x16xf32> to vector<16xf32>
        %add3A_1396 = arith.addf %get3A_1391, %get3A_1395 : vector<16xf32>
        %mul3A_1397 = vector.broadcast %squeeze3A_1243 : f32 to vector<16xf32>
        %mul3A_1398 = arith.mulf %mul3A_1397, %get3A_25 : vector<16xf32>
        %add3A_1399 = arith.addf %add3A_1396, %mul3A_1398 : vector<16xf32>
        %mul3A_1400 = arith.constant 0.00999999977 : f32
        %mul3A_1401 = vector.broadcast %mul3A_1400 : f32 to vector<16xf32>
        %mul3A_1402 = arith.mulf %mul3A_1401, %add3A_1399 : vector<16xf32>
        %max3A_1403 = arith.maximumf %add3A_1399, %mul3A_1402 : vector<16xf32>
        %mul3A_1404 = vector.broadcast %squeeze3A_1245 : f32 to vector<16xf32>
        %mul3A_1405 = arith.mulf %max3A_1403, %mul3A_1404 : vector<16xf32>
        %swap3A_1406 = arith.index_cast %add3A_1249 : i32 to index
        %swap3A_1407 = arith.constant 96 : index
        %swap3A_1408 = tpu.vector_load %arg12[%swap3A_1406, %swap3A_1407] {strides = array<i32>} : memref<80x128xf32, #tpu.memory_space<vmem>>, vector<1x16xf32>,
        %swap3A_1409 = vector.shape_cast %swap3A_1408 : vector<1x16xf32> to vector<16xf32>
        %swap3A_1410 = vector.shape_cast %mul3A_1405 : vector<16xf32> to vector<1x16xf32>
        tpu.vector_store %arg12[%swap3A_1406, %swap3A_1407], %swap3A_1410 {strides = array<i32>} : memref<80x128xf32, #tpu.memory_space<vmem>>, vector<1x16xf32>,
        %get3A_1411 = arith.index_cast %add3A_1249 : i32 to index
        %get3A_1412 = arith.constant 112 : index
        %get3A_1413 = tpu.vector_load %arg12[%get3A_1411, %get3A_1412] {strides = array<i32>} : memref<80x128xf32, #tpu.memory_space<vmem>>, vector<1x16xf32>,
        %get3A_1414 = vector.shape_cast %get3A_1413 : vector<1x16xf32> to vector<16xf32>
        %get3A_1415 = arith.index_cast %add3A_1249 : i32 to index
        %get3A_1416 = arith.constant 112 : index
        %get3A_1417 = tpu.vector_load %arg13[%get3A_1415, %get3A_1416] {strides = array<i32>} : memref<80x128xf32, #tpu.memory_space<vmem>>, vector<1x16xf32>,
        %get3A_1418 = vector.shape_cast %get3A_1417 : vector<1x16xf32> to vector<16xf32>
        %add3A_1419 = arith.addf %get3A_1414, %get3A_1418 : vector<16xf32>
        %mul3A_1420 = vector.broadcast %squeeze3A_1243 : f32 to vector<16xf32>
        %mul3A_1421 = arith.mulf %mul3A_1420, %get3A_28 : vector<16xf32>
        %add3A_1422 = arith.addf %add3A_1419, %mul3A_1421 : vector<16xf32>
        %mul3A_1423 = arith.constant 0.00999999977 : f32
        %mul3A_1424 = vector.broadcast %mul3A_1423 : f32 to vector<16xf32>
        %mul3A_1425 = arith.mulf %mul3A_1424, %add3A_1422 : vector<16xf32>
        %max3A_1426 = arith.maximumf %add3A_1422, %mul3A_1425 : vector<16xf32>
        %mul3A_1427 = vector.broadcast %squeeze3A_1245 : f32 to vector<16xf32>
        %mul3A_1428 = arith.mulf %max3A_1426, %mul3A_1427 : vector<16xf32>
        %swap3A_1429 = arith.index_cast %add3A_1249 : i32 to index
        %swap3A_1430 = arith.constant 112 : index
        %swap3A_1431 = tpu.vector_load %arg12[%swap3A_1429, %swap3A_1430] {strides = array<i32>} : memref<80x128xf32, #tpu.memory_space<vmem>>, vector<1x16xf32>,
        %swap3A_1432 = vector.shape_cast %swap3A_1431 : vector<1x16xf32> to vector<16xf32>
        %swap3A_1433 = vector.shape_cast %mul3A_1428 : vector<16xf32> to vector<1x16xf32>
        tpu.vector_store %arg12[%swap3A_1429, %swap3A_1430], %swap3A_1433 {strides = array<i32>} : memref<80x128xf32, #tpu.memory_space<vmem>>, vector<1x16xf32>,
        %slice3A_1434 = vector.extract_strided_slice %get3A_88 {offsets = [7], sizes = [1], strides = [1]} : vector<16xf32> to vector<1xf32>
        %squeeze3A_1435 = vector.extract %slice3A_1434[0] : f32 from vector<1xf32>
        %slice3A_1436 = vector.extract_strided_slice %select_n3A {offsets = [7], sizes = [1], strides = [1]} : vector<16xf32> to vector<1xf32>
        %squeeze3A_1437 = vector.extract %slice3A_1436[0] : f32 from vector<1xf32>
        %mul3A_1438 = arith.constant 16 : i32
        %mul3A_1439 = arith.muli %scan3A_83, %mul3A_1438 : i32
        %add3A_1440 = arith.constant 7 : i32
        %add3A_1441 = arith.addi %mul3A_1439, %add3A_1440 : i32
        %get3A_1442 = arith.index_cast %add3A_1441 : i32 to index
        %get3A_1443 = arith.constant 0 : index
        %get3A_1444 = tpu.vector_load %arg12[%get3A_1442, %get3A_1443] {strides = array<i32>} : memref<80x128xf32, #tpu.memory_space<vmem>>, vector<1x16xf32>,
        %get3A_1445 = vector.shape_cast %get3A_1444 : vector<1x16xf32> to vector<16xf32>
        %get3A_1446 = arith.index_cast %add3A_1441 : i32 to index
        %get3A_1447 = arith.constant 0 : index
        %get3A_1448 = tpu.vector_load %arg13[%get3A_1446, %get3A_1447] {strides = array<i32>} : memref<80x128xf32, #tpu.memory_space<vmem>>, vector<1x16xf32>,
        %get3A_1449 = vector.shape_cast %get3A_1448 : vector<1x16xf32> to vector<16xf32>
        %add3A_1450 = arith.addf %get3A_1445, %get3A_1449 : vector<16xf32>
        %mul3A_1451 = vector.broadcast %squeeze3A_1435 : f32 to vector<16xf32>
        %mul3A_1452 = arith.mulf %mul3A_1451, %get3A_7 : vector<16xf32>
        %add3A_1453 = arith.addf %add3A_1450, %mul3A_1452 : vector<16xf32>
        %mul3A_1454 = arith.constant 0.00999999977 : f32
        %mul3A_1455 = vector.broadcast %mul3A_1454 : f32 to vector<16xf32>
        %mul3A_1456 = arith.mulf %mul3A_1455, %add3A_1453 : vector<16xf32>
        %max3A_1457 = arith.maximumf %add3A_1453, %mul3A_1456 : vector<16xf32>
        %mul3A_1458 = vector.broadcast %squeeze3A_1437 : f32 to vector<16xf32>
        %mul3A_1459 = arith.mulf %max3A_1457, %mul3A_1458 : vector<16xf32>
        %swap3A_1460 = arith.index_cast %add3A_1441 : i32 to index
        %swap3A_1461 = arith.constant 0 : index
        %swap3A_1462 = tpu.vector_load %arg12[%swap3A_1460, %swap3A_1461] {strides = array<i32>} : memref<80x128xf32, #tpu.memory_space<vmem>>, vector<1x16xf32>,
        %swap3A_1463 = vector.shape_cast %swap3A_1462 : vector<1x16xf32> to vector<16xf32>
        %swap3A_1464 = vector.shape_cast %mul3A_1459 : vector<16xf32> to vector<1x16xf32>
        tpu.vector_store %arg12[%swap3A_1460, %swap3A_1461], %swap3A_1464 {strides = array<i32>} : memref<80x128xf32, #tpu.memory_space<vmem>>, vector<1x16xf32>,
        %get3A_1465 = arith.index_cast %add3A_1441 : i32 to index
        %get3A_1466 = arith.constant 16 : index
        %get3A_1467 = tpu.vector_load %arg12[%get3A_1465, %get3A_1466] {strides = array<i32>} : memref<80x128xf32, #tpu.memory_space<vmem>>, vector<1x16xf32>,
        %get3A_1468 = vector.shape_cast %get3A_1467 : vector<1x16xf32> to vector<16xf32>
        %get3A_1469 = arith.index_cast %add3A_1441 : i32 to index
        %get3A_1470 = arith.constant 16 : index
        %get3A_1471 = tpu.vector_load %arg13[%get3A_1469, %get3A_1470] {strides = array<i32>} : memref<80x128xf32, #tpu.memory_space<vmem>>, vector<1x16xf32>,
        %get3A_1472 = vector.shape_cast %get3A_1471 : vector<1x16xf32> to vector<16xf32>
        %add3A_1473 = arith.addf %get3A_1468, %get3A_1472 : vector<16xf32>
        %mul3A_1474 = vector.broadcast %squeeze3A_1435 : f32 to vector<16xf32>
        %mul3A_1475 = arith.mulf %mul3A_1474, %get3A_10 : vector<16xf32>
        %add3A_1476 = arith.addf %add3A_1473, %mul3A_1475 : vector<16xf32>
        %mul3A_1477 = arith.constant 0.00999999977 : f32
        %mul3A_1478 = vector.broadcast %mul3A_1477 : f32 to vector<16xf32>
        %mul3A_1479 = arith.mulf %mul3A_1478, %add3A_1476 : vector<16xf32>
        %max3A_1480 = arith.maximumf %add3A_1476, %mul3A_1479 : vector<16xf32>
        %mul3A_1481 = vector.broadcast %squeeze3A_1437 : f32 to vector<16xf32>
        %mul3A_1482 = arith.mulf %max3A_1480, %mul3A_1481 : vector<16xf32>
        %swap3A_1483 = arith.index_cast %add3A_1441 : i32 to index
        %swap3A_1484 = arith.constant 16 : index
        %swap3A_1485 = tpu.vector_load %arg12[%swap3A_1483, %swap3A_1484] {strides = array<i32>} : memref<80x128xf32, #tpu.memory_space<vmem>>, vector<1x16xf32>,
        %swap3A_1486 = vector.shape_cast %swap3A_1485 : vector<1x16xf32> to vector<16xf32>
        %swap3A_1487 = vector.shape_cast %mul3A_1482 : vector<16xf32> to vector<1x16xf32>
        tpu.vector_store %arg12[%swap3A_1483, %swap3A_1484], %swap3A_1487 {strides = array<i32>} : memref<80x128xf32, #tpu.memory_space<vmem>>, vector<1x16xf32>,
        %get3A_1488 = arith.index_cast %add3A_1441 : i32 to index
        %get3A_1489 = arith.constant 32 : index
        %get3A_1490 = tpu.vector_load %arg12[%get3A_1488, %get3A_1489] {strides = array<i32>} : memref<80x128xf32, #tpu.memory_space<vmem>>, vector<1x16xf32>,
        %get3A_1491 = vector.shape_cast %get3A_1490 : vector<1x16xf32> to vector<16xf32>
        %get3A_1492 = arith.index_cast %add3A_1441 : i32 to index
        %get3A_1493 = arith.constant 32 : index
        %get3A_1494 = tpu.vector_load %arg13[%get3A_1492, %get3A_1493] {strides = array<i32>} : memref<80x128xf32, #tpu.memory_space<vmem>>, vector<1x16xf32>,
        %get3A_1495 = vector.shape_cast %get3A_1494 : vector<1x16xf32> to vector<16xf32>
        %add3A_1496 = arith.addf %get3A_1491, %get3A_1495 : vector<16xf32>
        %mul3A_1497 = vector.broadcast %squeeze3A_1435 : f32 to vector<16xf32>
        %mul3A_1498 = arith.mulf %mul3A_1497, %get3A_13 : vector<16xf32>
        %add3A_1499 = arith.addf %add3A_1496, %mul3A_1498 : vector<16xf32>
        %mul3A_1500 = arith.constant 0.00999999977 : f32
        %mul3A_1501 = vector.broadcast %mul3A_1500 : f32 to vector<16xf32>
        %mul3A_1502 = arith.mulf %mul3A_1501, %add3A_1499 : vector<16xf32>
        %max3A_1503 = arith.maximumf %add3A_1499, %mul3A_1502 : vector<16xf32>
        %mul3A_1504 = vector.broadcast %squeeze3A_1437 : f32 to vector<16xf32>
        %mul3A_1505 = arith.mulf %max3A_1503, %mul3A_1504 : vector<16xf32>
        %swap3A_1506 = arith.index_cast %add3A_1441 : i32 to index
        %swap3A_1507 = arith.constant 32 : index
        %swap3A_1508 = tpu.vector_load %arg12[%swap3A_1506, %swap3A_1507] {strides = array<i32>} : memref<80x128xf32, #tpu.memory_space<vmem>>, vector<1x16xf32>,
        %swap3A_1509 = vector.shape_cast %swap3A_1508 : vector<1x16xf32> to vector<16xf32>
        %swap3A_1510 = vector.shape_cast %mul3A_1505 : vector<16xf32> to vector<1x16xf32>
        tpu.vector_store %arg12[%swap3A_1506, %swap3A_1507], %swap3A_1510 {strides = array<i32>} : memref<80x128xf32, #tpu.memory_space<vmem>>, vector<1x16xf32>,
        %get3A_1511 = arith.index_cast %add3A_1441 : i32 to index
        %get3A_1512 = arith.constant 48 : index
        %get3A_1513 = tpu.vector_load %arg12[%get3A_1511, %get3A_1512] {strides = array<i32>} : memref<80x128xf32, #tpu.memory_space<vmem>>, vector<1x16xf32>,
        %get3A_1514 = vector.shape_cast %get3A_1513 : vector<1x16xf32> to vector<16xf32>
        %get3A_1515 = arith.index_cast %add3A_1441 : i32 to index
        %get3A_1516 = arith.constant 48 : index
        %get3A_1517 = tpu.vector_load %arg13[%get3A_1515, %get3A_1516] {strides = array<i32>} : memref<80x128xf32, #tpu.memory_space<vmem>>, vector<1x16xf32>,
        %get3A_1518 = vector.shape_cast %get3A_1517 : vector<1x16xf32> to vector<16xf32>
        %add3A_1519 = arith.addf %get3A_1514, %get3A_1518 : vector<16xf32>
        %mul3A_1520 = vector.broadcast %squeeze3A_1435 : f32 to vector<16xf32>
        %mul3A_1521 = arith.mulf %mul3A_1520, %get3A_16 : vector<16xf32>
        %add3A_1522 = arith.addf %add3A_1519, %mul3A_1521 : vector<16xf32>
        %mul3A_1523 = arith.constant 0.00999999977 : f32
        %mul3A_1524 = vector.broadcast %mul3A_1523 : f32 to vector<16xf32>
        %mul3A_1525 = arith.mulf %mul3A_1524, %add3A_1522 : vector<16xf32>
        %max3A_1526 = arith.maximumf %add3A_1522, %mul3A_1525 : vector<16xf32>
        %mul3A_1527 = vector.broadcast %squeeze3A_1437 : f32 to vector<16xf32>
        %mul3A_1528 = arith.mulf %max3A_1526, %mul3A_1527 : vector<16xf32>
        %swap3A_1529 = arith.index_cast %add3A_1441 : i32 to index
        %swap3A_1530 = arith.constant 48 : index
        %swap3A_1531 = tpu.vector_load %arg12[%swap3A_1529, %swap3A_1530] {strides = array<i32>} : memref<80x128xf32, #tpu.memory_space<vmem>>, vector<1x16xf32>,
        %swap3A_1532 = vector.shape_cast %swap3A_1531 : vector<1x16xf32> to vector<16xf32>
        %swap3A_1533 = vector.shape_cast %mul3A_1528 : vector<16xf32> to vector<1x16xf32>
        tpu.vector_store %arg12[%swap3A_1529, %swap3A_1530], %swap3A_1533 {strides = array<i32>} : memref<80x128xf32, #tpu.memory_space<vmem>>, vector<1x16xf32>,
        %get3A_1534 = arith.index_cast %add3A_1441 : i32 to index
        %get3A_1535 = arith.constant 64 : index
        %get3A_1536 = tpu.vector_load %arg12[%get3A_1534, %get3A_1535] {strides = array<i32>} : memref<80x128xf32, #tpu.memory_space<vmem>>, vector<1x16xf32>,
        %get3A_1537 = vector.shape_cast %get3A_1536 : vector<1x16xf32> to vector<16xf32>
        %get3A_1538 = arith.index_cast %add3A_1441 : i32 to index
        %get3A_1539 = arith.constant 64 : index
        %get3A_1540 = tpu.vector_load %arg13[%get3A_1538, %get3A_1539] {strides = array<i32>} : memref<80x128xf32, #tpu.memory_space<vmem>>, vector<1x16xf32>,
        %get3A_1541 = vector.shape_cast %get3A_1540 : vector<1x16xf32> to vector<16xf32>
        %add3A_1542 = arith.addf %get3A_1537, %get3A_1541 : vector<16xf32>
        %mul3A_1543 = vector.broadcast %squeeze3A_1435 : f32 to vector<16xf32>
        %mul3A_1544 = arith.mulf %mul3A_1543, %get3A_19 : vector<16xf32>
        %add3A_1545 = arith.addf %add3A_1542, %mul3A_1544 : vector<16xf32>
        %mul3A_1546 = arith.constant 0.00999999977 : f32
        %mul3A_1547 = vector.broadcast %mul3A_1546 : f32 to vector<16xf32>
        %mul3A_1548 = arith.mulf %mul3A_1547, %add3A_1545 : vector<16xf32>
        %max3A_1549 = arith.maximumf %add3A_1545, %mul3A_1548 : vector<16xf32>
        %mul3A_1550 = vector.broadcast %squeeze3A_1437 : f32 to vector<16xf32>
        %mul3A_1551 = arith.mulf %max3A_1549, %mul3A_1550 : vector<16xf32>
        %swap3A_1552 = arith.index_cast %add3A_1441 : i32 to index
        %swap3A_1553 = arith.constant 64 : index
        %swap3A_1554 = tpu.vector_load %arg12[%swap3A_1552, %swap3A_1553] {strides = array<i32>} : memref<80x128xf32, #tpu.memory_space<vmem>>, vector<1x16xf32>,
        %swap3A_1555 = vector.shape_cast %swap3A_1554 : vector<1x16xf32> to vector<16xf32>
        %swap3A_1556 = vector.shape_cast %mul3A_1551 : vector<16xf32> to vector<1x16xf32>
        tpu.vector_store %arg12[%swap3A_1552, %swap3A_1553], %swap3A_1556 {strides = array<i32>} : memref<80x128xf32, #tpu.memory_space<vmem>>, vector<1x16xf32>,
        %get3A_1557 = arith.index_cast %add3A_1441 : i32 to index
        %get3A_1558 = arith.constant 80 : index
        %get3A_1559 = tpu.vector_load %arg12[%get3A_1557, %get3A_1558] {strides = array<i32>} : memref<80x128xf32, #tpu.memory_space<vmem>>, vector<1x16xf32>,
        %get3A_1560 = vector.shape_cast %get3A_1559 : vector<1x16xf32> to vector<16xf32>
        %get3A_1561 = arith.index_cast %add3A_1441 : i32 to index
        %get3A_1562 = arith.constant 80 : index
        %get3A_1563 = tpu.vector_load %arg13[%get3A_1561, %get3A_1562] {strides = array<i32>} : memref<80x128xf32, #tpu.memory_space<vmem>>, vector<1x16xf32>,
        %get3A_1564 = vector.shape_cast %get3A_1563 : vector<1x16xf32> to vector<16xf32>
        %add3A_1565 = arith.addf %get3A_1560, %get3A_1564 : vector<16xf32>
        %mul3A_1566 = vector.broadcast %squeeze3A_1435 : f32 to vector<16xf32>
        %mul3A_1567 = arith.mulf %mul3A_1566, %get3A_22 : vector<16xf32>
        %add3A_1568 = arith.addf %add3A_1565, %mul3A_1567 : vector<16xf32>
        %mul3A_1569 = arith.constant 0.00999999977 : f32
        %mul3A_1570 = vector.broadcast %mul3A_1569 : f32 to vector<16xf32>
        %mul3A_1571 = arith.mulf %mul3A_1570, %add3A_1568 : vector<16xf32>
        %max3A_1572 = arith.maximumf %add3A_1568, %mul3A_1571 : vector<16xf32>
        %mul3A_1573 = vector.broadcast %squeeze3A_1437 : f32 to vector<16xf32>
        %mul3A_1574 = arith.mulf %max3A_1572, %mul3A_1573 : vector<16xf32>
        %swap3A_1575 = arith.index_cast %add3A_1441 : i32 to index
        %swap3A_1576 = arith.constant 80 : index
        %swap3A_1577 = tpu.vector_load %arg12[%swap3A_1575, %swap3A_1576] {strides = array<i32>} : memref<80x128xf32, #tpu.memory_space<vmem>>, vector<1x16xf32>,
        %swap3A_1578 = vector.shape_cast %swap3A_1577 : vector<1x16xf32> to vector<16xf32>
        %swap3A_1579 = vector.shape_cast %mul3A_1574 : vector<16xf32> to vector<1x16xf32>
        tpu.vector_store %arg12[%swap3A_1575, %swap3A_1576], %swap3A_1579 {strides = array<i32>} : memref<80x128xf32, #tpu.memory_space<vmem>>, vector<1x16xf32>,
        %get3A_1580 = arith.index_cast %add3A_1441 : i32 to index
        %get3A_1581 = arith.constant 96 : index
        %get3A_1582 = tpu.vector_load %arg12[%get3A_1580, %get3A_1581] {strides = array<i32>} : memref<80x128xf32, #tpu.memory_space<vmem>>, vector<1x16xf32>,
        %get3A_1583 = vector.shape_cast %get3A_1582 : vector<1x16xf32> to vector<16xf32>
        %get3A_1584 = arith.index_cast %add3A_1441 : i32 to index
        %get3A_1585 = arith.constant 96 : index
        %get3A_1586 = tpu.vector_load %arg13[%get3A_1584, %get3A_1585] {strides = array<i32>} : memref<80x128xf32, #tpu.memory_space<vmem>>, vector<1x16xf32>,
        %get3A_1587 = vector.shape_cast %get3A_1586 : vector<1x16xf32> to vector<16xf32>
        %add3A_1588 = arith.addf %get3A_1583, %get3A_1587 : vector<16xf32>
        %mul3A_1589 = vector.broadcast %squeeze3A_1435 : f32 to vector<16xf32>
        %mul3A_1590 = arith.mulf %mul3A_1589, %get3A_25 : vector<16xf32>
        %add3A_1591 = arith.addf %add3A_1588, %mul3A_1590 : vector<16xf32>
        %mul3A_1592 = arith.constant 0.00999999977 : f32
        %mul3A_1593 = vector.broadcast %mul3A_1592 : f32 to vector<16xf32>
        %mul3A_1594 = arith.mulf %mul3A_1593, %add3A_1591 : vector<16xf32>
        %max3A_1595 = arith.maximumf %add3A_1591, %mul3A_1594 : vector<16xf32>
        %mul3A_1596 = vector.broadcast %squeeze3A_1437 : f32 to vector<16xf32>
        %mul3A_1597 = arith.mulf %max3A_1595, %mul3A_1596 : vector<16xf32>
        %swap3A_1598 = arith.index_cast %add3A_1441 : i32 to index
        %swap3A_1599 = arith.constant 96 : index
        %swap3A_1600 = tpu.vector_load %arg12[%swap3A_1598, %swap3A_1599] {strides = array<i32>} : memref<80x128xf32, #tpu.memory_space<vmem>>, vector<1x16xf32>,
        %swap3A_1601 = vector.shape_cast %swap3A_1600 : vector<1x16xf32> to vector<16xf32>
        %swap3A_1602 = vector.shape_cast %mul3A_1597 : vector<16xf32> to vector<1x16xf32>
        tpu.vector_store %arg12[%swap3A_1598, %swap3A_1599], %swap3A_1602 {strides = array<i32>} : memref<80x128xf32, #tpu.memory_space<vmem>>, vector<1x16xf32>,
        %get3A_1603 = arith.index_cast %add3A_1441 : i32 to index
        %get3A_1604 = arith.constant 112 : index
        %get3A_1605 = tpu.vector_load %arg12[%get3A_1603, %get3A_1604] {strides = array<i32>} : memref<80x128xf32, #tpu.memory_space<vmem>>, vector<1x16xf32>,
        %get3A_1606 = vector.shape_cast %get3A_1605 : vector<1x16xf32> to vector<16xf32>
        %get3A_1607 = arith.index_cast %add3A_1441 : i32 to index
        %get3A_1608 = arith.constant 112 : index
        %get3A_1609 = tpu.vector_load %arg13[%get3A_1607, %get3A_1608] {strides = array<i32>} : memref<80x128xf32, #tpu.memory_space<vmem>>, vector<1x16xf32>,
        %get3A_1610 = vector.shape_cast %get3A_1609 : vector<1x16xf32> to vector<16xf32>
        %add3A_1611 = arith.addf %get3A_1606, %get3A_1610 : vector<16xf32>
        %mul3A_1612 = vector.broadcast %squeeze3A_1435 : f32 to vector<16xf32>
        %mul3A_1613 = arith.mulf %mul3A_1612, %get3A_28 : vector<16xf32>
        %add3A_1614 = arith.addf %add3A_1611, %mul3A_1613 : vector<16xf32>
        %mul3A_1615 = arith.constant 0.00999999977 : f32
        %mul3A_1616 = vector.broadcast %mul3A_1615 : f32 to vector<16xf32>
        %mul3A_1617 = arith.mulf %mul3A_1616, %add3A_1614 : vector<16xf32>
        %max3A_1618 = arith.maximumf %add3A_1614, %mul3A_1617 : vector<16xf32>
        %mul3A_1619 = vector.broadcast %squeeze3A_1437 : f32 to vector<16xf32>
        %mul3A_1620 = arith.mulf %max3A_1618, %mul3A_1619 : vector<16xf32>
        %swap3A_1621 = arith.index_cast %add3A_1441 : i32 to index
        %swap3A_1622 = arith.constant 112 : index
        %swap3A_1623 = tpu.vector_load %arg12[%swap3A_1621, %swap3A_1622] {strides = array<i32>} : memref<80x128xf32, #tpu.memory_space<vmem>>, vector<1x16xf32>,
        %swap3A_1624 = vector.shape_cast %swap3A_1623 : vector<1x16xf32> to vector<16xf32>
        %swap3A_1625 = vector.shape_cast %mul3A_1620 : vector<16xf32> to vector<1x16xf32>
        tpu.vector_store %arg12[%swap3A_1621, %swap3A_1622], %swap3A_1625 {strides = array<i32>} : memref<80x128xf32, #tpu.memory_space<vmem>>, vector<1x16xf32>,
        %slice3A_1626 = vector.extract_strided_slice %get3A_88 {offsets = [8], sizes = [1], strides = [1]} : vector<16xf32> to vector<1xf32>
        %squeeze3A_1627 = vector.extract %slice3A_1626[0] : f32 from vector<1xf32>
        %slice3A_1628 = vector.extract_strided_slice %select_n3A {offsets = [8], sizes = [1], strides = [1]} : vector<16xf32> to vector<1xf32>
        %squeeze3A_1629 = vector.extract %slice3A_1628[0] : f32 from vector<1xf32>
        %mul3A_1630 = arith.constant 16 : i32
        %mul3A_1631 = arith.muli %scan3A_83, %mul3A_1630 : i32
        %add3A_1632 = arith.constant 8 : i32
        %add3A_1633 = arith.addi %mul3A_1631, %add3A_1632 : i32
        %get3A_1634 = arith.index_cast %add3A_1633 : i32 to index
        %get3A_1635 = arith.constant 0 : index
        %get3A_1636 = tpu.vector_load %arg12[%get3A_1634, %get3A_1635] {strides = array<i32>} : memref<80x128xf32, #tpu.memory_space<vmem>>, vector<1x16xf32>,
        %get3A_1637 = vector.shape_cast %get3A_1636 : vector<1x16xf32> to vector<16xf32>
        %get3A_1638 = arith.index_cast %add3A_1633 : i32 to index
        %get3A_1639 = arith.constant 0 : index
        %get3A_1640 = tpu.vector_load %arg13[%get3A_1638, %get3A_1639] {strides = array<i32>} : memref<80x128xf32, #tpu.memory_space<vmem>>, vector<1x16xf32>,
        %get3A_1641 = vector.shape_cast %get3A_1640 : vector<1x16xf32> to vector<16xf32>
        %add3A_1642 = arith.addf %get3A_1637, %get3A_1641 : vector<16xf32>
        %mul3A_1643 = vector.broadcast %squeeze3A_1627 : f32 to vector<16xf32>
        %mul3A_1644 = arith.mulf %mul3A_1643, %get3A_7 : vector<16xf32>
        %add3A_1645 = arith.addf %add3A_1642, %mul3A_1644 : vector<16xf32>
        %mul3A_1646 = arith.constant 0.00999999977 : f32
        %mul3A_1647 = vector.broadcast %mul3A_1646 : f32 to vector<16xf32>
        %mul3A_1648 = arith.mulf %mul3A_1647, %add3A_1645 : vector<16xf32>
        %max3A_1649 = arith.maximumf %add3A_1645, %mul3A_1648 : vector<16xf32>
        %mul3A_1650 = vector.broadcast %squeeze3A_1629 : f32 to vector<16xf32>
        %mul3A_1651 = arith.mulf %max3A_1649, %mul3A_1650 : vector<16xf32>
        %swap3A_1652 = arith.index_cast %add3A_1633 : i32 to index
        %swap3A_1653 = arith.constant 0 : index
        %swap3A_1654 = tpu.vector_load %arg12[%swap3A_1652, %swap3A_1653] {strides = array<i32>} : memref<80x128xf32, #tpu.memory_space<vmem>>, vector<1x16xf32>,
        %swap3A_1655 = vector.shape_cast %swap3A_1654 : vector<1x16xf32> to vector<16xf32>
        %swap3A_1656 = vector.shape_cast %mul3A_1651 : vector<16xf32> to vector<1x16xf32>
        tpu.vector_store %arg12[%swap3A_1652, %swap3A_1653], %swap3A_1656 {strides = array<i32>} : memref<80x128xf32, #tpu.memory_space<vmem>>, vector<1x16xf32>,
        %get3A_1657 = arith.index_cast %add3A_1633 : i32 to index
        %get3A_1658 = arith.constant 16 : index
        %get3A_1659 = tpu.vector_load %arg12[%get3A_1657, %get3A_1658] {strides = array<i32>} : memref<80x128xf32, #tpu.memory_space<vmem>>, vector<1x16xf32>,
        %get3A_1660 = vector.shape_cast %get3A_1659 : vector<1x16xf32> to vector<16xf32>
        %get3A_1661 = arith.index_cast %add3A_1633 : i32 to index
        %get3A_1662 = arith.constant 16 : index
        %get3A_1663 = tpu.vector_load %arg13[%get3A_1661, %get3A_1662] {strides = array<i32>} : memref<80x128xf32, #tpu.memory_space<vmem>>, vector<1x16xf32>,
        %get3A_1664 = vector.shape_cast %get3A_1663 : vector<1x16xf32> to vector<16xf32>
        %add3A_1665 = arith.addf %get3A_1660, %get3A_1664 : vector<16xf32>
        %mul3A_1666 = vector.broadcast %squeeze3A_1627 : f32 to vector<16xf32>
        %mul3A_1667 = arith.mulf %mul3A_1666, %get3A_10 : vector<16xf32>
        %add3A_1668 = arith.addf %add3A_1665, %mul3A_1667 : vector<16xf32>
        %mul3A_1669 = arith.constant 0.00999999977 : f32
        %mul3A_1670 = vector.broadcast %mul3A_1669 : f32 to vector<16xf32>
        %mul3A_1671 = arith.mulf %mul3A_1670, %add3A_1668 : vector<16xf32>
        %max3A_1672 = arith.maximumf %add3A_1668, %mul3A_1671 : vector<16xf32>
        %mul3A_1673 = vector.broadcast %squeeze3A_1629 : f32 to vector<16xf32>
        %mul3A_1674 = arith.mulf %max3A_1672, %mul3A_1673 : vector<16xf32>
        %swap3A_1675 = arith.index_cast %add3A_1633 : i32 to index
        %swap3A_1676 = arith.constant 16 : index
        %swap3A_1677 = tpu.vector_load %arg12[%swap3A_1675, %swap3A_1676] {strides = array<i32>} : memref<80x128xf32, #tpu.memory_space<vmem>>, vector<1x16xf32>,
        %swap3A_1678 = vector.shape_cast %swap3A_1677 : vector<1x16xf32> to vector<16xf32>
        %swap3A_1679 = vector.shape_cast %mul3A_1674 : vector<16xf32> to vector<1x16xf32>
        tpu.vector_store %arg12[%swap3A_1675, %swap3A_1676], %swap3A_1679 {strides = array<i32>} : memref<80x128xf32, #tpu.memory_space<vmem>>, vector<1x16xf32>,
        %get3A_1680 = arith.index_cast %add3A_1633 : i32 to index
        %get3A_1681 = arith.constant 32 : index
        %get3A_1682 = tpu.vector_load %arg12[%get3A_1680, %get3A_1681] {strides = array<i32>} : memref<80x128xf32, #tpu.memory_space<vmem>>, vector<1x16xf32>,
        %get3A_1683 = vector.shape_cast %get3A_1682 : vector<1x16xf32> to vector<16xf32>
        %get3A_1684 = arith.index_cast %add3A_1633 : i32 to index
        %get3A_1685 = arith.constant 32 : index
        %get3A_1686 = tpu.vector_load %arg13[%get3A_1684, %get3A_1685] {strides = array<i32>} : memref<80x128xf32, #tpu.memory_space<vmem>>, vector<1x16xf32>,
        %get3A_1687 = vector.shape_cast %get3A_1686 : vector<1x16xf32> to vector<16xf32>
        %add3A_1688 = arith.addf %get3A_1683, %get3A_1687 : vector<16xf32>
        %mul3A_1689 = vector.broadcast %squeeze3A_1627 : f32 to vector<16xf32>
        %mul3A_1690 = arith.mulf %mul3A_1689, %get3A_13 : vector<16xf32>
        %add3A_1691 = arith.addf %add3A_1688, %mul3A_1690 : vector<16xf32>
        %mul3A_1692 = arith.constant 0.00999999977 : f32
        %mul3A_1693 = vector.broadcast %mul3A_1692 : f32 to vector<16xf32>
        %mul3A_1694 = arith.mulf %mul3A_1693, %add3A_1691 : vector<16xf32>
        %max3A_1695 = arith.maximumf %add3A_1691, %mul3A_1694 : vector<16xf32>
        %mul3A_1696 = vector.broadcast %squeeze3A_1629 : f32 to vector<16xf32>
        %mul3A_1697 = arith.mulf %max3A_1695, %mul3A_1696 : vector<16xf32>
        %swap3A_1698 = arith.index_cast %add3A_1633 : i32 to index
        %swap3A_1699 = arith.constant 32 : index
        %swap3A_1700 = tpu.vector_load %arg12[%swap3A_1698, %swap3A_1699] {strides = array<i32>} : memref<80x128xf32, #tpu.memory_space<vmem>>, vector<1x16xf32>,
        %swap3A_1701 = vector.shape_cast %swap3A_1700 : vector<1x16xf32> to vector<16xf32>
        %swap3A_1702 = vector.shape_cast %mul3A_1697 : vector<16xf32> to vector<1x16xf32>
        tpu.vector_store %arg12[%swap3A_1698, %swap3A_1699], %swap3A_1702 {strides = array<i32>} : memref<80x128xf32, #tpu.memory_space<vmem>>, vector<1x16xf32>,
        %get3A_1703 = arith.index_cast %add3A_1633 : i32 to index
        %get3A_1704 = arith.constant 48 : index
        %get3A_1705 = tpu.vector_load %arg12[%get3A_1703, %get3A_1704] {strides = array<i32>} : memref<80x128xf32, #tpu.memory_space<vmem>>, vector<1x16xf32>,
        %get3A_1706 = vector.shape_cast %get3A_1705 : vector<1x16xf32> to vector<16xf32>
        %get3A_1707 = arith.index_cast %add3A_1633 : i32 to index
        %get3A_1708 = arith.constant 48 : index
        %get3A_1709 = tpu.vector_load %arg13[%get3A_1707, %get3A_1708] {strides = array<i32>} : memref<80x128xf32, #tpu.memory_space<vmem>>, vector<1x16xf32>,
        %get3A_1710 = vector.shape_cast %get3A_1709 : vector<1x16xf32> to vector<16xf32>
        %add3A_1711 = arith.addf %get3A_1706, %get3A_1710 : vector<16xf32>
        %mul3A_1712 = vector.broadcast %squeeze3A_1627 : f32 to vector<16xf32>
        %mul3A_1713 = arith.mulf %mul3A_1712, %get3A_16 : vector<16xf32>
        %add3A_1714 = arith.addf %add3A_1711, %mul3A_1713 : vector<16xf32>
        %mul3A_1715 = arith.constant 0.00999999977 : f32
        %mul3A_1716 = vector.broadcast %mul3A_1715 : f32 to vector<16xf32>
        %mul3A_1717 = arith.mulf %mul3A_1716, %add3A_1714 : vector<16xf32>
        %max3A_1718 = arith.maximumf %add3A_1714, %mul3A_1717 : vector<16xf32>
        %mul3A_1719 = vector.broadcast %squeeze3A_1629 : f32 to vector<16xf32>
        %mul3A_1720 = arith.mulf %max3A_1718, %mul3A_1719 : vector<16xf32>
        %swap3A_1721 = arith.index_cast %add3A_1633 : i32 to index
        %swap3A_1722 = arith.constant 48 : index
        %swap3A_1723 = tpu.vector_load %arg12[%swap3A_1721, %swap3A_1722] {strides = array<i32>} : memref<80x128xf32, #tpu.memory_space<vmem>>, vector<1x16xf32>,
        %swap3A_1724 = vector.shape_cast %swap3A_1723 : vector<1x16xf32> to vector<16xf32>
        %swap3A_1725 = vector.shape_cast %mul3A_1720 : vector<16xf32> to vector<1x16xf32>
        tpu.vector_store %arg12[%swap3A_1721, %swap3A_1722], %swap3A_1725 {strides = array<i32>} : memref<80x128xf32, #tpu.memory_space<vmem>>, vector<1x16xf32>,
        %get3A_1726 = arith.index_cast %add3A_1633 : i32 to index
        %get3A_1727 = arith.constant 64 : index
        %get3A_1728 = tpu.vector_load %arg12[%get3A_1726, %get3A_1727] {strides = array<i32>} : memref<80x128xf32, #tpu.memory_space<vmem>>, vector<1x16xf32>,
        %get3A_1729 = vector.shape_cast %get3A_1728 : vector<1x16xf32> to vector<16xf32>
        %get3A_1730 = arith.index_cast %add3A_1633 : i32 to index
        %get3A_1731 = arith.constant 64 : index
        %get3A_1732 = tpu.vector_load %arg13[%get3A_1730, %get3A_1731] {strides = array<i32>} : memref<80x128xf32, #tpu.memory_space<vmem>>, vector<1x16xf32>,
        %get3A_1733 = vector.shape_cast %get3A_1732 : vector<1x16xf32> to vector<16xf32>
        %add3A_1734 = arith.addf %get3A_1729, %get3A_1733 : vector<16xf32>
        %mul3A_1735 = vector.broadcast %squeeze3A_1627 : f32 to vector<16xf32>
        %mul3A_1736 = arith.mulf %mul3A_1735, %get3A_19 : vector<16xf32>
        %add3A_1737 = arith.addf %add3A_1734, %mul3A_1736 : vector<16xf32>
        %mul3A_1738 = arith.constant 0.00999999977 : f32
        %mul3A_1739 = vector.broadcast %mul3A_1738 : f32 to vector<16xf32>
        %mul3A_1740 = arith.mulf %mul3A_1739, %add3A_1737 : vector<16xf32>
        %max3A_1741 = arith.maximumf %add3A_1737, %mul3A_1740 : vector<16xf32>
        %mul3A_1742 = vector.broadcast %squeeze3A_1629 : f32 to vector<16xf32>
        %mul3A_1743 = arith.mulf %max3A_1741, %mul3A_1742 : vector<16xf32>
        %swap3A_1744 = arith.index_cast %add3A_1633 : i32 to index
        %swap3A_1745 = arith.constant 64 : index
        %swap3A_1746 = tpu.vector_load %arg12[%swap3A_1744, %swap3A_1745] {strides = array<i32>} : memref<80x128xf32, #tpu.memory_space<vmem>>, vector<1x16xf32>,
        %swap3A_1747 = vector.shape_cast %swap3A_1746 : vector<1x16xf32> to vector<16xf32>
        %swap3A_1748 = vector.shape_cast %mul3A_1743 : vector<16xf32> to vector<1x16xf32>
        tpu.vector_store %arg12[%swap3A_1744, %swap3A_1745], %swap3A_1748 {strides = array<i32>} : memref<80x128xf32, #tpu.memory_space<vmem>>, vector<1x16xf32>,
        %get3A_1749 = arith.index_cast %add3A_1633 : i32 to index
        %get3A_1750 = arith.constant 80 : index
        %get3A_1751 = tpu.vector_load %arg12[%get3A_1749, %get3A_1750] {strides = array<i32>} : memref<80x128xf32, #tpu.memory_space<vmem>>, vector<1x16xf32>,
        %get3A_1752 = vector.shape_cast %get3A_1751 : vector<1x16xf32> to vector<16xf32>
        %get3A_1753 = arith.index_cast %add3A_1633 : i32 to index
        %get3A_1754 = arith.constant 80 : index
        %get3A_1755 = tpu.vector_load %arg13[%get3A_1753, %get3A_1754] {strides = array<i32>} : memref<80x128xf32, #tpu.memory_space<vmem>>, vector<1x16xf32>,
        %get3A_1756 = vector.shape_cast %get3A_1755 : vector<1x16xf32> to vector<16xf32>
        %add3A_1757 = arith.addf %get3A_1752, %get3A_1756 : vector<16xf32>
        %mul3A_1758 = vector.broadcast %squeeze3A_1627 : f32 to vector<16xf32>
        %mul3A_1759 = arith.mulf %mul3A_1758, %get3A_22 : vector<16xf32>
        %add3A_1760 = arith.addf %add3A_1757, %mul3A_1759 : vector<16xf32>
        %mul3A_1761 = arith.constant 0.00999999977 : f32
        %mul3A_1762 = vector.broadcast %mul3A_1761 : f32 to vector<16xf32>
        %mul3A_1763 = arith.mulf %mul3A_1762, %add3A_1760 : vector<16xf32>
        %max3A_1764 = arith.maximumf %add3A_1760, %mul3A_1763 : vector<16xf32>
        %mul3A_1765 = vector.broadcast %squeeze3A_1629 : f32 to vector<16xf32>
        %mul3A_1766 = arith.mulf %max3A_1764, %mul3A_1765 : vector<16xf32>
        %swap3A_1767 = arith.index_cast %add3A_1633 : i32 to index
        %swap3A_1768 = arith.constant 80 : index
        %swap3A_1769 = tpu.vector_load %arg12[%swap3A_1767, %swap3A_1768] {strides = array<i32>} : memref<80x128xf32, #tpu.memory_space<vmem>>, vector<1x16xf32>,
        %swap3A_1770 = vector.shape_cast %swap3A_1769 : vector<1x16xf32> to vector<16xf32>
        %swap3A_1771 = vector.shape_cast %mul3A_1766 : vector<16xf32> to vector<1x16xf32>
        tpu.vector_store %arg12[%swap3A_1767, %swap3A_1768], %swap3A_1771 {strides = array<i32>} : memref<80x128xf32, #tpu.memory_space<vmem>>, vector<1x16xf32>,
        %get3A_1772 = arith.index_cast %add3A_1633 : i32 to index
        %get3A_1773 = arith.constant 96 : index
        %get3A_1774 = tpu.vector_load %arg12[%get3A_1772, %get3A_1773] {strides = array<i32>} : memref<80x128xf32, #tpu.memory_space<vmem>>, vector<1x16xf32>,
        %get3A_1775 = vector.shape_cast %get3A_1774 : vector<1x16xf32> to vector<16xf32>
        %get3A_1776 = arith.index_cast %add3A_1633 : i32 to index
        %get3A_1777 = arith.constant 96 : index
        %get3A_1778 = tpu.vector_load %arg13[%get3A_1776, %get3A_1777] {strides = array<i32>} : memref<80x128xf32, #tpu.memory_space<vmem>>, vector<1x16xf32>,
        %get3A_1779 = vector.shape_cast %get3A_1778 : vector<1x16xf32> to vector<16xf32>
        %add3A_1780 = arith.addf %get3A_1775, %get3A_1779 : vector<16xf32>
        %mul3A_1781 = vector.broadcast %squeeze3A_1627 : f32 to vector<16xf32>
        %mul3A_1782 = arith.mulf %mul3A_1781, %get3A_25 : vector<16xf32>
        %add3A_1783 = arith.addf %add3A_1780, %mul3A_1782 : vector<16xf32>
        %mul3A_1784 = arith.constant 0.00999999977 : f32
        %mul3A_1785 = vector.broadcast %mul3A_1784 : f32 to vector<16xf32>
        %mul3A_1786 = arith.mulf %mul3A_1785, %add3A_1783 : vector<16xf32>
        %max3A_1787 = arith.maximumf %add3A_1783, %mul3A_1786 : vector<16xf32>
        %mul3A_1788 = vector.broadcast %squeeze3A_1629 : f32 to vector<16xf32>
        %mul3A_1789 = arith.mulf %max3A_1787, %mul3A_1788 : vector<16xf32>
        %swap3A_1790 = arith.index_cast %add3A_1633 : i32 to index
        %swap3A_1791 = arith.constant 96 : index
        %swap3A_1792 = tpu.vector_load %arg12[%swap3A_1790, %swap3A_1791] {strides = array<i32>} : memref<80x128xf32, #tpu.memory_space<vmem>>, vector<1x16xf32>,
        %swap3A_1793 = vector.shape_cast %swap3A_1792 : vector<1x16xf32> to vector<16xf32>
        %swap3A_1794 = vector.shape_cast %mul3A_1789 : vector<16xf32> to vector<1x16xf32>
        tpu.vector_store %arg12[%swap3A_1790, %swap3A_1791], %swap3A_1794 {strides = array<i32>} : memref<80x128xf32, #tpu.memory_space<vmem>>, vector<1x16xf32>,
        %get3A_1795 = arith.index_cast %add3A_1633 : i32 to index
        %get3A_1796 = arith.constant 112 : index
        %get3A_1797 = tpu.vector_load %arg12[%get3A_1795, %get3A_1796] {strides = array<i32>} : memref<80x128xf32, #tpu.memory_space<vmem>>, vector<1x16xf32>,
        %get3A_1798 = vector.shape_cast %get3A_1797 : vector<1x16xf32> to vector<16xf32>
        %get3A_1799 = arith.index_cast %add3A_1633 : i32 to index
        %get3A_1800 = arith.constant 112 : index
        %get3A_1801 = tpu.vector_load %arg13[%get3A_1799, %get3A_1800] {strides = array<i32>} : memref<80x128xf32, #tpu.memory_space<vmem>>, vector<1x16xf32>,
        %get3A_1802 = vector.shape_cast %get3A_1801 : vector<1x16xf32> to vector<16xf32>
        %add3A_1803 = arith.addf %get3A_1798, %get3A_1802 : vector<16xf32>
        %mul3A_1804 = vector.broadcast %squeeze3A_1627 : f32 to vector<16xf32>
        %mul3A_1805 = arith.mulf %mul3A_1804, %get3A_28 : vector<16xf32>
        %add3A_1806 = arith.addf %add3A_1803, %mul3A_1805 : vector<16xf32>
        %mul3A_1807 = arith.constant 0.00999999977 : f32
        %mul3A_1808 = vector.broadcast %mul3A_1807 : f32 to vector<16xf32>
        %mul3A_1809 = arith.mulf %mul3A_1808, %add3A_1806 : vector<16xf32>
        %max3A_1810 = arith.maximumf %add3A_1806, %mul3A_1809 : vector<16xf32>
        %mul3A_1811 = vector.broadcast %squeeze3A_1629 : f32 to vector<16xf32>
        %mul3A_1812 = arith.mulf %max3A_1810, %mul3A_1811 : vector<16xf32>
        %swap3A_1813 = arith.index_cast %add3A_1633 : i32 to index
        %swap3A_1814 = arith.constant 112 : index
        %swap3A_1815 = tpu.vector_load %arg12[%swap3A_1813, %swap3A_1814] {strides = array<i32>} : memref<80x128xf32, #tpu.memory_space<vmem>>, vector<1x16xf32>,
        %swap3A_1816 = vector.shape_cast %swap3A_1815 : vector<1x16xf32> to vector<16xf32>
        %swap3A_1817 = vector.shape_cast %mul3A_1812 : vector<16xf32> to vector<1x16xf32>
        tpu.vector_store %arg12[%swap3A_1813, %swap3A_1814], %swap3A_1817 {strides = array<i32>} : memref<80x128xf32, #tpu.memory_space<vmem>>, vector<1x16xf32>,
        %slice3A_1818 = vector.extract_strided_slice %get3A_88 {offsets = [9], sizes = [1], strides = [1]} : vector<16xf32> to vector<1xf32>
        %squeeze3A_1819 = vector.extract %slice3A_1818[0] : f32 from vector<1xf32>
        %slice3A_1820 = vector.extract_strided_slice %select_n3A {offsets = [9], sizes = [1], strides = [1]} : vector<16xf32> to vector<1xf32>
        %squeeze3A_1821 = vector.extract %slice3A_1820[0] : f32 from vector<1xf32>
        %mul3A_1822 = arith.constant 16 : i32
        %mul3A_1823 = arith.muli %scan3A_83, %mul3A_1822 : i32
        %add3A_1824 = arith.constant 9 : i32
        %add3A_1825 = arith.addi %mul3A_1823, %add3A_1824 : i32
        %get3A_1826 = arith.index_cast %add3A_1825 : i32 to index
        %get3A_1827 = arith.constant 0 : index
        %get3A_1828 = tpu.vector_load %arg12[%get3A_1826, %get3A_1827] {strides = array<i32>} : memref<80x128xf32, #tpu.memory_space<vmem>>, vector<1x16xf32>,
        %get3A_1829 = vector.shape_cast %get3A_1828 : vector<1x16xf32> to vector<16xf32>
        %get3A_1830 = arith.index_cast %add3A_1825 : i32 to index
        %get3A_1831 = arith.constant 0 : index
        %get3A_1832 = tpu.vector_load %arg13[%get3A_1830, %get3A_1831] {strides = array<i32>} : memref<80x128xf32, #tpu.memory_space<vmem>>, vector<1x16xf32>,
        %get3A_1833 = vector.shape_cast %get3A_1832 : vector<1x16xf32> to vector<16xf32>
        %add3A_1834 = arith.addf %get3A_1829, %get3A_1833 : vector<16xf32>
        %mul3A_1835 = vector.broadcast %squeeze3A_1819 : f32 to vector<16xf32>
        %mul3A_1836 = arith.mulf %mul3A_1835, %get3A_7 : vector<16xf32>
        %add3A_1837 = arith.addf %add3A_1834, %mul3A_1836 : vector<16xf32>
        %mul3A_1838 = arith.constant 0.00999999977 : f32
        %mul3A_1839 = vector.broadcast %mul3A_1838 : f32 to vector<16xf32>
        %mul3A_1840 = arith.mulf %mul3A_1839, %add3A_1837 : vector<16xf32>
        %max3A_1841 = arith.maximumf %add3A_1837, %mul3A_1840 : vector<16xf32>
        %mul3A_1842 = vector.broadcast %squeeze3A_1821 : f32 to vector<16xf32>
        %mul3A_1843 = arith.mulf %max3A_1841, %mul3A_1842 : vector<16xf32>
        %swap3A_1844 = arith.index_cast %add3A_1825 : i32 to index
        %swap3A_1845 = arith.constant 0 : index
        %swap3A_1846 = tpu.vector_load %arg12[%swap3A_1844, %swap3A_1845] {strides = array<i32>} : memref<80x128xf32, #tpu.memory_space<vmem>>, vector<1x16xf32>,
        %swap3A_1847 = vector.shape_cast %swap3A_1846 : vector<1x16xf32> to vector<16xf32>
        %swap3A_1848 = vector.shape_cast %mul3A_1843 : vector<16xf32> to vector<1x16xf32>
        tpu.vector_store %arg12[%swap3A_1844, %swap3A_1845], %swap3A_1848 {strides = array<i32>} : memref<80x128xf32, #tpu.memory_space<vmem>>, vector<1x16xf32>,
        %get3A_1849 = arith.index_cast %add3A_1825 : i32 to index
        %get3A_1850 = arith.constant 16 : index
        %get3A_1851 = tpu.vector_load %arg12[%get3A_1849, %get3A_1850] {strides = array<i32>} : memref<80x128xf32, #tpu.memory_space<vmem>>, vector<1x16xf32>,
        %get3A_1852 = vector.shape_cast %get3A_1851 : vector<1x16xf32> to vector<16xf32>
        %get3A_1853 = arith.index_cast %add3A_1825 : i32 to index
        %get3A_1854 = arith.constant 16 : index
        %get3A_1855 = tpu.vector_load %arg13[%get3A_1853, %get3A_1854] {strides = array<i32>} : memref<80x128xf32, #tpu.memory_space<vmem>>, vector<1x16xf32>,
        %get3A_1856 = vector.shape_cast %get3A_1855 : vector<1x16xf32> to vector<16xf32>
        %add3A_1857 = arith.addf %get3A_1852, %get3A_1856 : vector<16xf32>
        %mul3A_1858 = vector.broadcast %squeeze3A_1819 : f32 to vector<16xf32>
        %mul3A_1859 = arith.mulf %mul3A_1858, %get3A_10 : vector<16xf32>
        %add3A_1860 = arith.addf %add3A_1857, %mul3A_1859 : vector<16xf32>
        %mul3A_1861 = arith.constant 0.00999999977 : f32
        %mul3A_1862 = vector.broadcast %mul3A_1861 : f32 to vector<16xf32>
        %mul3A_1863 = arith.mulf %mul3A_1862, %add3A_1860 : vector<16xf32>
        %max3A_1864 = arith.maximumf %add3A_1860, %mul3A_1863 : vector<16xf32>
        %mul3A_1865 = vector.broadcast %squeeze3A_1821 : f32 to vector<16xf32>
        %mul3A_1866 = arith.mulf %max3A_1864, %mul3A_1865 : vector<16xf32>
        %swap3A_1867 = arith.index_cast %add3A_1825 : i32 to index
        %swap3A_1868 = arith.constant 16 : index
        %swap3A_1869 = tpu.vector_load %arg12[%swap3A_1867, %swap3A_1868] {strides = array<i32>} : memref<80x128xf32, #tpu.memory_space<vmem>>, vector<1x16xf32>,
        %swap3A_1870 = vector.shape_cast %swap3A_1869 : vector<1x16xf32> to vector<16xf32>
        %swap3A_1871 = vector.shape_cast %mul3A_1866 : vector<16xf32> to vector<1x16xf32>
        tpu.vector_store %arg12[%swap3A_1867, %swap3A_1868], %swap3A_1871 {strides = array<i32>} : memref<80x128xf32, #tpu.memory_space<vmem>>, vector<1x16xf32>,
        %get3A_1872 = arith.index_cast %add3A_1825 : i32 to index
        %get3A_1873 = arith.constant 32 : index
        %get3A_1874 = tpu.vector_load %arg12[%get3A_1872, %get3A_1873] {strides = array<i32>} : memref<80x128xf32, #tpu.memory_space<vmem>>, vector<1x16xf32>,
        %get3A_1875 = vector.shape_cast %get3A_1874 : vector<1x16xf32> to vector<16xf32>
        %get3A_1876 = arith.index_cast %add3A_1825 : i32 to index
        %get3A_1877 = arith.constant 32 : index
        %get3A_1878 = tpu.vector_load %arg13[%get3A_1876, %get3A_1877] {strides = array<i32>} : memref<80x128xf32, #tpu.memory_space<vmem>>, vector<1x16xf32>,
        %get3A_1879 = vector.shape_cast %get3A_1878 : vector<1x16xf32> to vector<16xf32>
        %add3A_1880 = arith.addf %get3A_1875, %get3A_1879 : vector<16xf32>
        %mul3A_1881 = vector.broadcast %squeeze3A_1819 : f32 to vector<16xf32>
        %mul3A_1882 = arith.mulf %mul3A_1881, %get3A_13 : vector<16xf32>
        %add3A_1883 = arith.addf %add3A_1880, %mul3A_1882 : vector<16xf32>
        %mul3A_1884 = arith.constant 0.00999999977 : f32
        %mul3A_1885 = vector.broadcast %mul3A_1884 : f32 to vector<16xf32>
        %mul3A_1886 = arith.mulf %mul3A_1885, %add3A_1883 : vector<16xf32>
        %max3A_1887 = arith.maximumf %add3A_1883, %mul3A_1886 : vector<16xf32>
        %mul3A_1888 = vector.broadcast %squeeze3A_1821 : f32 to vector<16xf32>
        %mul3A_1889 = arith.mulf %max3A_1887, %mul3A_1888 : vector<16xf32>
        %swap3A_1890 = arith.index_cast %add3A_1825 : i32 to index
        %swap3A_1891 = arith.constant 32 : index
        %swap3A_1892 = tpu.vector_load %arg12[%swap3A_1890, %swap3A_1891] {strides = array<i32>} : memref<80x128xf32, #tpu.memory_space<vmem>>, vector<1x16xf32>,
        %swap3A_1893 = vector.shape_cast %swap3A_1892 : vector<1x16xf32> to vector<16xf32>
        %swap3A_1894 = vector.shape_cast %mul3A_1889 : vector<16xf32> to vector<1x16xf32>
        tpu.vector_store %arg12[%swap3A_1890, %swap3A_1891], %swap3A_1894 {strides = array<i32>} : memref<80x128xf32, #tpu.memory_space<vmem>>, vector<1x16xf32>,
        %get3A_1895 = arith.index_cast %add3A_1825 : i32 to index
        %get3A_1896 = arith.constant 48 : index
        %get3A_1897 = tpu.vector_load %arg12[%get3A_1895, %get3A_1896] {strides = array<i32>} : memref<80x128xf32, #tpu.memory_space<vmem>>, vector<1x16xf32>,
        %get3A_1898 = vector.shape_cast %get3A_1897 : vector<1x16xf32> to vector<16xf32>
        %get3A_1899 = arith.index_cast %add3A_1825 : i32 to index
        %get3A_1900 = arith.constant 48 : index
        %get3A_1901 = tpu.vector_load %arg13[%get3A_1899, %get3A_1900] {strides = array<i32>} : memref<80x128xf32, #tpu.memory_space<vmem>>, vector<1x16xf32>,
        %get3A_1902 = vector.shape_cast %get3A_1901 : vector<1x16xf32> to vector<16xf32>
        %add3A_1903 = arith.addf %get3A_1898, %get3A_1902 : vector<16xf32>
        %mul3A_1904 = vector.broadcast %squeeze3A_1819 : f32 to vector<16xf32>
        %mul3A_1905 = arith.mulf %mul3A_1904, %get3A_16 : vector<16xf32>
        %add3A_1906 = arith.addf %add3A_1903, %mul3A_1905 : vector<16xf32>
        %mul3A_1907 = arith.constant 0.00999999977 : f32
        %mul3A_1908 = vector.broadcast %mul3A_1907 : f32 to vector<16xf32>
        %mul3A_1909 = arith.mulf %mul3A_1908, %add3A_1906 : vector<16xf32>
        %max3A_1910 = arith.maximumf %add3A_1906, %mul3A_1909 : vector<16xf32>
        %mul3A_1911 = vector.broadcast %squeeze3A_1821 : f32 to vector<16xf32>
        %mul3A_1912 = arith.mulf %max3A_1910, %mul3A_1911 : vector<16xf32>
        %swap3A_1913 = arith.index_cast %add3A_1825 : i32 to index
        %swap3A_1914 = arith.constant 48 : index
        %swap3A_1915 = tpu.vector_load %arg12[%swap3A_1913, %swap3A_1914] {strides = array<i32>} : memref<80x128xf32, #tpu.memory_space<vmem>>, vector<1x16xf32>,
        %swap3A_1916 = vector.shape_cast %swap3A_1915 : vector<1x16xf32> to vector<16xf32>
        %swap3A_1917 = vector.shape_cast %mul3A_1912 : vector<16xf32> to vector<1x16xf32>
        tpu.vector_store %arg12[%swap3A_1913, %swap3A_1914], %swap3A_1917 {strides = array<i32>} : memref<80x128xf32, #tpu.memory_space<vmem>>, vector<1x16xf32>,
        %get3A_1918 = arith.index_cast %add3A_1825 : i32 to index
        %get3A_1919 = arith.constant 64 : index
        %get3A_1920 = tpu.vector_load %arg12[%get3A_1918, %get3A_1919] {strides = array<i32>} : memref<80x128xf32, #tpu.memory_space<vmem>>, vector<1x16xf32>,
        %get3A_1921 = vector.shape_cast %get3A_1920 : vector<1x16xf32> to vector<16xf32>
        %get3A_1922 = arith.index_cast %add3A_1825 : i32 to index
        %get3A_1923 = arith.constant 64 : index
        %get3A_1924 = tpu.vector_load %arg13[%get3A_1922, %get3A_1923] {strides = array<i32>} : memref<80x128xf32, #tpu.memory_space<vmem>>, vector<1x16xf32>,
        %get3A_1925 = vector.shape_cast %get3A_1924 : vector<1x16xf32> to vector<16xf32>
        %add3A_1926 = arith.addf %get3A_1921, %get3A_1925 : vector<16xf32>
        %mul3A_1927 = vector.broadcast %squeeze3A_1819 : f32 to vector<16xf32>
        %mul3A_1928 = arith.mulf %mul3A_1927, %get3A_19 : vector<16xf32>
        %add3A_1929 = arith.addf %add3A_1926, %mul3A_1928 : vector<16xf32>
        %mul3A_1930 = arith.constant 0.00999999977 : f32
        %mul3A_1931 = vector.broadcast %mul3A_1930 : f32 to vector<16xf32>
        %mul3A_1932 = arith.mulf %mul3A_1931, %add3A_1929 : vector<16xf32>
        %max3A_1933 = arith.maximumf %add3A_1929, %mul3A_1932 : vector<16xf32>
        %mul3A_1934 = vector.broadcast %squeeze3A_1821 : f32 to vector<16xf32>
        %mul3A_1935 = arith.mulf %max3A_1933, %mul3A_1934 : vector<16xf32>
        %swap3A_1936 = arith.index_cast %add3A_1825 : i32 to index
        %swap3A_1937 = arith.constant 64 : index
        %swap3A_1938 = tpu.vector_load %arg12[%swap3A_1936, %swap3A_1937] {strides = array<i32>} : memref<80x128xf32, #tpu.memory_space<vmem>>, vector<1x16xf32>,
        %swap3A_1939 = vector.shape_cast %swap3A_1938 : vector<1x16xf32> to vector<16xf32>
        %swap3A_1940 = vector.shape_cast %mul3A_1935 : vector<16xf32> to vector<1x16xf32>
        tpu.vector_store %arg12[%swap3A_1936, %swap3A_1937], %swap3A_1940 {strides = array<i32>} : memref<80x128xf32, #tpu.memory_space<vmem>>, vector<1x16xf32>,
        %get3A_1941 = arith.index_cast %add3A_1825 : i32 to index
        %get3A_1942 = arith.constant 80 : index
        %get3A_1943 = tpu.vector_load %arg12[%get3A_1941, %get3A_1942] {strides = array<i32>} : memref<80x128xf32, #tpu.memory_space<vmem>>, vector<1x16xf32>,
        %get3A_1944 = vector.shape_cast %get3A_1943 : vector<1x16xf32> to vector<16xf32>
        %get3A_1945 = arith.index_cast %add3A_1825 : i32 to index
        %get3A_1946 = arith.constant 80 : index
        %get3A_1947 = tpu.vector_load %arg13[%get3A_1945, %get3A_1946] {strides = array<i32>} : memref<80x128xf32, #tpu.memory_space<vmem>>, vector<1x16xf32>,
        %get3A_1948 = vector.shape_cast %get3A_1947 : vector<1x16xf32> to vector<16xf32>
        %add3A_1949 = arith.addf %get3A_1944, %get3A_1948 : vector<16xf32>
        %mul3A_1950 = vector.broadcast %squeeze3A_1819 : f32 to vector<16xf32>
        %mul3A_1951 = arith.mulf %mul3A_1950, %get3A_22 : vector<16xf32>
        %add3A_1952 = arith.addf %add3A_1949, %mul3A_1951 : vector<16xf32>
        %mul3A_1953 = arith.constant 0.00999999977 : f32
        %mul3A_1954 = vector.broadcast %mul3A_1953 : f32 to vector<16xf32>
        %mul3A_1955 = arith.mulf %mul3A_1954, %add3A_1952 : vector<16xf32>
        %max3A_1956 = arith.maximumf %add3A_1952, %mul3A_1955 : vector<16xf32>
        %mul3A_1957 = vector.broadcast %squeeze3A_1821 : f32 to vector<16xf32>
        %mul3A_1958 = arith.mulf %max3A_1956, %mul3A_1957 : vector<16xf32>
        %swap3A_1959 = arith.index_cast %add3A_1825 : i32 to index
        %swap3A_1960 = arith.constant 80 : index
        %swap3A_1961 = tpu.vector_load %arg12[%swap3A_1959, %swap3A_1960] {strides = array<i32>} : memref<80x128xf32, #tpu.memory_space<vmem>>, vector<1x16xf32>,
        %swap3A_1962 = vector.shape_cast %swap3A_1961 : vector<1x16xf32> to vector<16xf32>
        %swap3A_1963 = vector.shape_cast %mul3A_1958 : vector<16xf32> to vector<1x16xf32>
        tpu.vector_store %arg12[%swap3A_1959, %swap3A_1960], %swap3A_1963 {strides = array<i32>} : memref<80x128xf32, #tpu.memory_space<vmem>>, vector<1x16xf32>,
        %get3A_1964 = arith.index_cast %add3A_1825 : i32 to index
        %get3A_1965 = arith.constant 96 : index
        %get3A_1966 = tpu.vector_load %arg12[%get3A_1964, %get3A_1965] {strides = array<i32>} : memref<80x128xf32, #tpu.memory_space<vmem>>, vector<1x16xf32>,
        %get3A_1967 = vector.shape_cast %get3A_1966 : vector<1x16xf32> to vector<16xf32>
        %get3A_1968 = arith.index_cast %add3A_1825 : i32 to index
        %get3A_1969 = arith.constant 96 : index
        %get3A_1970 = tpu.vector_load %arg13[%get3A_1968, %get3A_1969] {strides = array<i32>} : memref<80x128xf32, #tpu.memory_space<vmem>>, vector<1x16xf32>,
        %get3A_1971 = vector.shape_cast %get3A_1970 : vector<1x16xf32> to vector<16xf32>
        %add3A_1972 = arith.addf %get3A_1967, %get3A_1971 : vector<16xf32>
        %mul3A_1973 = vector.broadcast %squeeze3A_1819 : f32 to vector<16xf32>
        %mul3A_1974 = arith.mulf %mul3A_1973, %get3A_25 : vector<16xf32>
        %add3A_1975 = arith.addf %add3A_1972, %mul3A_1974 : vector<16xf32>
        %mul3A_1976 = arith.constant 0.00999999977 : f32
        %mul3A_1977 = vector.broadcast %mul3A_1976 : f32 to vector<16xf32>
        %mul3A_1978 = arith.mulf %mul3A_1977, %add3A_1975 : vector<16xf32>
        %max3A_1979 = arith.maximumf %add3A_1975, %mul3A_1978 : vector<16xf32>
        %mul3A_1980 = vector.broadcast %squeeze3A_1821 : f32 to vector<16xf32>
        %mul3A_1981 = arith.mulf %max3A_1979, %mul3A_1980 : vector<16xf32>
        %swap3A_1982 = arith.index_cast %add3A_1825 : i32 to index
        %swap3A_1983 = arith.constant 96 : index
        %swap3A_1984 = tpu.vector_load %arg12[%swap3A_1982, %swap3A_1983] {strides = array<i32>} : memref<80x128xf32, #tpu.memory_space<vmem>>, vector<1x16xf32>,
        %swap3A_1985 = vector.shape_cast %swap3A_1984 : vector<1x16xf32> to vector<16xf32>
        %swap3A_1986 = vector.shape_cast %mul3A_1981 : vector<16xf32> to vector<1x16xf32>
        tpu.vector_store %arg12[%swap3A_1982, %swap3A_1983], %swap3A_1986 {strides = array<i32>} : memref<80x128xf32, #tpu.memory_space<vmem>>, vector<1x16xf32>,
        %get3A_1987 = arith.index_cast %add3A_1825 : i32 to index
        %get3A_1988 = arith.constant 112 : index
        %get3A_1989 = tpu.vector_load %arg12[%get3A_1987, %get3A_1988] {strides = array<i32>} : memref<80x128xf32, #tpu.memory_space<vmem>>, vector<1x16xf32>,
        %get3A_1990 = vector.shape_cast %get3A_1989 : vector<1x16xf32> to vector<16xf32>
        %get3A_1991 = arith.index_cast %add3A_1825 : i32 to index
        %get3A_1992 = arith.constant 112 : index
        %get3A_1993 = tpu.vector_load %arg13[%get3A_1991, %get3A_1992] {strides = array<i32>} : memref<80x128xf32, #tpu.memory_space<vmem>>, vector<1x16xf32>,
        %get3A_1994 = vector.shape_cast %get3A_1993 : vector<1x16xf32> to vector<16xf32>
        %add3A_1995 = arith.addf %get3A_1990, %get3A_1994 : vector<16xf32>
        %mul3A_1996 = vector.broadcast %squeeze3A_1819 : f32 to vector<16xf32>
        %mul3A_1997 = arith.mulf %mul3A_1996, %get3A_28 : vector<16xf32>
        %add3A_1998 = arith.addf %add3A_1995, %mul3A_1997 : vector<16xf32>
        %mul3A_1999 = arith.constant 0.00999999977 : f32
        %mul3A_2000 = vector.broadcast %mul3A_1999 : f32 to vector<16xf32>
        %mul3A_2001 = arith.mulf %mul3A_2000, %add3A_1998 : vector<16xf32>
        %max3A_2002 = arith.maximumf %add3A_1998, %mul3A_2001 : vector<16xf32>
        %mul3A_2003 = vector.broadcast %squeeze3A_1821 : f32 to vector<16xf32>
        %mul3A_2004 = arith.mulf %max3A_2002, %mul3A_2003 : vector<16xf32>
        %swap3A_2005 = arith.index_cast %add3A_1825 : i32 to index
        %swap3A_2006 = arith.constant 112 : index
        %swap3A_2007 = tpu.vector_load %arg12[%swap3A_2005, %swap3A_2006] {strides = array<i32>} : memref<80x128xf32, #tpu.memory_space<vmem>>, vector<1x16xf32>,
        %swap3A_2008 = vector.shape_cast %swap3A_2007 : vector<1x16xf32> to vector<16xf32>
        %swap3A_2009 = vector.shape_cast %mul3A_2004 : vector<16xf32> to vector<1x16xf32>
        tpu.vector_store %arg12[%swap3A_2005, %swap3A_2006], %swap3A_2009 {strides = array<i32>} : memref<80x128xf32, #tpu.memory_space<vmem>>, vector<1x16xf32>,
        %slice3A_2010 = vector.extract_strided_slice %get3A_88 {offsets = [10], sizes = [1], strides = [1]} : vector<16xf32> to vector<1xf32>
        %squeeze3A_2011 = vector.extract %slice3A_2010[0] : f32 from vector<1xf32>
        %slice3A_2012 = vector.extract_strided_slice %select_n3A {offsets = [10], sizes = [1], strides = [1]} : vector<16xf32> to vector<1xf32>
        %squeeze3A_2013 = vector.extract %slice3A_2012[0] : f32 from vector<1xf32>
        %mul3A_2014 = arith.constant 16 : i32
        %mul3A_2015 = arith.muli %scan3A_83, %mul3A_2014 : i32
        %add3A_2016 = arith.constant 10 : i32
        %add3A_2017 = arith.addi %mul3A_2015, %add3A_2016 : i32
        %get3A_2018 = arith.index_cast %add3A_2017 : i32 to index
        %get3A_2019 = arith.constant 0 : index
        %get3A_2020 = tpu.vector_load %arg12[%get3A_2018, %get3A_2019] {strides = array<i32>} : memref<80x128xf32, #tpu.memory_space<vmem>>, vector<1x16xf32>,
        %get3A_2021 = vector.shape_cast %get3A_2020 : vector<1x16xf32> to vector<16xf32>
        %get3A_2022 = arith.index_cast %add3A_2017 : i32 to index
        %get3A_2023 = arith.constant 0 : index
        %get3A_2024 = tpu.vector_load %arg13[%get3A_2022, %get3A_2023] {strides = array<i32>} : memref<80x128xf32, #tpu.memory_space<vmem>>, vector<1x16xf32>,
        %get3A_2025 = vector.shape_cast %get3A_2024 : vector<1x16xf32> to vector<16xf32>
        %add3A_2026 = arith.addf %get3A_2021, %get3A_2025 : vector<16xf32>
        %mul3A_2027 = vector.broadcast %squeeze3A_2011 : f32 to vector<16xf32>
        %mul3A_2028 = arith.mulf %mul3A_2027, %get3A_7 : vector<16xf32>
        %add3A_2029 = arith.addf %add3A_2026, %mul3A_2028 : vector<16xf32>
        %mul3A_2030 = arith.constant 0.00999999977 : f32
        %mul3A_2031 = vector.broadcast %mul3A_2030 : f32 to vector<16xf32>
        %mul3A_2032 = arith.mulf %mul3A_2031, %add3A_2029 : vector<16xf32>
        %max3A_2033 = arith.maximumf %add3A_2029, %mul3A_2032 : vector<16xf32>
        %mul3A_2034 = vector.broadcast %squeeze3A_2013 : f32 to vector<16xf32>
        %mul3A_2035 = arith.mulf %max3A_2033, %mul3A_2034 : vector<16xf32>
        %swap3A_2036 = arith.index_cast %add3A_2017 : i32 to index
        %swap3A_2037 = arith.constant 0 : index
        %swap3A_2038 = tpu.vector_load %arg12[%swap3A_2036, %swap3A_2037] {strides = array<i32>} : memref<80x128xf32, #tpu.memory_space<vmem>>, vector<1x16xf32>,
        %swap3A_2039 = vector.shape_cast %swap3A_2038 : vector<1x16xf32> to vector<16xf32>
        %swap3A_2040 = vector.shape_cast %mul3A_2035 : vector<16xf32> to vector<1x16xf32>
        tpu.vector_store %arg12[%swap3A_2036, %swap3A_2037], %swap3A_2040 {strides = array<i32>} : memref<80x128xf32, #tpu.memory_space<vmem>>, vector<1x16xf32>,
        %get3A_2041 = arith.index_cast %add3A_2017 : i32 to index
        %get3A_2042 = arith.constant 16 : index
        %get3A_2043 = tpu.vector_load %arg12[%get3A_2041, %get3A_2042] {strides = array<i32>} : memref<80x128xf32, #tpu.memory_space<vmem>>, vector<1x16xf32>,
        %get3A_2044 = vector.shape_cast %get3A_2043 : vector<1x16xf32> to vector<16xf32>
        %get3A_2045 = arith.index_cast %add3A_2017 : i32 to index
        %get3A_2046 = arith.constant 16 : index
        %get3A_2047 = tpu.vector_load %arg13[%get3A_2045, %get3A_2046] {strides = array<i32>} : memref<80x128xf32, #tpu.memory_space<vmem>>, vector<1x16xf32>,
        %get3A_2048 = vector.shape_cast %get3A_2047 : vector<1x16xf32> to vector<16xf32>
        %add3A_2049 = arith.addf %get3A_2044, %get3A_2048 : vector<16xf32>
        %mul3A_2050 = vector.broadcast %squeeze3A_2011 : f32 to vector<16xf32>
        %mul3A_2051 = arith.mulf %mul3A_2050, %get3A_10 : vector<16xf32>
        %add3A_2052 = arith.addf %add3A_2049, %mul3A_2051 : vector<16xf32>
        %mul3A_2053 = arith.constant 0.00999999977 : f32
        %mul3A_2054 = vector.broadcast %mul3A_2053 : f32 to vector<16xf32>
        %mul3A_2055 = arith.mulf %mul3A_2054, %add3A_2052 : vector<16xf32>
        %max3A_2056 = arith.maximumf %add3A_2052, %mul3A_2055 : vector<16xf32>
        %mul3A_2057 = vector.broadcast %squeeze3A_2013 : f32 to vector<16xf32>
        %mul3A_2058 = arith.mulf %max3A_2056, %mul3A_2057 : vector<16xf32>
        %swap3A_2059 = arith.index_cast %add3A_2017 : i32 to index
        %swap3A_2060 = arith.constant 16 : index
        %swap3A_2061 = tpu.vector_load %arg12[%swap3A_2059, %swap3A_2060] {strides = array<i32>} : memref<80x128xf32, #tpu.memory_space<vmem>>, vector<1x16xf32>,
        %swap3A_2062 = vector.shape_cast %swap3A_2061 : vector<1x16xf32> to vector<16xf32>
        %swap3A_2063 = vector.shape_cast %mul3A_2058 : vector<16xf32> to vector<1x16xf32>
        tpu.vector_store %arg12[%swap3A_2059, %swap3A_2060], %swap3A_2063 {strides = array<i32>} : memref<80x128xf32, #tpu.memory_space<vmem>>, vector<1x16xf32>,
        %get3A_2064 = arith.index_cast %add3A_2017 : i32 to index
        %get3A_2065 = arith.constant 32 : index
        %get3A_2066 = tpu.vector_load %arg12[%get3A_2064, %get3A_2065] {strides = array<i32>} : memref<80x128xf32, #tpu.memory_space<vmem>>, vector<1x16xf32>,
        %get3A_2067 = vector.shape_cast %get3A_2066 : vector<1x16xf32> to vector<16xf32>
        %get3A_2068 = arith.index_cast %add3A_2017 : i32 to index
        %get3A_2069 = arith.constant 32 : index
        %get3A_2070 = tpu.vector_load %arg13[%get3A_2068, %get3A_2069] {strides = array<i32>} : memref<80x128xf32, #tpu.memory_space<vmem>>, vector<1x16xf32>,
        %get3A_2071 = vector.shape_cast %get3A_2070 : vector<1x16xf32> to vector<16xf32>
        %add3A_2072 = arith.addf %get3A_2067, %get3A_2071 : vector<16xf32>
        %mul3A_2073 = vector.broadcast %squeeze3A_2011 : f32 to vector<16xf32>
        %mul3A_2074 = arith.mulf %mul3A_2073, %get3A_13 : vector<16xf32>
        %add3A_2075 = arith.addf %add3A_2072, %mul3A_2074 : vector<16xf32>
        %mul3A_2076 = arith.constant 0.00999999977 : f32
        %mul3A_2077 = vector.broadcast %mul3A_2076 : f32 to vector<16xf32>
        %mul3A_2078 = arith.mulf %mul3A_2077, %add3A_2075 : vector<16xf32>
        %max3A_2079 = arith.maximumf %add3A_2075, %mul3A_2078 : vector<16xf32>
        %mul3A_2080 = vector.broadcast %squeeze3A_2013 : f32 to vector<16xf32>
        %mul3A_2081 = arith.mulf %max3A_2079, %mul3A_2080 : vector<16xf32>
        %swap3A_2082 = arith.index_cast %add3A_2017 : i32 to index
        %swap3A_2083 = arith.constant 32 : index
        %swap3A_2084 = tpu.vector_load %arg12[%swap3A_2082, %swap3A_2083] {strides = array<i32>} : memref<80x128xf32, #tpu.memory_space<vmem>>, vector<1x16xf32>,
        %swap3A_2085 = vector.shape_cast %swap3A_2084 : vector<1x16xf32> to vector<16xf32>
        %swap3A_2086 = vector.shape_cast %mul3A_2081 : vector<16xf32> to vector<1x16xf32>
        tpu.vector_store %arg12[%swap3A_2082, %swap3A_2083], %swap3A_2086 {strides = array<i32>} : memref<80x128xf32, #tpu.memory_space<vmem>>, vector<1x16xf32>,
        %get3A_2087 = arith.index_cast %add3A_2017 : i32 to index
        %get3A_2088 = arith.constant 48 : index
        %get3A_2089 = tpu.vector_load %arg12[%get3A_2087, %get3A_2088] {strides = array<i32>} : memref<80x128xf32, #tpu.memory_space<vmem>>, vector<1x16xf32>,
        %get3A_2090 = vector.shape_cast %get3A_2089 : vector<1x16xf32> to vector<16xf32>
        %get3A_2091 = arith.index_cast %add3A_2017 : i32 to index
        %get3A_2092 = arith.constant 48 : index
        %get3A_2093 = tpu.vector_load %arg13[%get3A_2091, %get3A_2092] {strides = array<i32>} : memref<80x128xf32, #tpu.memory_space<vmem>>, vector<1x16xf32>,
        %get3A_2094 = vector.shape_cast %get3A_2093 : vector<1x16xf32> to vector<16xf32>
        %add3A_2095 = arith.addf %get3A_2090, %get3A_2094 : vector<16xf32>
        %mul3A_2096 = vector.broadcast %squeeze3A_2011 : f32 to vector<16xf32>
        %mul3A_2097 = arith.mulf %mul3A_2096, %get3A_16 : vector<16xf32>
        %add3A_2098 = arith.addf %add3A_2095, %mul3A_2097 : vector<16xf32>
        %mul3A_2099 = arith.constant 0.00999999977 : f32
        %mul3A_2100 = vector.broadcast %mul3A_2099 : f32 to vector<16xf32>
        %mul3A_2101 = arith.mulf %mul3A_2100, %add3A_2098 : vector<16xf32>
        %max3A_2102 = arith.maximumf %add3A_2098, %mul3A_2101 : vector<16xf32>
        %mul3A_2103 = vector.broadcast %squeeze3A_2013 : f32 to vector<16xf32>
        %mul3A_2104 = arith.mulf %max3A_2102, %mul3A_2103 : vector<16xf32>
        %swap3A_2105 = arith.index_cast %add3A_2017 : i32 to index
        %swap3A_2106 = arith.constant 48 : index
        %swap3A_2107 = tpu.vector_load %arg12[%swap3A_2105, %swap3A_2106] {strides = array<i32>} : memref<80x128xf32, #tpu.memory_space<vmem>>, vector<1x16xf32>,
        %swap3A_2108 = vector.shape_cast %swap3A_2107 : vector<1x16xf32> to vector<16xf32>
        %swap3A_2109 = vector.shape_cast %mul3A_2104 : vector<16xf32> to vector<1x16xf32>
        tpu.vector_store %arg12[%swap3A_2105, %swap3A_2106], %swap3A_2109 {strides = array<i32>} : memref<80x128xf32, #tpu.memory_space<vmem>>, vector<1x16xf32>,
        %get3A_2110 = arith.index_cast %add3A_2017 : i32 to index
        %get3A_2111 = arith.constant 64 : index
        %get3A_2112 = tpu.vector_load %arg12[%get3A_2110, %get3A_2111] {strides = array<i32>} : memref<80x128xf32, #tpu.memory_space<vmem>>, vector<1x16xf32>,
        %get3A_2113 = vector.shape_cast %get3A_2112 : vector<1x16xf32> to vector<16xf32>
        %get3A_2114 = arith.index_cast %add3A_2017 : i32 to index
        %get3A_2115 = arith.constant 64 : index
        %get3A_2116 = tpu.vector_load %arg13[%get3A_2114, %get3A_2115] {strides = array<i32>} : memref<80x128xf32, #tpu.memory_space<vmem>>, vector<1x16xf32>,
        %get3A_2117 = vector.shape_cast %get3A_2116 : vector<1x16xf32> to vector<16xf32>
        %add3A_2118 = arith.addf %get3A_2113, %get3A_2117 : vector<16xf32>
        %mul3A_2119 = vector.broadcast %squeeze3A_2011 : f32 to vector<16xf32>
        %mul3A_2120 = arith.mulf %mul3A_2119, %get3A_19 : vector<16xf32>
        %add3A_2121 = arith.addf %add3A_2118, %mul3A_2120 : vector<16xf32>
        %mul3A_2122 = arith.constant 0.00999999977 : f32
        %mul3A_2123 = vector.broadcast %mul3A_2122 : f32 to vector<16xf32>
        %mul3A_2124 = arith.mulf %mul3A_2123, %add3A_2121 : vector<16xf32>
        %max3A_2125 = arith.maximumf %add3A_2121, %mul3A_2124 : vector<16xf32>
        %mul3A_2126 = vector.broadcast %squeeze3A_2013 : f32 to vector<16xf32>
        %mul3A_2127 = arith.mulf %max3A_2125, %mul3A_2126 : vector<16xf32>
        %swap3A_2128 = arith.index_cast %add3A_2017 : i32 to index
        %swap3A_2129 = arith.constant 64 : index
        %swap3A_2130 = tpu.vector_load %arg12[%swap3A_2128, %swap3A_2129] {strides = array<i32>} : memref<80x128xf32, #tpu.memory_space<vmem>>, vector<1x16xf32>,
        %swap3A_2131 = vector.shape_cast %swap3A_2130 : vector<1x16xf32> to vector<16xf32>
        %swap3A_2132 = vector.shape_cast %mul3A_2127 : vector<16xf32> to vector<1x16xf32>
        tpu.vector_store %arg12[%swap3A_2128, %swap3A_2129], %swap3A_2132 {strides = array<i32>} : memref<80x128xf32, #tpu.memory_space<vmem>>, vector<1x16xf32>,
        %get3A_2133 = arith.index_cast %add3A_2017 : i32 to index
        %get3A_2134 = arith.constant 80 : index
        %get3A_2135 = tpu.vector_load %arg12[%get3A_2133, %get3A_2134] {strides = array<i32>} : memref<80x128xf32, #tpu.memory_space<vmem>>, vector<1x16xf32>,
        %get3A_2136 = vector.shape_cast %get3A_2135 : vector<1x16xf32> to vector<16xf32>
        %get3A_2137 = arith.index_cast %add3A_2017 : i32 to index
        %get3A_2138 = arith.constant 80 : index
        %get3A_2139 = tpu.vector_load %arg13[%get3A_2137, %get3A_2138] {strides = array<i32>} : memref<80x128xf32, #tpu.memory_space<vmem>>, vector<1x16xf32>,
        %get3A_2140 = vector.shape_cast %get3A_2139 : vector<1x16xf32> to vector<16xf32>
        %add3A_2141 = arith.addf %get3A_2136, %get3A_2140 : vector<16xf32>
        %mul3A_2142 = vector.broadcast %squeeze3A_2011 : f32 to vector<16xf32>
        %mul3A_2143 = arith.mulf %mul3A_2142, %get3A_22 : vector<16xf32>
        %add3A_2144 = arith.addf %add3A_2141, %mul3A_2143 : vector<16xf32>
        %mul3A_2145 = arith.constant 0.00999999977 : f32
        %mul3A_2146 = vector.broadcast %mul3A_2145 : f32 to vector<16xf32>
        %mul3A_2147 = arith.mulf %mul3A_2146, %add3A_2144 : vector<16xf32>
        %max3A_2148 = arith.maximumf %add3A_2144, %mul3A_2147 : vector<16xf32>
        %mul3A_2149 = vector.broadcast %squeeze3A_2013 : f32 to vector<16xf32>
        %mul3A_2150 = arith.mulf %max3A_2148, %mul3A_2149 : vector<16xf32>
        %swap3A_2151 = arith.index_cast %add3A_2017 : i32 to index
        %swap3A_2152 = arith.constant 80 : index
        %swap3A_2153 = tpu.vector_load %arg12[%swap3A_2151, %swap3A_2152] {strides = array<i32>} : memref<80x128xf32, #tpu.memory_space<vmem>>, vector<1x16xf32>,
        %swap3A_2154 = vector.shape_cast %swap3A_2153 : vector<1x16xf32> to vector<16xf32>
        %swap3A_2155 = vector.shape_cast %mul3A_2150 : vector<16xf32> to vector<1x16xf32>
        tpu.vector_store %arg12[%swap3A_2151, %swap3A_2152], %swap3A_2155 {strides = array<i32>} : memref<80x128xf32, #tpu.memory_space<vmem>>, vector<1x16xf32>,
        %get3A_2156 = arith.index_cast %add3A_2017 : i32 to index
        %get3A_2157 = arith.constant 96 : index
        %get3A_2158 = tpu.vector_load %arg12[%get3A_2156, %get3A_2157] {strides = array<i32>} : memref<80x128xf32, #tpu.memory_space<vmem>>, vector<1x16xf32>,
        %get3A_2159 = vector.shape_cast %get3A_2158 : vector<1x16xf32> to vector<16xf32>
        %get3A_2160 = arith.index_cast %add3A_2017 : i32 to index
        %get3A_2161 = arith.constant 96 : index
        %get3A_2162 = tpu.vector_load %arg13[%get3A_2160, %get3A_2161] {strides = array<i32>} : memref<80x128xf32, #tpu.memory_space<vmem>>, vector<1x16xf32>,
        %get3A_2163 = vector.shape_cast %get3A_2162 : vector<1x16xf32> to vector<16xf32>
        %add3A_2164 = arith.addf %get3A_2159, %get3A_2163 : vector<16xf32>
        %mul3A_2165 = vector.broadcast %squeeze3A_2011 : f32 to vector<16xf32>
        %mul3A_2166 = arith.mulf %mul3A_2165, %get3A_25 : vector<16xf32>
        %add3A_2167 = arith.addf %add3A_2164, %mul3A_2166 : vector<16xf32>
        %mul3A_2168 = arith.constant 0.00999999977 : f32
        %mul3A_2169 = vector.broadcast %mul3A_2168 : f32 to vector<16xf32>
        %mul3A_2170 = arith.mulf %mul3A_2169, %add3A_2167 : vector<16xf32>
        %max3A_2171 = arith.maximumf %add3A_2167, %mul3A_2170 : vector<16xf32>
        %mul3A_2172 = vector.broadcast %squeeze3A_2013 : f32 to vector<16xf32>
        %mul3A_2173 = arith.mulf %max3A_2171, %mul3A_2172 : vector<16xf32>
        %swap3A_2174 = arith.index_cast %add3A_2017 : i32 to index
        %swap3A_2175 = arith.constant 96 : index
        %swap3A_2176 = tpu.vector_load %arg12[%swap3A_2174, %swap3A_2175] {strides = array<i32>} : memref<80x128xf32, #tpu.memory_space<vmem>>, vector<1x16xf32>,
        %swap3A_2177 = vector.shape_cast %swap3A_2176 : vector<1x16xf32> to vector<16xf32>
        %swap3A_2178 = vector.shape_cast %mul3A_2173 : vector<16xf32> to vector<1x16xf32>
        tpu.vector_store %arg12[%swap3A_2174, %swap3A_2175], %swap3A_2178 {strides = array<i32>} : memref<80x128xf32, #tpu.memory_space<vmem>>, vector<1x16xf32>,
        %get3A_2179 = arith.index_cast %add3A_2017 : i32 to index
        %get3A_2180 = arith.constant 112 : index
        %get3A_2181 = tpu.vector_load %arg12[%get3A_2179, %get3A_2180] {strides = array<i32>} : memref<80x128xf32, #tpu.memory_space<vmem>>, vector<1x16xf32>,
        %get3A_2182 = vector.shape_cast %get3A_2181 : vector<1x16xf32> to vector<16xf32>
        %get3A_2183 = arith.index_cast %add3A_2017 : i32 to index
        %get3A_2184 = arith.constant 112 : index
        %get3A_2185 = tpu.vector_load %arg13[%get3A_2183, %get3A_2184] {strides = array<i32>} : memref<80x128xf32, #tpu.memory_space<vmem>>, vector<1x16xf32>,
        %get3A_2186 = vector.shape_cast %get3A_2185 : vector<1x16xf32> to vector<16xf32>
        %add3A_2187 = arith.addf %get3A_2182, %get3A_2186 : vector<16xf32>
        %mul3A_2188 = vector.broadcast %squeeze3A_2011 : f32 to vector<16xf32>
        %mul3A_2189 = arith.mulf %mul3A_2188, %get3A_28 : vector<16xf32>
        %add3A_2190 = arith.addf %add3A_2187, %mul3A_2189 : vector<16xf32>
        %mul3A_2191 = arith.constant 0.00999999977 : f32
        %mul3A_2192 = vector.broadcast %mul3A_2191 : f32 to vector<16xf32>
        %mul3A_2193 = arith.mulf %mul3A_2192, %add3A_2190 : vector<16xf32>
        %max3A_2194 = arith.maximumf %add3A_2190, %mul3A_2193 : vector<16xf32>
        %mul3A_2195 = vector.broadcast %squeeze3A_2013 : f32 to vector<16xf32>
        %mul3A_2196 = arith.mulf %max3A_2194, %mul3A_2195 : vector<16xf32>
        %swap3A_2197 = arith.index_cast %add3A_2017 : i32 to index
        %swap3A_2198 = arith.constant 112 : index
        %swap3A_2199 = tpu.vector_load %arg12[%swap3A_2197, %swap3A_2198] {strides = array<i32>} : memref<80x128xf32, #tpu.memory_space<vmem>>, vector<1x16xf32>,
        %swap3A_2200 = vector.shape_cast %swap3A_2199 : vector<1x16xf32> to vector<16xf32>
        %swap3A_2201 = vector.shape_cast %mul3A_2196 : vector<16xf32> to vector<1x16xf32>
        tpu.vector_store %arg12[%swap3A_2197, %swap3A_2198], %swap3A_2201 {strides = array<i32>} : memref<80x128xf32, #tpu.memory_space<vmem>>, vector<1x16xf32>,
        %slice3A_2202 = vector.extract_strided_slice %get3A_88 {offsets = [11], sizes = [1], strides = [1]} : vector<16xf32> to vector<1xf32>
        %squeeze3A_2203 = vector.extract %slice3A_2202[0] : f32 from vector<1xf32>
        %slice3A_2204 = vector.extract_strided_slice %select_n3A {offsets = [11], sizes = [1], strides = [1]} : vector<16xf32> to vector<1xf32>
        %squeeze3A_2205 = vector.extract %slice3A_2204[0] : f32 from vector<1xf32>
        %mul3A_2206 = arith.constant 16 : i32
        %mul3A_2207 = arith.muli %scan3A_83, %mul3A_2206 : i32
        %add3A_2208 = arith.constant 11 : i32
        %add3A_2209 = arith.addi %mul3A_2207, %add3A_2208 : i32
        %get3A_2210 = arith.index_cast %add3A_2209 : i32 to index
        %get3A_2211 = arith.constant 0 : index
        %get3A_2212 = tpu.vector_load %arg12[%get3A_2210, %get3A_2211] {strides = array<i32>} : memref<80x128xf32, #tpu.memory_space<vmem>>, vector<1x16xf32>,
        %get3A_2213 = vector.shape_cast %get3A_2212 : vector<1x16xf32> to vector<16xf32>
        %get3A_2214 = arith.index_cast %add3A_2209 : i32 to index
        %get3A_2215 = arith.constant 0 : index
        %get3A_2216 = tpu.vector_load %arg13[%get3A_2214, %get3A_2215] {strides = array<i32>} : memref<80x128xf32, #tpu.memory_space<vmem>>, vector<1x16xf32>,
        %get3A_2217 = vector.shape_cast %get3A_2216 : vector<1x16xf32> to vector<16xf32>
        %add3A_2218 = arith.addf %get3A_2213, %get3A_2217 : vector<16xf32>
        %mul3A_2219 = vector.broadcast %squeeze3A_2203 : f32 to vector<16xf32>
        %mul3A_2220 = arith.mulf %mul3A_2219, %get3A_7 : vector<16xf32>
        %add3A_2221 = arith.addf %add3A_2218, %mul3A_2220 : vector<16xf32>
        %mul3A_2222 = arith.constant 0.00999999977 : f32
        %mul3A_2223 = vector.broadcast %mul3A_2222 : f32 to vector<16xf32>
        %mul3A_2224 = arith.mulf %mul3A_2223, %add3A_2221 : vector<16xf32>
        %max3A_2225 = arith.maximumf %add3A_2221, %mul3A_2224 : vector<16xf32>
        %mul3A_2226 = vector.broadcast %squeeze3A_2205 : f32 to vector<16xf32>
        %mul3A_2227 = arith.mulf %max3A_2225, %mul3A_2226 : vector<16xf32>
        %swap3A_2228 = arith.index_cast %add3A_2209 : i32 to index
        %swap3A_2229 = arith.constant 0 : index
        %swap3A_2230 = tpu.vector_load %arg12[%swap3A_2228, %swap3A_2229] {strides = array<i32>} : memref<80x128xf32, #tpu.memory_space<vmem>>, vector<1x16xf32>,
        %swap3A_2231 = vector.shape_cast %swap3A_2230 : vector<1x16xf32> to vector<16xf32>
        %swap3A_2232 = vector.shape_cast %mul3A_2227 : vector<16xf32> to vector<1x16xf32>
        tpu.vector_store %arg12[%swap3A_2228, %swap3A_2229], %swap3A_2232 {strides = array<i32>} : memref<80x128xf32, #tpu.memory_space<vmem>>, vector<1x16xf32>,
        %get3A_2233 = arith.index_cast %add3A_2209 : i32 to index
        %get3A_2234 = arith.constant 16 : index
        %get3A_2235 = tpu.vector_load %arg12[%get3A_2233, %get3A_2234] {strides = array<i32>} : memref<80x128xf32, #tpu.memory_space<vmem>>, vector<1x16xf32>,
        %get3A_2236 = vector.shape_cast %get3A_2235 : vector<1x16xf32> to vector<16xf32>
        %get3A_2237 = arith.index_cast %add3A_2209 : i32 to index
        %get3A_2238 = arith.constant 16 : index
        %get3A_2239 = tpu.vector_load %arg13[%get3A_2237, %get3A_2238] {strides = array<i32>} : memref<80x128xf32, #tpu.memory_space<vmem>>, vector<1x16xf32>,
        %get3A_2240 = vector.shape_cast %get3A_2239 : vector<1x16xf32> to vector<16xf32>
        %add3A_2241 = arith.addf %get3A_2236, %get3A_2240 : vector<16xf32>
        %mul3A_2242 = vector.broadcast %squeeze3A_2203 : f32 to vector<16xf32>
        %mul3A_2243 = arith.mulf %mul3A_2242, %get3A_10 : vector<16xf32>
        %add3A_2244 = arith.addf %add3A_2241, %mul3A_2243 : vector<16xf32>
        %mul3A_2245 = arith.constant 0.00999999977 : f32
        %mul3A_2246 = vector.broadcast %mul3A_2245 : f32 to vector<16xf32>
        %mul3A_2247 = arith.mulf %mul3A_2246, %add3A_2244 : vector<16xf32>
        %max3A_2248 = arith.maximumf %add3A_2244, %mul3A_2247 : vector<16xf32>
        %mul3A_2249 = vector.broadcast %squeeze3A_2205 : f32 to vector<16xf32>
        %mul3A_2250 = arith.mulf %max3A_2248, %mul3A_2249 : vector<16xf32>
        %swap3A_2251 = arith.index_cast %add3A_2209 : i32 to index
        %swap3A_2252 = arith.constant 16 : index
        %swap3A_2253 = tpu.vector_load %arg12[%swap3A_2251, %swap3A_2252] {strides = array<i32>} : memref<80x128xf32, #tpu.memory_space<vmem>>, vector<1x16xf32>,
        %swap3A_2254 = vector.shape_cast %swap3A_2253 : vector<1x16xf32> to vector<16xf32>
        %swap3A_2255 = vector.shape_cast %mul3A_2250 : vector<16xf32> to vector<1x16xf32>
        tpu.vector_store %arg12[%swap3A_2251, %swap3A_2252], %swap3A_2255 {strides = array<i32>} : memref<80x128xf32, #tpu.memory_space<vmem>>, vector<1x16xf32>,
        %get3A_2256 = arith.index_cast %add3A_2209 : i32 to index
        %get3A_2257 = arith.constant 32 : index
        %get3A_2258 = tpu.vector_load %arg12[%get3A_2256, %get3A_2257] {strides = array<i32>} : memref<80x128xf32, #tpu.memory_space<vmem>>, vector<1x16xf32>,
        %get3A_2259 = vector.shape_cast %get3A_2258 : vector<1x16xf32> to vector<16xf32>
        %get3A_2260 = arith.index_cast %add3A_2209 : i32 to index
        %get3A_2261 = arith.constant 32 : index
        %get3A_2262 = tpu.vector_load %arg13[%get3A_2260, %get3A_2261] {strides = array<i32>} : memref<80x128xf32, #tpu.memory_space<vmem>>, vector<1x16xf32>,
        %get3A_2263 = vector.shape_cast %get3A_2262 : vector<1x16xf32> to vector<16xf32>
        %add3A_2264 = arith.addf %get3A_2259, %get3A_2263 : vector<16xf32>
        %mul3A_2265 = vector.broadcast %squeeze3A_2203 : f32 to vector<16xf32>
        %mul3A_2266 = arith.mulf %mul3A_2265, %get3A_13 : vector<16xf32>
        %add3A_2267 = arith.addf %add3A_2264, %mul3A_2266 : vector<16xf32>
        %mul3A_2268 = arith.constant 0.00999999977 : f32
        %mul3A_2269 = vector.broadcast %mul3A_2268 : f32 to vector<16xf32>
        %mul3A_2270 = arith.mulf %mul3A_2269, %add3A_2267 : vector<16xf32>
        %max3A_2271 = arith.maximumf %add3A_2267, %mul3A_2270 : vector<16xf32>
        %mul3A_2272 = vector.broadcast %squeeze3A_2205 : f32 to vector<16xf32>
        %mul3A_2273 = arith.mulf %max3A_2271, %mul3A_2272 : vector<16xf32>
        %swap3A_2274 = arith.index_cast %add3A_2209 : i32 to index
        %swap3A_2275 = arith.constant 32 : index
        %swap3A_2276 = tpu.vector_load %arg12[%swap3A_2274, %swap3A_2275] {strides = array<i32>} : memref<80x128xf32, #tpu.memory_space<vmem>>, vector<1x16xf32>,
        %swap3A_2277 = vector.shape_cast %swap3A_2276 : vector<1x16xf32> to vector<16xf32>
        %swap3A_2278 = vector.shape_cast %mul3A_2273 : vector<16xf32> to vector<1x16xf32>
        tpu.vector_store %arg12[%swap3A_2274, %swap3A_2275], %swap3A_2278 {strides = array<i32>} : memref<80x128xf32, #tpu.memory_space<vmem>>, vector<1x16xf32>,
        %get3A_2279 = arith.index_cast %add3A_2209 : i32 to index
        %get3A_2280 = arith.constant 48 : index
        %get3A_2281 = tpu.vector_load %arg12[%get3A_2279, %get3A_2280] {strides = array<i32>} : memref<80x128xf32, #tpu.memory_space<vmem>>, vector<1x16xf32>,
        %get3A_2282 = vector.shape_cast %get3A_2281 : vector<1x16xf32> to vector<16xf32>
        %get3A_2283 = arith.index_cast %add3A_2209 : i32 to index
        %get3A_2284 = arith.constant 48 : index
        %get3A_2285 = tpu.vector_load %arg13[%get3A_2283, %get3A_2284] {strides = array<i32>} : memref<80x128xf32, #tpu.memory_space<vmem>>, vector<1x16xf32>,
        %get3A_2286 = vector.shape_cast %get3A_2285 : vector<1x16xf32> to vector<16xf32>
        %add3A_2287 = arith.addf %get3A_2282, %get3A_2286 : vector<16xf32>
        %mul3A_2288 = vector.broadcast %squeeze3A_2203 : f32 to vector<16xf32>
        %mul3A_2289 = arith.mulf %mul3A_2288, %get3A_16 : vector<16xf32>
        %add3A_2290 = arith.addf %add3A_2287, %mul3A_2289 : vector<16xf32>
        %mul3A_2291 = arith.constant 0.00999999977 : f32
        %mul3A_2292 = vector.broadcast %mul3A_2291 : f32 to vector<16xf32>
        %mul3A_2293 = arith.mulf %mul3A_2292, %add3A_2290 : vector<16xf32>
        %max3A_2294 = arith.maximumf %add3A_2290, %mul3A_2293 : vector<16xf32>
        %mul3A_2295 = vector.broadcast %squeeze3A_2205 : f32 to vector<16xf32>
        %mul3A_2296 = arith.mulf %max3A_2294, %mul3A_2295 : vector<16xf32>
        %swap3A_2297 = arith.index_cast %add3A_2209 : i32 to index
        %swap3A_2298 = arith.constant 48 : index
        %swap3A_2299 = tpu.vector_load %arg12[%swap3A_2297, %swap3A_2298] {strides = array<i32>} : memref<80x128xf32, #tpu.memory_space<vmem>>, vector<1x16xf32>,
        %swap3A_2300 = vector.shape_cast %swap3A_2299 : vector<1x16xf32> to vector<16xf32>
        %swap3A_2301 = vector.shape_cast %mul3A_2296 : vector<16xf32> to vector<1x16xf32>
        tpu.vector_store %arg12[%swap3A_2297, %swap3A_2298], %swap3A_2301 {strides = array<i32>} : memref<80x128xf32, #tpu.memory_space<vmem>>, vector<1x16xf32>,
        %get3A_2302 = arith.index_cast %add3A_2209 : i32 to index
        %get3A_2303 = arith.constant 64 : index
        %get3A_2304 = tpu.vector_load %arg12[%get3A_2302, %get3A_2303] {strides = array<i32>} : memref<80x128xf32, #tpu.memory_space<vmem>>, vector<1x16xf32>,
        %get3A_2305 = vector.shape_cast %get3A_2304 : vector<1x16xf32> to vector<16xf32>
        %get3A_2306 = arith.index_cast %add3A_2209 : i32 to index
        %get3A_2307 = arith.constant 64 : index
        %get3A_2308 = tpu.vector_load %arg13[%get3A_2306, %get3A_2307] {strides = array<i32>} : memref<80x128xf32, #tpu.memory_space<vmem>>, vector<1x16xf32>,
        %get3A_2309 = vector.shape_cast %get3A_2308 : vector<1x16xf32> to vector<16xf32>
        %add3A_2310 = arith.addf %get3A_2305, %get3A_2309 : vector<16xf32>
        %mul3A_2311 = vector.broadcast %squeeze3A_2203 : f32 to vector<16xf32>
        %mul3A_2312 = arith.mulf %mul3A_2311, %get3A_19 : vector<16xf32>
        %add3A_2313 = arith.addf %add3A_2310, %mul3A_2312 : vector<16xf32>
        %mul3A_2314 = arith.constant 0.00999999977 : f32
        %mul3A_2315 = vector.broadcast %mul3A_2314 : f32 to vector<16xf32>
        %mul3A_2316 = arith.mulf %mul3A_2315, %add3A_2313 : vector<16xf32>
        %max3A_2317 = arith.maximumf %add3A_2313, %mul3A_2316 : vector<16xf32>
        %mul3A_2318 = vector.broadcast %squeeze3A_2205 : f32 to vector<16xf32>
        %mul3A_2319 = arith.mulf %max3A_2317, %mul3A_2318 : vector<16xf32>
        %swap3A_2320 = arith.index_cast %add3A_2209 : i32 to index
        %swap3A_2321 = arith.constant 64 : index
        %swap3A_2322 = tpu.vector_load %arg12[%swap3A_2320, %swap3A_2321] {strides = array<i32>} : memref<80x128xf32, #tpu.memory_space<vmem>>, vector<1x16xf32>,
        %swap3A_2323 = vector.shape_cast %swap3A_2322 : vector<1x16xf32> to vector<16xf32>
        %swap3A_2324 = vector.shape_cast %mul3A_2319 : vector<16xf32> to vector<1x16xf32>
        tpu.vector_store %arg12[%swap3A_2320, %swap3A_2321], %swap3A_2324 {strides = array<i32>} : memref<80x128xf32, #tpu.memory_space<vmem>>, vector<1x16xf32>,
        %get3A_2325 = arith.index_cast %add3A_2209 : i32 to index
        %get3A_2326 = arith.constant 80 : index
        %get3A_2327 = tpu.vector_load %arg12[%get3A_2325, %get3A_2326] {strides = array<i32>} : memref<80x128xf32, #tpu.memory_space<vmem>>, vector<1x16xf32>,
        %get3A_2328 = vector.shape_cast %get3A_2327 : vector<1x16xf32> to vector<16xf32>
        %get3A_2329 = arith.index_cast %add3A_2209 : i32 to index
        %get3A_2330 = arith.constant 80 : index
        %get3A_2331 = tpu.vector_load %arg13[%get3A_2329, %get3A_2330] {strides = array<i32>} : memref<80x128xf32, #tpu.memory_space<vmem>>, vector<1x16xf32>,
        %get3A_2332 = vector.shape_cast %get3A_2331 : vector<1x16xf32> to vector<16xf32>
        %add3A_2333 = arith.addf %get3A_2328, %get3A_2332 : vector<16xf32>
        %mul3A_2334 = vector.broadcast %squeeze3A_2203 : f32 to vector<16xf32>
        %mul3A_2335 = arith.mulf %mul3A_2334, %get3A_22 : vector<16xf32>
        %add3A_2336 = arith.addf %add3A_2333, %mul3A_2335 : vector<16xf32>
        %mul3A_2337 = arith.constant 0.00999999977 : f32
        %mul3A_2338 = vector.broadcast %mul3A_2337 : f32 to vector<16xf32>
        %mul3A_2339 = arith.mulf %mul3A_2338, %add3A_2336 : vector<16xf32>
        %max3A_2340 = arith.maximumf %add3A_2336, %mul3A_2339 : vector<16xf32>
        %mul3A_2341 = vector.broadcast %squeeze3A_2205 : f32 to vector<16xf32>
        %mul3A_2342 = arith.mulf %max3A_2340, %mul3A_2341 : vector<16xf32>
        %swap3A_2343 = arith.index_cast %add3A_2209 : i32 to index
        %swap3A_2344 = arith.constant 80 : index
        %swap3A_2345 = tpu.vector_load %arg12[%swap3A_2343, %swap3A_2344] {strides = array<i32>} : memref<80x128xf32, #tpu.memory_space<vmem>>, vector<1x16xf32>,
        %swap3A_2346 = vector.shape_cast %swap3A_2345 : vector<1x16xf32> to vector<16xf32>
        %swap3A_2347 = vector.shape_cast %mul3A_2342 : vector<16xf32> to vector<1x16xf32>
        tpu.vector_store %arg12[%swap3A_2343, %swap3A_2344], %swap3A_2347 {strides = array<i32>} : memref<80x128xf32, #tpu.memory_space<vmem>>, vector<1x16xf32>,
        %get3A_2348 = arith.index_cast %add3A_2209 : i32 to index
        %get3A_2349 = arith.constant 96 : index
        %get3A_2350 = tpu.vector_load %arg12[%get3A_2348, %get3A_2349] {strides = array<i32>} : memref<80x128xf32, #tpu.memory_space<vmem>>, vector<1x16xf32>,
        %get3A_2351 = vector.shape_cast %get3A_2350 : vector<1x16xf32> to vector<16xf32>
        %get3A_2352 = arith.index_cast %add3A_2209 : i32 to index
        %get3A_2353 = arith.constant 96 : index
        %get3A_2354 = tpu.vector_load %arg13[%get3A_2352, %get3A_2353] {strides = array<i32>} : memref<80x128xf32, #tpu.memory_space<vmem>>, vector<1x16xf32>,
        %get3A_2355 = vector.shape_cast %get3A_2354 : vector<1x16xf32> to vector<16xf32>
        %add3A_2356 = arith.addf %get3A_2351, %get3A_2355 : vector<16xf32>
        %mul3A_2357 = vector.broadcast %squeeze3A_2203 : f32 to vector<16xf32>
        %mul3A_2358 = arith.mulf %mul3A_2357, %get3A_25 : vector<16xf32>
        %add3A_2359 = arith.addf %add3A_2356, %mul3A_2358 : vector<16xf32>
        %mul3A_2360 = arith.constant 0.00999999977 : f32
        %mul3A_2361 = vector.broadcast %mul3A_2360 : f32 to vector<16xf32>
        %mul3A_2362 = arith.mulf %mul3A_2361, %add3A_2359 : vector<16xf32>
        %max3A_2363 = arith.maximumf %add3A_2359, %mul3A_2362 : vector<16xf32>
        %mul3A_2364 = vector.broadcast %squeeze3A_2205 : f32 to vector<16xf32>
        %mul3A_2365 = arith.mulf %max3A_2363, %mul3A_2364 : vector<16xf32>
        %swap3A_2366 = arith.index_cast %add3A_2209 : i32 to index
        %swap3A_2367 = arith.constant 96 : index
        %swap3A_2368 = tpu.vector_load %arg12[%swap3A_2366, %swap3A_2367] {strides = array<i32>} : memref<80x128xf32, #tpu.memory_space<vmem>>, vector<1x16xf32>,
        %swap3A_2369 = vector.shape_cast %swap3A_2368 : vector<1x16xf32> to vector<16xf32>
        %swap3A_2370 = vector.shape_cast %mul3A_2365 : vector<16xf32> to vector<1x16xf32>
        tpu.vector_store %arg12[%swap3A_2366, %swap3A_2367], %swap3A_2370 {strides = array<i32>} : memref<80x128xf32, #tpu.memory_space<vmem>>, vector<1x16xf32>,
        %get3A_2371 = arith.index_cast %add3A_2209 : i32 to index
        %get3A_2372 = arith.constant 112 : index
        %get3A_2373 = tpu.vector_load %arg12[%get3A_2371, %get3A_2372] {strides = array<i32>} : memref<80x128xf32, #tpu.memory_space<vmem>>, vector<1x16xf32>,
        %get3A_2374 = vector.shape_cast %get3A_2373 : vector<1x16xf32> to vector<16xf32>
        %get3A_2375 = arith.index_cast %add3A_2209 : i32 to index
        %get3A_2376 = arith.constant 112 : index
        %get3A_2377 = tpu.vector_load %arg13[%get3A_2375, %get3A_2376] {strides = array<i32>} : memref<80x128xf32, #tpu.memory_space<vmem>>, vector<1x16xf32>,
        %get3A_2378 = vector.shape_cast %get3A_2377 : vector<1x16xf32> to vector<16xf32>
        %add3A_2379 = arith.addf %get3A_2374, %get3A_2378 : vector<16xf32>
        %mul3A_2380 = vector.broadcast %squeeze3A_2203 : f32 to vector<16xf32>
        %mul3A_2381 = arith.mulf %mul3A_2380, %get3A_28 : vector<16xf32>
        %add3A_2382 = arith.addf %add3A_2379, %mul3A_2381 : vector<16xf32>
        %mul3A_2383 = arith.constant 0.00999999977 : f32
        %mul3A_2384 = vector.broadcast %mul3A_2383 : f32 to vector<16xf32>
        %mul3A_2385 = arith.mulf %mul3A_2384, %add3A_2382 : vector<16xf32>
        %max3A_2386 = arith.maximumf %add3A_2382, %mul3A_2385 : vector<16xf32>
        %mul3A_2387 = vector.broadcast %squeeze3A_2205 : f32 to vector<16xf32>
        %mul3A_2388 = arith.mulf %max3A_2386, %mul3A_2387 : vector<16xf32>
        %swap3A_2389 = arith.index_cast %add3A_2209 : i32 to index
        %swap3A_2390 = arith.constant 112 : index
        %swap3A_2391 = tpu.vector_load %arg12[%swap3A_2389, %swap3A_2390] {strides = array<i32>} : memref<80x128xf32, #tpu.memory_space<vmem>>, vector<1x16xf32>,
        %swap3A_2392 = vector.shape_cast %swap3A_2391 : vector<1x16xf32> to vector<16xf32>
        %swap3A_2393 = vector.shape_cast %mul3A_2388 : vector<16xf32> to vector<1x16xf32>
        tpu.vector_store %arg12[%swap3A_2389, %swap3A_2390], %swap3A_2393 {strides = array<i32>} : memref<80x128xf32, #tpu.memory_space<vmem>>, vector<1x16xf32>,
        %slice3A_2394 = vector.extract_strided_slice %get3A_88 {offsets = [12], sizes = [1], strides = [1]} : vector<16xf32> to vector<1xf32>
        %squeeze3A_2395 = vector.extract %slice3A_2394[0] : f32 from vector<1xf32>
        %slice3A_2396 = vector.extract_strided_slice %select_n3A {offsets = [12], sizes = [1], strides = [1]} : vector<16xf32> to vector<1xf32>
        %squeeze3A_2397 = vector.extract %slice3A_2396[0] : f32 from vector<1xf32>
        %mul3A_2398 = arith.constant 16 : i32
        %mul3A_2399 = arith.muli %scan3A_83, %mul3A_2398 : i32
        %add3A_2400 = arith.constant 12 : i32
        %add3A_2401 = arith.addi %mul3A_2399, %add3A_2400 : i32
        %get3A_2402 = arith.index_cast %add3A_2401 : i32 to index
        %get3A_2403 = arith.constant 0 : index
        %get3A_2404 = tpu.vector_load %arg12[%get3A_2402, %get3A_2403] {strides = array<i32>} : memref<80x128xf32, #tpu.memory_space<vmem>>, vector<1x16xf32>,
        %get3A_2405 = vector.shape_cast %get3A_2404 : vector<1x16xf32> to vector<16xf32>
        %get3A_2406 = arith.index_cast %add3A_2401 : i32 to index
        %get3A_2407 = arith.constant 0 : index
        %get3A_2408 = tpu.vector_load %arg13[%get3A_2406, %get3A_2407] {strides = array<i32>} : memref<80x128xf32, #tpu.memory_space<vmem>>, vector<1x16xf32>,
        %get3A_2409 = vector.shape_cast %get3A_2408 : vector<1x16xf32> to vector<16xf32>
        %add3A_2410 = arith.addf %get3A_2405, %get3A_2409 : vector<16xf32>
        %mul3A_2411 = vector.broadcast %squeeze3A_2395 : f32 to vector<16xf32>
        %mul3A_2412 = arith.mulf %mul3A_2411, %get3A_7 : vector<16xf32>
        %add3A_2413 = arith.addf %add3A_2410, %mul3A_2412 : vector<16xf32>
        %mul3A_2414 = arith.constant 0.00999999977 : f32
        %mul3A_2415 = vector.broadcast %mul3A_2414 : f32 to vector<16xf32>
        %mul3A_2416 = arith.mulf %mul3A_2415, %add3A_2413 : vector<16xf32>
        %max3A_2417 = arith.maximumf %add3A_2413, %mul3A_2416 : vector<16xf32>
        %mul3A_2418 = vector.broadcast %squeeze3A_2397 : f32 to vector<16xf32>
        %mul3A_2419 = arith.mulf %max3A_2417, %mul3A_2418 : vector<16xf32>
        %swap3A_2420 = arith.index_cast %add3A_2401 : i32 to index
        %swap3A_2421 = arith.constant 0 : index
        %swap3A_2422 = tpu.vector_load %arg12[%swap3A_2420, %swap3A_2421] {strides = array<i32>} : memref<80x128xf32, #tpu.memory_space<vmem>>, vector<1x16xf32>,
        %swap3A_2423 = vector.shape_cast %swap3A_2422 : vector<1x16xf32> to vector<16xf32>
        %swap3A_2424 = vector.shape_cast %mul3A_2419 : vector<16xf32> to vector<1x16xf32>
        tpu.vector_store %arg12[%swap3A_2420, %swap3A_2421], %swap3A_2424 {strides = array<i32>} : memref<80x128xf32, #tpu.memory_space<vmem>>, vector<1x16xf32>,
        %get3A_2425 = arith.index_cast %add3A_2401 : i32 to index
        %get3A_2426 = arith.constant 16 : index
        %get3A_2427 = tpu.vector_load %arg12[%get3A_2425, %get3A_2426] {strides = array<i32>} : memref<80x128xf32, #tpu.memory_space<vmem>>, vector<1x16xf32>,
        %get3A_2428 = vector.shape_cast %get3A_2427 : vector<1x16xf32> to vector<16xf32>
        %get3A_2429 = arith.index_cast %add3A_2401 : i32 to index
        %get3A_2430 = arith.constant 16 : index
        %get3A_2431 = tpu.vector_load %arg13[%get3A_2429, %get3A_2430] {strides = array<i32>} : memref<80x128xf32, #tpu.memory_space<vmem>>, vector<1x16xf32>,
        %get3A_2432 = vector.shape_cast %get3A_2431 : vector<1x16xf32> to vector<16xf32>
        %add3A_2433 = arith.addf %get3A_2428, %get3A_2432 : vector<16xf32>
        %mul3A_2434 = vector.broadcast %squeeze3A_2395 : f32 to vector<16xf32>
        %mul3A_2435 = arith.mulf %mul3A_2434, %get3A_10 : vector<16xf32>
        %add3A_2436 = arith.addf %add3A_2433, %mul3A_2435 : vector<16xf32>
        %mul3A_2437 = arith.constant 0.00999999977 : f32
        %mul3A_2438 = vector.broadcast %mul3A_2437 : f32 to vector<16xf32>
        %mul3A_2439 = arith.mulf %mul3A_2438, %add3A_2436 : vector<16xf32>
        %max3A_2440 = arith.maximumf %add3A_2436, %mul3A_2439 : vector<16xf32>
        %mul3A_2441 = vector.broadcast %squeeze3A_2397 : f32 to vector<16xf32>
        %mul3A_2442 = arith.mulf %max3A_2440, %mul3A_2441 : vector<16xf32>
        %swap3A_2443 = arith.index_cast %add3A_2401 : i32 to index
        %swap3A_2444 = arith.constant 16 : index
        %swap3A_2445 = tpu.vector_load %arg12[%swap3A_2443, %swap3A_2444] {strides = array<i32>} : memref<80x128xf32, #tpu.memory_space<vmem>>, vector<1x16xf32>,
        %swap3A_2446 = vector.shape_cast %swap3A_2445 : vector<1x16xf32> to vector<16xf32>
        %swap3A_2447 = vector.shape_cast %mul3A_2442 : vector<16xf32> to vector<1x16xf32>
        tpu.vector_store %arg12[%swap3A_2443, %swap3A_2444], %swap3A_2447 {strides = array<i32>} : memref<80x128xf32, #tpu.memory_space<vmem>>, vector<1x16xf32>,
        %get3A_2448 = arith.index_cast %add3A_2401 : i32 to index
        %get3A_2449 = arith.constant 32 : index
        %get3A_2450 = tpu.vector_load %arg12[%get3A_2448, %get3A_2449] {strides = array<i32>} : memref<80x128xf32, #tpu.memory_space<vmem>>, vector<1x16xf32>,
        %get3A_2451 = vector.shape_cast %get3A_2450 : vector<1x16xf32> to vector<16xf32>
        %get3A_2452 = arith.index_cast %add3A_2401 : i32 to index
        %get3A_2453 = arith.constant 32 : index
        %get3A_2454 = tpu.vector_load %arg13[%get3A_2452, %get3A_2453] {strides = array<i32>} : memref<80x128xf32, #tpu.memory_space<vmem>>, vector<1x16xf32>,
        %get3A_2455 = vector.shape_cast %get3A_2454 : vector<1x16xf32> to vector<16xf32>
        %add3A_2456 = arith.addf %get3A_2451, %get3A_2455 : vector<16xf32>
        %mul3A_2457 = vector.broadcast %squeeze3A_2395 : f32 to vector<16xf32>
        %mul3A_2458 = arith.mulf %mul3A_2457, %get3A_13 : vector<16xf32>
        %add3A_2459 = arith.addf %add3A_2456, %mul3A_2458 : vector<16xf32>
        %mul3A_2460 = arith.constant 0.00999999977 : f32
        %mul3A_2461 = vector.broadcast %mul3A_2460 : f32 to vector<16xf32>
        %mul3A_2462 = arith.mulf %mul3A_2461, %add3A_2459 : vector<16xf32>
        %max3A_2463 = arith.maximumf %add3A_2459, %mul3A_2462 : vector<16xf32>
        %mul3A_2464 = vector.broadcast %squeeze3A_2397 : f32 to vector<16xf32>
        %mul3A_2465 = arith.mulf %max3A_2463, %mul3A_2464 : vector<16xf32>
        %swap3A_2466 = arith.index_cast %add3A_2401 : i32 to index
        %swap3A_2467 = arith.constant 32 : index
        %swap3A_2468 = tpu.vector_load %arg12[%swap3A_2466, %swap3A_2467] {strides = array<i32>} : memref<80x128xf32, #tpu.memory_space<vmem>>, vector<1x16xf32>,
        %swap3A_2469 = vector.shape_cast %swap3A_2468 : vector<1x16xf32> to vector<16xf32>
        %swap3A_2470 = vector.shape_cast %mul3A_2465 : vector<16xf32> to vector<1x16xf32>
        tpu.vector_store %arg12[%swap3A_2466, %swap3A_2467], %swap3A_2470 {strides = array<i32>} : memref<80x128xf32, #tpu.memory_space<vmem>>, vector<1x16xf32>,
        %get3A_2471 = arith.index_cast %add3A_2401 : i32 to index
        %get3A_2472 = arith.constant 48 : index
        %get3A_2473 = tpu.vector_load %arg12[%get3A_2471, %get3A_2472] {strides = array<i32>} : memref<80x128xf32, #tpu.memory_space<vmem>>, vector<1x16xf32>,
        %get3A_2474 = vector.shape_cast %get3A_2473 : vector<1x16xf32> to vector<16xf32>
        %get3A_2475 = arith.index_cast %add3A_2401 : i32 to index
        %get3A_2476 = arith.constant 48 : index
        %get3A_2477 = tpu.vector_load %arg13[%get3A_2475, %get3A_2476] {strides = array<i32>} : memref<80x128xf32, #tpu.memory_space<vmem>>, vector<1x16xf32>,
        %get3A_2478 = vector.shape_cast %get3A_2477 : vector<1x16xf32> to vector<16xf32>
        %add3A_2479 = arith.addf %get3A_2474, %get3A_2478 : vector<16xf32>
        %mul3A_2480 = vector.broadcast %squeeze3A_2395 : f32 to vector<16xf32>
        %mul3A_2481 = arith.mulf %mul3A_2480, %get3A_16 : vector<16xf32>
        %add3A_2482 = arith.addf %add3A_2479, %mul3A_2481 : vector<16xf32>
        %mul3A_2483 = arith.constant 0.00999999977 : f32
        %mul3A_2484 = vector.broadcast %mul3A_2483 : f32 to vector<16xf32>
        %mul3A_2485 = arith.mulf %mul3A_2484, %add3A_2482 : vector<16xf32>
        %max3A_2486 = arith.maximumf %add3A_2482, %mul3A_2485 : vector<16xf32>
        %mul3A_2487 = vector.broadcast %squeeze3A_2397 : f32 to vector<16xf32>
        %mul3A_2488 = arith.mulf %max3A_2486, %mul3A_2487 : vector<16xf32>
        %swap3A_2489 = arith.index_cast %add3A_2401 : i32 to index
        %swap3A_2490 = arith.constant 48 : index
        %swap3A_2491 = tpu.vector_load %arg12[%swap3A_2489, %swap3A_2490] {strides = array<i32>} : memref<80x128xf32, #tpu.memory_space<vmem>>, vector<1x16xf32>,
        %swap3A_2492 = vector.shape_cast %swap3A_2491 : vector<1x16xf32> to vector<16xf32>
        %swap3A_2493 = vector.shape_cast %mul3A_2488 : vector<16xf32> to vector<1x16xf32>
        tpu.vector_store %arg12[%swap3A_2489, %swap3A_2490], %swap3A_2493 {strides = array<i32>} : memref<80x128xf32, #tpu.memory_space<vmem>>, vector<1x16xf32>,
        %get3A_2494 = arith.index_cast %add3A_2401 : i32 to index
        %get3A_2495 = arith.constant 64 : index
        %get3A_2496 = tpu.vector_load %arg12[%get3A_2494, %get3A_2495] {strides = array<i32>} : memref<80x128xf32, #tpu.memory_space<vmem>>, vector<1x16xf32>,
        %get3A_2497 = vector.shape_cast %get3A_2496 : vector<1x16xf32> to vector<16xf32>
        %get3A_2498 = arith.index_cast %add3A_2401 : i32 to index
        %get3A_2499 = arith.constant 64 : index
        %get3A_2500 = tpu.vector_load %arg13[%get3A_2498, %get3A_2499] {strides = array<i32>} : memref<80x128xf32, #tpu.memory_space<vmem>>, vector<1x16xf32>,
        %get3A_2501 = vector.shape_cast %get3A_2500 : vector<1x16xf32> to vector<16xf32>
        %add3A_2502 = arith.addf %get3A_2497, %get3A_2501 : vector<16xf32>
        %mul3A_2503 = vector.broadcast %squeeze3A_2395 : f32 to vector<16xf32>
        %mul3A_2504 = arith.mulf %mul3A_2503, %get3A_19 : vector<16xf32>
        %add3A_2505 = arith.addf %add3A_2502, %mul3A_2504 : vector<16xf32>
        %mul3A_2506 = arith.constant 0.00999999977 : f32
        %mul3A_2507 = vector.broadcast %mul3A_2506 : f32 to vector<16xf32>
        %mul3A_2508 = arith.mulf %mul3A_2507, %add3A_2505 : vector<16xf32>
        %max3A_2509 = arith.maximumf %add3A_2505, %mul3A_2508 : vector<16xf32>
        %mul3A_2510 = vector.broadcast %squeeze3A_2397 : f32 to vector<16xf32>
        %mul3A_2511 = arith.mulf %max3A_2509, %mul3A_2510 : vector<16xf32>
        %swap3A_2512 = arith.index_cast %add3A_2401 : i32 to index
        %swap3A_2513 = arith.constant 64 : index
        %swap3A_2514 = tpu.vector_load %arg12[%swap3A_2512, %swap3A_2513] {strides = array<i32>} : memref<80x128xf32, #tpu.memory_space<vmem>>, vector<1x16xf32>,
        %swap3A_2515 = vector.shape_cast %swap3A_2514 : vector<1x16xf32> to vector<16xf32>
        %swap3A_2516 = vector.shape_cast %mul3A_2511 : vector<16xf32> to vector<1x16xf32>
        tpu.vector_store %arg12[%swap3A_2512, %swap3A_2513], %swap3A_2516 {strides = array<i32>} : memref<80x128xf32, #tpu.memory_space<vmem>>, vector<1x16xf32>,
        %get3A_2517 = arith.index_cast %add3A_2401 : i32 to index
        %get3A_2518 = arith.constant 80 : index
        %get3A_2519 = tpu.vector_load %arg12[%get3A_2517, %get3A_2518] {strides = array<i32>} : memref<80x128xf32, #tpu.memory_space<vmem>>, vector<1x16xf32>,
        %get3A_2520 = vector.shape_cast %get3A_2519 : vector<1x16xf32> to vector<16xf32>
        %get3A_2521 = arith.index_cast %add3A_2401 : i32 to index
        %get3A_2522 = arith.constant 80 : index
        %get3A_2523 = tpu.vector_load %arg13[%get3A_2521, %get3A_2522] {strides = array<i32>} : memref<80x128xf32, #tpu.memory_space<vmem>>, vector<1x16xf32>,
        %get3A_2524 = vector.shape_cast %get3A_2523 : vector<1x16xf32> to vector<16xf32>
        %add3A_2525 = arith.addf %get3A_2520, %get3A_2524 : vector<16xf32>
        %mul3A_2526 = vector.broadcast %squeeze3A_2395 : f32 to vector<16xf32>
        %mul3A_2527 = arith.mulf %mul3A_2526, %get3A_22 : vector<16xf32>
        %add3A_2528 = arith.addf %add3A_2525, %mul3A_2527 : vector<16xf32>
        %mul3A_2529 = arith.constant 0.00999999977 : f32
        %mul3A_2530 = vector.broadcast %mul3A_2529 : f32 to vector<16xf32>
        %mul3A_2531 = arith.mulf %mul3A_2530, %add3A_2528 : vector<16xf32>
        %max3A_2532 = arith.maximumf %add3A_2528, %mul3A_2531 : vector<16xf32>
        %mul3A_2533 = vector.broadcast %squeeze3A_2397 : f32 to vector<16xf32>
        %mul3A_2534 = arith.mulf %max3A_2532, %mul3A_2533 : vector<16xf32>
        %swap3A_2535 = arith.index_cast %add3A_2401 : i32 to index
        %swap3A_2536 = arith.constant 80 : index
        %swap3A_2537 = tpu.vector_load %arg12[%swap3A_2535, %swap3A_2536] {strides = array<i32>} : memref<80x128xf32, #tpu.memory_space<vmem>>, vector<1x16xf32>,
        %swap3A_2538 = vector.shape_cast %swap3A_2537 : vector<1x16xf32> to vector<16xf32>
        %swap3A_2539 = vector.shape_cast %mul3A_2534 : vector<16xf32> to vector<1x16xf32>
        tpu.vector_store %arg12[%swap3A_2535, %swap3A_2536], %swap3A_2539 {strides = array<i32>} : memref<80x128xf32, #tpu.memory_space<vmem>>, vector<1x16xf32>,
        %get3A_2540 = arith.index_cast %add3A_2401 : i32 to index
        %get3A_2541 = arith.constant 96 : index
        %get3A_2542 = tpu.vector_load %arg12[%get3A_2540, %get3A_2541] {strides = array<i32>} : memref<80x128xf32, #tpu.memory_space<vmem>>, vector<1x16xf32>,
        %get3A_2543 = vector.shape_cast %get3A_2542 : vector<1x16xf32> to vector<16xf32>
        %get3A_2544 = arith.index_cast %add3A_2401 : i32 to index
        %get3A_2545 = arith.constant 96 : index
        %get3A_2546 = tpu.vector_load %arg13[%get3A_2544, %get3A_2545] {strides = array<i32>} : memref<80x128xf32, #tpu.memory_space<vmem>>, vector<1x16xf32>,
        %get3A_2547 = vector.shape_cast %get3A_2546 : vector<1x16xf32> to vector<16xf32>
        %add3A_2548 = arith.addf %get3A_2543, %get3A_2547 : vector<16xf32>
        %mul3A_2549 = vector.broadcast %squeeze3A_2395 : f32 to vector<16xf32>
        %mul3A_2550 = arith.mulf %mul3A_2549, %get3A_25 : vector<16xf32>
        %add3A_2551 = arith.addf %add3A_2548, %mul3A_2550 : vector<16xf32>
        %mul3A_2552 = arith.constant 0.00999999977 : f32
        %mul3A_2553 = vector.broadcast %mul3A_2552 : f32 to vector<16xf32>
        %mul3A_2554 = arith.mulf %mul3A_2553, %add3A_2551 : vector<16xf32>
        %max3A_2555 = arith.maximumf %add3A_2551, %mul3A_2554 : vector<16xf32>
        %mul3A_2556 = vector.broadcast %squeeze3A_2397 : f32 to vector<16xf32>
        %mul3A_2557 = arith.mulf %max3A_2555, %mul3A_2556 : vector<16xf32>
        %swap3A_2558 = arith.index_cast %add3A_2401 : i32 to index
        %swap3A_2559 = arith.constant 96 : index
        %swap3A_2560 = tpu.vector_load %arg12[%swap3A_2558, %swap3A_2559] {strides = array<i32>} : memref<80x128xf32, #tpu.memory_space<vmem>>, vector<1x16xf32>,
        %swap3A_2561 = vector.shape_cast %swap3A_2560 : vector<1x16xf32> to vector<16xf32>
        %swap3A_2562 = vector.shape_cast %mul3A_2557 : vector<16xf32> to vector<1x16xf32>
        tpu.vector_store %arg12[%swap3A_2558, %swap3A_2559], %swap3A_2562 {strides = array<i32>} : memref<80x128xf32, #tpu.memory_space<vmem>>, vector<1x16xf32>,
        %get3A_2563 = arith.index_cast %add3A_2401 : i32 to index
        %get3A_2564 = arith.constant 112 : index
        %get3A_2565 = tpu.vector_load %arg12[%get3A_2563, %get3A_2564] {strides = array<i32>} : memref<80x128xf32, #tpu.memory_space<vmem>>, vector<1x16xf32>,
        %get3A_2566 = vector.shape_cast %get3A_2565 : vector<1x16xf32> to vector<16xf32>
        %get3A_2567 = arith.index_cast %add3A_2401 : i32 to index
        %get3A_2568 = arith.constant 112 : index
        %get3A_2569 = tpu.vector_load %arg13[%get3A_2567, %get3A_2568] {strides = array<i32>} : memref<80x128xf32, #tpu.memory_space<vmem>>, vector<1x16xf32>,
        %get3A_2570 = vector.shape_cast %get3A_2569 : vector<1x16xf32> to vector<16xf32>
        %add3A_2571 = arith.addf %get3A_2566, %get3A_2570 : vector<16xf32>
        %mul3A_2572 = vector.broadcast %squeeze3A_2395 : f32 to vector<16xf32>
        %mul3A_2573 = arith.mulf %mul3A_2572, %get3A_28 : vector<16xf32>
        %add3A_2574 = arith.addf %add3A_2571, %mul3A_2573 : vector<16xf32>
        %mul3A_2575 = arith.constant 0.00999999977 : f32
        %mul3A_2576 = vector.broadcast %mul3A_2575 : f32 to vector<16xf32>
        %mul3A_2577 = arith.mulf %mul3A_2576, %add3A_2574 : vector<16xf32>
        %max3A_2578 = arith.maximumf %add3A_2574, %mul3A_2577 : vector<16xf32>
        %mul3A_2579 = vector.broadcast %squeeze3A_2397 : f32 to vector<16xf32>
        %mul3A_2580 = arith.mulf %max3A_2578, %mul3A_2579 : vector<16xf32>
        %swap3A_2581 = arith.index_cast %add3A_2401 : i32 to index
        %swap3A_2582 = arith.constant 112 : index
        %swap3A_2583 = tpu.vector_load %arg12[%swap3A_2581, %swap3A_2582] {strides = array<i32>} : memref<80x128xf32, #tpu.memory_space<vmem>>, vector<1x16xf32>,
        %swap3A_2584 = vector.shape_cast %swap3A_2583 : vector<1x16xf32> to vector<16xf32>
        %swap3A_2585 = vector.shape_cast %mul3A_2580 : vector<16xf32> to vector<1x16xf32>
        tpu.vector_store %arg12[%swap3A_2581, %swap3A_2582], %swap3A_2585 {strides = array<i32>} : memref<80x128xf32, #tpu.memory_space<vmem>>, vector<1x16xf32>,
        %slice3A_2586 = vector.extract_strided_slice %get3A_88 {offsets = [13], sizes = [1], strides = [1]} : vector<16xf32> to vector<1xf32>
        %squeeze3A_2587 = vector.extract %slice3A_2586[0] : f32 from vector<1xf32>
        %slice3A_2588 = vector.extract_strided_slice %select_n3A {offsets = [13], sizes = [1], strides = [1]} : vector<16xf32> to vector<1xf32>
        %squeeze3A_2589 = vector.extract %slice3A_2588[0] : f32 from vector<1xf32>
        %mul3A_2590 = arith.constant 16 : i32
        %mul3A_2591 = arith.muli %scan3A_83, %mul3A_2590 : i32
        %add3A_2592 = arith.constant 13 : i32
        %add3A_2593 = arith.addi %mul3A_2591, %add3A_2592 : i32
        %get3A_2594 = arith.index_cast %add3A_2593 : i32 to index
        %get3A_2595 = arith.constant 0 : index
        %get3A_2596 = tpu.vector_load %arg12[%get3A_2594, %get3A_2595] {strides = array<i32>} : memref<80x128xf32, #tpu.memory_space<vmem>>, vector<1x16xf32>,
        %get3A_2597 = vector.shape_cast %get3A_2596 : vector<1x16xf32> to vector<16xf32>
        %get3A_2598 = arith.index_cast %add3A_2593 : i32 to index
        %get3A_2599 = arith.constant 0 : index
        %get3A_2600 = tpu.vector_load %arg13[%get3A_2598, %get3A_2599] {strides = array<i32>} : memref<80x128xf32, #tpu.memory_space<vmem>>, vector<1x16xf32>,
        %get3A_2601 = vector.shape_cast %get3A_2600 : vector<1x16xf32> to vector<16xf32>
        %add3A_2602 = arith.addf %get3A_2597, %get3A_2601 : vector<16xf32>
        %mul3A_2603 = vector.broadcast %squeeze3A_2587 : f32 to vector<16xf32>
        %mul3A_2604 = arith.mulf %mul3A_2603, %get3A_7 : vector<16xf32>
        %add3A_2605 = arith.addf %add3A_2602, %mul3A_2604 : vector<16xf32>
        %mul3A_2606 = arith.constant 0.00999999977 : f32
        %mul3A_2607 = vector.broadcast %mul3A_2606 : f32 to vector<16xf32>
        %mul3A_2608 = arith.mulf %mul3A_2607, %add3A_2605 : vector<16xf32>
        %max3A_2609 = arith.maximumf %add3A_2605, %mul3A_2608 : vector<16xf32>
        %mul3A_2610 = vector.broadcast %squeeze3A_2589 : f32 to vector<16xf32>
        %mul3A_2611 = arith.mulf %max3A_2609, %mul3A_2610 : vector<16xf32>
        %swap3A_2612 = arith.index_cast %add3A_2593 : i32 to index
        %swap3A_2613 = arith.constant 0 : index
        %swap3A_2614 = tpu.vector_load %arg12[%swap3A_2612, %swap3A_2613] {strides = array<i32>} : memref<80x128xf32, #tpu.memory_space<vmem>>, vector<1x16xf32>,
        %swap3A_2615 = vector.shape_cast %swap3A_2614 : vector<1x16xf32> to vector<16xf32>
        %swap3A_2616 = vector.shape_cast %mul3A_2611 : vector<16xf32> to vector<1x16xf32>
        tpu.vector_store %arg12[%swap3A_2612, %swap3A_2613], %swap3A_2616 {strides = array<i32>} : memref<80x128xf32, #tpu.memory_space<vmem>>, vector<1x16xf32>,
        %get3A_2617 = arith.index_cast %add3A_2593 : i32 to index
        %get3A_2618 = arith.constant 16 : index
        %get3A_2619 = tpu.vector_load %arg12[%get3A_2617, %get3A_2618] {strides = array<i32>} : memref<80x128xf32, #tpu.memory_space<vmem>>, vector<1x16xf32>,
        %get3A_2620 = vector.shape_cast %get3A_2619 : vector<1x16xf32> to vector<16xf32>
        %get3A_2621 = arith.index_cast %add3A_2593 : i32 to index
        %get3A_2622 = arith.constant 16 : index
        %get3A_2623 = tpu.vector_load %arg13[%get3A_2621, %get3A_2622] {strides = array<i32>} : memref<80x128xf32, #tpu.memory_space<vmem>>, vector<1x16xf32>,
        %get3A_2624 = vector.shape_cast %get3A_2623 : vector<1x16xf32> to vector<16xf32>
        %add3A_2625 = arith.addf %get3A_2620, %get3A_2624 : vector<16xf32>
        %mul3A_2626 = vector.broadcast %squeeze3A_2587 : f32 to vector<16xf32>
        %mul3A_2627 = arith.mulf %mul3A_2626, %get3A_10 : vector<16xf32>
        %add3A_2628 = arith.addf %add3A_2625, %mul3A_2627 : vector<16xf32>
        %mul3A_2629 = arith.constant 0.00999999977 : f32
        %mul3A_2630 = vector.broadcast %mul3A_2629 : f32 to vector<16xf32>
        %mul3A_2631 = arith.mulf %mul3A_2630, %add3A_2628 : vector<16xf32>
        %max3A_2632 = arith.maximumf %add3A_2628, %mul3A_2631 : vector<16xf32>
        %mul3A_2633 = vector.broadcast %squeeze3A_2589 : f32 to vector<16xf32>
        %mul3A_2634 = arith.mulf %max3A_2632, %mul3A_2633 : vector<16xf32>
        %swap3A_2635 = arith.index_cast %add3A_2593 : i32 to index
        %swap3A_2636 = arith.constant 16 : index
        %swap3A_2637 = tpu.vector_load %arg12[%swap3A_2635, %swap3A_2636] {strides = array<i32>} : memref<80x128xf32, #tpu.memory_space<vmem>>, vector<1x16xf32>,
        %swap3A_2638 = vector.shape_cast %swap3A_2637 : vector<1x16xf32> to vector<16xf32>
        %swap3A_2639 = vector.shape_cast %mul3A_2634 : vector<16xf32> to vector<1x16xf32>
        tpu.vector_store %arg12[%swap3A_2635, %swap3A_2636], %swap3A_2639 {strides = array<i32>} : memref<80x128xf32, #tpu.memory_space<vmem>>, vector<1x16xf32>,
        %get3A_2640 = arith.index_cast %add3A_2593 : i32 to index
        %get3A_2641 = arith.constant 32 : index
        %get3A_2642 = tpu.vector_load %arg12[%get3A_2640, %get3A_2641] {strides = array<i32>} : memref<80x128xf32, #tpu.memory_space<vmem>>, vector<1x16xf32>,
        %get3A_2643 = vector.shape_cast %get3A_2642 : vector<1x16xf32> to vector<16xf32>
        %get3A_2644 = arith.index_cast %add3A_2593 : i32 to index
        %get3A_2645 = arith.constant 32 : index
        %get3A_2646 = tpu.vector_load %arg13[%get3A_2644, %get3A_2645] {strides = array<i32>} : memref<80x128xf32, #tpu.memory_space<vmem>>, vector<1x16xf32>,
        %get3A_2647 = vector.shape_cast %get3A_2646 : vector<1x16xf32> to vector<16xf32>
        %add3A_2648 = arith.addf %get3A_2643, %get3A_2647 : vector<16xf32>
        %mul3A_2649 = vector.broadcast %squeeze3A_2587 : f32 to vector<16xf32>
        %mul3A_2650 = arith.mulf %mul3A_2649, %get3A_13 : vector<16xf32>
        %add3A_2651 = arith.addf %add3A_2648, %mul3A_2650 : vector<16xf32>
        %mul3A_2652 = arith.constant 0.00999999977 : f32
        %mul3A_2653 = vector.broadcast %mul3A_2652 : f32 to vector<16xf32>
        %mul3A_2654 = arith.mulf %mul3A_2653, %add3A_2651 : vector<16xf32>
        %max3A_2655 = arith.maximumf %add3A_2651, %mul3A_2654 : vector<16xf32>
        %mul3A_2656 = vector.broadcast %squeeze3A_2589 : f32 to vector<16xf32>
        %mul3A_2657 = arith.mulf %max3A_2655, %mul3A_2656 : vector<16xf32>
        %swap3A_2658 = arith.index_cast %add3A_2593 : i32 to index
        %swap3A_2659 = arith.constant 32 : index
        %swap3A_2660 = tpu.vector_load %arg12[%swap3A_2658, %swap3A_2659] {strides = array<i32>} : memref<80x128xf32, #tpu.memory_space<vmem>>, vector<1x16xf32>,
        %swap3A_2661 = vector.shape_cast %swap3A_2660 : vector<1x16xf32> to vector<16xf32>
        %swap3A_2662 = vector.shape_cast %mul3A_2657 : vector<16xf32> to vector<1x16xf32>
        tpu.vector_store %arg12[%swap3A_2658, %swap3A_2659], %swap3A_2662 {strides = array<i32>} : memref<80x128xf32, #tpu.memory_space<vmem>>, vector<1x16xf32>,
        %get3A_2663 = arith.index_cast %add3A_2593 : i32 to index
        %get3A_2664 = arith.constant 48 : index
        %get3A_2665 = tpu.vector_load %arg12[%get3A_2663, %get3A_2664] {strides = array<i32>} : memref<80x128xf32, #tpu.memory_space<vmem>>, vector<1x16xf32>,
        %get3A_2666 = vector.shape_cast %get3A_2665 : vector<1x16xf32> to vector<16xf32>
        %get3A_2667 = arith.index_cast %add3A_2593 : i32 to index
        %get3A_2668 = arith.constant 48 : index
        %get3A_2669 = tpu.vector_load %arg13[%get3A_2667, %get3A_2668] {strides = array<i32>} : memref<80x128xf32, #tpu.memory_space<vmem>>, vector<1x16xf32>,
        %get3A_2670 = vector.shape_cast %get3A_2669 : vector<1x16xf32> to vector<16xf32>
        %add3A_2671 = arith.addf %get3A_2666, %get3A_2670 : vector<16xf32>
        %mul3A_2672 = vector.broadcast %squeeze3A_2587 : f32 to vector<16xf32>
        %mul3A_2673 = arith.mulf %mul3A_2672, %get3A_16 : vector<16xf32>
        %add3A_2674 = arith.addf %add3A_2671, %mul3A_2673 : vector<16xf32>
        %mul3A_2675 = arith.constant 0.00999999977 : f32
        %mul3A_2676 = vector.broadcast %mul3A_2675 : f32 to vector<16xf32>
        %mul3A_2677 = arith.mulf %mul3A_2676, %add3A_2674 : vector<16xf32>
        %max3A_2678 = arith.maximumf %add3A_2674, %mul3A_2677 : vector<16xf32>
        %mul3A_2679 = vector.broadcast %squeeze3A_2589 : f32 to vector<16xf32>
        %mul3A_2680 = arith.mulf %max3A_2678, %mul3A_2679 : vector<16xf32>
        %swap3A_2681 = arith.index_cast %add3A_2593 : i32 to index
        %swap3A_2682 = arith.constant 48 : index
        %swap3A_2683 = tpu.vector_load %arg12[%swap3A_2681, %swap3A_2682] {strides = array<i32>} : memref<80x128xf32, #tpu.memory_space<vmem>>, vector<1x16xf32>,
        %swap3A_2684 = vector.shape_cast %swap3A_2683 : vector<1x16xf32> to vector<16xf32>
        %swap3A_2685 = vector.shape_cast %mul3A_2680 : vector<16xf32> to vector<1x16xf32>
        tpu.vector_store %arg12[%swap3A_2681, %swap3A_2682], %swap3A_2685 {strides = array<i32>} : memref<80x128xf32, #tpu.memory_space<vmem>>, vector<1x16xf32>,
        %get3A_2686 = arith.index_cast %add3A_2593 : i32 to index
        %get3A_2687 = arith.constant 64 : index
        %get3A_2688 = tpu.vector_load %arg12[%get3A_2686, %get3A_2687] {strides = array<i32>} : memref<80x128xf32, #tpu.memory_space<vmem>>, vector<1x16xf32>,
        %get3A_2689 = vector.shape_cast %get3A_2688 : vector<1x16xf32> to vector<16xf32>
        %get3A_2690 = arith.index_cast %add3A_2593 : i32 to index
        %get3A_2691 = arith.constant 64 : index
        %get3A_2692 = tpu.vector_load %arg13[%get3A_2690, %get3A_2691] {strides = array<i32>} : memref<80x128xf32, #tpu.memory_space<vmem>>, vector<1x16xf32>,
        %get3A_2693 = vector.shape_cast %get3A_2692 : vector<1x16xf32> to vector<16xf32>
        %add3A_2694 = arith.addf %get3A_2689, %get3A_2693 : vector<16xf32>
        %mul3A_2695 = vector.broadcast %squeeze3A_2587 : f32 to vector<16xf32>
        %mul3A_2696 = arith.mulf %mul3A_2695, %get3A_19 : vector<16xf32>
        %add3A_2697 = arith.addf %add3A_2694, %mul3A_2696 : vector<16xf32>
        %mul3A_2698 = arith.constant 0.00999999977 : f32
        %mul3A_2699 = vector.broadcast %mul3A_2698 : f32 to vector<16xf32>
        %mul3A_2700 = arith.mulf %mul3A_2699, %add3A_2697 : vector<16xf32>
        %max3A_2701 = arith.maximumf %add3A_2697, %mul3A_2700 : vector<16xf32>
        %mul3A_2702 = vector.broadcast %squeeze3A_2589 : f32 to vector<16xf32>
        %mul3A_2703 = arith.mulf %max3A_2701, %mul3A_2702 : vector<16xf32>
        %swap3A_2704 = arith.index_cast %add3A_2593 : i32 to index
        %swap3A_2705 = arith.constant 64 : index
        %swap3A_2706 = tpu.vector_load %arg12[%swap3A_2704, %swap3A_2705] {strides = array<i32>} : memref<80x128xf32, #tpu.memory_space<vmem>>, vector<1x16xf32>,
        %swap3A_2707 = vector.shape_cast %swap3A_2706 : vector<1x16xf32> to vector<16xf32>
        %swap3A_2708 = vector.shape_cast %mul3A_2703 : vector<16xf32> to vector<1x16xf32>
        tpu.vector_store %arg12[%swap3A_2704, %swap3A_2705], %swap3A_2708 {strides = array<i32>} : memref<80x128xf32, #tpu.memory_space<vmem>>, vector<1x16xf32>,
        %get3A_2709 = arith.index_cast %add3A_2593 : i32 to index
        %get3A_2710 = arith.constant 80 : index
        %get3A_2711 = tpu.vector_load %arg12[%get3A_2709, %get3A_2710] {strides = array<i32>} : memref<80x128xf32, #tpu.memory_space<vmem>>, vector<1x16xf32>,
        %get3A_2712 = vector.shape_cast %get3A_2711 : vector<1x16xf32> to vector<16xf32>
        %get3A_2713 = arith.index_cast %add3A_2593 : i32 to index
        %get3A_2714 = arith.constant 80 : index
        %get3A_2715 = tpu.vector_load %arg13[%get3A_2713, %get3A_2714] {strides = array<i32>} : memref<80x128xf32, #tpu.memory_space<vmem>>, vector<1x16xf32>,
        %get3A_2716 = vector.shape_cast %get3A_2715 : vector<1x16xf32> to vector<16xf32>
        %add3A_2717 = arith.addf %get3A_2712, %get3A_2716 : vector<16xf32>
        %mul3A_2718 = vector.broadcast %squeeze3A_2587 : f32 to vector<16xf32>
        %mul3A_2719 = arith.mulf %mul3A_2718, %get3A_22 : vector<16xf32>
        %add3A_2720 = arith.addf %add3A_2717, %mul3A_2719 : vector<16xf32>
        %mul3A_2721 = arith.constant 0.00999999977 : f32
        %mul3A_2722 = vector.broadcast %mul3A_2721 : f32 to vector<16xf32>
        %mul3A_2723 = arith.mulf %mul3A_2722, %add3A_2720 : vector<16xf32>
        %max3A_2724 = arith.maximumf %add3A_2720, %mul3A_2723 : vector<16xf32>
        %mul3A_2725 = vector.broadcast %squeeze3A_2589 : f32 to vector<16xf32>
        %mul3A_2726 = arith.mulf %max3A_2724, %mul3A_2725 : vector<16xf32>
        %swap3A_2727 = arith.index_cast %add3A_2593 : i32 to index
        %swap3A_2728 = arith.constant 80 : index
        %swap3A_2729 = tpu.vector_load %arg12[%swap3A_2727, %swap3A_2728] {strides = array<i32>} : memref<80x128xf32, #tpu.memory_space<vmem>>, vector<1x16xf32>,
        %swap3A_2730 = vector.shape_cast %swap3A_2729 : vector<1x16xf32> to vector<16xf32>
        %swap3A_2731 = vector.shape_cast %mul3A_2726 : vector<16xf32> to vector<1x16xf32>
        tpu.vector_store %arg12[%swap3A_2727, %swap3A_2728], %swap3A_2731 {strides = array<i32>} : memref<80x128xf32, #tpu.memory_space<vmem>>, vector<1x16xf32>,
        %get3A_2732 = arith.index_cast %add3A_2593 : i32 to index
        %get3A_2733 = arith.constant 96 : index
        %get3A_2734 = tpu.vector_load %arg12[%get3A_2732, %get3A_2733] {strides = array<i32>} : memref<80x128xf32, #tpu.memory_space<vmem>>, vector<1x16xf32>,
        %get3A_2735 = vector.shape_cast %get3A_2734 : vector<1x16xf32> to vector<16xf32>
        %get3A_2736 = arith.index_cast %add3A_2593 : i32 to index
        %get3A_2737 = arith.constant 96 : index
        %get3A_2738 = tpu.vector_load %arg13[%get3A_2736, %get3A_2737] {strides = array<i32>} : memref<80x128xf32, #tpu.memory_space<vmem>>, vector<1x16xf32>,
        %get3A_2739 = vector.shape_cast %get3A_2738 : vector<1x16xf32> to vector<16xf32>
        %add3A_2740 = arith.addf %get3A_2735, %get3A_2739 : vector<16xf32>
        %mul3A_2741 = vector.broadcast %squeeze3A_2587 : f32 to vector<16xf32>
        %mul3A_2742 = arith.mulf %mul3A_2741, %get3A_25 : vector<16xf32>
        %add3A_2743 = arith.addf %add3A_2740, %mul3A_2742 : vector<16xf32>
        %mul3A_2744 = arith.constant 0.00999999977 : f32
        %mul3A_2745 = vector.broadcast %mul3A_2744 : f32 to vector<16xf32>
        %mul3A_2746 = arith.mulf %mul3A_2745, %add3A_2743 : vector<16xf32>
        %max3A_2747 = arith.maximumf %add3A_2743, %mul3A_2746 : vector<16xf32>
        %mul3A_2748 = vector.broadcast %squeeze3A_2589 : f32 to vector<16xf32>
        %mul3A_2749 = arith.mulf %max3A_2747, %mul3A_2748 : vector<16xf32>
        %swap3A_2750 = arith.index_cast %add3A_2593 : i32 to index
        %swap3A_2751 = arith.constant 96 : index
        %swap3A_2752 = tpu.vector_load %arg12[%swap3A_2750, %swap3A_2751] {strides = array<i32>} : memref<80x128xf32, #tpu.memory_space<vmem>>, vector<1x16xf32>,
        %swap3A_2753 = vector.shape_cast %swap3A_2752 : vector<1x16xf32> to vector<16xf32>
        %swap3A_2754 = vector.shape_cast %mul3A_2749 : vector<16xf32> to vector<1x16xf32>
        tpu.vector_store %arg12[%swap3A_2750, %swap3A_2751], %swap3A_2754 {strides = array<i32>} : memref<80x128xf32, #tpu.memory_space<vmem>>, vector<1x16xf32>,
        %get3A_2755 = arith.index_cast %add3A_2593 : i32 to index
        %get3A_2756 = arith.constant 112 : index
        %get3A_2757 = tpu.vector_load %arg12[%get3A_2755, %get3A_2756] {strides = array<i32>} : memref<80x128xf32, #tpu.memory_space<vmem>>, vector<1x16xf32>,
        %get3A_2758 = vector.shape_cast %get3A_2757 : vector<1x16xf32> to vector<16xf32>
        %get3A_2759 = arith.index_cast %add3A_2593 : i32 to index
        %get3A_2760 = arith.constant 112 : index
        %get3A_2761 = tpu.vector_load %arg13[%get3A_2759, %get3A_2760] {strides = array<i32>} : memref<80x128xf32, #tpu.memory_space<vmem>>, vector<1x16xf32>,
        %get3A_2762 = vector.shape_cast %get3A_2761 : vector<1x16xf32> to vector<16xf32>
        %add3A_2763 = arith.addf %get3A_2758, %get3A_2762 : vector<16xf32>
        %mul3A_2764 = vector.broadcast %squeeze3A_2587 : f32 to vector<16xf32>
        %mul3A_2765 = arith.mulf %mul3A_2764, %get3A_28 : vector<16xf32>
        %add3A_2766 = arith.addf %add3A_2763, %mul3A_2765 : vector<16xf32>
        %mul3A_2767 = arith.constant 0.00999999977 : f32
        %mul3A_2768 = vector.broadcast %mul3A_2767 : f32 to vector<16xf32>
        %mul3A_2769 = arith.mulf %mul3A_2768, %add3A_2766 : vector<16xf32>
        %max3A_2770 = arith.maximumf %add3A_2766, %mul3A_2769 : vector<16xf32>
        %mul3A_2771 = vector.broadcast %squeeze3A_2589 : f32 to vector<16xf32>
        %mul3A_2772 = arith.mulf %max3A_2770, %mul3A_2771 : vector<16xf32>
        %swap3A_2773 = arith.index_cast %add3A_2593 : i32 to index
        %swap3A_2774 = arith.constant 112 : index
        %swap3A_2775 = tpu.vector_load %arg12[%swap3A_2773, %swap3A_2774] {strides = array<i32>} : memref<80x128xf32, #tpu.memory_space<vmem>>, vector<1x16xf32>,
        %swap3A_2776 = vector.shape_cast %swap3A_2775 : vector<1x16xf32> to vector<16xf32>
        %swap3A_2777 = vector.shape_cast %mul3A_2772 : vector<16xf32> to vector<1x16xf32>
        tpu.vector_store %arg12[%swap3A_2773, %swap3A_2774], %swap3A_2777 {strides = array<i32>} : memref<80x128xf32, #tpu.memory_space<vmem>>, vector<1x16xf32>,
        %slice3A_2778 = vector.extract_strided_slice %get3A_88 {offsets = [14], sizes = [1], strides = [1]} : vector<16xf32> to vector<1xf32>
        %squeeze3A_2779 = vector.extract %slice3A_2778[0] : f32 from vector<1xf32>
        %slice3A_2780 = vector.extract_strided_slice %select_n3A {offsets = [14], sizes = [1], strides = [1]} : vector<16xf32> to vector<1xf32>
        %squeeze3A_2781 = vector.extract %slice3A_2780[0] : f32 from vector<1xf32>
        %mul3A_2782 = arith.constant 16 : i32
        %mul3A_2783 = arith.muli %scan3A_83, %mul3A_2782 : i32
        %add3A_2784 = arith.constant 14 : i32
        %add3A_2785 = arith.addi %mul3A_2783, %add3A_2784 : i32
        %get3A_2786 = arith.index_cast %add3A_2785 : i32 to index
        %get3A_2787 = arith.constant 0 : index
        %get3A_2788 = tpu.vector_load %arg12[%get3A_2786, %get3A_2787] {strides = array<i32>} : memref<80x128xf32, #tpu.memory_space<vmem>>, vector<1x16xf32>,
        %get3A_2789 = vector.shape_cast %get3A_2788 : vector<1x16xf32> to vector<16xf32>
        %get3A_2790 = arith.index_cast %add3A_2785 : i32 to index
        %get3A_2791 = arith.constant 0 : index
        %get3A_2792 = tpu.vector_load %arg13[%get3A_2790, %get3A_2791] {strides = array<i32>} : memref<80x128xf32, #tpu.memory_space<vmem>>, vector<1x16xf32>,
        %get3A_2793 = vector.shape_cast %get3A_2792 : vector<1x16xf32> to vector<16xf32>
        %add3A_2794 = arith.addf %get3A_2789, %get3A_2793 : vector<16xf32>
        %mul3A_2795 = vector.broadcast %squeeze3A_2779 : f32 to vector<16xf32>
        %mul3A_2796 = arith.mulf %mul3A_2795, %get3A_7 : vector<16xf32>
        %add3A_2797 = arith.addf %add3A_2794, %mul3A_2796 : vector<16xf32>
        %mul3A_2798 = arith.constant 0.00999999977 : f32
        %mul3A_2799 = vector.broadcast %mul3A_2798 : f32 to vector<16xf32>
        %mul3A_2800 = arith.mulf %mul3A_2799, %add3A_2797 : vector<16xf32>
        %max3A_2801 = arith.maximumf %add3A_2797, %mul3A_2800 : vector<16xf32>
        %mul3A_2802 = vector.broadcast %squeeze3A_2781 : f32 to vector<16xf32>
        %mul3A_2803 = arith.mulf %max3A_2801, %mul3A_2802 : vector<16xf32>
        %swap3A_2804 = arith.index_cast %add3A_2785 : i32 to index
        %swap3A_2805 = arith.constant 0 : index
        %swap3A_2806 = tpu.vector_load %arg12[%swap3A_2804, %swap3A_2805] {strides = array<i32>} : memref<80x128xf32, #tpu.memory_space<vmem>>, vector<1x16xf32>,
        %swap3A_2807 = vector.shape_cast %swap3A_2806 : vector<1x16xf32> to vector<16xf32>
        %swap3A_2808 = vector.shape_cast %mul3A_2803 : vector<16xf32> to vector<1x16xf32>
        tpu.vector_store %arg12[%swap3A_2804, %swap3A_2805], %swap3A_2808 {strides = array<i32>} : memref<80x128xf32, #tpu.memory_space<vmem>>, vector<1x16xf32>,
        %get3A_2809 = arith.index_cast %add3A_2785 : i32 to index
        %get3A_2810 = arith.constant 16 : index
        %get3A_2811 = tpu.vector_load %arg12[%get3A_2809, %get3A_2810] {strides = array<i32>} : memref<80x128xf32, #tpu.memory_space<vmem>>, vector<1x16xf32>,
        %get3A_2812 = vector.shape_cast %get3A_2811 : vector<1x16xf32> to vector<16xf32>
        %get3A_2813 = arith.index_cast %add3A_2785 : i32 to index
        %get3A_2814 = arith.constant 16 : index
        %get3A_2815 = tpu.vector_load %arg13[%get3A_2813, %get3A_2814] {strides = array<i32>} : memref<80x128xf32, #tpu.memory_space<vmem>>, vector<1x16xf32>,
        %get3A_2816 = vector.shape_cast %get3A_2815 : vector<1x16xf32> to vector<16xf32>
        %add3A_2817 = arith.addf %get3A_2812, %get3A_2816 : vector<16xf32>
        %mul3A_2818 = vector.broadcast %squeeze3A_2779 : f32 to vector<16xf32>
        %mul3A_2819 = arith.mulf %mul3A_2818, %get3A_10 : vector<16xf32>
        %add3A_2820 = arith.addf %add3A_2817, %mul3A_2819 : vector<16xf32>
        %mul3A_2821 = arith.constant 0.00999999977 : f32
        %mul3A_2822 = vector.broadcast %mul3A_2821 : f32 to vector<16xf32>
        %mul3A_2823 = arith.mulf %mul3A_2822, %add3A_2820 : vector<16xf32>
        %max3A_2824 = arith.maximumf %add3A_2820, %mul3A_2823 : vector<16xf32>
        %mul3A_2825 = vector.broadcast %squeeze3A_2781 : f32 to vector<16xf32>
        %mul3A_2826 = arith.mulf %max3A_2824, %mul3A_2825 : vector<16xf32>
        %swap3A_2827 = arith.index_cast %add3A_2785 : i32 to index
        %swap3A_2828 = arith.constant 16 : index
        %swap3A_2829 = tpu.vector_load %arg12[%swap3A_2827, %swap3A_2828] {strides = array<i32>} : memref<80x128xf32, #tpu.memory_space<vmem>>, vector<1x16xf32>,
        %swap3A_2830 = vector.shape_cast %swap3A_2829 : vector<1x16xf32> to vector<16xf32>
        %swap3A_2831 = vector.shape_cast %mul3A_2826 : vector<16xf32> to vector<1x16xf32>
        tpu.vector_store %arg12[%swap3A_2827, %swap3A_2828], %swap3A_2831 {strides = array<i32>} : memref<80x128xf32, #tpu.memory_space<vmem>>, vector<1x16xf32>,
        %get3A_2832 = arith.index_cast %add3A_2785 : i32 to index
        %get3A_2833 = arith.constant 32 : index
        %get3A_2834 = tpu.vector_load %arg12[%get3A_2832, %get3A_2833] {strides = array<i32>} : memref<80x128xf32, #tpu.memory_space<vmem>>, vector<1x16xf32>,
        %get3A_2835 = vector.shape_cast %get3A_2834 : vector<1x16xf32> to vector<16xf32>
        %get3A_2836 = arith.index_cast %add3A_2785 : i32 to index
        %get3A_2837 = arith.constant 32 : index
        %get3A_2838 = tpu.vector_load %arg13[%get3A_2836, %get3A_2837] {strides = array<i32>} : memref<80x128xf32, #tpu.memory_space<vmem>>, vector<1x16xf32>,
        %get3A_2839 = vector.shape_cast %get3A_2838 : vector<1x16xf32> to vector<16xf32>
        %add3A_2840 = arith.addf %get3A_2835, %get3A_2839 : vector<16xf32>
        %mul3A_2841 = vector.broadcast %squeeze3A_2779 : f32 to vector<16xf32>
        %mul3A_2842 = arith.mulf %mul3A_2841, %get3A_13 : vector<16xf32>
        %add3A_2843 = arith.addf %add3A_2840, %mul3A_2842 : vector<16xf32>
        %mul3A_2844 = arith.constant 0.00999999977 : f32
        %mul3A_2845 = vector.broadcast %mul3A_2844 : f32 to vector<16xf32>
        %mul3A_2846 = arith.mulf %mul3A_2845, %add3A_2843 : vector<16xf32>
        %max3A_2847 = arith.maximumf %add3A_2843, %mul3A_2846 : vector<16xf32>
        %mul3A_2848 = vector.broadcast %squeeze3A_2781 : f32 to vector<16xf32>
        %mul3A_2849 = arith.mulf %max3A_2847, %mul3A_2848 : vector<16xf32>
        %swap3A_2850 = arith.index_cast %add3A_2785 : i32 to index
        %swap3A_2851 = arith.constant 32 : index
        %swap3A_2852 = tpu.vector_load %arg12[%swap3A_2850, %swap3A_2851] {strides = array<i32>} : memref<80x128xf32, #tpu.memory_space<vmem>>, vector<1x16xf32>,
        %swap3A_2853 = vector.shape_cast %swap3A_2852 : vector<1x16xf32> to vector<16xf32>
        %swap3A_2854 = vector.shape_cast %mul3A_2849 : vector<16xf32> to vector<1x16xf32>
        tpu.vector_store %arg12[%swap3A_2850, %swap3A_2851], %swap3A_2854 {strides = array<i32>} : memref<80x128xf32, #tpu.memory_space<vmem>>, vector<1x16xf32>,
        %get3A_2855 = arith.index_cast %add3A_2785 : i32 to index
        %get3A_2856 = arith.constant 48 : index
        %get3A_2857 = tpu.vector_load %arg12[%get3A_2855, %get3A_2856] {strides = array<i32>} : memref<80x128xf32, #tpu.memory_space<vmem>>, vector<1x16xf32>,
        %get3A_2858 = vector.shape_cast %get3A_2857 : vector<1x16xf32> to vector<16xf32>
        %get3A_2859 = arith.index_cast %add3A_2785 : i32 to index
        %get3A_2860 = arith.constant 48 : index
        %get3A_2861 = tpu.vector_load %arg13[%get3A_2859, %get3A_2860] {strides = array<i32>} : memref<80x128xf32, #tpu.memory_space<vmem>>, vector<1x16xf32>,
        %get3A_2862 = vector.shape_cast %get3A_2861 : vector<1x16xf32> to vector<16xf32>
        %add3A_2863 = arith.addf %get3A_2858, %get3A_2862 : vector<16xf32>
        %mul3A_2864 = vector.broadcast %squeeze3A_2779 : f32 to vector<16xf32>
        %mul3A_2865 = arith.mulf %mul3A_2864, %get3A_16 : vector<16xf32>
        %add3A_2866 = arith.addf %add3A_2863, %mul3A_2865 : vector<16xf32>
        %mul3A_2867 = arith.constant 0.00999999977 : f32
        %mul3A_2868 = vector.broadcast %mul3A_2867 : f32 to vector<16xf32>
        %mul3A_2869 = arith.mulf %mul3A_2868, %add3A_2866 : vector<16xf32>
        %max3A_2870 = arith.maximumf %add3A_2866, %mul3A_2869 : vector<16xf32>
        %mul3A_2871 = vector.broadcast %squeeze3A_2781 : f32 to vector<16xf32>
        %mul3A_2872 = arith.mulf %max3A_2870, %mul3A_2871 : vector<16xf32>
        %swap3A_2873 = arith.index_cast %add3A_2785 : i32 to index
        %swap3A_2874 = arith.constant 48 : index
        %swap3A_2875 = tpu.vector_load %arg12[%swap3A_2873, %swap3A_2874] {strides = array<i32>} : memref<80x128xf32, #tpu.memory_space<vmem>>, vector<1x16xf32>,
        %swap3A_2876 = vector.shape_cast %swap3A_2875 : vector<1x16xf32> to vector<16xf32>
        %swap3A_2877 = vector.shape_cast %mul3A_2872 : vector<16xf32> to vector<1x16xf32>
        tpu.vector_store %arg12[%swap3A_2873, %swap3A_2874], %swap3A_2877 {strides = array<i32>} : memref<80x128xf32, #tpu.memory_space<vmem>>, vector<1x16xf32>,
        %get3A_2878 = arith.index_cast %add3A_2785 : i32 to index
        %get3A_2879 = arith.constant 64 : index
        %get3A_2880 = tpu.vector_load %arg12[%get3A_2878, %get3A_2879] {strides = array<i32>} : memref<80x128xf32, #tpu.memory_space<vmem>>, vector<1x16xf32>,
        %get3A_2881 = vector.shape_cast %get3A_2880 : vector<1x16xf32> to vector<16xf32>
        %get3A_2882 = arith.index_cast %add3A_2785 : i32 to index
        %get3A_2883 = arith.constant 64 : index
        %get3A_2884 = tpu.vector_load %arg13[%get3A_2882, %get3A_2883] {strides = array<i32>} : memref<80x128xf32, #tpu.memory_space<vmem>>, vector<1x16xf32>,
        %get3A_2885 = vector.shape_cast %get3A_2884 : vector<1x16xf32> to vector<16xf32>
        %add3A_2886 = arith.addf %get3A_2881, %get3A_2885 : vector<16xf32>
        %mul3A_2887 = vector.broadcast %squeeze3A_2779 : f32 to vector<16xf32>
        %mul3A_2888 = arith.mulf %mul3A_2887, %get3A_19 : vector<16xf32>
        %add3A_2889 = arith.addf %add3A_2886, %mul3A_2888 : vector<16xf32>
        %mul3A_2890 = arith.constant 0.00999999977 : f32
        %mul3A_2891 = vector.broadcast %mul3A_2890 : f32 to vector<16xf32>
        %mul3A_2892 = arith.mulf %mul3A_2891, %add3A_2889 : vector<16xf32>
        %max3A_2893 = arith.maximumf %add3A_2889, %mul3A_2892 : vector<16xf32>
        %mul3A_2894 = vector.broadcast %squeeze3A_2781 : f32 to vector<16xf32>
        %mul3A_2895 = arith.mulf %max3A_2893, %mul3A_2894 : vector<16xf32>
        %swap3A_2896 = arith.index_cast %add3A_2785 : i32 to index
        %swap3A_2897 = arith.constant 64 : index
        %swap3A_2898 = tpu.vector_load %arg12[%swap3A_2896, %swap3A_2897] {strides = array<i32>} : memref<80x128xf32, #tpu.memory_space<vmem>>, vector<1x16xf32>,
        %swap3A_2899 = vector.shape_cast %swap3A_2898 : vector<1x16xf32> to vector<16xf32>
        %swap3A_2900 = vector.shape_cast %mul3A_2895 : vector<16xf32> to vector<1x16xf32>
        tpu.vector_store %arg12[%swap3A_2896, %swap3A_2897], %swap3A_2900 {strides = array<i32>} : memref<80x128xf32, #tpu.memory_space<vmem>>, vector<1x16xf32>,
        %get3A_2901 = arith.index_cast %add3A_2785 : i32 to index
        %get3A_2902 = arith.constant 80 : index
        %get3A_2903 = tpu.vector_load %arg12[%get3A_2901, %get3A_2902] {strides = array<i32>} : memref<80x128xf32, #tpu.memory_space<vmem>>, vector<1x16xf32>,
        %get3A_2904 = vector.shape_cast %get3A_2903 : vector<1x16xf32> to vector<16xf32>
        %get3A_2905 = arith.index_cast %add3A_2785 : i32 to index
        %get3A_2906 = arith.constant 80 : index
        %get3A_2907 = tpu.vector_load %arg13[%get3A_2905, %get3A_2906] {strides = array<i32>} : memref<80x128xf32, #tpu.memory_space<vmem>>, vector<1x16xf32>,
        %get3A_2908 = vector.shape_cast %get3A_2907 : vector<1x16xf32> to vector<16xf32>
        %add3A_2909 = arith.addf %get3A_2904, %get3A_2908 : vector<16xf32>
        %mul3A_2910 = vector.broadcast %squeeze3A_2779 : f32 to vector<16xf32>
        %mul3A_2911 = arith.mulf %mul3A_2910, %get3A_22 : vector<16xf32>
        %add3A_2912 = arith.addf %add3A_2909, %mul3A_2911 : vector<16xf32>
        %mul3A_2913 = arith.constant 0.00999999977 : f32
        %mul3A_2914 = vector.broadcast %mul3A_2913 : f32 to vector<16xf32>
        %mul3A_2915 = arith.mulf %mul3A_2914, %add3A_2912 : vector<16xf32>
        %max3A_2916 = arith.maximumf %add3A_2912, %mul3A_2915 : vector<16xf32>
        %mul3A_2917 = vector.broadcast %squeeze3A_2781 : f32 to vector<16xf32>
        %mul3A_2918 = arith.mulf %max3A_2916, %mul3A_2917 : vector<16xf32>
        %swap3A_2919 = arith.index_cast %add3A_2785 : i32 to index
        %swap3A_2920 = arith.constant 80 : index
        %swap3A_2921 = tpu.vector_load %arg12[%swap3A_2919, %swap3A_2920] {strides = array<i32>} : memref<80x128xf32, #tpu.memory_space<vmem>>, vector<1x16xf32>,
        %swap3A_2922 = vector.shape_cast %swap3A_2921 : vector<1x16xf32> to vector<16xf32>
        %swap3A_2923 = vector.shape_cast %mul3A_2918 : vector<16xf32> to vector<1x16xf32>
        tpu.vector_store %arg12[%swap3A_2919, %swap3A_2920], %swap3A_2923 {strides = array<i32>} : memref<80x128xf32, #tpu.memory_space<vmem>>, vector<1x16xf32>,
        %get3A_2924 = arith.index_cast %add3A_2785 : i32 to index
        %get3A_2925 = arith.constant 96 : index
        %get3A_2926 = tpu.vector_load %arg12[%get3A_2924, %get3A_2925] {strides = array<i32>} : memref<80x128xf32, #tpu.memory_space<vmem>>, vector<1x16xf32>,
        %get3A_2927 = vector.shape_cast %get3A_2926 : vector<1x16xf32> to vector<16xf32>
        %get3A_2928 = arith.index_cast %add3A_2785 : i32 to index
        %get3A_2929 = arith.constant 96 : index
        %get3A_2930 = tpu.vector_load %arg13[%get3A_2928, %get3A_2929] {strides = array<i32>} : memref<80x128xf32, #tpu.memory_space<vmem>>, vector<1x16xf32>,
        %get3A_2931 = vector.shape_cast %get3A_2930 : vector<1x16xf32> to vector<16xf32>
        %add3A_2932 = arith.addf %get3A_2927, %get3A_2931 : vector<16xf32>
        %mul3A_2933 = vector.broadcast %squeeze3A_2779 : f32 to vector<16xf32>
        %mul3A_2934 = arith.mulf %mul3A_2933, %get3A_25 : vector<16xf32>
        %add3A_2935 = arith.addf %add3A_2932, %mul3A_2934 : vector<16xf32>
        %mul3A_2936 = arith.constant 0.00999999977 : f32
        %mul3A_2937 = vector.broadcast %mul3A_2936 : f32 to vector<16xf32>
        %mul3A_2938 = arith.mulf %mul3A_2937, %add3A_2935 : vector<16xf32>
        %max3A_2939 = arith.maximumf %add3A_2935, %mul3A_2938 : vector<16xf32>
        %mul3A_2940 = vector.broadcast %squeeze3A_2781 : f32 to vector<16xf32>
        %mul3A_2941 = arith.mulf %max3A_2939, %mul3A_2940 : vector<16xf32>
        %swap3A_2942 = arith.index_cast %add3A_2785 : i32 to index
        %swap3A_2943 = arith.constant 96 : index
        %swap3A_2944 = tpu.vector_load %arg12[%swap3A_2942, %swap3A_2943] {strides = array<i32>} : memref<80x128xf32, #tpu.memory_space<vmem>>, vector<1x16xf32>,
        %swap3A_2945 = vector.shape_cast %swap3A_2944 : vector<1x16xf32> to vector<16xf32>
        %swap3A_2946 = vector.shape_cast %mul3A_2941 : vector<16xf32> to vector<1x16xf32>
        tpu.vector_store %arg12[%swap3A_2942, %swap3A_2943], %swap3A_2946 {strides = array<i32>} : memref<80x128xf32, #tpu.memory_space<vmem>>, vector<1x16xf32>,
        %get3A_2947 = arith.index_cast %add3A_2785 : i32 to index
        %get3A_2948 = arith.constant 112 : index
        %get3A_2949 = tpu.vector_load %arg12[%get3A_2947, %get3A_2948] {strides = array<i32>} : memref<80x128xf32, #tpu.memory_space<vmem>>, vector<1x16xf32>,
        %get3A_2950 = vector.shape_cast %get3A_2949 : vector<1x16xf32> to vector<16xf32>
        %get3A_2951 = arith.index_cast %add3A_2785 : i32 to index
        %get3A_2952 = arith.constant 112 : index
        %get3A_2953 = tpu.vector_load %arg13[%get3A_2951, %get3A_2952] {strides = array<i32>} : memref<80x128xf32, #tpu.memory_space<vmem>>, vector<1x16xf32>,
        %get3A_2954 = vector.shape_cast %get3A_2953 : vector<1x16xf32> to vector<16xf32>
        %add3A_2955 = arith.addf %get3A_2950, %get3A_2954 : vector<16xf32>
        %mul3A_2956 = vector.broadcast %squeeze3A_2779 : f32 to vector<16xf32>
        %mul3A_2957 = arith.mulf %mul3A_2956, %get3A_28 : vector<16xf32>
        %add3A_2958 = arith.addf %add3A_2955, %mul3A_2957 : vector<16xf32>
        %mul3A_2959 = arith.constant 0.00999999977 : f32
        %mul3A_2960 = vector.broadcast %mul3A_2959 : f32 to vector<16xf32>
        %mul3A_2961 = arith.mulf %mul3A_2960, %add3A_2958 : vector<16xf32>
        %max3A_2962 = arith.maximumf %add3A_2958, %mul3A_2961 : vector<16xf32>
        %mul3A_2963 = vector.broadcast %squeeze3A_2781 : f32 to vector<16xf32>
        %mul3A_2964 = arith.mulf %max3A_2962, %mul3A_2963 : vector<16xf32>
        %swap3A_2965 = arith.index_cast %add3A_2785 : i32 to index
        %swap3A_2966 = arith.constant 112 : index
        %swap3A_2967 = tpu.vector_load %arg12[%swap3A_2965, %swap3A_2966] {strides = array<i32>} : memref<80x128xf32, #tpu.memory_space<vmem>>, vector<1x16xf32>,
        %swap3A_2968 = vector.shape_cast %swap3A_2967 : vector<1x16xf32> to vector<16xf32>
        %swap3A_2969 = vector.shape_cast %mul3A_2964 : vector<16xf32> to vector<1x16xf32>
        tpu.vector_store %arg12[%swap3A_2965, %swap3A_2966], %swap3A_2969 {strides = array<i32>} : memref<80x128xf32, #tpu.memory_space<vmem>>, vector<1x16xf32>,
        %slice3A_2970 = vector.extract_strided_slice %get3A_88 {offsets = [15], sizes = [1], strides = [1]} : vector<16xf32> to vector<1xf32>
        %squeeze3A_2971 = vector.extract %slice3A_2970[0] : f32 from vector<1xf32>
        %slice3A_2972 = vector.extract_strided_slice %select_n3A {offsets = [15], sizes = [1], strides = [1]} : vector<16xf32> to vector<1xf32>
        %squeeze3A_2973 = vector.extract %slice3A_2972[0] : f32 from vector<1xf32>
        %mul3A_2974 = arith.constant 16 : i32
        %mul3A_2975 = arith.muli %scan3A_83, %mul3A_2974 : i32
        %add3A_2976 = arith.constant 15 : i32
        %add3A_2977 = arith.addi %mul3A_2975, %add3A_2976 : i32
        %get3A_2978 = arith.index_cast %add3A_2977 : i32 to index
        %get3A_2979 = arith.constant 0 : index
        %get3A_2980 = tpu.vector_load %arg12[%get3A_2978, %get3A_2979] {strides = array<i32>} : memref<80x128xf32, #tpu.memory_space<vmem>>, vector<1x16xf32>,
        %get3A_2981 = vector.shape_cast %get3A_2980 : vector<1x16xf32> to vector<16xf32>
        %get3A_2982 = arith.index_cast %add3A_2977 : i32 to index
        %get3A_2983 = arith.constant 0 : index
        %get3A_2984 = tpu.vector_load %arg13[%get3A_2982, %get3A_2983] {strides = array<i32>} : memref<80x128xf32, #tpu.memory_space<vmem>>, vector<1x16xf32>,
        %get3A_2985 = vector.shape_cast %get3A_2984 : vector<1x16xf32> to vector<16xf32>
        %add3A_2986 = arith.addf %get3A_2981, %get3A_2985 : vector<16xf32>
        %mul3A_2987 = vector.broadcast %squeeze3A_2971 : f32 to vector<16xf32>
        %mul3A_2988 = arith.mulf %mul3A_2987, %get3A_7 : vector<16xf32>
        %add3A_2989 = arith.addf %add3A_2986, %mul3A_2988 : vector<16xf32>
        %mul3A_2990 = arith.constant 0.00999999977 : f32
        %mul3A_2991 = vector.broadcast %mul3A_2990 : f32 to vector<16xf32>
        %mul3A_2992 = arith.mulf %mul3A_2991, %add3A_2989 : vector<16xf32>
        %max3A_2993 = arith.maximumf %add3A_2989, %mul3A_2992 : vector<16xf32>
        %mul3A_2994 = vector.broadcast %squeeze3A_2973 : f32 to vector<16xf32>
        %mul3A_2995 = arith.mulf %max3A_2993, %mul3A_2994 : vector<16xf32>
        %swap3A_2996 = arith.index_cast %add3A_2977 : i32 to index
        %swap3A_2997 = arith.constant 0 : index
        %swap3A_2998 = tpu.vector_load %arg12[%swap3A_2996, %swap3A_2997] {strides = array<i32>} : memref<80x128xf32, #tpu.memory_space<vmem>>, vector<1x16xf32>,
        %swap3A_2999 = vector.shape_cast %swap3A_2998 : vector<1x16xf32> to vector<16xf32>
        %swap3A_3000 = vector.shape_cast %mul3A_2995 : vector<16xf32> to vector<1x16xf32>
        tpu.vector_store %arg12[%swap3A_2996, %swap3A_2997], %swap3A_3000 {strides = array<i32>} : memref<80x128xf32, #tpu.memory_space<vmem>>, vector<1x16xf32>,
        %get3A_3001 = arith.index_cast %add3A_2977 : i32 to index
        %get3A_3002 = arith.constant 16 : index
        %get3A_3003 = tpu.vector_load %arg12[%get3A_3001, %get3A_3002] {strides = array<i32>} : memref<80x128xf32, #tpu.memory_space<vmem>>, vector<1x16xf32>,
        %get3A_3004 = vector.shape_cast %get3A_3003 : vector<1x16xf32> to vector<16xf32>
        %get3A_3005 = arith.index_cast %add3A_2977 : i32 to index
        %get3A_3006 = arith.constant 16 : index
        %get3A_3007 = tpu.vector_load %arg13[%get3A_3005, %get3A_3006] {strides = array<i32>} : memref<80x128xf32, #tpu.memory_space<vmem>>, vector<1x16xf32>,
        %get3A_3008 = vector.shape_cast %get3A_3007 : vector<1x16xf32> to vector<16xf32>
        %add3A_3009 = arith.addf %get3A_3004, %get3A_3008 : vector<16xf32>
        %mul3A_3010 = vector.broadcast %squeeze3A_2971 : f32 to vector<16xf32>
        %mul3A_3011 = arith.mulf %mul3A_3010, %get3A_10 : vector<16xf32>
        %add3A_3012 = arith.addf %add3A_3009, %mul3A_3011 : vector<16xf32>
        %mul3A_3013 = arith.constant 0.00999999977 : f32
        %mul3A_3014 = vector.broadcast %mul3A_3013 : f32 to vector<16xf32>
        %mul3A_3015 = arith.mulf %mul3A_3014, %add3A_3012 : vector<16xf32>
        %max3A_3016 = arith.maximumf %add3A_3012, %mul3A_3015 : vector<16xf32>
        %mul3A_3017 = vector.broadcast %squeeze3A_2973 : f32 to vector<16xf32>
        %mul3A_3018 = arith.mulf %max3A_3016, %mul3A_3017 : vector<16xf32>
        %swap3A_3019 = arith.index_cast %add3A_2977 : i32 to index
        %swap3A_3020 = arith.constant 16 : index
        %swap3A_3021 = tpu.vector_load %arg12[%swap3A_3019, %swap3A_3020] {strides = array<i32>} : memref<80x128xf32, #tpu.memory_space<vmem>>, vector<1x16xf32>,
        %swap3A_3022 = vector.shape_cast %swap3A_3021 : vector<1x16xf32> to vector<16xf32>
        %swap3A_3023 = vector.shape_cast %mul3A_3018 : vector<16xf32> to vector<1x16xf32>
        tpu.vector_store %arg12[%swap3A_3019, %swap3A_3020], %swap3A_3023 {strides = array<i32>} : memref<80x128xf32, #tpu.memory_space<vmem>>, vector<1x16xf32>,
        %get3A_3024 = arith.index_cast %add3A_2977 : i32 to index
        %get3A_3025 = arith.constant 32 : index
        %get3A_3026 = tpu.vector_load %arg12[%get3A_3024, %get3A_3025] {strides = array<i32>} : memref<80x128xf32, #tpu.memory_space<vmem>>, vector<1x16xf32>,
        %get3A_3027 = vector.shape_cast %get3A_3026 : vector<1x16xf32> to vector<16xf32>
        %get3A_3028 = arith.index_cast %add3A_2977 : i32 to index
        %get3A_3029 = arith.constant 32 : index
        %get3A_3030 = tpu.vector_load %arg13[%get3A_3028, %get3A_3029] {strides = array<i32>} : memref<80x128xf32, #tpu.memory_space<vmem>>, vector<1x16xf32>,
        %get3A_3031 = vector.shape_cast %get3A_3030 : vector<1x16xf32> to vector<16xf32>
        %add3A_3032 = arith.addf %get3A_3027, %get3A_3031 : vector<16xf32>
        %mul3A_3033 = vector.broadcast %squeeze3A_2971 : f32 to vector<16xf32>
        %mul3A_3034 = arith.mulf %mul3A_3033, %get3A_13 : vector<16xf32>
        %add3A_3035 = arith.addf %add3A_3032, %mul3A_3034 : vector<16xf32>
        %mul3A_3036 = arith.constant 0.00999999977 : f32
        %mul3A_3037 = vector.broadcast %mul3A_3036 : f32 to vector<16xf32>
        %mul3A_3038 = arith.mulf %mul3A_3037, %add3A_3035 : vector<16xf32>
        %max3A_3039 = arith.maximumf %add3A_3035, %mul3A_3038 : vector<16xf32>
        %mul3A_3040 = vector.broadcast %squeeze3A_2973 : f32 to vector<16xf32>
        %mul3A_3041 = arith.mulf %max3A_3039, %mul3A_3040 : vector<16xf32>
        %swap3A_3042 = arith.index_cast %add3A_2977 : i32 to index
        %swap3A_3043 = arith.constant 32 : index
        %swap3A_3044 = tpu.vector_load %arg12[%swap3A_3042, %swap3A_3043] {strides = array<i32>} : memref<80x128xf32, #tpu.memory_space<vmem>>, vector<1x16xf32>,
        %swap3A_3045 = vector.shape_cast %swap3A_3044 : vector<1x16xf32> to vector<16xf32>
        %swap3A_3046 = vector.shape_cast %mul3A_3041 : vector<16xf32> to vector<1x16xf32>
        tpu.vector_store %arg12[%swap3A_3042, %swap3A_3043], %swap3A_3046 {strides = array<i32>} : memref<80x128xf32, #tpu.memory_space<vmem>>, vector<1x16xf32>,
        %get3A_3047 = arith.index_cast %add3A_2977 : i32 to index
        %get3A_3048 = arith.constant 48 : index
        %get3A_3049 = tpu.vector_load %arg12[%get3A_3047, %get3A_3048] {strides = array<i32>} : memref<80x128xf32, #tpu.memory_space<vmem>>, vector<1x16xf32>,
        %get3A_3050 = vector.shape_cast %get3A_3049 : vector<1x16xf32> to vector<16xf32>
        %get3A_3051 = arith.index_cast %add3A_2977 : i32 to index
        %get3A_3052 = arith.constant 48 : index
        %get3A_3053 = tpu.vector_load %arg13[%get3A_3051, %get3A_3052] {strides = array<i32>} : memref<80x128xf32, #tpu.memory_space<vmem>>, vector<1x16xf32>,
        %get3A_3054 = vector.shape_cast %get3A_3053 : vector<1x16xf32> to vector<16xf32>
        %add3A_3055 = arith.addf %get3A_3050, %get3A_3054 : vector<16xf32>
        %mul3A_3056 = vector.broadcast %squeeze3A_2971 : f32 to vector<16xf32>
        %mul3A_3057 = arith.mulf %mul3A_3056, %get3A_16 : vector<16xf32>
        %add3A_3058 = arith.addf %add3A_3055, %mul3A_3057 : vector<16xf32>
        %mul3A_3059 = arith.constant 0.00999999977 : f32
        %mul3A_3060 = vector.broadcast %mul3A_3059 : f32 to vector<16xf32>
        %mul3A_3061 = arith.mulf %mul3A_3060, %add3A_3058 : vector<16xf32>
        %max3A_3062 = arith.maximumf %add3A_3058, %mul3A_3061 : vector<16xf32>
        %mul3A_3063 = vector.broadcast %squeeze3A_2973 : f32 to vector<16xf32>
        %mul3A_3064 = arith.mulf %max3A_3062, %mul3A_3063 : vector<16xf32>
        %swap3A_3065 = arith.index_cast %add3A_2977 : i32 to index
        %swap3A_3066 = arith.constant 48 : index
        %swap3A_3067 = tpu.vector_load %arg12[%swap3A_3065, %swap3A_3066] {strides = array<i32>} : memref<80x128xf32, #tpu.memory_space<vmem>>, vector<1x16xf32>,
        %swap3A_3068 = vector.shape_cast %swap3A_3067 : vector<1x16xf32> to vector<16xf32>
        %swap3A_3069 = vector.shape_cast %mul3A_3064 : vector<16xf32> to vector<1x16xf32>
        tpu.vector_store %arg12[%swap3A_3065, %swap3A_3066], %swap3A_3069 {strides = array<i32>} : memref<80x128xf32, #tpu.memory_space<vmem>>, vector<1x16xf32>,
        %get3A_3070 = arith.index_cast %add3A_2977 : i32 to index
        %get3A_3071 = arith.constant 64 : index
        %get3A_3072 = tpu.vector_load %arg12[%get3A_3070, %get3A_3071] {strides = array<i32>} : memref<80x128xf32, #tpu.memory_space<vmem>>, vector<1x16xf32>,
        %get3A_3073 = vector.shape_cast %get3A_3072 : vector<1x16xf32> to vector<16xf32>
        %get3A_3074 = arith.index_cast %add3A_2977 : i32 to index
        %get3A_3075 = arith.constant 64 : index
        %get3A_3076 = tpu.vector_load %arg13[%get3A_3074, %get3A_3075] {strides = array<i32>} : memref<80x128xf32, #tpu.memory_space<vmem>>, vector<1x16xf32>,
        %get3A_3077 = vector.shape_cast %get3A_3076 : vector<1x16xf32> to vector<16xf32>
        %add3A_3078 = arith.addf %get3A_3073, %get3A_3077 : vector<16xf32>
        %mul3A_3079 = vector.broadcast %squeeze3A_2971 : f32 to vector<16xf32>
        %mul3A_3080 = arith.mulf %mul3A_3079, %get3A_19 : vector<16xf32>
        %add3A_3081 = arith.addf %add3A_3078, %mul3A_3080 : vector<16xf32>
        %mul3A_3082 = arith.constant 0.00999999977 : f32
        %mul3A_3083 = vector.broadcast %mul3A_3082 : f32 to vector<16xf32>
        %mul3A_3084 = arith.mulf %mul3A_3083, %add3A_3081 : vector<16xf32>
        %max3A_3085 = arith.maximumf %add3A_3081, %mul3A_3084 : vector<16xf32>
        %mul3A_3086 = vector.broadcast %squeeze3A_2973 : f32 to vector<16xf32>
        %mul3A_3087 = arith.mulf %max3A_3085, %mul3A_3086 : vector<16xf32>
        %swap3A_3088 = arith.index_cast %add3A_2977 : i32 to index
        %swap3A_3089 = arith.constant 64 : index
        %swap3A_3090 = tpu.vector_load %arg12[%swap3A_3088, %swap3A_3089] {strides = array<i32>} : memref<80x128xf32, #tpu.memory_space<vmem>>, vector<1x16xf32>,
        %swap3A_3091 = vector.shape_cast %swap3A_3090 : vector<1x16xf32> to vector<16xf32>
        %swap3A_3092 = vector.shape_cast %mul3A_3087 : vector<16xf32> to vector<1x16xf32>
        tpu.vector_store %arg12[%swap3A_3088, %swap3A_3089], %swap3A_3092 {strides = array<i32>} : memref<80x128xf32, #tpu.memory_space<vmem>>, vector<1x16xf32>,
        %get3A_3093 = arith.index_cast %add3A_2977 : i32 to index
        %get3A_3094 = arith.constant 80 : index
        %get3A_3095 = tpu.vector_load %arg12[%get3A_3093, %get3A_3094] {strides = array<i32>} : memref<80x128xf32, #tpu.memory_space<vmem>>, vector<1x16xf32>,
        %get3A_3096 = vector.shape_cast %get3A_3095 : vector<1x16xf32> to vector<16xf32>
        %get3A_3097 = arith.index_cast %add3A_2977 : i32 to index
        %get3A_3098 = arith.constant 80 : index
        %get3A_3099 = tpu.vector_load %arg13[%get3A_3097, %get3A_3098] {strides = array<i32>} : memref<80x128xf32, #tpu.memory_space<vmem>>, vector<1x16xf32>,
        %get3A_3100 = vector.shape_cast %get3A_3099 : vector<1x16xf32> to vector<16xf32>
        %add3A_3101 = arith.addf %get3A_3096, %get3A_3100 : vector<16xf32>
        %mul3A_3102 = vector.broadcast %squeeze3A_2971 : f32 to vector<16xf32>
        %mul3A_3103 = arith.mulf %mul3A_3102, %get3A_22 : vector<16xf32>
        %add3A_3104 = arith.addf %add3A_3101, %mul3A_3103 : vector<16xf32>
        %mul3A_3105 = arith.constant 0.00999999977 : f32
        %mul3A_3106 = vector.broadcast %mul3A_3105 : f32 to vector<16xf32>
        %mul3A_3107 = arith.mulf %mul3A_3106, %add3A_3104 : vector<16xf32>
        %max3A_3108 = arith.maximumf %add3A_3104, %mul3A_3107 : vector<16xf32>
        %mul3A_3109 = vector.broadcast %squeeze3A_2973 : f32 to vector<16xf32>
        %mul3A_3110 = arith.mulf %max3A_3108, %mul3A_3109 : vector<16xf32>
        %swap3A_3111 = arith.index_cast %add3A_2977 : i32 to index
        %swap3A_3112 = arith.constant 80 : index
        %swap3A_3113 = tpu.vector_load %arg12[%swap3A_3111, %swap3A_3112] {strides = array<i32>} : memref<80x128xf32, #tpu.memory_space<vmem>>, vector<1x16xf32>,
        %swap3A_3114 = vector.shape_cast %swap3A_3113 : vector<1x16xf32> to vector<16xf32>
        %swap3A_3115 = vector.shape_cast %mul3A_3110 : vector<16xf32> to vector<1x16xf32>
        tpu.vector_store %arg12[%swap3A_3111, %swap3A_3112], %swap3A_3115 {strides = array<i32>} : memref<80x128xf32, #tpu.memory_space<vmem>>, vector<1x16xf32>,
        %get3A_3116 = arith.index_cast %add3A_2977 : i32 to index
        %get3A_3117 = arith.constant 96 : index
        %get3A_3118 = tpu.vector_load %arg12[%get3A_3116, %get3A_3117] {strides = array<i32>} : memref<80x128xf32, #tpu.memory_space<vmem>>, vector<1x16xf32>,
        %get3A_3119 = vector.shape_cast %get3A_3118 : vector<1x16xf32> to vector<16xf32>
        %get3A_3120 = arith.index_cast %add3A_2977 : i32 to index
        %get3A_3121 = arith.constant 96 : index
        %get3A_3122 = tpu.vector_load %arg13[%get3A_3120, %get3A_3121] {strides = array<i32>} : memref<80x128xf32, #tpu.memory_space<vmem>>, vector<1x16xf32>,
        %get3A_3123 = vector.shape_cast %get3A_3122 : vector<1x16xf32> to vector<16xf32>
        %add3A_3124 = arith.addf %get3A_3119, %get3A_3123 : vector<16xf32>
        %mul3A_3125 = vector.broadcast %squeeze3A_2971 : f32 to vector<16xf32>
        %mul3A_3126 = arith.mulf %mul3A_3125, %get3A_25 : vector<16xf32>
        %add3A_3127 = arith.addf %add3A_3124, %mul3A_3126 : vector<16xf32>
        %mul3A_3128 = arith.constant 0.00999999977 : f32
        %mul3A_3129 = vector.broadcast %mul3A_3128 : f32 to vector<16xf32>
        %mul3A_3130 = arith.mulf %mul3A_3129, %add3A_3127 : vector<16xf32>
        %max3A_3131 = arith.maximumf %add3A_3127, %mul3A_3130 : vector<16xf32>
        %mul3A_3132 = vector.broadcast %squeeze3A_2973 : f32 to vector<16xf32>
        %mul3A_3133 = arith.mulf %max3A_3131, %mul3A_3132 : vector<16xf32>
        %swap3A_3134 = arith.index_cast %add3A_2977 : i32 to index
        %swap3A_3135 = arith.constant 96 : index
        %swap3A_3136 = tpu.vector_load %arg12[%swap3A_3134, %swap3A_3135] {strides = array<i32>} : memref<80x128xf32, #tpu.memory_space<vmem>>, vector<1x16xf32>,
        %swap3A_3137 = vector.shape_cast %swap3A_3136 : vector<1x16xf32> to vector<16xf32>
        %swap3A_3138 = vector.shape_cast %mul3A_3133 : vector<16xf32> to vector<1x16xf32>
        tpu.vector_store %arg12[%swap3A_3134, %swap3A_3135], %swap3A_3138 {strides = array<i32>} : memref<80x128xf32, #tpu.memory_space<vmem>>, vector<1x16xf32>,
        %get3A_3139 = arith.index_cast %add3A_2977 : i32 to index
        %get3A_3140 = arith.constant 112 : index
        %get3A_3141 = tpu.vector_load %arg12[%get3A_3139, %get3A_3140] {strides = array<i32>} : memref<80x128xf32, #tpu.memory_space<vmem>>, vector<1x16xf32>,
        %get3A_3142 = vector.shape_cast %get3A_3141 : vector<1x16xf32> to vector<16xf32>
        %get3A_3143 = arith.index_cast %add3A_2977 : i32 to index
        %get3A_3144 = arith.constant 112 : index
        %get3A_3145 = tpu.vector_load %arg13[%get3A_3143, %get3A_3144] {strides = array<i32>} : memref<80x128xf32, #tpu.memory_space<vmem>>, vector<1x16xf32>,
        %get3A_3146 = vector.shape_cast %get3A_3145 : vector<1x16xf32> to vector<16xf32>
        %add3A_3147 = arith.addf %get3A_3142, %get3A_3146 : vector<16xf32>
        %mul3A_3148 = vector.broadcast %squeeze3A_2971 : f32 to vector<16xf32>
        %mul3A_3149 = arith.mulf %mul3A_3148, %get3A_28 : vector<16xf32>
        %add3A_3150 = arith.addf %add3A_3147, %mul3A_3149 : vector<16xf32>
        %mul3A_3151 = arith.constant 0.00999999977 : f32
        %mul3A_3152 = vector.broadcast %mul3A_3151 : f32 to vector<16xf32>
        %mul3A_3153 = arith.mulf %mul3A_3152, %add3A_3150 : vector<16xf32>
        %max3A_3154 = arith.maximumf %add3A_3150, %mul3A_3153 : vector<16xf32>
        %mul3A_3155 = vector.broadcast %squeeze3A_2973 : f32 to vector<16xf32>
        %mul3A_3156 = arith.mulf %max3A_3154, %mul3A_3155 : vector<16xf32>
        %swap3A_3157 = arith.index_cast %add3A_2977 : i32 to index
        %swap3A_3158 = arith.constant 112 : index
        %swap3A_3159 = tpu.vector_load %arg12[%swap3A_3157, %swap3A_3158] {strides = array<i32>} : memref<80x128xf32, #tpu.memory_space<vmem>>, vector<1x16xf32>,
        %swap3A_3160 = vector.shape_cast %swap3A_3159 : vector<1x16xf32> to vector<16xf32>
        %swap3A_3161 = vector.shape_cast %mul3A_3156 : vector<16xf32> to vector<1x16xf32>
        tpu.vector_store %arg12[%swap3A_3157, %swap3A_3158], %swap3A_3161 {strides = array<i32>} : memref<80x128xf32, #tpu.memory_space<vmem>>, vector<1x16xf32>,
      }
      %scan3A_82 = arith.constant 5 : i32
      "tpu.region"() ({
        %run_scoped3A = tpu.sem_alloc : memref<!tpu.dma_semaphore, #tpu.memory_space<semaphore_mem>>
        %dma_start3A_83 = arith.constant 0 : i32
        %dma_start3A_84 = arith.constant 0 : i32
        %dma_start3A_85 = tpu.memref_slice %arg15[%dma_start3A_83, %dma_start3A_84] : memref<10000x128xf32, #tpu.memory_space<vmem_shared>> -> memref<10000x128xf32, #tpu.memory_space<vmem_shared>>
        tpu.enqueue_indirect_dma source(%arg12 : memref<80x128xf32, #tpu.memory_space<vmem>>) target(%dma_start3A_85 : memref<10000x128xf32, #tpu.memory_space<vmem_shared>>) offsets(%arg10 : memref<80xi32, #tpu.memory_space<vmem>>) semaphore(%run_scoped3A : memref<!tpu.dma_semaphore, #tpu.memory_space<semaphore_mem>>) {add = true}
        %dma_wait3A_86 = arith.constant 0 : i32
        %dma_wait3A_87 = arith.constant 0 : i32
        %dma_wait3A_88 = tpu.memref_slice %arg15[%dma_wait3A_86, %dma_wait3A_87] : memref<10000x128xf32, #tpu.memory_space<vmem_shared>> -> memref<10000x128xf32, #tpu.memory_space<vmem_shared>>
        tpu.wait_indirect_dma semaphore(%run_scoped3A : memref<!tpu.dma_semaphore, #tpu.memory_space<semaphore_mem>>) src(%arg12 : memref<80x128xf32, #tpu.memory_space<vmem>>) dst(%dma_wait3A_88 : memref<10000x128xf32, #tpu.memory_space<vmem_shared>>)
        tpu.yield
      }) : () -> ()
    }
    %scan3A_33 = arith.constant 125 : i32
    %barrier3A_34 = arith.constant 0 : index
    tpu.barrier barrier_id(%barrier3A_34)
    %lt3A_35 = arith.constant 15 : i32
    %lt3A_36 = arith.cmpi slt, %arg1, %lt3A_35 : i32
    %convert_element_type3A_37 = arith.extui %lt3A_36 : i1 to i32
    %cond3A_38 = arith.constant 0 : i32
    %cond3A_39 = arith.cmpi ne, %convert_element_type3A_37, %cond3A_38 : i32
    scf.if %cond3A_39 {
      %mul3A = arith.constant 624 : i32
      %mul3A_45 = arith.muli %arg1, %mul3A : i32
      %mul3A_46 = arith.constant 624 : i32
      %mul3A_47 = arith.muli %arg1, %mul3A_46 : i32
      "tpu.region"() ({
        %run_scoped3A = tpu.sem_alloc : memref<!tpu.dma_semaphore, #tpu.memory_space<semaphore_mem>>
        %dma_start3A = arith.constant 0 : i32
        %dma_start3A_48 = tpu.memref_slice %arg8[%arg0, %mul3A_47, %dma_start3A] : memref<2x10000x128xf32, #tpu.memory_space<hbm>> -> memref<1x624x128xf32, #tpu.memory_space<hbm>>
        %dma_start3A_49 = tpu.memref_squeeze %dma_start3A_48 : memref<1x624x128xf32, #tpu.memory_space<hbm>> -> memref<624x128xf32, #tpu.memory_space<hbm>>
        %dma_start3A_50 = arith.constant 0 : i32
        %dma_start3A_51 = tpu.memref_slice %arg15[%mul3A_45, %dma_start3A_50] : memref<10000x128xf32, #tpu.memory_space<vmem_shared>> -> memref<624x128xf32, #tpu.memory_space<vmem_shared>>
        tpu.enqueue_dma source(%dma_start3A_51 : memref<624x128xf32, #tpu.memory_space<vmem_shared>>) target(%dma_start3A_49 : memref<624x128xf32, #tpu.memory_space<hbm>>) target_semaphore(%run_scoped3A : memref<!tpu.dma_semaphore, #tpu.memory_space<semaphore_mem>>)
        %dma_wait3A = arith.constant 0 : i32
        %dma_wait3A_52 = tpu.memref_slice %arg8[%arg0, %mul3A_47, %dma_wait3A] : memref<2x10000x128xf32, #tpu.memory_space<hbm>> -> memref<1x624x128xf32, #tpu.memory_space<hbm>>
        %dma_wait3A_53 = tpu.memref_squeeze %dma_wait3A_52 : memref<1x624x128xf32, #tpu.memory_space<hbm>> -> memref<624x128xf32, #tpu.memory_space<hbm>>
        %dma_wait3A_54 = arith.constant 0 : i32
        %dma_wait3A_55 = tpu.memref_slice %arg15[%mul3A_45, %dma_wait3A_54] : memref<10000x128xf32, #tpu.memory_space<vmem_shared>> -> memref<624x128xf32, #tpu.memory_space<vmem_shared>>
        tpu.wait_dma2 semaphore(%run_scoped3A : memref<!tpu.dma_semaphore, #tpu.memory_space<semaphore_mem>>) src(%dma_wait3A_55 : memref<624x128xf32, #tpu.memory_space<vmem_shared>>) dst(%dma_wait3A_53 : memref<624x128xf32, #tpu.memory_space<hbm>>)
        tpu.yield
      }) : () -> ()
    } else {
    }
    %eq3A_40 = arith.constant 15 : i32
    %eq3A_41 = arith.cmpi eq, %arg1, %eq3A_40 : i32
    %convert_element_type3A_42 = arith.extui %eq3A_41 : i1 to i32
    %cond3A_43 = arith.constant 0 : i32
    %cond3A_44 = arith.cmpi ne, %convert_element_type3A_42, %cond3A_43 : i32
    scf.if %cond3A_44 {
      "tpu.region"() ({
        %run_scoped3A = tpu.sem_alloc : memref<!tpu.dma_semaphore, #tpu.memory_space<semaphore_mem>>
        %dma_start3A = arith.constant 9360 : i32
        %dma_start3A_45 = arith.constant 0 : i32
        %dma_start3A_46 = tpu.memref_slice %arg8[%arg0, %dma_start3A, %dma_start3A_45] : memref<2x10000x128xf32, #tpu.memory_space<hbm>> -> memref<1x640x128xf32, #tpu.memory_space<hbm>>
        %dma_start3A_47 = tpu.memref_squeeze %dma_start3A_46 : memref<1x640x128xf32, #tpu.memory_space<hbm>> -> memref<640x128xf32, #tpu.memory_space<hbm>>
        %dma_start3A_48 = arith.constant 9360 : i32
        %dma_start3A_49 = arith.constant 0 : i32
        %dma_start3A_50 = tpu.memref_slice %arg15[%dma_start3A_48, %dma_start3A_49] : memref<10000x128xf32, #tpu.memory_space<vmem_shared>> -> memref<640x128xf32, #tpu.memory_space<vmem_shared>>
        tpu.enqueue_dma source(%dma_start3A_50 : memref<640x128xf32, #tpu.memory_space<vmem_shared>>) target(%dma_start3A_47 : memref<640x128xf32, #tpu.memory_space<hbm>>) target_semaphore(%run_scoped3A : memref<!tpu.dma_semaphore, #tpu.memory_space<semaphore_mem>>)
        %dma_wait3A = arith.constant 9360 : i32
        %dma_wait3A_51 = arith.constant 0 : i32
        %dma_wait3A_52 = tpu.memref_slice %arg8[%arg0, %dma_wait3A, %dma_wait3A_51] : memref<2x10000x128xf32, #tpu.memory_space<hbm>> -> memref<1x640x128xf32, #tpu.memory_space<hbm>>
        %dma_wait3A_53 = tpu.memref_squeeze %dma_wait3A_52 : memref<1x640x128xf32, #tpu.memory_space<hbm>> -> memref<640x128xf32, #tpu.memory_space<hbm>>
        %dma_wait3A_54 = arith.constant 9360 : i32
        %dma_wait3A_55 = arith.constant 0 : i32
        %dma_wait3A_56 = tpu.memref_slice %arg15[%dma_wait3A_54, %dma_wait3A_55] : memref<10000x128xf32, #tpu.memory_space<vmem_shared>> -> memref<640x128xf32, #tpu.memory_space<vmem_shared>>
        tpu.wait_dma2 semaphore(%run_scoped3A : memref<!tpu.dma_semaphore, #tpu.memory_space<semaphore_mem>>) src(%dma_wait3A_56 : memref<640x128xf32, #tpu.memory_space<vmem_shared>>) dst(%dma_wait3A_53 : memref<640x128xf32, #tpu.memory_space<hbm>>)
        tpu.yield
      }) : () -> ()
    } else {
    }
    return
  }
}

module attributes {stable_mosaic.version = 14 : i64} {
  func.func @_mm_body(%arg0: i32, %arg1: i32, %arg2: memref<2000x256xf32, #tpu.memory_space<vmem>>, %arg3: memref<1x256x128xf32, #tpu.memory_space<vmem>>, %arg4: memref<1x2000x128xf32, #tpu.memory_space<vmem>>) attributes {dimension_semantics = [#tpu.dimension_semantics<arbitrary>, #tpu.dimension_semantics<arbitrary>], iteration_bounds = array<i64: 4, 5>, scalar_prefetch = 0 : i64, scratch_operands = 0 : i64, tpu.core_type = #tpu.core_type<tc>, window_params = [{transform_indices = @transform_0, window_bounds = array<i64: 2000, 256>}, {transform_indices = @transform_1, window_bounds = array<i64: 1, 256, 128>}, {transform_indices = @transform_2, window_bounds = array<i64: 1, 2000, 128>}]} {
    %get3A = arith.constant 0 : index
    %get3A_0 = arith.constant 0 : index
    %get3A_1 = vector.load %arg2[%get3A, %get3A_0] : memref<2000x256xf32, #tpu.memory_space<vmem>>, vector<2000x256xf32>
    %get3A_2 = arith.constant 0 : index
    %get3A_3 = arith.constant 0 : index
    %get3A_4 = arith.constant 0 : index
    %get3A_5 = vector.load %arg3[%get3A_2, %get3A_3, %get3A_4] : memref<1x256x128xf32, #tpu.memory_space<vmem>>, vector<1x256x128xf32>
    %get3A_6 = vector.shape_cast %get3A_5 : vector<1x256x128xf32> to vector<256x128xf32>
    %dot_general3A = arith.constant dense<0.000000e+00> : vector<2000x128xf32>
    %dot_general3A_7 = tpu.matmul %get3A_1, %get3A_6, %dot_general3A {dimension_numbers = #tpu.dot_dimension_numbers<[1], [0], [0], [1], [0, 0, 1, 1], [], []>, transpose_lhs_hint = false} : vector<2000x256xf32>, vector<256x128xf32>, vector<2000x128xf32> -> vector<2000x128xf32>
    %swap3A = arith.constant 0 : index
    %swap3A_8 = arith.constant 0 : index
    %swap3A_9 = arith.constant 0 : index
    %swap3A_10 = vector.load %arg4[%swap3A, %swap3A_8, %swap3A_9] : memref<1x2000x128xf32, #tpu.memory_space<vmem>>, vector<1x2000x128xf32>
    %swap3A_11 = vector.shape_cast %swap3A_10 : vector<1x2000x128xf32> to vector<2000x128xf32>
    %swap3A_12 = vector.shape_cast %dot_general3A_7 : vector<2000x128xf32> to vector<1x2000x128xf32>
    tpu.vector_store %arg4[%swap3A, %swap3A_8, %swap3A_9], %swap3A_12 {strides = array<i32>} : memref<1x2000x128xf32, #tpu.memory_space<vmem>>, vector<1x2000x128xf32>,
    return
  }
  func.func @transform_0(%arg0: i32, %arg1: i32) -> (i32, i32) {
    %c0_i32 = arith.constant 0 : i32
    %c0_i32_0 = arith.constant 0 : i32
    return %arg1, %c0_i32 : i32, i32
  }
  func.func @transform_1(%arg0: i32, %arg1: i32) -> (i32, i32, i32) {
    %c0_i32 = arith.constant 0 : i32
    %c0_i32_0 = arith.constant 0 : i32
    %c0_i32_1 = arith.constant 0 : i32
    return %arg0, %c0_i32, %c0_i32_0 : i32, i32, i32
  }
  func.func @transform_2(%arg0: i32, %arg1: i32) -> (i32, i32, i32) {
    %c0_i32 = arith.constant 0 : i32
    %c0_i32_0 = arith.constant 0 : i32
    return %arg0, %arg1, %c0_i32 : i32, i32, i32
  }
}

module attributes {stable_mosaic.version = 14 : i64} {
  func.func @_out_body(%arg0: i32, %arg1: memref<2000x256xf32, #tpu.memory_space<vmem>>, %arg2: memref<2x2000x128xf32, #tpu.memory_space<vmem>>, %arg3: memref<256x256xf32, #tpu.memory_space<vmem>>, %arg4: memref<2x128x256xf32, #tpu.memory_space<vmem>>, %arg5: memref<2000x256xf32, #tpu.memory_space<vmem>>) attributes {dimension_semantics = [#tpu.dimension_semantics<arbitrary>], iteration_bounds = array<i64: 5>, scalar_prefetch = 0 : i64, scratch_operands = 0 : i64, tpu.core_type = #tpu.core_type<tc>, window_params = [{transform_indices = @transform_0, window_bounds = array<i64: 2000, 256>}, {transform_indices = @transform_1, window_bounds = array<i64: 2, 2000, 128>}, {pipeline_mode = #tpu.pipeline_mode<synchronous>, transform_indices = @transform_2, window_bounds = array<i64: 256, 256>}, {pipeline_mode = #tpu.pipeline_mode<synchronous>, transform_indices = @transform_3, window_bounds = array<i64: 2, 128, 256>}, {transform_indices = @transform_4, window_bounds = array<i64: 2000, 256>}]} {
    %get3A = arith.constant 0 : index
    %get3A_0 = arith.constant 0 : index
    %get3A_1 = vector.load %arg1[%get3A, %get3A_0] : memref<2000x256xf32, #tpu.memory_space<vmem>>, vector<2000x256xf32>
    %get3A_2 = arith.constant 0 : index
    %get3A_3 = arith.constant 0 : index
    %get3A_4 = vector.load %arg3[%get3A_2, %get3A_3] : memref<256x256xf32, #tpu.memory_space<vmem>>, vector<256x256xf32>
    %dot_general3A = arith.constant dense<0.000000e+00> : vector<2000x256xf32>
    %dot_general3A_5 = tpu.matmul %get3A_1, %get3A_4, %dot_general3A {dimension_numbers = #tpu.dot_dimension_numbers<[1], [0], [0], [1], [0, 0, 1, 1], [], []>, transpose_lhs_hint = false} : vector<2000x256xf32>, vector<256x256xf32>, vector<2000x256xf32> -> vector<2000x256xf32>
    %get3A_6 = arith.constant 0 : index
    %get3A_7 = arith.constant 0 : index
    %get3A_8 = arith.constant 0 : index
    %get3A_9 = vector.load %arg2[%get3A_6, %get3A_7, %get3A_8] : memref<2x2000x128xf32, #tpu.memory_space<vmem>>, vector<1x2000x128xf32>
    %get3A_10 = vector.shape_cast %get3A_9 : vector<1x2000x128xf32> to vector<2000x128xf32>
    %get3A_11 = arith.constant 0 : index
    %get3A_12 = arith.constant 0 : index
    %get3A_13 = arith.constant 0 : index
    %get3A_14 = vector.load %arg4[%get3A_11, %get3A_12, %get3A_13] : memref<2x128x256xf32, #tpu.memory_space<vmem>>, vector<1x128x256xf32>
    %get3A_15 = vector.shape_cast %get3A_14 : vector<1x128x256xf32> to vector<128x256xf32>
    %dot_general3A_16 = arith.constant dense<0.000000e+00> : vector<2000x256xf32>
    %dot_general3A_17 = tpu.matmul %get3A_10, %get3A_15, %dot_general3A_16 {dimension_numbers = #tpu.dot_dimension_numbers<[1], [0], [0], [1], [0, 0, 1, 1], [], []>, transpose_lhs_hint = false} : vector<2000x128xf32>, vector<128x256xf32>, vector<2000x256xf32> -> vector<2000x256xf32>
    %add3A = arith.addf %dot_general3A_5, %dot_general3A_17 : vector<2000x256xf32>
    %get3A_18 = arith.constant 1 : index
    %get3A_19 = arith.constant 0 : index
    %get3A_20 = arith.constant 0 : index
    %get3A_21 = vector.load %arg2[%get3A_18, %get3A_19, %get3A_20] : memref<2x2000x128xf32, #tpu.memory_space<vmem>>, vector<1x2000x128xf32>
    %get3A_22 = vector.shape_cast %get3A_21 : vector<1x2000x128xf32> to vector<2000x128xf32>
    %get3A_23 = arith.constant 1 : index
    %get3A_24 = arith.constant 0 : index
    %get3A_25 = arith.constant 0 : index
    %get3A_26 = vector.load %arg4[%get3A_23, %get3A_24, %get3A_25] : memref<2x128x256xf32, #tpu.memory_space<vmem>>, vector<1x128x256xf32>
    %get3A_27 = vector.shape_cast %get3A_26 : vector<1x128x256xf32> to vector<128x256xf32>
    %dot_general3A_28 = arith.constant dense<0.000000e+00> : vector<2000x256xf32>
    %dot_general3A_29 = tpu.matmul %get3A_22, %get3A_27, %dot_general3A_28 {dimension_numbers = #tpu.dot_dimension_numbers<[1], [0], [0], [1], [0, 0, 1, 1], [], []>, transpose_lhs_hint = false} : vector<2000x128xf32>, vector<128x256xf32>, vector<2000x256xf32> -> vector<2000x256xf32>
    %add3A_30 = arith.addf %add3A, %dot_general3A_29 : vector<2000x256xf32>
    %mul3A = arith.constant 0.00999999977 : f32
    %mul3A_31 = vector.broadcast %mul3A : f32 to vector<2000x256xf32>
    %mul3A_32 = arith.mulf %mul3A_31, %add3A_30 : vector<2000x256xf32>
    %max3A = arith.maximumf %add3A_30, %mul3A_32 : vector<2000x256xf32>
    %swap3A = arith.constant 0 : index
    %swap3A_33 = arith.constant 0 : index
    %swap3A_34 = vector.load %arg5[%swap3A, %swap3A_33] : memref<2000x256xf32, #tpu.memory_space<vmem>>, vector<2000x256xf32>
    tpu.vector_store %arg5[%swap3A, %swap3A_33], %max3A {strides = array<i32>} : memref<2000x256xf32, #tpu.memory_space<vmem>>, vector<2000x256xf32>,
    return
  }
  func.func @transform_0(%arg0: i32) -> (i32, i32) {
    %c0_i32 = arith.constant 0 : i32
    %c0_i32_0 = arith.constant 0 : i32
    return %arg0, %c0_i32 : i32, i32
  }
  func.func @transform_1(%arg0: i32) -> (i32, i32, i32) {
    %c0_i32 = arith.constant 0 : i32
    %c0_i32_0 = arith.constant 0 : i32
    %c0_i32_1 = arith.constant 0 : i32
    return %c0_i32, %arg0, %c0_i32_0 : i32, i32, i32
  }
  func.func @transform_2(%arg0: i32) -> (i32, i32) {
    %c0_i32 = arith.constant 0 : i32
    %c0_i32_0 = arith.constant 0 : i32
    %c0_i32_1 = arith.constant 0 : i32
    return %c0_i32, %c0_i32_0 : i32, i32
  }
  func.func @transform_3(%arg0: i32) -> (i32, i32, i32) {
    %c0_i32 = arith.constant 0 : i32
    %c0_i32_0 = arith.constant 0 : i32
    %c0_i32_1 = arith.constant 0 : i32
    %c0_i32_2 = arith.constant 0 : i32
    return %c0_i32, %c0_i32_0, %c0_i32_1 : i32, i32, i32
  }
  func.func @transform_4(%arg0: i32) -> (i32, i32) {
    %c0_i32 = arith.constant 0 : i32
    %c0_i32_0 = arith.constant 0 : i32
    return %arg0, %c0_i32 : i32, i32
  }
}

</mosaic_0001>

<sc_bundles>
// kernel: kernel.5.cloned.1.call-start
scs
__scs_entry_jumppad:
0x0: {  	(pc) =	sbr.rel $0x88, $3  }
0x1: {  	(tag) =	ssettag $0x0;
	lr =	simm.s32 $0x1  }
0x2: {  	[smem:$0x3F9C] =	sst lr;
	_ =	strace $0xD0000000  }
0x3: {  	_ = 	snop  }
0x4: {  	_ = 	snop  }
0x5: {  	_ = 	snop  }
0x6: {  	_ = 	snop  }
0x7: {  	_ = 	snop  }
__scs_overlays_trampoline_lowered:
0x8: {  	[smem:$0x3FAB] =	sst s0  }
0x9: {  	[smem:$0x3FAC] =	sst s1  }
0xa: {  	[smem:$0x3FAD] =	sst s2  }
0xb: {  	[smem:$0x3FAE] =	sst s3  }
0xc: {  	[smem:$0x3FAF] =	sst s4  }
0xd: {  	[smem:$0x3FB0] =	sst s5  }
0xe: {  	[smem:$0x3FB1] =	sst s6  }
0xf: {  	[smem:$0x3FB2] =	sst s7  }
0x10: {  	[smem:$0x3FB3] =	sst s8  }
0x11: {  	[smem:$0x3FB4] =	sst s9;
	s0 =	simm.s32 @!p0 $0x0  }
0x12: {  	s1 =	sld [smem:$0x3F9A];
	s0 =	simm.s32 @p0 $0x1  }
0x13: {  	[smem:$0x3FB5] =	sst s0;
	s0 =	simm.s32 @!p1 $0x0  }
0x14: {  	s2 =	sld [smem:$0x3F99];
	s0 =	simm.s32 @p1 $0x1  }
0x15: {  	[smem:$0x3FB6] =	sst s0;
	s0 =	simm.s32 @!p2 $0x0  }
0x16: {  	s3 =	sld [smem:$0x3FDB];
	s0 =	simm.s32 @p2 $0x1  }
0x17: {  	s4 =	simm.s32 $0x1BF5;
	[smem:$0x3FB8] =	sst s0  }
0x18: {  	s0 =	sld [smem:$0x3F9B];
	_ =	swait.ge [sflag:s4], $0x0  }
0x19: {  	s7 =	sld [smem:$0x3F9C]  }
0x1a: {  	s8 =	sadd.s32 $0xFFFFE003, lr  }
0x1b: {  	s9 =	sadd.s32 $0xFFFFFEF7, lr;
	s5 =	simm.s32 $0xFFFFFFFF;
	p2 =	slt.u32 s8, $0xFFFFF086  }
0x1c: {  	p1 =	slt.u32 s9, $0xF7A;
	s5 =	simm.s32 @!p2 $0x0  }
0x1d: {  	s5 =	simm.s32 @p1 $0x1;
	p0 =	seq.s32 s7, s2  }
0x1e: {  	s7 =	smul.u32 @!p0 $0xF7A, s2;
	p2 =	seq.s32 @!p0 s5, $0x0  }
0x1f: {  	s9 =	smul.u32 $0xF7A, s1;
	s8 =	simm.s32 @!p0 $0x1BF5;
	p2 =	por !p2, p0  }
0x20: {  	[sflag:s8] =	ssyncset.s32 @!p0 $0xFFFFF086;
	s6 =	sadd.s32 @!p0 s3, s7;
	s7 =	simm.s32 @!p0 $0x108  }
0x21: {  	s3 =	sadd.s32 s3, s9;
	s6 =	sadd.s32 @!p0 $0x88, s6;
	s7 =	simm.s32 @p2 $0x1082  }
0x22: {  	[simem:s7], [sflag:s8] =	dma.local @!p0 [hbm:s6], $0xF7A  }
0x23: {  	s9 =	sor.u32 $0xD0000000, s2;
	s6 =	simm.s32 $0x108;
	_ =	swait.ge @!p0 [sflag:s8], $0x0  }
0x24: {  	s3 =	sadd.s32 $0x88, s3;
	s6 =	simm.s32 @!p1 $0x1082;
	[sflag:s4] =	ssyncset.s32 $0xFFFFF086  }
0x25: {  	[simem:s6], [sflag:s4] =	dma.local [hbm:s3], $0xF7A  }
0x26: {  	[smem:$0x3F9C] =	sst s1;
	(tag) =	ssettag s2;
	_ =	strace s9  }
0x27: {  	s1 =	sld [smem:$0x3FAC]  }
0x28: {  	s2 =	sld [smem:$0x3FAD]  }
0x29: {  	s4 =	sld [smem:$0x3FAF]  }
0x2a: {  	p0 =	seq.s32 s5, $0x0;
	s5 =	sld [smem:$0x3FB0]  }
0x2b: {  	s6 =	sld [smem:$0x3FB1]  }
0x2c: {  	s7 =	sld [smem:$0x3FB2]  }
0x2d: {  	s3 =	simm.s32 $0x108;
	s8 =	sld [smem:$0x3FB3]  }
0x2e: {  	s3 =	simm.s32 @!p0 $0x1082;
	s9 =	sld [smem:$0x3FB4]  }
0x2f: {  	lr =	sadd.s32 s0, s3;
	s0 =	sld [smem:$0x3FAB]  }
0x30: {  	s3 =	sld [smem:$0x3FAE]  }
0x31: {  	[smem:$0x3FB7] =	sst s10  }
0x32: {  	s10 =	sld [smem:$0x3FB5];
	_ =	sdelay $0x3  }
0x33: {  	p0 =	seq.s32 s10, $0x1;
	s10 =	sld [smem:$0x3FB7];
	_ =	sdelay $0x3  }
0x34: {  	[smem:$0x3FB7] =	sst s10  }
0x35: {  	s10 =	sld [smem:$0x3FB6];
	_ =	sdelay $0x3  }
0x36: {  	p1 =	seq.s32 s10, $0x1;
	s10 =	sld [smem:$0x3FB7];
	_ =	sdelay $0x3  }
0x37: {  	[smem:$0x3FB7] =	sst s10  }
0x38: {  	s10 =	sld [smem:$0x3FB8]  }
0x39: {  	_ = 	snop;
	(pc) =	sbr.ind lr, $3  }
0x3a: {  	_ = 	snop  }
0x3b: {  	_ = 	snop  }
0x3c: {  	p2 =	seq.s32 s10, $0x1;
	s10 =	sld [smem:$0x3FB7]  }
0x3d: {  	_ =	shalt  }
0x3e: {  	_ =	shalt  }
0x3f: {  	_ =	shalt  }
0x40: {  	_ =	shalt  }
0x41: {  	_ =	shalt  }
0x42: {  	_ =	shalt  }
0x43: {  	_ =	shalt  }
0x44: {  	_ =	shalt  }
0x45: {  	_ =	shalt  }
0x46: {  	_ =	shalt  }
0x47: {  	_ =	shalt  }
0x48: {  	_ =	shalt  }
0x49: {  	_ =	shalt  }
0x4a: {  	_ =	shalt  }
0x4b: {  	_ =	shalt  }
0x4c: {  	_ =	shalt  }
0x4d: {  	_ =	shalt  }
0x4e: {  	_ =	shalt  }
0x4f: {  	_ =	shalt  }
0x50: {  	_ =	shalt  }
0x51: {  	_ =	shalt  }
0x52: {  	_ =	shalt  }
0x53: {  	_ =	shalt  }
0x54: {  	_ =	shalt  }
0x55: {  	_ =	shalt  }
0x56: {  	_ =	shalt  }
0x57: {  	_ =	shalt  }
0x58: {  	_ =	shalt  }
0x59: {  	_ =	shalt  }
0x5a: {  	_ =	shalt  }
0x5b: {  	_ =	shalt  }
0x5c: {  	_ =	shalt  }
0x5d: {  	_ =	shalt  }
0x5e: {  	_ =	shalt  }
0x5f: {  	_ =	shalt  }
0x60: {  	_ =	shalt  }
0x61: {  	_ =	shalt  }
0x62: {  	_ =	shalt  }
0x63: {  	_ =	shalt  }
0x64: {  	_ =	shalt  }
0x65: {  	_ =	shalt  }
0x66: {  	_ =	shalt  }
0x67: {  	_ =	shalt  }
0x68: {  	_ =	shalt  }
0x69: {  	_ =	shalt  }
0x6a: {  	_ =	shalt  }
0x6b: {  	_ =	shalt  }
0x6c: {  	_ =	shalt  }
0x6d: {  	_ =	shalt  }
0x6e: {  	_ =	shalt  }
0x6f: {  	_ =	shalt  }
0x70: {  	_ =	shalt  }
0x71: {  	_ =	shalt  }
0x72: {  	_ =	shalt  }
0x73: {  	_ =	shalt  }
0x74: {  	_ =	shalt  }
0x75: {  	_ =	shalt  }
0x76: {  	_ =	shalt  }
0x77: {  	_ =	shalt  }
0x78: {  	_ =	shalt  }
0x79: {  	_ =	shalt  }
0x7a: {  	_ =	shalt  }
0x7b: {  	_ =	shalt  }
0x7c: {  	_ =	shalt  }
0x7d: {  	_ =	shalt  }
0x7e: {  	_ =	shalt  }
0x7f: {  	_ =	shalt  }
0x80: {  	_ =	shalt  }
0x81: {  	_ =	shalt  }
0x82: {  	_ =	shalt  }
0x83: {  	_ =	shalt  }
0x84: {  	_ =	shalt  }
0x85: {  	_ =	shalt  }
0x86: {  	_ =	shalt  }
0x87: {  	_ =	shalt  }
.Lfunc_end0:
.L_simem_size_0:
called_computation_lowered:
.L_overlay_start_0:
0x88: {  	s2 =	sld [smem:$0x3FD9]  }
0x89: {  	s3 =	sld [smem:$0x3FFE];
	_ =	sdelay $0x1  }
0x8a: {  	s1 =	srdreg.scid  }
0x8b: {  	s0 =	sand.u32 $0x1, s1  }
0x8c: {  	s17 =	sshll.u32 s0, $0xA;
	s2 =	sadd.s32 s3, s2  }
0x8d: {  	s2 =	sadd.s32 s2, s17  }
0x8e: {  	[smem:$0x3FC3] =	sst s2  }
0x8f: {  	_ = 	snop  }
0x90: {  	s2 =	sld [smem:$0x3FC7]  }
0x91: {  	s18 =	sld [smem:$0x3FD0];
	(tm) =	ssettm $0x1  }
0x92: {  	s4 =	sld [smem:$0x3FFB];
	_ =	sdelay $0x3  }
0x93: {  	_ =	strace s4  }
0x94: {  	s4 =	sld [smem:$0x3FFC];
	_ =	sdelay $0x3  }
0x95: {  	_ =	strace s4  }
0x96: {  	s4 =	sld [smem:$0x3FFD];
	_ =	sdelay $0x3  }
0x97: {  	_ =	strace s4  }
0x98: {  	_ =	strace $0x8FFFFFFF  }
0x99: {  	s19 =	sld [smem:$0x3FDB];
	_ =	sdelay $0x1  }
0x9a: {  	s5 =	simm.s32 $_scs_section_size  }
0x9b: {  	s6 =	simm.s32 $_size__tile_overlayer_lowered;
	s7 =	simm.s32 $_tile_overlayer_lowered  }
0x9c: {  	s22 =	simm.s32 $0x1BFF;
	s21 =	sshll.u32 s7, $0x1;
	s4 =	sadd.s32 s5, s19  }
0x9d: {  	s8 =	simm.s32 $0x0;
	s20 =	sshll.u32 s6, $0x1;
	s6 =	sadd.s32 s21, s4  }
0x9e: {  	[timem:s8], [sflag:s22] =	dma.local [hbm:s6], s20  }
0x9f: {  	_ =	swait.ge [sflag:s22], s20  }
0xa0: {  	s5 =	ssub.s32 $0x0, s20;
	[sflag:s22] =	ssyncset.done $0x0  }
0xa1: {  	[sflag:s22] =	ssyncadd.s32 s5;
	_ =	sdelay $0x1  }
0xa2: {  	s23 =	simm.s32 $0x1B8B  }
0xa3: {  	_ =	swait.ge [sflag:s23], $0x1  }
0xa4: {  	[sflag:s23] =	ssyncset.done $0x0  }
0xa5: {  	s25 =	simm.s32 $0x1B8E;
	s24 =	sld [smem:$0x3FFE];
	[sflag:s23] =	ssyncadd.s32 $0xFFFFFFFF  }
0xa6: {  	s26 =	simm.s32 $execute0_lowered;
	[smem:$0x3FD2] =	sst s25  }
0xa7: {  	s6 =	sshll.u32 s26, $0x1;
	_ =	strace $0x80000046;
	[dreg:$0x1] =	wrdreg $0xFFFFFFFF  }
0xa8: {  	s28 =	simm.s32 $_size_execute0_lowered;
	s4 =	sadd.s32 s4, s6;
	[dreg:$0x0] =	wrdreg $0x0  }
0xa9: {  	s6 =	sshll.u32 s28, $0x1;
	[dreg:$0x2] =	wrdreg s4  }
0xaa: {  	[dreg:$0x3] =	wrdreg s6  }
0xab: {  	[dreg:$0x4] =	wrdreg $0xC0  }
0xac: {  	_ =	task [dreg:s8], $0x5FFFF  }
0xad: {  	[dreg:$0x1] =	wrdreg $0xFFFFFFFF  }
0xae: {  	[dreg:$0x0] =	wrdreg $0x60  }
0xaf: {  	[dreg:$0x2] =	wrdreg s24  }
0xb0: {  	[dreg:$0x3] =	wrdreg s2  }
0xb1: {  	[dreg:$0x4] =	wrdreg s18  }
0xb2: {  	[dreg:$0x5] =	wrdreg $0x52000  }
0xb3: {  	[dreg:$0x6] =	wrdreg $0x9  }
0xb4: {  	_ =	task.clear_ibuf [dreg:s8], $0x7FFFF;
	_ =	strace $0x90000046  }
0xb5: {  	s29 =	simm.s32 $0x9;
	_ =	strace $0x80000048  }
0xb6: {  	_ =	swait.ge [sflag:s29], $0x1  }
0xb7: {  	[sflag:s29] =	ssyncadd.s32 $0xFFFFFFFF  }
0xb8: {  	_ =	strace $0x90000048  }
0xb9: {  	_ =	sfence  }
0xba: {  	s30 =	sld [smem:$0x0];
	_ =	sdelay $0x2  }
0xbb: {  	s31 =	sshll.u32 s1, $0xD;
	s1 =	sshrl.u32 s1, $0x2  }
0xbc: {  	s3 =	sand.u32 $0x4000, s31;
	s1 =	sadd.s32 s1, s30  }
0xbd: {  	s0 =	sor.u32 s3, s0;
	s1 =	sshll.u32 s1, $0x11  }
0xbe: {  	s0 =	sor.u32 s1, s0  }
0xbf: {  	s0 =	sadd.s32 $0x8F2B, s0  }
0xc0: {  	[sflag:s0] =	ssyncadd.remote.s32 $0x1  }
0xc1: {  	_ =	sfence.sel $0xFFFF  }
0xc2: {  	[dreg:$0x0] =	wrdreg $0xFFFFFFFF;
	(pc) =	sbr.abs _section_cstart, $3  }
0xc3: {  	[dreg:$0x1] =	wrdreg $0xFFFFFFFF  }
0xc4: {  	_ =	task.clear_ibuf [dreg:s8], $0x2FFFF;
	_ =	strace $0x9FFFFFFF  }
0xc5: {  	(tm) =	ssettm $0x7FFFFFFF  }
tec
execute0_lowered:
.L_overlay_start_1:
0x0: {  	(tag) =	ssettag $0x1  }
0x1: {  	s7 =	rddreg [dreg:$0x0]  }
0x2: {  	s1 =	rddreg [dreg:$0x1]  }
0x3: {  	s12 =	rddreg [dreg:$0x2]  }
0x4: {  	s2 =	rddreg [dreg:$0x3];
	s3 =	simm.s32 $0x0  }
0x5: {  	s4 =	srdreg.scid;
	s20 =	simm.s32 $0x80;
	s21 =	simm.s32 $0x100  }
0x6: {  	s22 =	simm.s32 $0x50;
	s23 =	simm.s32 $0x180;
	s24 =	simm.s32 $0x2980  }
0x7: {  	s25 =	simm.s32 $0x1;
	s26 =	simm.s32 $0x2;
	s28 =	simm.s32 $0x0  }
0x8: {  	[smem:$0x7FF] =	sst s3;
	s8 =	sand.u32 $0x1, s4;
	s4 =	stileid.u32  }
0x9: {  	s11 =	sadd.s32 $0xB400, s7;
	s5 =	sadd.s32 $0x6400, s7;
	s13 =	smul.u32 $0x4E000, s4  }
0xa: {  	s6 =	sadd.s32 $0x1400, s7;
	s16 =	sadd.s32 $0x124800, s2;
	s15 =	smul.u32 $0x27100, s8  }
0xb: {  	_ =	strace $0x80000047;
	s9 =	sshll.u32 s8, $0x4;
	s30 =	smul.u32 $0x138800, s8  }
0xc: {  	s10 =	ssub.s32 $0x2, s8;
	s18 =	smul.u32 $0x13800, s4;
	p0 =	seq.s32 s4, $0xF  }
0xd: {  	s9 =	sadd.s32 s9, s7;
	s7 =	sadd.s32 $0xA7800, s7;
	s14 =	sshrl.u32 s10, $0x1  }
0xe: {  	s14 =	ssub.s32 s10, s14;
	s29 =	sshrl.u32 s13, $0x2;
	s8 =	sadd.s32 $0x1200, s9  }
0xf: {  	s9 =	smul.u32 $0x2710, s4;
	s19 =	sshrl.u32 s30, $0x3;
	s10 =	sadd.s32 s11, s15  }
0x10: {  	s13 =	sadd.s32 s18, s30;
	s15 =	sshrl.u32 @p0 s16, $0x3;
	s16 =	sshll.u32 @!p0 s4, $0x6  }
0x11: {  	s18 =	simm.s32 $0x5180;
	s17 =	sadd.s32 s29, s2;
	s11 =	sadd.s32 s11, s19  }
0x12: {  	s13 =	sshrl.u32 s13, $0x3;
	s31 =	sadd.s32 s12, s19;
	s14 =	smax.u32 s14, $0x1  }
0x13: {  	s16 =	sor.u32 @!p0 $0x1C03, s16;
	s19 =	simm.s32 $0x3;
	s11 =	sadd.s32 $0x4E200, s11  }
0x14: {  	v1 =	vimm.f32 $0.0e+00;
	s12 =	sadd.s32 s12, s13;
	s13 =	sadd.s32 $0x24900, s31;
	s17 =	sshrl.u32 @!p0 s17, $0x3  }
.LBB2_1:
0x15: {  	s29 =	simm.s32 @p0 $0x1FC3  }
0x16: {  	[spmem:s15], [sflag:s29] =	dma.local @p0 [hbm:s7], $0x2800  }
0x17: {  	s29 =	simm.s32 @p0 $0x3  }
0x18: {  	_ =	swait.ge @p0 [sflag:s29], $0x2800  }
0x19: {  	[sflag:s29] =	ssyncset.done @p0 $0x0  }
0x1a: {  	[sflag:s29] =	ssyncadd.s32 @p0 $0xFFFFD800;
	s29 =	simm.s32 @!p0 $0x3  }
0x1b: {  	[spmem:s17], [sflag:s16] =	dma.local @!p0 [hbm:s7], $0x2700  }
0x1c: {  	_ =	swait.ge @!p0 [sflag:s29], $0x2700  }
0x1d: {  	[sflag:s29] =	ssyncset.done @!p0 $0x0  }
0x1e: {  	[sflag:s29] =	ssyncadd.s32 @!p0 $0xFFFFD900  }
0x1f: {  	[tilespmem:s18], [sflag:$0x3] =	stream.linear.gather [hbm4b:s8+s3], $0x80, $0x38;
	[tilespmem:$0x18A80] =	vst v63  }
0x20: {  	_ =	swait.ge [sflag:s19], $0x80  }
0x21: {  	[sflag:s19] =	ssyncset.done $0x0  }
0x22: {  	[sflag:s19] =	ssyncadd.s32 $0xFFFFFF80  }
0x23: {  	[bflag:$0x0] =	sbarrier.arrive $0xFFFF  }
0x24: {  	v55 =	vld [tilespmem:$0x5180]  }
0x25: {  	v2 =	vld [tilespmem:$0x5190]  }
0x26: {  	v3 =	vld [tilespmem:$0x51A0]  }
0x27: {  	v4 =	vld [tilespmem:$0x51B0]  }
0x28: {  	v5 =	vld [tilespmem:$0x51C0]  }
0x29: {  	v6 =	vld [tilespmem:$0x51D0]  }
0x2a: {  	v7 =	vld [tilespmem:$0x51E0]  }
0x2b: {  	s29 =	simm.s32 $0x0;
	v8 =	vld [tilespmem:$0x51F0]  }
.LBB2_2:
0x2c: {  	s30 =	smul.u32 $0x50, s29;
	_ =	sdelay $0x1  }
0x2d: {  	s30 =	sadd.s32 s9, s30  }
0x2e: {  	s31 =	sshrl.u32 s30, $0x3  }
0x2f: {  	s30 =	simm.s32 $0x0;
	s0 =	sadd.s32 s5, s31  }
0x30: {  	[tilespmem:s30], [sflag:$0x3] =	stream.linear.gather [hbm4b:s0+s30], $0x50, $0x38;
	[tilespmem:$0x18A80] =	vst v63  }
0x31: {  	_ =	swait.ge [sflag:s19], $0x50  }
0x32: {  	[sflag:s19] =	ssyncset.done $0x0  }
0x33: {  	s0 =	sadd.s32 s6, s31;
	[sflag:s19] =	ssyncadd.s32 $0xFFFFFFB0  }
0x34: {  	[tilespmem:s20], [sflag:$0x3] =	stream.linear.gather [hbm4b:s0+s30], $0x50, $0x38;
	[tilespmem:$0x18A80] =	vst v63  }
0x35: {  	_ =	swait.ge [sflag:s19], $0x50  }
0x36: {  	[sflag:s19] =	ssyncset.done $0x0  }
0x37: {  	s31 =	sadd.s32 s1, s31;
	[sflag:s19] =	ssyncadd.s32 $0xFFFFFFB0  }
0x38: {  	[tilespmem:s21], [sflag:$0x3] =	stream.linear.gather [hbm4b:s31+s30], $0x50, $0x38;
	[tilespmem:$0x18A80] =	vst v63  }
0x39: {  	_ =	swait.ge [sflag:s19], $0x50  }
0x3a: {  	[sflag:s19] =	ssyncset.done $0x0  }
0x3b: {  	[sflag:s19] =	ssyncadd.s32 $0xFFFFFFB0  }
0x3c: {  	[tilespmem:s23], [sflag:$0x1] =	stream.indirect.gather [hbm4b:s10+s22], $0x80, s30, s22, $0xb8;
	[tilespmem:$0x18A80] =	vst v63  }
0x3d: {  	_ = 	snop  }
0x3e: {  	[tilespmem:s24], [sflag:$0x2] =	stream.indirect.gather [hbm4b:s11+s22], $0x80, s20, s22, $0xb8;
	[tilespmem:$0x18A80] =	vst v63  }
0x3f: {  	_ =	swait.ge [sflag:s25], $0x2800  }
0x40: {  	[sflag:s25] =	ssyncset.done $0x0  }
0x41: {  	[sflag:s25] =	ssyncadd.s32 $0xFFFFD800  }
0x42: {  	_ =	swait.ge [sflag:s26], $0x2800  }
0x43: {  	[sflag:s26] =	ssyncset.done $0x0  }
0x44: {  	[sflag:s26] =	ssyncadd.s32 $0xFFFFD800  }
.LBB2_3:
0x45: {  	s31 =	sshll.u32 s30, $0xB  }
0x46: {  	v0 =	vld [tilespmem:s31+$0x180]  }
0x47: {  	v9 =	vld [tilespmem:s31+$0x2980]  }
0x48: {  	v11 =	vld [tilespmem:s31+$0x190]  }
0x49: {  	v12 =	vld [tilespmem:s31+$0x2990]  }
0x4a: {  	v14 =	vld [tilespmem:s31+$0x1A0]  }
0x4b: {  	s0 =	sshll.u32 s30, $0x4;
	v15 =	vld [tilespmem:s31+$0x29A0]  }
0x4c: {  	s0 =	sand.u32 $0x3FFFFFF0, s0;
	v16 =	vld [tilespmem:s31+$0x1B0]  }
0x4d: {  	v10 =	vld [tilespmem:s0+$0x100]  }
0x4e: {  	v17 =	vld [tilespmem:s31+$0x29B0]  }
0x4f: {  	v29 =	vld [tilespmem:s31+$0x1F0]  }
0x50: {  	v31 =	vld [tilespmem:s31+$0x29F0];
	_ =	sdelay $0x1  }
0x51: {  	v13 =	vbroadcast v10, $0x0  }
0x52: {  	v18 =	vld [tilespmem:s31+$0x1C0];
	v0 =	vadd.f32 v9, v0  }
0x53: {  	v21 =	vld [tilespmem:s31+$0x1D0];
	v11 =	vadd.f32 v12, v11;
	v14 =	vadd.f32 v15, v14;
	v9 =	vmul.f32 v13, v55  }
0x54: {  	v61 =	vld [tilespmem:s31+$0x29D0];
	v27 =	vadd.f32 v17, v16;
	v17 =	vadd.f32 v31, v29  }
0x55: {  	v44 =	vld [tilespmem:s31+$0x240];
	v16 =	vbroadcast v10, $0x2;
	v60 =	vmul.f32 v13, v2;
	v0 =	vadd.f32 v0, v9  }
0x56: {  	v46 =	vld [tilespmem:s31+$0x2A40];
	vm0 =	vlt.f32 v10, $5.000000000e-01;
	v62 =	vmul.f32 v13, v3;
	v28 =	vmul.f32 v13, v4  }
0x57: {  	v19 =	vld [tilespmem:s31+$0x29C0];
	v30 =	vmul.f32 v13, v5;
	v9 =	vsel vm0, $0x3F800000, v1;
	v20 =	vmul.f32 $9.999999770e-03, v0  }
0x58: {  	v63 =	vld [tilespmem:s31+$0x1E0];
	v33 =	vmul.f32 v13, v6;
	v11 =	vadd.f32 v11, v60;
	v22 =	vbroadcast v9, $0x0  }
0x59: {  	v23 =	vld [tilespmem:s31+$0x29E0];
	v35 =	vmul.f32 v13, v7;
	v13 =	vmul.f32 v13, v8;
	v0 =	vmax.f32 v0, v20  }
0x5a: {  	v32 =	vld [tilespmem:s31+$0x200];
	v12 =	vadd.f32 v61, v21;
	v54 =	vmul.f32 v0, v22;
	v0 =	vmul.f32 $9.999999770e-03, v11  }
0x5b: {  	v34 =	vld [tilespmem:s31+$0x2A00];
	v31 =	vadd.f32 v46, v44;
	v46 =	vmul.f32 v16, v55;
	v13 =	vadd.f32 v17, v13  }
0x5c: {  	v25 =	vld [tilespmem:s31+$0x210];
	v14 =	vadd.f32 v14, v62;
	v0 =	vmax.f32 v11, v0;
	v11 =	vadd.f32 v19, v18  }
0x5d: {  	v37 =	vld [tilespmem:s31+$0x2A10];
	v15 =	vadd.f32 v27, v28;
	v12 =	vadd.f32 v12, v33;
	v17 =	vmul.f32 $9.999999770e-03, v13  }
0x5e: {  	v48 =	vld [tilespmem:s31+$0x250];
	v56 =	vmul.f32 v0, v22;
	v0 =	vmul.f32 $9.999999770e-03, v14;
	v11 =	vadd.f32 v11, v30  }
0x5f: {  	v50 =	vld [tilespmem:s31+$0x2A50];
	v24 =	vmul.f32 $9.999999770e-03, v15;
	v20 =	vadd.f32 v23, v63;
	v13 =	vmax.f32 v13, v17  }
0x60: {  	v39 =	vld [tilespmem:s31+$0x220];
	v1 =	vmul.f32 v13, v22;
	v0 =	vmax.f32 v14, v0;
	v36 =	vmul.f32 $9.999999770e-03, v11  }
0x61: {  	v40 =	vld [tilespmem:s31+$0x2A20];
	v38 =	vadd.f32 v20, v35;
	v57 =	vmul.f32 v0, v22;
	v0 =	vmax.f32 v15, v24  }
0x62: {  	v41 =	vld [tilespmem:s31+$0x230];
	v58 =	vmul.f32 v0, v22;
	v0 =	vmax.f32 v11, v36;
	v11 =	vmul.f32 $9.999999770e-03, v12  }
0x63: {  	v42 =	vld [tilespmem:s31+$0x2A30];
	v20 =	vbroadcast v10, $0x3;
	v23 =	vmul.f32 $9.999999770e-03, v38  }
0x64: {  	v26 =	vld [tilespmem:s31+$0x2B0];
	v36 =	vadd.f32 v50, v48;
	v62 =	vmul.f32 v0, v22;
	v0 =	vmax.f32 v12, v11  }
0x65: {  	v48 =	vld [tilespmem:s31+$0x2AB0];
	v11 =	vbroadcast v10, $0x1;
	v61 =	vmul.f32 v0, v22;
	v0 =	vmax.f32 v38, v23  }
0x66: {  	v28 =	vld [tilespmem:s31+$0x270];
	v18 =	vadd.f32 v37, v25;
	v24 =	vbroadcast v9, $0x1;
	v60 =	vmul.f32 v0, v22  }
0x67: {  	v30 =	vld [tilespmem:s31+$0x2A70];
	v14 =	vadd.f32 v40, v39;
	v43 =	vmul.f32 v11, v55;
	v45 =	vmul.f32 v11, v2  }
0x68: {  	v0 =	vadd.f32 v34, v32;
	v47 =	vmul.f32 v11, v3;
	v49 =	vmul.f32 v11, v4  }
0x69: {  	v12 =	vadd.f32 v42, v41;
	v32 =	vmul.f32 v11, v5;
	v37 =	vmul.f32 v11, v6  }
0x6a: {  	v39 =	vmul.f32 v11, v7;
	v15 =	vadd.f32 v48, v26;
	v0 =	vadd.f32 v0, v43  }
0x6b: {  	v52 =	vld [tilespmem:s31+$0x260];
	v11 =	vmul.f32 v11, v8;
	v18 =	vadd.f32 v18, v45;
	v14 =	vadd.f32 v14, v47  }
0x6c: {  	v59 =	vld [tilespmem:s31+$0x2A60];
	v26 =	vbroadcast v9, $0x4;
	v12 =	vadd.f32 v12, v49;
	v43 =	vadd.f32 v30, v28  }
0x6d: {  	v44 =	vld [tilespmem:s31+$0x2AA0];
	v35 =	vadd.f32 v31, v32;
	v32 =	vmul.f32 v16, v3;
	v51 =	vmul.f32 $9.999999770e-03, v0  }
0x6e: {  	v33 =	vld [tilespmem:s31+$0x280];
	v53 =	vmul.f32 $9.999999770e-03, v18;
	v22 =	vmul.f32 $9.999999770e-03, v14;
	v11 =	vadd.f32 v43, v11  }
0x6f: {  	v40 =	vld [tilespmem:s31+$0x2A90];
	v29 =	vmul.f32 $9.999999770e-03, v12;
	v41 =	vmul.f32 $9.999999770e-03, v35;
	v0 =	vmax.f32 v0, v51  }
0x70: {  	v34 =	vld [tilespmem:s31+$0x2A80];
	v13 =	vmax.f32 v14, v22;
	v14 =	vadd.f32 v36, v37;
	v51 =	vmul.f32 $9.999999770e-03, v11  }
0x71: {  	v38 =	vld [tilespmem:s31+$0x290];
	v36 =	vmul.f32 v16, v4;
	v0 =	vmul.f32 v0, v24  }
0x72: {  	v25 =	vld [tilespmem:s31+$0x470];
	v63 =	vmul.f32 v13, v24;
	v13 =	vmax.f32 v35, v41;
	v45 =	vmul.f32 $9.999999770e-03, v14  }
0x73: {  	[tilespmem:$0x1FE30] =	vst v1;
	v50 =	vld [tilespmem:s31+$0x2C0];
	v1 =	vmul.f32 v13, v24;
	v11 =	vmax.f32 v11, v51;
	v15 =	vadd.f32 v15, v36  }
0x74: {  	v42 =	vld [tilespmem:s31+$0x2A0];
	v51 =	vmul.f32 v16, v7;
	[tilespmem:$0x1FE40] =	vst v0;
	v0 =	vmax.f32 v18, v53;
	v53 =	vmul.f32 v16, v2  }
0x75: {  	v37 =	vld [tilespmem:s31+$0x2AE0];
	v22 =	vmul.f32 v0, v24;
	v0 =	vmax.f32 v12, v29;
	v12 =	vadd.f32 v34, v33  }
0x76: {  	v35 =	vld [tilespmem:s31+$0x2E0];
	v18 =	vadd.f32 v40, v38;
	v38 =	vmul.f32 v16, v5;
	v0 =	vmul.f32 v0, v24  }
0x77: {  	[tilespmem:$0x1FE60] =	vst v1;
	v49 =	vmax.f32 v14, v45;
	v33 =	vld [tilespmem:s31+$0x2AD0];
	v43 =	vmul.f32 $9.999999770e-03, v15;
	v12 =	vadd.f32 v12, v46  }
0x78: {  	v1 =	vmul.f32 v49, v24;
	v34 =	vadd.f32 v18, v53;
	[tilespmem:$0x1FE50] =	vst v0;
	v0 =	vadd.f32 v59, v52;
	v52 =	vld [tilespmem:s31+$0x2AC0]  }
0x79: {  	v46 =	vmul.f32 v16, v6;
	v59 =	vld [tilespmem:s31+$0x2D0];
	v23 =	vmul.f32 $9.999999770e-03, v12  }
0x7a: {  	v40 =	vld [tilespmem:s31+$0x2AF0];
	v16 =	vmul.f32 v16, v8;
	v27 =	vmul.f32 $9.999999770e-03, v34;
	v0 =	vadd.f32 v0, v39  }
0x7b: {  	[tilespmem:$0x1FE70] =	vst v1;
	v1 =	vmul.f32 v11, v24;
	v39 =	vld [tilespmem:s31+$0x2F0];
	v12 =	vmax.f32 v12, v23;
	v23 =	vbroadcast v9, $0x2  }
0x7c: {  	v48 =	vld [tilespmem:s31+$0x310];
	v18 =	vadd.f32 v37, v35;
	v37 =	vmul.f32 v20, v2;
	v47 =	vmul.f32 $9.999999770e-03, v0  }
0x7d: {  	v41 =	vld [tilespmem:s31+$0x300];
	[tilespmem:$0x1FE90] =	vst v1;
	v13 =	vmax.f32 v34, v27;
	v14 =	vadd.f32 v52, v50;
	v1 =	vmul.f32 v12, v23  }
0x7e: {  	v21 =	vadd.f32 v33, v59;
	v50 =	vld [tilespmem:s31+$0x2B10];
	v52 =	vmul.f32 v20, v55;
	v0 =	vmax.f32 v0, v47  }
0x7f: {  	v36 =	vld [tilespmem:s31+$0x330];
	v47 =	vmax.f32 v15, v43;
	v0 =	vmul.f32 v0, v24;
	v11 =	vadd.f32 v14, v38  }
0x80: {  	v53 =	vld [tilespmem:s31+$0x320];
	v49 =	vadd.f32 v21, v46;
	v17 =	vadd.f32 v40, v39;
	v31 =	vmul.f32 v47, v23  }
0x81: {  	v38 =	vld [tilespmem:s31+$0x2B30];
	v46 =	vmul.f32 v20, v3;
	v47 =	vmul.f32 v20, v4;
	[tilespmem:$0x1FE80] =	vst v0;
	v0 =	vadd.f32 v44, v42  }
0x82: {  	v44 =	vld [tilespmem:s31+$0x2B00];
	v45 =	vmul.f32 $9.999999770e-03, v11;
	v35 =	vmul.f32 $9.999999770e-03, v49;
	v16 =	vadd.f32 v17, v16  }
0x83: {  	v34 =	vld [tilespmem:s31+$0x2B70];
	[tilespmem:$0x1FEA0] =	vst v1;
	v1 =	vbroadcast v10, $0x7;
	v14 =	vadd.f32 v50, v48;
	v0 =	vadd.f32 v0, v32  }
0x84: {  	v59 =	vld [tilespmem:s31+$0x2B20];
	v11 =	vmax.f32 v11, v45;
	v15 =	vmax.f32 v49, v35;
	v39 =	vmul.f32 $9.999999770e-03, v16  }
0x85: {  	v43 =	vld [tilespmem:s31+$0x350];
	v30 =	vmul.f32 v11, v23;
	v11 =	vadd.f32 v18, v51;
	v33 =	vmul.f32 v15, v23  }
0x86: {  	v48 =	vld [tilespmem:s31+$0x360];
	v14 =	vadd.f32 v14, v37;
	v18 =	vbroadcast v9, $0x3;
	v17 =	vadd.f32 v38, v36  }
0x87: {  	v45 =	vld [tilespmem:s31+$0x2B50];
	v37 =	vmul.f32 v20, v6;
	v28 =	vmul.f32 $9.999999770e-03, v0;
	v12 =	vadd.f32 v44, v41  }
0x88: {  	v38 =	vld [tilespmem:s31+$0x380];
	v19 =	vmul.f32 $9.999999770e-03, v11;
	v44 =	vmul.f32 $9.999999770e-03, v14;
	v50 =	vadd.f32 v17, v47  }
0x89: {  	v41 =	vld [tilespmem:s31+$0x340];
	v42 =	vmax.f32 v0, v28;
	v0 =	vmul.f32 v13, v23;
	v13 =	vadd.f32 v59, v53  }
0x8a: {  	v47 =	vld [tilespmem:s31+$0x2BA0];
	v12 =	vadd.f32 v12, v52;
	v11 =	vmax.f32 v11, v19;
	v52 =	vmul.f32 v20, v5  }
0x8b: {  	v49 =	vmax.f32 v14, v44;
	v28 =	vmul.f32 $9.999999770e-03, v50;
	[tilespmem:$0x1FEB0] =	vst v0;
	v0 =	vmul.f32 v42, v23;
	v42 =	vld [tilespmem:s31+$0x2B40]  }
0x8c: {  	v53 =	vld [tilespmem:s31+$0x370];
	v35 =	vadd.f32 v45, v43;
	v19 =	vbroadcast v10, $0x4;
	v32 =	vmul.f32 v11, v23  }
0x8d: {  	v45 =	vld [tilespmem:s31+$0x3A0];
	v11 =	vmax.f32 v16, v39;
	v39 =	vmul.f32 v20, v7;
	v20 =	vmul.f32 v20, v8  }
0x8e: {  	v13 =	vadd.f32 v13, v46;
	v40 =	vmul.f32 $9.999999770e-03, v12;
	v36 =	vmul.f32 v11, v23;
	v11 =	vld [tilespmem:s31+$0x2B60]  }
0x8f: {  	v43 =	vld [tilespmem:s31+$0x2B90];
	v14 =	vmax.f32 v50, v28;
	v15 =	vadd.f32 v35, v37;
	v35 =	vmul.f32 v19, v3  }
0x90: {  	v50 =	vld [tilespmem:s31+$0x3B0];
	v59 =	vmul.f32 $9.999999770e-03, v13;
	v12 =	vmax.f32 v12, v40;
	v51 =	vadd.f32 v42, v41  }
0x91: {  	[tilespmem:$0x1FEC0] =	vst v0;
	v0 =	vmul.f32 v49, v18;
	v40 =	vld [tilespmem:s31+$0x2B80];
	v17 =	vadd.f32 v34, v53;
	v29 =	vmul.f32 v12, v18  }
0x92: {  	v34 =	vld [tilespmem:s31+$0x3D0];
	v13 =	vmax.f32 v13, v59;
	v23 =	vadd.f32 v47, v45;
	v12 =	vadd.f32 v51, v52  }
0x93: {  	v49 =	vmul.f32 v19, v55;
	[tilespmem:$0x1FED0] =	vst v0;
	v42 =	vld [tilespmem:s31+$0x390];
	v0 =	vmul.f32 v13, v18;
	v11 =	vadd.f32 v11, v48  }
0x94: {  	v44 =	vmul.f32 $9.999999770e-03, v15;
	v47 =	vadd.f32 v23, v35;
	v35 =	vld [tilespmem:s31+$0x2C00];
	v41 =	vmul.f32 $9.999999770e-03, v12  }
0x95: {  	v53 =	vmul.f32 v19, v2;
	[tilespmem:$0x1FEE0] =	vst v0;
	v0 =	vmul.f32 v14, v18;
	v52 =	vld [tilespmem:s31+$0x2BB0];
	v11 =	vadd.f32 v11, v39  }
0x96: {  	v14 =	vmax.f32 v15, v44;
	v51 =	vadd.f32 v17, v20;
	v44 =	vld [tilespmem:s31+$0x2BD0];
	v12 =	vmax.f32 v12, v41  }
0x97: {  	v23 =	vld [tilespmem:s31+$0x460];
	v48 =	vadd.f32 v40, v38;
	[tilespmem:$0x1FEF0] =	vst v0;
	v46 =	vmul.f32 $9.999999770e-03, v11;
	v0 =	vmul.f32 v12, v18  }
0x98: {  	v20 =	vld [tilespmem:s31+$0x3C0];
	v59 =	vmul.f32 $9.999999770e-03, v51;
	v13 =	vadd.f32 v43, v42;
	v43 =	vmul.f32 v19, v7  }
0x99: {  	v17 =	vld [tilespmem:s31+$0x410];
	v11 =	vmax.f32 v11, v46;
	v12 =	vadd.f32 v48, v49;
	[tilespmem:$0x1FF00] =	vst v0;
	v0 =	vmul.f32 v14, v18  }
0x9a: {  	v13 =	vadd.f32 v13, v53;
	v46 =	vld [tilespmem:s31+$0x3E0];
	v49 =	vadd.f32 v52, v50;
	v50 =	vmul.f32 v19, v4  }
0x9b: {  	v52 =	vmul.f32 $9.999999770e-03, v47;
	v28 =	vadd.f32 v44, v34;
	[tilespmem:$0x1FF10] =	vst v0;
	v0 =	vmul.f32 v11, v18;
	v11 =	vld [tilespmem:s31+$0x2BC0]  }
0x9c: {  	v48 =	vld [tilespmem:s31+$0x2BE0];
	v34 =	vmul.f32 v19, v6;
	v21 =	vmul.f32 $9.999999770e-03, v12;
	v15 =	vadd.f32 v49, v50  }
0x9d: {  	v53 =	vld [tilespmem:s31+$0x2BF0];
	v14 =	vmax.f32 v51, v59;
	v45 =	vmul.f32 $9.999999770e-03, v13;
	v59 =	vmul.f32 v19, v5  }
0x9e: {  	v51 =	vld [tilespmem:s31+$0x3F0];
	v38 =	vmul.f32 v14, v18;
	v12 =	vmax.f32 v12, v21;
	v42 =	vmul.f32 $9.999999770e-03, v15  }
0x9f: {  	v49 =	vld [tilespmem:s31+$0x2C20];
	v13 =	vmax.f32 v13, v45;
	v45 =	vmul.f32 v19, v8;
	v41 =	vmul.f32 v12, v26  }
0xa0: {  	v40 =	vmul.f32 v13, v26;
	v12 =	vmax.f32 v47, v52;
	v11 =	vadd.f32 v11, v20;
	v20 =	vld [tilespmem:s31+$0x400]  }
0xa1: {  	v21 =	vld [tilespmem:s31+$0x2C10];
	v13 =	vadd.f32 v28, v34;
	v14 =	vadd.f32 v48, v46;
	v39 =	vmul.f32 v12, v26  }
0xa2: {  	v46 =	vld [tilespmem:s31+$0x420];
	v12 =	vmax.f32 v15, v42;
	v15 =	vbroadcast v10, $0x5;
	v11 =	vadd.f32 v11, v59  }
0xa3: {  	v42 =	vld [tilespmem:s31+$0x2C40];
	v44 =	vadd.f32 v53, v51;
	v48 =	vmul.f32 $9.999999770e-03, v13;
	v37 =	vmul.f32 v12, v26  }
0xa4: {  	v14 =	vadd.f32 v14, v43;
	v51 =	vld [tilespmem:s31+$0x430];
	v34 =	vmul.f32 v15, v55;
	v47 =	vmul.f32 $9.999999770e-03, v11  }
0xa5: {  	v50 =	vadd.f32 v44, v45;
	v13 =	vmax.f32 v13, v48;
	v20 =	vadd.f32 v35, v20;
	v35 =	vld [tilespmem:s31+$0x440]  }
0xa6: {  	v53 =	vld [tilespmem:s31+$0x2C30];
	v52 =	vmul.f32 $9.999999770e-03, v14;
	v44 =	vmul.f32 v15, v5;
	v11 =	vmax.f32 v11, v47  }
0xa7: {  	[tilespmem:$0x1FF20] =	vst v0;
	v16 =	vadd.f32 v49, v46;
	v49 =	vmul.f32 v15, v3;
	v46 =	vld [tilespmem:s31+$0x2C70];
	v0 =	vmul.f32 v11, v26  }
0xa8: {  	v59 =	vmul.f32 $9.999999770e-03, v50;
	v11 =	vmax.f32 v14, v52;
	v43 =	vadd.f32 v20, v34;
	v14 =	vld [tilespmem:s31+$0x450]  }
0xa9: {  	v16 =	vadd.f32 v16, v49;
	v49 =	vmul.f32 v15, v6;
	v20 =	vld [tilespmem:s31+$0x2C50];
	[tilespmem:$0x1FF30] =	vst v0;
	v0 =	vmul.f32 v13, v26  }
0xaa: {  	v47 =	vmul.f32 v15, v2;
	v52 =	vld [tilespmem:s31+$0x2C60];
	v48 =	vmul.f32 $9.999999770e-03, v43;
	v13 =	vadd.f32 v42, v35  }
0xab: {  	v35 =	vld [tilespmem:s31+$0x2C80];
	[tilespmem:$0x1FF40] =	vst v0;
	v0 =	vmul.f32 v11, v26;
	v11 =	vmax.f32 v50, v59;
	v50 =	vadd.f32 v53, v51  }
0xac: {  	v51 =	vmul.f32 v15, v4;
	v12 =	vmax.f32 v43, v48;
	v53 =	vmul.f32 $9.999999770e-03, v16;
	v59 =	vld [tilespmem:s31+$0x480]  }
0xad: {  	v48 =	vld [tilespmem:s31+$0x490];
	v13 =	vadd.f32 v13, v44;
	[tilespmem:$0x1FF50] =	vst v0;
	v0 =	vmul.f32 v11, v26;
	v11 =	vadd.f32 v21, v17  }
0xae: {  	v14 =	vadd.f32 v20, v14;
	v26 =	vbroadcast v9, $0x5;
	v17 =	vadd.f32 v50, v51;
	v50 =	vld [tilespmem:s31+$0x2C90]  }
0xaf: {  	v27 =	vld [tilespmem:s31+$0x540];
	v52 =	vadd.f32 v52, v23;
	v23 =	vbroadcast v10, $0x6;
	v11 =	vadd.f32 v11, v47  }
0xb0: {  	v24 =	vld [tilespmem:s31+$0x4B0];
	v18 =	vadd.f32 v46, v25;
	v42 =	vmul.f32 v12, v26;
	v34 =	vmul.f32 $9.999999770e-03, v17  }
0xb1: {  	v19 =	vld [tilespmem:s31+$0x4D0];
	v51 =	vadd.f32 v14, v49;
	v47 =	vmul.f32 $9.999999770e-03, v13;
	v45 =	vmul.f32 $9.999999770e-03, v11  }
0xb2: {  	v25 =	vld [tilespmem:s31+$0x4C0];
	v59 =	vadd.f32 v35, v59;
	v12 =	vmax.f32 v17, v34;
	v34 =	vmul.f32 v23, v55  }
0xb3: {  	v49 =	vld [tilespmem:s31+$0x2CC0];
	v20 =	vadd.f32 v50, v48;
	v48 =	vmul.f32 v23, v2;
	v11 =	vmax.f32 v11, v45  }
0xb4: {  	[tilespmem:$0x1FF60] =	vst v0;
	v17 =	vld [tilespmem:s31+$0x2CA0];
	v0 =	vmul.f32 v11, v26;
	v11 =	vmax.f32 v16, v53;
	v53 =	vmul.f32 v15, v7  }
0xb5: {  	v15 =	vmul.f32 v15, v8;
	v16 =	vld [tilespmem:s31+$0x2CB0];
	v43 =	vmul.f32 v11, v26;
	v11 =	vmax.f32 v13, v47  }
0xb6: {  	[tilespmem:$0x1FF70] =	vst v0;
	v0 =	vmul.f32 v12, v26;
	v12 =	vld [tilespmem:s31+$0x4A0];
	v44 =	vmul.f32 v11, v26;
	v14 =	vadd.f32 v52, v53  }
0xb7: {  	v11 =	vmul.f32 $9.999999770e-03, v51;
	v15 =	vadd.f32 v18, v15;
	v18 =	vadd.f32 v59, v34;
	v59 =	vld [tilespmem:s31+$0x4E0]  }
0xb8: {  	v49 =	vadd.f32 v49, v25;
	v47 =	vmul.f32 v23, v4;
	v34 =	vld [tilespmem:s31+$0x2CE0];
	v35 =	vmul.f32 $9.999999770e-03, v14  }
0xb9: {  	[tilespmem:s31+$0x180] =	vst v54;
	v54 =	vld [tilespmem:s31+$0x630];
	v11 =	vmax.f32 v51, v11;
	v50 =	vmul.f32 $9.999999770e-03, v15;
	v53 =	vmul.f32 $9.999999770e-03, v18  }
0xba: {  	v25 =	vld [tilespmem:s31+$0x510];
	v51 =	vadd.f32 v20, v48;
	v45 =	vmul.f32 v11, v26;
	v46 =	vadd.f32 v16, v24  }
0xbb: {  	v52 =	vld [tilespmem:s31+$0x2CD0];
	v11 =	vmax.f32 v14, v35;
	v13 =	vmax.f32 v18, v53;
	v35 =	vmul.f32 v23, v3  }
0xbc: {  	[tilespmem:$0x1FF80] =	vst v0;
	v48 =	vld [tilespmem:s31+$0x2CF0];
	v0 =	vmul.f32 v11, v26;
	v11 =	vmax.f32 v15, v50;
	v12 =	vadd.f32 v17, v12  }
0xbd: {  	v18 =	vld [tilespmem:s31+$0x4F0];
	v50 =	vmul.f32 v23, v5;
	v15 =	vadd.f32 v34, v59;
	v34 =	vmul.f32 v23, v7  }
0xbe: {  	v14 =	vadd.f32 v46, v47;
	v59 =	vld [tilespmem:s31+$0x2D10];
	[tilespmem:$0x1FF90] =	vst v0;
	v0 =	vmul.f32 v11, v26;
	v11 =	vmul.f32 $9.999999770e-03, v51  }
0xbf: {  	v53 =	vld [tilespmem:s31+$0x2D00];
	v47 =	vmul.f32 v23, v8;
	v12 =	vadd.f32 v12, v35;
	v17 =	vadd.f32 v49, v50  }
0xc0: {  	v26 =	vld [tilespmem:s31+$0x500];
	v46 =	vmul.f32 $9.999999770e-03, v14;
	v15 =	vadd.f32 v15, v34;
	v11 =	vmax.f32 v51, v11  }
0xc1: {  	[tilespmem:s31+$0x1A0] =	vst v57;
	v57 =	vld [tilespmem:s31+$0x2E30];
	v51 =	vadd.f32 v52, v19;
	v52 =	vmul.f32 v23, v6;
	v35 =	vmul.f32 $9.999999770e-03, v12  }
0xc2: {  	v24 =	vld [tilespmem:s31+$0x2D20];
	v18 =	vadd.f32 v48, v18;
	v14 =	vmax.f32 v14, v46;
	v48 =	vmul.f32 $9.999999770e-03, v17  }
0xc3: {  	v23 =	vld [tilespmem:s31+$0x520];
	v50 =	vmul.f32 $9.999999770e-03, v15;
	v21 =	vadd.f32 v59, v25;
	v16 =	vadd.f32 v51, v52  }
0xc4: {  	[tilespmem:$0x1FFA0] =	vst v0;
	v0 =	vld [tilespmem:s31+$0x530];
	v25 =	vmul.f32 v1, v2;
	v18 =	vadd.f32 v18, v47;
	v51 =	vbroadcast v9, $0x6  }
0xc5: {  	v19 =	vld [tilespmem:s31+$0x570];
	v20 =	vadd.f32 v53, v26;
	v53 =	vmul.f32 v1, v55;
	v49 =	vmul.f32 $9.999999770e-03, v16  }
0xc6: {  	v12 =	vmax.f32 v12, v35;
	v47 =	vld [tilespmem:s31+$0x2D30];
	v52 =	vmul.f32 $9.999999770e-03, v18;
	v28 =	vmul.f32 v13, v51  }
0xc7: {  	v15 =	vmax.f32 v15, v50;
	v26 =	vld [tilespmem:s31+$0x2D40];
	v34 =	vmul.f32 v11, v51;
	v35 =	vmul.f32 v12, v51  }
0xc8: {  	v17 =	vmax.f32 v17, v48;
	v11 =	vld [tilespmem:s31+$0x550];
	v46 =	vmul.f32 v14, v51;
	v15 =	vmul.f32 v15, v51  }
0xc9: {  	v13 =	vld [tilespmem:s31+$0x2D50];
	v14 =	vadd.f32 v21, v25;
	v12 =	vadd.f32 v20, v53;
	v20 =	vmul.f32 v17, v51  }
0xca: {  	v17 =	vld [tilespmem:s31+$0x560];
	v16 =	vmax.f32 v16, v49;
	v18 =	vmax.f32 v18, v52;
	v52 =	vmul.f32 v1, v4  }
0xcb: {  	[tilespmem:s31+$0x1B0] =	vst v58;
	v53 =	vld [tilespmem:s31+$0x2D70];
	v49 =	vadd.f32 v24, v23;
	v16 =	vmul.f32 v16, v51;
	v48 =	vmul.f32 v18, v51  }
0xcc: {  	[tilespmem:$0x1FFD0] =	vst v15;
	v15 =	vld [tilespmem:s31+$0x2D60];
	v50 =	vmul.f32 $9.999999770e-03, v12;
	v0 =	vadd.f32 v47, v0;
	v51 =	vmul.f32 v1, v3  }
0xcd: {  	v58 =	vld [tilespmem:$0x1FE30];
	v47 =	vmul.f32 $9.999999770e-03, v14;
	v59 =	vadd.f32 v26, v27;
	[tilespmem:$0x1FFE0] =	vst v48;
	v48 =	vmul.f32 v1, v5  }
0xce: {  	v21 =	vld [tilespmem:s31+$0x2D80];
	[tilespmem:$0x1FFC0] =	vst v16;
	v12 =	vmax.f32 v12, v50;
	v16 =	vadd.f32 v49, v51;
	v0 =	vadd.f32 v0, v52  }
0xcf: {  	v25 =	vld [tilespmem:s31+$0x5A0];
	v14 =	vmax.f32 v14, v47;
	v11 =	vadd.f32 v13, v11;
	v50 =	vmul.f32 v1, v6  }
0xd0: {  	v24 =	vld [tilespmem:s31+$0x590];
	v51 =	vmul.f32 v1, v7;
	v1 =	vmul.f32 v1, v8;
	v19 =	vadd.f32 v53, v19  }
0xd1: {  	v13 =	vld [tilespmem:s31+$0x580];
	v47 =	vbroadcast v10, $0x8;
	v49 =	vadd.f32 v59, v48;
	v15 =	vadd.f32 v15, v17  }
0xd2: {  	v26 =	vld [tilespmem:s31+$0x2DA0];
	v52 =	vmul.f32 $9.999999770e-03, v16;
	v11 =	vadd.f32 v11, v50;
	v53 =	vmul.f32 $9.999999770e-03, v0  }
0xd3: {  	v59 =	vld [tilespmem:s31+$0x2D90];
	v17 =	vbroadcast v9, $0x7;
	v1 =	vadd.f32 v19, v1;
	v15 =	vadd.f32 v15, v51  }
0xd4: {  	v27 =	vld [tilespmem:s31+$0x5B0];
	v16 =	vmax.f32 v16, v52;
	v50 =	vmul.f32 $9.999999770e-03, v49;
	v51 =	vmul.f32 $9.999999770e-03, v11  }
0xd5: {  	[tilespmem:$0x1FFB0] =	vst v20;
	v48 =	vld [tilespmem:s31+$0x2DB0];
	v0 =	vmax.f32 v0, v53;
	v19 =	vmul.f32 v12, v17;
	v20 =	vmul.f32 v14, v17  }
0xd6: {  	v14 =	vld [tilespmem:s31+$0x5D0];
	v53 =	vmul.f32 $9.999999770e-03, v1;
	v13 =	vadd.f32 v21, v13;
	v21 =	vmul.f32 v47, v55  }
0xd7: {  	v23 =	vmul.f32 v0, v17;
	v52 =	vmul.f32 $9.999999770e-03, v15;
	v18 =	vmax.f32 v49, v50;
	v49 =	vld [tilespmem:s31+$0x5C0]  }
0xd8: {  	v11 =	vmax.f32 v11, v51;
	v51 =	vld [tilespmem:s31+$0x2DC0];
	v59 =	vadd.f32 v59, v24;
	v24 =	vmul.f32 v47, v2  }
0xd9: {  	v0 =	vld [tilespmem:s31+$0x2DD0];
	v13 =	vadd.f32 v13, v21;
	v21 =	vmul.f32 v16, v17;
	v15 =	vmax.f32 v15, v52  }
0xda: {  	[tilespmem:s31+$0x1E0] =	vst v60;
	v60 =	vld [tilespmem:$0x1FE40];
	v12 =	vadd.f32 v59, v24;
	v24 =	vmul.f32 v18, v17;
	v59 =	vmul.f32 v11, v17  }
0xdb: {  	[tilespmem:s31+$0x220] =	vst v63;
	v63 =	vld [tilespmem:$0x1FE50];
	v16 =	vadd.f32 v26, v25;
	v11 =	vmul.f32 v15, v17;
	v18 =	vmul.f32 v47, v3  }
0xdc: {  	v1 =	vmax.f32 v1, v53;
	v15 =	vadd.f32 v48, v27;
	v27 =	vmul.f32 v47, v4;
	v48 =	vld [tilespmem:s31+$0x2DE0]  }
0xdd: {  	v25 =	vmul.f32 v47, v5;
	[tilespmem:$0x1FFF0] =	vst v11;
	v11 =	vld [tilespmem:s31+$0x5E0];
	v49 =	vadd.f32 v51, v49;
	v16 =	vadd.f32 v16, v18  }
0xde: {  	v52 =	vld [tilespmem:s31+$0x5F0];
	v0 =	vadd.f32 v0, v14;
	v51 =	vmul.f32 $9.999999770e-03, v13;
	v15 =	vadd.f32 v15, v27  }
0xdf: {  	v27 =	vld [tilespmem:s31+$0x600];
	v18 =	vadd.f32 v49, v25;
	v25 =	vmul.f32 $9.999999770e-03, v12;
	v14 =	vmul.f32 $9.999999770e-03, v16  }
0xe0: {  	v53 =	vmul.f32 v47, v7;
	v50 =	vmul.f32 v1, v17;
	v13 =	vmax.f32 v13, v51;
	v51 =	vld [tilespmem:s31+$0x2E00]  }
0xe1: {  	v17 =	vld [tilespmem:s31+$0x2DF0];
	v49 =	vmul.f32 $9.999999770e-03, v15;
	v25 =	vmax.f32 v12, v25;
	v14 =	vmax.f32 v16, v14  }
0xe2: {  	v1 =	vld [tilespmem:s31+$0x610];
	v26 =	vmul.f32 $9.999999770e-03, v18;
	v11 =	vadd.f32 v48, v11;
	v48 =	vmul.f32 v47, v6  }
0xe3: {  	v16 =	vld [tilespmem:s31+$0x2E10];
	v15 =	vmax.f32 v15, v49;
	v12 =	vmul.f32 v47, v8;
	v47 =	vbroadcast v10, $0x9  }
0xe4: {  	[tilespmem:s31+$0x190] =	vst v56;
	v49 =	vmax.f32 v18, v26;
	v18 =	vld [tilespmem:s31+$0x2E20];
	v0 =	vadd.f32 v0, v48;
	v11 =	vadd.f32 v11, v53  }
0xe5: {  	[tilespmem:s31+$0x1C0] =	vst v62;
	v48 =	vld [tilespmem:s31+$0x620];
	v27 =	vadd.f32 v51, v27;
	v51 =	vbroadcast v9, $0x8;
	v26 =	vmul.f32 v47, v55  }
0xe6: {  	v56 =	vld [tilespmem:s31+$0x2E40];
	[tilespmem:s31+$0x1F0] =	vst v58;
	v17 =	vadd.f32 v17, v52;
	v62 =	vmul.f32 v47, v3;
	v52 =	vmul.f32 $9.999999770e-03, v0  }
0xe7: {  	v58 =	vld [tilespmem:s31+$0x660];
	[tilespmem:s31+$0x230] =	vst v63;
	v63 =	vmul.f32 v47, v5;
	v53 =	vmul.f32 $9.999999770e-03, v11;
	v27 =	vadd.f32 v27, v26  }
0xe8: {  	[tilespmem:s31+$0x200] =	vst v60;
	v60 =	vld [tilespmem:s31+$0x2E60];
	v25 =	vmul.f32 v25, v51;
	v1 =	vadd.f32 v16, v1;
	v0 =	vmax.f32 v0, v52  }
0xe9: {  	[tilespmem:s31+$0x4B0] =	vst v46;
	v46 =	vld [tilespmem:s31+$0x2F90];
	v52 =	vadd.f32 v17, v12;
	v12 =	vmul.f32 v13, v51;
	v13 =	vmul.f32 v47, v2  }
0xea: {  	[tilespmem:s31+$0x1D0] =	vst v61;
	v26 =	vmul.f32 v14, v51;
	v16 =	vld [tilespmem:s31+$0x650];
	v11 =	vmax.f32 v11, v53;
	v61 =	vadd.f32 v18, v48  }
0xeb: {  	v53 =	vld [tilespmem:s31+$0x640];
	v1 =	vadd.f32 v1, v13;
	v13 =	vmul.f32 v49, v51;
	v49 =	vmul.f32 $9.999999770e-03, v52  }
0xec: {  	v18 =	vmul.f32 v15, v51;
	v48 =	vld [tilespmem:s31+$0x2E50];
	v14 =	vmul.f32 v0, v51;
	v15 =	vadd.f32 v61, v62  }
0xed: {  	v61 =	vmax.f32 v52, v49;
	v49 =	vmul.f32 v11, v51;
	v11 =	vmul.f32 $9.999999770e-03, v1;
	v52 =	vld [tilespmem:s31+$0x670]  }
0xee: {  	[tilespmem:s31+$0x210] =	vst v22;
	v22 =	vmul.f32 v61, v51;
	v62 =	vmul.f32 $9.999999770e-03, v15;
	v61 =	vld [tilespmem:$0x1FE60]  }
0xef: {  	v51 =	vld [tilespmem:s31+$0x2E70];
	v1 =	vmax.f32 v1, v11;
	v11 =	vadd.f32 v57, v54;
	v54 =	vmul.f32 v47, v4  }
0xf0: {  	v0 =	vmul.f32 $9.999999770e-03, v27;
	v57 =	vld [tilespmem:$0x1FE70];
	v15 =	vmax.f32 v15, v62;
	v62 =	vadd.f32 v56, v53  }
0xf1: {  	v16 =	vadd.f32 v48, v16;
	v48 =	vmul.f32 v47, v6;
	v11 =	vadd.f32 v11, v54;
	v54 =	vld [tilespmem:s31+$0x680]  }
0xf2: {  	v0 =	vmax.f32 v27, v0;
	v27 =	vadd.f32 v62, v63;
	v62 =	vadd.f32 v60, v58;
	v58 =	vld [tilespmem:$0x1FE90]  }
0xf3: {  	v16 =	vadd.f32 v16, v48;
	v48 =	vbroadcast v9, $0x9;
	[tilespmem:s31+$0x240] =	vst v61;
	v61 =	vld [tilespmem:$0x1FE80]  }
0xf4: {  	v60 =	vadd.f32 v51, v52;
	v51 =	vld [tilespmem:s31+$0x690]  }
0xf5: {  	v17 =	vmul.f32 v0, v48;
	v0 =	vld [tilespmem:s31+$0x2EB0]  }
0xf6: {  	[tilespmem:s31+$0x2C0] =	vst v30;
	v63 =	vmul.f32 v47, v7;
	v30 =	vmul.f32 v15, v48;
	v15 =	vld [tilespmem:s31+$0x6C0]  }
0xf7: {  	[tilespmem:s31+$0x250] =	vst v57;
	v57 =	vld [tilespmem:s31+$0x2E80]  }
0xf8: {  	v47 =	vmul.f32 v47, v8;
	v52 =	vadd.f32 v62, v63;
	v56 =	vmul.f32 $9.999999770e-03, v27;
	v62 =	vld [tilespmem:$0x1FEB0]  }
0xf9: {  	v63 =	vld [tilespmem:$0x1FEC0]  }
0xfa: {  	v47 =	vadd.f32 v60, v47;
	v60 =	vmul.f32 $9.999999770e-03, v16;
	v27 =	vmax.f32 v27, v56;
	v56 =	vld [tilespmem:s31+$0x2EA0]  }
0xfb: {  	v53 =	vmul.f32 $9.999999770e-03, v11;
	[tilespmem:s31+$0x270] =	vst v58;
	v58 =	vld [tilespmem:s31+$0x2E90]  }
0xfc: {  	[tilespmem:s31+$0x2B0] =	vst v31;
	v16 =	vmax.f32 v16, v60;
	v60 =	vld [tilespmem:s31+$0x6B0]  }
0xfd: {  	v53 =	vmax.f32 v11, v53;
	v11 =	vmul.f32 $9.999999770e-03, v52;
	[tilespmem:s31+$0x260] =	vst v61;
	v61 =	vld [tilespmem:$0x1FEA0]  }
0xfe: {  	[tilespmem:s31+$0x2D0] =	vst v33;
	v33 =	vmul.f32 v53, v48;
	v31 =	vmul.f32 $9.999999770e-03, v47;
	v53 =	vadd.f32 v57, v54;
	v54 =	vld [tilespmem:s31+$0x2EC0]  }
0xff: {  	v52 =	vmax.f32 v52, v11;
	v11 =	vmul.f32 v1, v48;
	v1 =	vbroadcast v10, $0xA;
	v57 =	vld [tilespmem:s31+$0x6D0]  }
0x100: {  	[tilespmem:s31+$0x2F0] =	vst v36;
	v36 =	vmul.f32 v52, v48;
	v52 =	vld [tilespmem:s31+$0x6E0]  }
0x101: {  	[tilespmem:s31+$0x290] =	vst v62;
	v47 =	vmax.f32 v47, v31;
	v62 =	vmul.f32 v1, v55;
	v0 =	vadd.f32 v0, v60;
	v60 =	vld [tilespmem:$0x1FEF0]  }
0x102: {  	[tilespmem:s31+$0x300] =	vst v29;
	v29 =	vmul.f32 v47, v48;
	v47 =	vld [tilespmem:s31+$0x2ED0]  }
0x103: {  	v31 =	vmul.f32 v27, v48;
	v27 =	vadd.f32 v53, v62;
	v53 =	vld [tilespmem:$0x1FED0]  }
0x104: {  	[tilespmem:s31+$0x280] =	vst v61;
	v61 =	vld [tilespmem:s31+$0x6A0]  }
0x105: {  	v51 =	vadd.f32 v58, v51;
	v58 =	vld [tilespmem:$0x1FEE0]  }
0x106: {  	[tilespmem:s31+$0x330] =	vst v60;
	v60 =	vld [tilespmem:$0x1FF00]  }
0x107: {  	[tilespmem:s31+$0x2A0] =	vst v63;
	v63 =	vmul.f32 v1, v2;
	v62 =	vld [tilespmem:$0x1FF20]  }
0x108: {  	[tilespmem:s31+$0x2E0] =	vst v32;
	v32 =	vmul.f32 v16, v48;
	v15 =	vadd.f32 v54, v15;
	v54 =	vld [tilespmem:s31+$0x6F0]  }
0x109: {  	v16 =	vadd.f32 v51, v63;
	v51 =	vmul.f32 v1, v3;
	v63 =	vld [tilespmem:s31+$0x2F00];
	[tilespmem:s31+$0x310] =	vst v53;
	v48 =	vadd.f32 v56, v61  }
0x10a: {  	[tilespmem:s31+$0x320] =	vst v58;
	v53 =	vmul.f32 $9.999999770e-03, v27;
	v58 =	vld [tilespmem:s31+$0x2EE0];
	v56 =	vmul.f32 v1, v4  }
0x10b: {  	v48 =	vadd.f32 v48, v51;
	v51 =	vmul.f32 v1, v5;
	[tilespmem:s31+$0x340] =	vst v60;
	v60 =	vld [tilespmem:$0x1FF10]  }
0x10c: {  	v61 =	vld [tilespmem:s31+$0x700];
	v27 =	vmax.f32 v27, v53;
	v53 =	vbroadcast v9, $0xA;
	v0 =	vadd.f32 v0, v56  }
0x10d: {  	[tilespmem:s31+$0x380] =	vst v41;
	v56 =	vld [tilespmem:s31+$0x2EF0];
	v15 =	vadd.f32 v15, v51;
	v51 =	vmul.f32 $9.999999770e-03, v16  }
0x10e: {  	[tilespmem:s31+$0x390] =	vst v40;
	v47 =	vadd.f32 v47, v57;
	v41 =	vmul.f32 v27, v53;
	v27 =	vld [tilespmem:s31+$0x2F10];
	v57 =	vmul.f32 $9.999999770e-03, v0  }
0x10f: {  	[tilespmem:s31+$0x360] =	vst v62;
	v62 =	vmul.f32 v1, v6;
	v16 =	vmax.f32 v16, v51;
	v51 =	vld [tilespmem:s31+$0x710]  }
0x110: {  	v0 =	vmax.f32 v0, v57;
	v40 =	vmul.f32 v16, v53;
	v16 =	vld [tilespmem:s31+$0x720];
	[tilespmem:s31+$0x350] =	vst v60;
	v60 =	vmul.f32 $9.999999770e-03, v48  }
0x111: {  	[tilespmem:s31+$0x3A0] =	vst v39;
	v39 =	vmul.f32 v0, v53;
	v0 =	vld [tilespmem:$0x1FF30]  }
0x112: {  	[tilespmem:s31+$0x370] =	vst v38;
	v47 =	vadd.f32 v47, v62;
	v38 =	vmax.f32 v48, v60;
	v48 =	vadd.f32 v58, v52;
	v58 =	vld [tilespmem:s31+$0x2F20]  }
0x113: {  	v60 =	vmul.f32 $9.999999770e-03, v15;
	v52 =	vadd.f32 v56, v54;
	v54 =	vadd.f32 v63, v61;
	v61 =	vld [tilespmem:$0x1FF50]  }
0x114: {  	v62 =	vmul.f32 v1, v7;
	v56 =	vld [tilespmem:s31+$0x2F30]  }
0x115: {  	v63 =	vld [tilespmem:$0x1FF80];
	v15 =	vmax.f32 v15, v60;
	v60 =	vmul.f32 $9.999999770e-03, v47  }
0x116: {  	[tilespmem:s31+$0x3B0] =	vst v37;
	v1 =	vmul.f32 v1, v8;
	v37 =	vmul.f32 v15, v53;
	v15 =	vadd.f32 v48, v62;
	v48 =	vld [tilespmem:s31+$0x730]  }
0x117: {  	[tilespmem:s31+$0x3C0] =	vst v0;
	v62 =	vld [tilespmem:$0x1FF70];
	v0 =	vmax.f32 v47, v60;
	v47 =	vbroadcast v10, $0xB  }
0x118: {  	v27 =	vadd.f32 v27, v51;
	v1 =	vadd.f32 v52, v1;
	[tilespmem:s31+$0x3E0] =	vst v61;
	v61 =	vld [tilespmem:$0x1FF60]  }
0x119: {  	v60 =	vld [tilespmem:$0x1FF40];
	v16 =	vadd.f32 v58, v16;
	v51 =	vmul.f32 v47, v2;
	v52 =	vmul.f32 v47, v3  }
0x11a: {  	[tilespmem:s31+$0x400] =	vst v42;
	v58 =	vld [tilespmem:s31+$0x2F40];
	v42 =	vmul.f32 v0, v53  }
0x11b: {  	v0 =	vmul.f32 $9.999999770e-03, v1;
	v27 =	vadd.f32 v27, v51;
	v51 =	vld [tilespmem:s31+$0x750];
	v16 =	vadd.f32 v16, v52  }
0x11c: {  	v57 =	vmul.f32 v47, v55;
	[tilespmem:s31+$0x410] =	vst v62;
	v52 =	vld [tilespmem:s31+$0x2F50]  }
0x11d: {  	v0 =	vmax.f32 v1, v0;
	v62 =	vld [tilespmem:s31+$0x760];
	[tilespmem:s31+$0x3F0] =	vst v61;
	v61 =	vmul.f32 $9.999999770e-03, v15;
	v1 =	vmul.f32 $9.999999770e-03, v16  }
0x11e: {  	v38 =	vmul.f32 v38, v53;
	v54 =	vadd.f32 v54, v57;
	[tilespmem:s31+$0x3D0] =	vst v60;
	v60 =	vld [tilespmem:s31+$0x740]  }
0x11f: {  	v15 =	vmax.f32 v15, v61;
	v1 =	vmax.f32 v16, v1;
	v16 =	vadd.f32 v56, v48;
	v48 =	vld [tilespmem:s31+$0x2F70]  }
0x120: {  	[tilespmem:s31+$0x420] =	vst v43;
	v61 =	vmul.f32 $9.999999770e-03, v27;
	v43 =	vmul.f32 v15, v53;
	v15 =	vld [tilespmem:s31+$0x2F60]  }
0x121: {  	[tilespmem:s31+$0x440] =	vst v44;
	v44 =	vmul.f32 v0, v53;
	v57 =	vmul.f32 $9.999999770e-03, v54;
	v53 =	vld [tilespmem:s31+$0x770]  }
0x122: {  	[tilespmem:s31+$0x450] =	vst v45;
	v45 =	vmul.f32 v47, v4;
	v27 =	vmax.f32 v27, v61;
	v61 =	vld [tilespmem:$0x1FF90]  }
0x123: {  	[tilespmem:s31+$0x480] =	vst v28;
	v0 =	vmax.f32 v54, v57;
	v54 =	vbroadcast v9, $0xB;
	v51 =	vadd.f32 v52, v51;
	v52 =	vld [tilespmem:s31+$0x7B0]  }
0x124: {  	[tilespmem:s31+$0x430] =	vst v63;
	v63 =	vmul.f32 v47, v5;
	v56 =	vadd.f32 v58, v60;
	v60 =	vld [tilespmem:$0x1FFA0]  }
0x125: {  	[tilespmem:s31+$0x490] =	vst v34;
	v16 =	vadd.f32 v16, v45;
	v45 =	vmul.f32 v0, v54;
	v58 =	vld [tilespmem:$0x1FFB0]  }
0x126: {  	[tilespmem:s31+$0x4A0] =	vst v35;
	v34 =	vmul.f32 v1, v54;
	v28 =	vmul.f32 v27, v54;
	v27 =	vld [tilespmem:s31+$0x780];
	v0 =	vadd.f32 v56, v63  }
0x127: {  	v63 =	vmul.f32 v47, v7;
	v56 =	vld [tilespmem:s31+$0x2F80];
	v15 =	vadd.f32 v15, v62;
	[tilespmem:s31+$0x460] =	vst v61;
	v61 =	vmul.f32 v47, v6  }
0x128: {  	[tilespmem:s31+$0x510] =	vst v20;
	v57 =	vmul.f32 $9.999999770e-03, v16;
	v48 =	vadd.f32 v48, v53;
	v53 =	vld [tilespmem:s31+$0x790];
	v1 =	vmul.f32 $9.999999770e-03, v0  }
0x129: {  	[tilespmem:s31+$0x520] =	vst v21;
	v62 =	vld [tilespmem:$0x1FFD0];
	v47 =	vmul.f32 v47, v8;
	v15 =	vadd.f32 v15, v63;
	v51 =	vadd.f32 v51, v61  }
0x12a: {  	v16 =	vmax.f32 v16, v57;
	[tilespmem:s31+$0x470] =	vst v60;
	v0 =	vmax.f32 v0, v1;
	v61 =	vld [tilespmem:$0x1FFC0]  }
0x12b: {  	[tilespmem:s31+$0x4C0] =	vst v58;
	v58 =	vld [tilespmem:s31+$0x2FA0];
	v47 =	vadd.f32 v48, v47;
	v1 =	vmul.f32 $9.999999770e-03, v15;
	v60 =	vmul.f32 $9.999999770e-03, v51  }
0x12c: {  	[tilespmem:s31+$0x5E0] =	vst v49;
	v49 =	vbroadcast v10, $0xD;
	v35 =	vmul.f32 v16, v54;
	v48 =	vld [tilespmem:s31+$0x7A0]  }
0x12d: {  	[tilespmem:s31+$0x550] =	vst v59;
	v63 =	vmul.f32 $9.999999770e-03, v47;
	v1 =	vmax.f32 v15, v1;
	v16 =	vmax.f32 v51, v60;
	v60 =	vld [tilespmem:$0x1FFE0]  }
0x12e: {  	[tilespmem:s31+$0x6B0] =	vst v39;
	v57 =	vbroadcast v10, $0xC;
	v21 =	vmul.f32 v1, v54;
	v1 =	vld [tilespmem:s31+$0x7D0]  }
0x12f: {  	v39 =	vbroadcast v10, $0xE;
	v47 =	vmax.f32 v47, v63;
	[tilespmem:s31+$0x4D0] =	vst v61;
	v61 =	vadd.f32 v56, v27;
	v56 =	vld [tilespmem:s31+$0x2FB0]  }
0x130: {  	[tilespmem:s31+$0x4E0] =	vst v62;
	v62 =	vmul.f32 v57, v55;
	v20 =	vmul.f32 v47, v54;
	v47 =	vld [tilespmem:s31+$0x2FD0]  }
0x131: {  	[tilespmem:s31+$0x570] =	vst v50;
	v50 =	vld [tilespmem:s31+$0x820];
	v10 =	vbroadcast v10, $0xF;
	v63 =	vadd.f32 v46, v53;
	v46 =	vmul.f32 v0, v54  }
0x132: {  	v59 =	vld [tilespmem:s31+$0x3000];
	[tilespmem:s31+$0x6F0] =	vst v44;
	v0 =	vadd.f32 v61, v62;
	v61 =	vadd.f32 v58, v48;
	v62 =	vmul.f32 v57, v3  }
0x133: {  	v44 =	vmul.f32 v39, v2;
	[tilespmem:s31+$0x730] =	vst v35;
	v15 =	vld [tilespmem:s31+$0x7C0]  }
0x134: {  	v35 =	vmul.f32 v10, v2;
	v51 =	vld [tilespmem:s31+$0x2FC0];
	[tilespmem:s31+$0x4F0] =	vst v60;
	v60 =	vmul.f32 v57, v2;
	v27 =	vadd.f32 v61, v62  }
0x135: {  	[tilespmem:s31+$0x500] =	vst v19;
	v19 =	vmul.f32 v16, v54;
	v62 =	vld [tilespmem:$0x1FFF0];
	v52 =	vadd.f32 v56, v52;
	v1 =	vadd.f32 v47, v1  }
0x136: {  	[tilespmem:s31+$0x5A0] =	vst v26;
	v26 =	vld [tilespmem:s31+$0x3010];
	v56 =	vmul.f32 v57, v6;
	v16 =	vadd.f32 v63, v60;
	v63 =	vmul.f32 $9.999999770e-03, v0  }
0x137: {  	[tilespmem:s31+$0x530] =	vst v23;
	v54 =	vld [tilespmem:s31+$0x7E0];
	v48 =	vbroadcast v9, $0xC;
	v61 =	vmul.f32 v57, v4  }
0x138: {  	[tilespmem:s31+$0x540] =	vst v24;
	v58 =	vld [tilespmem:s31+$0x2FE0];
	v1 =	vadd.f32 v1, v56;
	v60 =	vmul.f32 $9.999999770e-03, v16;
	v0 =	vmax.f32 v0, v63  }
0x139: {  	[tilespmem:s31+$0x580] =	vst v12;
	v56 =	vld [tilespmem:s31+$0x3020];
	v63 =	vmul.f32 $9.999999770e-03, v27;
	v24 =	vmul.f32 v0, v48;
	v0 =	vadd.f32 v52, v61  }
0x13a: {  	v15 =	vadd.f32 v51, v15;
	[tilespmem:s31+$0x560] =	vst v62;
	v61 =	vmul.f32 v57, v5;
	v62 =	vld [tilespmem:s31+$0x2FF0];
	v16 =	vmax.f32 v16, v60  }
0x13b: {  	[tilespmem:s31+$0x680] =	vst v41;
	v60 =	vmax.f32 v27, v63;
	v23 =	vmul.f32 v16, v48;
	v16 =	vld [tilespmem:s31+$0x7F0];
	v63 =	vmul.f32 $9.999999770e-03, v0  }
0x13c: {  	v41 =	vld [tilespmem:s31+$0x3070];
	[tilespmem:s31+$0x770] =	vst v20;
	v20 =	vbroadcast v9, $0xE;
	v12 =	vmul.f32 v60, v48;
	v15 =	vadd.f32 v15, v61  }
0x13d: {  	v51 =	vld [tilespmem:s31+$0x800];
	v60 =	vadd.f32 v58, v54;
	v61 =	vmul.f32 v57, v7;
	v0 =	vmax.f32 v0, v63  }
0x13e: {  	[tilespmem:s31+$0x5C0] =	vst v13;
	v47 =	vld [tilespmem:s31+$0x810];
	v50 =	vadd.f32 v56, v50;
	v13 =	vmul.f32 v0, v48;
	v0 =	vmul.f32 $9.999999770e-03, v15  }
0x13f: {  	[tilespmem:s31+$0x5B0] =	vst v18;
	v58 =	vld [tilespmem:s31+$0x830];
	v56 =	vmul.f32 v49, v4;
	v18 =	vadd.f32 v60, v61;
	v63 =	vmul.f32 $9.999999770e-03, v1  }
0x140: {  	[tilespmem:s31+$0x5D0] =	vst v14;
	v60 =	vld [tilespmem:s31+$0x3030];
	v16 =	vadd.f32 v62, v16;
	v62 =	vmul.f32 v57, v8;
	v0 =	vmax.f32 v15, v0  }
0x141: {  	[tilespmem:s31+$0x6D0] =	vst v42;
	v42 =	vld [tilespmem:s31+$0x8C0];
	v57 =	vmul.f32 $9.999999770e-03, v18;
	v14 =	vmul.f32 v0, v48  }
0x142: {  	v52 =	vld [tilespmem:s31+$0x3040];
	v0 =	vmax.f32 v1, v63;
	v1 =	vadd.f32 v59, v51;
	v59 =	vmul.f32 v49, v55  }
0x143: {  	v54 =	vld [tilespmem:s31+$0x850];
	v63 =	vmul.f32 v49, v2;
	v51 =	vmul.f32 v49, v3;
	v16 =	vadd.f32 v16, v62  }
0x144: {  	[tilespmem:s31+$0x610] =	vst v11;
	v0 =	vmul.f32 v0, v48;
	v11 =	vmax.f32 v18, v57;
	v62 =	vadd.f32 v26, v47;
	v47 =	vld [tilespmem:s31+$0x840]  }
0x145: {  	[tilespmem:s31+$0x600] =	vst v17;
	v17 =	vadd.f32 v60, v58;
	v57 =	vld [tilespmem:s31+$0x3050];
	v18 =	vbroadcast v9, $0xD;
	v9 =	vbroadcast v9, $0xF  }
0x146: {  	[tilespmem:s31+$0x590] =	vst v25;
	v58 =	vld [tilespmem:s31+$0x860];
	v1 =	vadd.f32 v1, v59;
	v11 =	vmul.f32 v11, v48;
	v27 =	vadd.f32 v50, v51  }
0x147: {  	[tilespmem:s31+$0x5F0] =	vst v22;
	v50 =	vld [tilespmem:s31+$0x3080];
	v61 =	vmul.f32 $9.999999770e-03, v16;
	v15 =	vadd.f32 v62, v63;
	v62 =	vmul.f32 v49, v5  }
0x148: {  	[tilespmem:s31+$0x620] =	vst v30;
	v17 =	vadd.f32 v17, v56;
	v63 =	vld [tilespmem:s31+$0x870];
	v56 =	vmul.f32 v49, v8;
	v53 =	vmul.f32 $9.999999770e-03, v1  }
0x149: {  	[tilespmem:s31+$0x630] =	vst v33;
	v60 =	vmul.f32 $9.999999770e-03, v27;
	v16 =	vmax.f32 v16, v61;
	v59 =	vmul.f32 $9.999999770e-03, v15;
	v61 =	vld [tilespmem:s31+$0x3060]  }
0x14a: {  	[tilespmem:s31+$0x690] =	vst v40;
	v40 =	vmul.f32 $9.999999770e-03, v17;
	v16 =	vmul.f32 v16, v48;
	v26 =	vadd.f32 v52, v47;
	v47 =	vld [tilespmem:s31+$0x880]  }
0x14b: {  	[tilespmem:s31+$0x640] =	vst v31;
	v1 =	vmax.f32 v1, v53;
	v27 =	vmax.f32 v27, v60;
	v48 =	vmul.f32 v49, v6;
	v52 =	vld [tilespmem:s31+$0x890]  }
0x14c: {  	[tilespmem:s31+$0x650] =	vst v32;
	v22 =	vadd.f32 v57, v54;
	v53 =	vmul.f32 v49, v7;
	v54 =	vld [tilespmem:s31+$0x3090];
	v60 =	vmul.f32 v39, v55  }
0x14d: {  	[tilespmem:s31+$0x700] =	vst v45;
	v45 =	vld [tilespmem:s31+$0x30C0];
	v1 =	vmul.f32 v1, v18;
	v15 =	vmax.f32 v15, v59;
	v27 =	vmul.f32 v27, v18  }
0x14e: {  	[tilespmem:s31+$0x660] =	vst v36;
	v57 =	vld [tilespmem:s31+$0x8A0];
	v17 =	vmax.f32 v17, v40;
	v26 =	vadd.f32 v26, v62;
	v32 =	vadd.f32 v41, v63  }
0x14f: {  	[tilespmem:s31+$0x670] =	vst v29;
	v59 =	vld [tilespmem:s31+$0x30A0];
	v15 =	vmul.f32 v15, v18;
	v17 =	vmul.f32 v17, v18;
	v22 =	vadd.f32 v22, v48  }
0x150: {  	[tilespmem:s31+$0x6A0] =	vst v38;
	v63 =	vld [tilespmem:s31+$0x30B0];
	v51 =	vmul.f32 $9.999999770e-03, v26;
	v25 =	vadd.f32 v61, v58;
	v32 =	vadd.f32 v32, v56  }
0x151: {  	[tilespmem:s31+$0x6E0] =	vst v43;
	v58 =	vmul.f32 $9.999999770e-03, v22;
	v61 =	vld [tilespmem:s31+$0x8B0];
	v30 =	vadd.f32 v50, v47;
	v43 =	vadd.f32 v54, v52  }
0x152: {  	[tilespmem:s31+$0x6C0] =	vst v37;
	v56 =	vld [tilespmem:s31+$0x8E0];
	v50 =	vmul.f32 v39, v3;
	v54 =	vmul.f32 v39, v4;
	v26 =	vmax.f32 v26, v51  }
0x153: {  	[tilespmem:s31+$0x720] =	vst v34;
	v47 =	vld [tilespmem:s31+$0x8D0];
	v25 =	vadd.f32 v25, v53;
	v22 =	vmax.f32 v22, v58;
	v41 =	vmul.f32 $9.999999770e-03, v32  }
0x154: {  	[tilespmem:s31+$0x710] =	vst v28;
	v49 =	vadd.f32 v59, v57;
	v51 =	vld [tilespmem:s31+$0x30D0];
	v26 =	vmul.f32 v26, v18;
	v22 =	vmul.f32 v22, v18  }
0x155: {  	[tilespmem:s31+$0x740] =	vst v46;
	v58 =	vld [tilespmem:s31+$0x30E0];
	v30 =	vadd.f32 v30, v60;
	v48 =	vadd.f32 v43, v44;
	v43 =	vmul.f32 v39, v6  }
0x156: {  	[tilespmem:s31+$0x760] =	vst v21;
	v44 =	vld [tilespmem:s31+$0x3100];
	v62 =	vmul.f32 $9.999999770e-03, v25;
	v32 =	vmax.f32 v32, v41;
	v28 =	vadd.f32 v49, v50  }
0x157: {  	[tilespmem:s31+$0x750] =	vst v19;
	v41 =	vld [tilespmem:s31+$0x900];
	v49 =	vmul.f32 v39, v7;
	v46 =	vmul.f32 $9.999999770e-03, v30;
	v53 =	vadd.f32 v63, v61  }
0x158: {  	[tilespmem:s31+$0x780] =	vst v24;
	v50 =	vld [tilespmem:s31+$0x3110];
	v57 =	vmul.f32 $9.999999770e-03, v48;
	v61 =	vmul.f32 v39, v5;
	v25 =	vmax.f32 v25, v62  }
0x159: {  	[tilespmem:s31+$0x790] =	vst v23;
	v60 =	vadd.f32 v45, v42;
	v63 =	vld [tilespmem:s31+$0x30F0];
	v37 =	vmul.f32 $9.999999770e-03, v28;
	v25 =	vmul.f32 v25, v18  }
0x15a: {  	[tilespmem:s31+$0x7A0] =	vst v12;
	v62 =	vld [tilespmem:s31+$0x8F0];
	v52 =	vmax.f32 v30, v46;
	v59 =	vadd.f32 v53, v54;
	v18 =	vmul.f32 v32, v18  }
0x15b: {  	[tilespmem:s31+$0x7B0] =	vst v13;
	v19 =	vmax.f32 v48, v57;
	v30 =	vadd.f32 v60, v61;
	v42 =	vadd.f32 v51, v47;
	v47 =	vld [tilespmem:s31+$0x910]  }
0x15c: {  	[tilespmem:s31+$0x7C0] =	vst v14;
	v48 =	vadd.f32 v58, v56;
	v51 =	vld [tilespmem:s31+$0x920];
	v56 =	vmul.f32 v39, v8;
	v39 =	vmul.f32 v10, v3  }
0x15d: {  	[tilespmem:s31+$0x7D0] =	vst v0;
	v54 =	vld [tilespmem:s31+$0x3120];
	v21 =	vmul.f32 v52, v20;
	v13 =	vmul.f32 v19, v20  }
0x15e: {  	[tilespmem:s31+$0x7E0] =	vst v11;
	v57 =	vld [tilespmem:s31+$0x930];
	v12 =	vmax.f32 v28, v37;
	v40 =	vmul.f32 $9.999999770e-03, v59;
	v46 =	vmul.f32 $9.999999770e-03, v30  }
0x15f: {  	[tilespmem:s31+$0x7F0] =	vst v16;
	v60 =	vld [tilespmem:s31+$0x3130];
	v0 =	vadd.f32 v42, v43;
	v11 =	vmul.f32 v12, v20;
	v19 =	vadd.f32 v48, v49  }
0x160: {  	v38 =	vld [tilespmem:s31+$0x950];
	[tilespmem:s31+$0x800] =	vst v1;
	v61 =	vadd.f32 v44, v41;
	v42 =	vmul.f32 v10, v4;
	v45 =	vmax.f32 v59, v40  }
0x161: {  	v36 =	vld [tilespmem:s31+$0x3140];
	[tilespmem:s31+$0x820] =	vst v27;
	v52 =	vmax.f32 v30, v46;
	v53 =	vmul.f32 $9.999999770e-03, v0;
	v59 =	vmul.f32 $9.999999770e-03, v19  }
0x162: {  	[tilespmem:s31+$0x810] =	vst v15;
	v43 =	vld [tilespmem:s31+$0x960];
	v1 =	vadd.f32 v63, v62;
	v62 =	vmul.f32 v10, v55;
	v12 =	vmul.f32 v45, v20  }
0x163: {  	[tilespmem:s31+$0x830] =	vst v17;
	v49 =	vld [tilespmem:s31+$0x3170];
	v58 =	vmul.f32 v52, v20;
	v34 =	vadd.f32 v50, v47;
	v14 =	vadd.f32 v54, v51  }
0x164: {  	[tilespmem:s31+$0x840] =	vst v26;
	v63 =	vld [tilespmem:s31+$0x940];
	v41 =	vadd.f32 v60, v57;
	v51 =	vmul.f32 v10, v5;
	v54 =	vmul.f32 v10, v6  }
0x165: {  	[tilespmem:s31+$0x850] =	vst v22;
	v40 =	vld [tilespmem:s31+$0x3150];
	v0 =	vmax.f32 v0, v53;
	v1 =	vadd.f32 v1, v56;
	v16 =	vmax.f32 v19, v59  }
0x166: {  	[tilespmem:s31+$0x860] =	vst v25;
	v46 =	vld [tilespmem:s31+$0x970];
	v23 =	vadd.f32 v61, v62;
	v0 =	vmul.f32 v0, v20;
	v17 =	vadd.f32 v34, v35  }
0x167: {  	v45 =	vld [tilespmem:s31+$0x3160];
	v14 =	vadd.f32 v14, v39;
	v16 =	vmul.f32 v16, v20;
	[tilespmem:s31+$0x8C0] =	vst v58;
	v58 =	vmul.f32 v10, v7  }
0x168: {  	[tilespmem:s31+$0x870] =	vst v18;
	v19 =	vadd.f32 v41, v42;
	v10 =	vmul.f32 v10, v8;
	v37 =	vmul.f32 $9.999999770e-03, v1  }
0x169: {  	[tilespmem:s31+$0x880] =	vst v21;
	v44 =	vmul.f32 $9.999999770e-03, v23;
	v28 =	vmul.f32 $9.999999770e-03, v17  }
0x16a: {  	[tilespmem:s31+$0x8A0] =	vst v11;
	v48 =	vmul.f32 $9.999999770e-03, v14;
	v11 =	vmul.f32 $9.999999770e-03, v19;
	v50 =	vadd.f32 v36, v63  }
0x16b: {  	[tilespmem:s31+$0x890] =	vst v13;
	v53 =	vadd.f32 v40, v38;
	v59 =	vadd.f32 v49, v46;
	v1 =	vmax.f32 v1, v37  }
0x16c: {  	[tilespmem:s31+$0x8B0] =	vst v12;
	v47 =	vmax.f32 v23, v44;
	v57 =	vadd.f32 v45, v43;
	v1 =	vmul.f32 v1, v20  }
0x16d: {  	[tilespmem:s31+$0x8D0] =	vst v0;
	v17 =	vmax.f32 v17, v28;
	v52 =	vmax.f32 v14, v48;
	v56 =	vadd.f32 v50, v51  }
0x16e: {  	[tilespmem:s31+$0x8E0] =	vst v16;
	v11 =	vmax.f32 v19, v11;
	v0 =	vadd.f32 v53, v54;
	v13 =	vmul.f32 v47, v9  }
0x16f: {  	v14 =	vadd.f32 v57, v58;
	[tilespmem:s31+$0x8F0] =	vst v1;
	v1 =	vmul.f32 v17, v9;
	v60 =	vmul.f32 $9.999999770e-03, v56  }
0x170: {  	v10 =	vadd.f32 v59, v10;
	v12 =	vmul.f32 v52, v9;
	[tilespmem:s31+$0x900] =	vst v13;
	v61 =	vmul.f32 $9.999999770e-03, v0  }
0x171: {  	v62 =	vmul.f32 $9.999999770e-03, v14;
	[tilespmem:s31+$0x910] =	vst v1;
	v1 =	vmul.f32 v11, v9;
	v11 =	vmax.f32 v56, v60  }
0x172: {  	p1 =	sne.s32 s30, $0x4;
	v63 =	vmul.f32 $9.999999770e-03, v10;
	[tilespmem:s31+$0x920] =	vst v12;
	v0 =	vmax.f32 v0, v61;
	v11 =	vmul.f32 v11, v9  }
.Ltmp0:
0x173: {  	v0 =	vmul.f32 v0, v9;
	[tilespmem:s31+$0x930] =	vst v1;
	v1 =	vmax.f32 v14, v62;
	(pc) =	sbr.rel @p1 .LBB2_3-.Ltmp0, $4  }
0x174: {  	v10 =	vmax.f32 v10, v63;
	[tilespmem:s31+$0x940] =	vst v11;
	v1 =	vmul.f32 v1, v9  }
0x175: {  	[tilespmem:s31+$0x950] =	vst v0;
	v0 =	vmul.f32 v10, v9  }
0x176: {  	[tilespmem:s31+$0x960] =	vst v1  }
0x177: {  	s30 =	sadd.s32 $0x1, s30;
	v1 =	vimm.f32 $0.0e+00;
	[tilespmem:s31+$0x970] =	vst v0  }
0x178: {  	s29 =	sadd.s32 $0x1, s29  }
0x179: {  	p1 =	sne.s32 s29, $0x7D  }
.Ltmp1:
0x17a: {  	_ = 	snop;
	(pc) =	sbr.rel @p1 .LBB2_2-.Ltmp1, $4  }
0x17b: {  	[spmem:s2] =	stream.indirect.scatter.add.f32 [tilespmem:s23], [sflag:$0x3], $0x80, s20, s22, $0xb8;
	[tilespmem:$0x18A80] =	vst v63  }
0x17c: {  	_ =	swait.ge [sflag:s19], $0x2800  }
0x17d: {  	[sflag:s19] =	ssyncset.done $0x0  }
0x17e: {  	[sflag:s19] =	ssyncadd.s32 $0xFFFFD800  }
0x17f: {  	[bflag:$0x0] =	sbarrier.arrive $0xFFFF;
	s0 =	simm.s32 @p0 $0x1FC3  }
0x180: {  	[hbm:s13], [sflag:s0] =	dma.local @p0 [spmem:s15], $0x2800  }
0x181: {  	s0 =	simm.s32 @p0 $0x3  }
0x182: {  	s28 =	sadd.s32 $0x1, s28;
	_ =	swait.ge @p0 [sflag:s0], $0x2800  }
0x183: {  	p1 =	sne.s32 s28, s14;
	[sflag:s0] =	ssyncset.done @p0 $0x0  }
.Ltmp2:
0x184: {  	[sflag:s0] =	ssyncadd.s32 @p0 $0xFFFFD800;
	s0 =	simm.s32 @!p0 $0x3;
	(pc) =	sbr.rel @p1 .LBB2_1-.Ltmp2, $4  }
0x185: {  	[hbm:s12], [sflag:s16] =	dma.local @!p0 [spmem:s17], $0x2700  }
0x186: {  	_ =	swait.ge @!p0 [sflag:s0], $0x2700  }
0x187: {  	[sflag:s0] =	ssyncset.done @!p0 $0x0  }
0x188: {  	[sflag:s0] =	ssyncadd.s32 @!p0 $0xFFFFD900  }
0x189: {  	_ =	sfence.sel $0x180000  }
0x18a: {  	[bflag:$0x0] =	sbarrier.arrive $0xFFFF  }
0x18b: {  	_ =	strace $0x90000047  }
0x18c: {  	[bflag:$0x2] =	sbarrier.arrive $0xFFFF  }
0x18d: {  	p0 =	sne.s32 s4, $0x0;
	s0 =	rddreg [dreg:$0x4]  }
0x18e: {  	s0 =	sadd.s32 @!p0 $0x100000, s0  }
0x18f: {  	[sflag:s0] =	ssyncadd.tile.s32 @!p0 $0x1;
	_ =	shalt  }
.Lfunc_end2:
_tile_overlayer_lowered:
.L_overlay_start_2:
0x190: {  	(tag) =	ssettag $0x2  }
0x191: {  	s0 =	rddreg [dreg:$0x0];
	s2 =	stileid.u32  }
0x192: {  	s1 =	rddreg [dreg:$0x1];
	p0 =	sne.s32 s2, $0x0  }
0x193: {  	s3 =	rddreg [dreg:$0x2];
	[bflag:$0x3] =	sbarrier.arrive $0xFFFF;
	s2 =	simm.s32 @!p0 $0x1C03  }
0x194: {  	[timem:s3], [sflag:s2] =	dma.local @!p0 [hbm:s0], s1  }
0x195: {  	s0 =	simm.s32 @!p0 $0x3  }
0x196: {  	_ =	swait.ge @!p0 [sflag:s0], s1  }
0x197: {  	s1 =	ssub.s32 @!p0 $0x0, s1;
	[sflag:s0] =	ssyncset.done @!p0 $0x0  }
0x198: {  	[sflag:s0] =	ssyncadd.s32 @!p0 s1  }
0x199: {  	[bflag:$0x3] =	sbarrier.arrive $0xFFFF  }
0x19a: {  	_ =	shalt  }

</sc_bundles>
